<compile_context>
chip_gen: v7x
topology: tpu7x:2x2x1
jax: 0.10.2.dev20260603
libtpu: 0.0.44.dev20260713+nightly
codegen_flags: <defaults>
</compile_context>

<pallas_src>
import functools

import jax
import jax.numpy as jnp
from jax import lax
from jax.experimental import pallas as pl
from jax.experimental.pallas import tpu as pltpu
from jax.experimental.pallas import tpu_sc as plsc

N = 10000
E = 320000
M = 10000
IN_DIM, HID, OUT_DIM, PROJ = 128, 256, 128, 128

NC, NS = 2, 16
WIN = 128
NWIN_T = 157
EPT = NWIN_T * WIN
E_PAD = NS * EPT
R_PAD = 10008
VPT = 1000

_MESH = plsc.VectorSubcoreMesh(core_axis_name="c", subcore_axis_name="s")


def _sc_pass_body(with_degrees, *refs):
    if with_degrees:
        (src, idx_s_hbm, idx_d_hbm, ew_hbm, zrows, out, dd_out, bd_out,
         idx_s, idx_d, rows0, rows1, rows2, rows3,
         w_v0, w_v1, w_v2, w_v3, one_v, zv_v,
         acc, dd_sh, bd_sh, g0, g1, g2, g3, s0, s1, s2, s3,
         wg0, wg1, wg2, wg3, d0, d1, d2, d3, bdsem) = refs
        w_vs = (w_v0, w_v1, w_v2, w_v3)
        wgs = (wg0, wg1, wg2, wg3)
        ds_ = (d0, d1, d2, d3)
    else:
        (src, idx_s_hbm, idx_d_hbm, zrows, out,
         idx_s, idx_d, rows0, rows1, rows2, rows3, acc,
         g0, g1, g2, g3, s0, s1, s2, s3) = refs
    rows = (rows0, rows1, rows2, rows3)
    gs = (g0, g1, g2, g3)
    ss = (s0, s1, s2, s3)
    c = lax.axis_index("c")
    s = lax.axis_index("s")

    @pl.when(s < 10)
    def _zero_acc():
        pltpu.sync_copy(zrows.at[pl.ds(s * VPT, VPT)],
                        acc.at[pl.ds(s * VPT, VPT)])
    pltpu.sync_copy(idx_s_hbm.at[s], idx_s)
    pltpu.sync_copy(idx_d_hbm.at[s], idx_d)
    if with_degrees:
        def _z(j, carry):
            zv_v[pl.ds(j * 16, 16)] = jnp.zeros((16,), jnp.float32)
            return carry
        lax.fori_loop(0, 63, _z, 0)
        @pl.when(s < 10)
        def _zero_deg():
            pltpu.sync_copy(zv_v.at[pl.ds(0, VPT)],
                            dd_sh.at[pl.ds(s * VPT, VPT)])
            pltpu.sync_copy(zv_v.at[pl.ds(0, VPT)],
                            bd_sh.at[pl.ds(s * VPT, VPT)])
        for j in range(WIN // 16):
            one_v[pl.ds(j * 16, 16)] = jnp.full((16,), 1.0, jnp.float32)
    plsc.subcore_barrier()

    def g_start(i, b):
        pltpu.async_copy(src.at[c].at[idx_s.at[i]], rows[b], gs[b])

    def g_wait(i, b):
        pltpu.make_async_copy(src.at[c].at[idx_s.at[i]], rows[b],
                              gs[b]).wait()

    def s_start(i, b):
        pltpu.async_copy(rows[b], acc.at[idx_d.at[i]], ss[b], add=True)

    def s_wait(i, b):
        pltpu.make_async_copy(rows[b], acc.at[idx_d.at[i]], ss[b]).wait()

    def wg_start(i, wb):
        @pl.when(c == 0)
        def _():
            pltpu.async_copy(ew_hbm.at[idx_d.at[i]], w_vs[wb], wgs[wb])

    def wg_wait(i, wb):
        @pl.when(c == 0)
        def _():
            pltpu.make_async_copy(ew_hbm.at[idx_d.at[i]], w_vs[wb],
                                  wgs[wb]).wait()

    def dd_start(i, wb):
        @pl.when(c == 0)
        def _():
            pltpu.async_copy(w_vs[wb], dd_sh.at[idx_s.at[i]], ds_[wb],
                             add=True)

    def dd_wait(i, wb):
        @pl.when(c == 0)
        def _():
            pltpu.make_async_copy(w_vs[wb], dd_sh.at[idx_s.at[i]],
                                  ds_[wb]).wait()

    def bd_start(i):
        @pl.when(c == 0)
        def _():
            pltpu.async_copy(one_v, bd_sh.at[idx_d.at[i]], bdsem, add=True)

    def bd_wait(i):
        @pl.when(c == 0)
        def _():
            pltpu.make_async_copy(one_v, bd_sh.at[idx_d.at[i]],
                                  bdsem).wait()

    g_start(0, 0)
    g_start(1, 1)
    if with_degrees:
        wg_start(0, 0)
        wg_start(1, 1)

    def quad(j, carry):
        for b2 in range(4):
            i = 4 * j + b2
            nb = (b2 + 2) % 4
            if b2 < 2:
                @pl.when(j >= 1)
                def _sw(i=i, nb=nb):
                    s_wait(i - 2, nb)
            else:
                s_wait(i - 2, nb)
            if b2 == 3:
                @pl.when(i + 2 < NWIN_T)
                def _gs(i=i, nb=nb):
                    g_start(i + 2, nb)
            else:
                g_start(i + 2, nb)
            if with_degrees:
                if b2 < 2:
                    @pl.when(j >= 1)
                    def _ddw(i=i, nb=nb):
                        dd_wait(i - 2, nb)
                else:
                    dd_wait(i - 2, nb)
                if b2 == 3:
                    @pl.when(i + 2 < NWIN_T)
                    def _wgs2(i=i, nb=nb):
                        wg_start(i + 2, nb)
                else:
                    wg_start(i + 2, nb)
            g_wait(i, b2)
            if with_degrees:
                wg_wait(i, b2)
                dd_start(i, b2)
                bd_start(i)
            s_start(i, b2)
        return carry

    lax.fori_loop(0, NWIN_T // 4, quad, 0)
    li = NWIN_T - 1
    g_wait(li, 0)
    if with_degrees:
        wg_wait(li, 0)
        dd_start(li, 0)
        bd_start(li)
    s_start(li, 0)
    s_wait(li - 2, 2)
    s_wait(li - 1, 3)
    s_wait(li, 0)
    if with_degrees:
        dd_wait(li - 2, 2)
        dd_wait(li - 1, 3)
        dd_wait(li, 0)
        def _bdrain(i, carry):
            bd_wait(i)
            return carry
        lax.fori_loop(0, NWIN_T, _bdrain, 0)
    plsc.subcore_barrier()
    @pl.when(s < 10)
    def _out_acc():
        pltpu.sync_copy(acc.at[pl.ds(s * VPT, VPT)],
                        out.at[c, pl.ds(s * VPT, VPT)])
    if with_degrees:
        @pl.when((s == 0) & (c == 0))
        def _out_deg():
            pltpu.sync_copy(dd_sh.at[pl.ds(0, N)], dd_out.at[0])
            pltpu.sync_copy(bd_sh.at[pl.ds(0, M)], bd_out.at[0])


def _make_sc_pass(with_degrees):
    out_type = [jax.ShapeDtypeStruct((NC, M, 64), jnp.float32)]
    scratch = [
        pltpu.VMEM((NWIN_T, WIN), jnp.int32),
        pltpu.VMEM((NWIN_T, WIN), jnp.int32),
    ]
    scratch += [pltpu.VMEM((WIN, 64), jnp.float32)] * 4
    if with_degrees:
        out_type += [jax.ShapeDtypeStruct((1, N), jnp.float32),
                     jax.ShapeDtypeStruct((1, M), jnp.float32)]
        scratch += [pltpu.VMEM((WIN,), jnp.float32)] * 4
        scratch += [
            pltpu.VMEM((WIN,), jnp.float32),
            pltpu.VMEM((1008,), jnp.float32),
        ]
    scratch += [pltpu.VMEM_SHARED((R_PAD, 64), jnp.float32)]
    if with_degrees:
        scratch += [pltpu.VMEM_SHARED((R_PAD,), jnp.float32),
                    pltpu.VMEM_SHARED((R_PAD,), jnp.float32)]
    scratch += [pltpu.SemaphoreType.DMA] * (17 if with_degrees else 8)
    return pl.kernel(
        functools.partial(_sc_pass_body, with_degrees),
        out_type=out_type, mesh=_MESH, scratch_types=scratch,
        compiler_params=pltpu.CompilerParams(use_tc_tiling_on_sc=False),
        name="sc_pass_deg" if with_degrees else "sc_pass")


_sc_pass_deg = _make_sc_pass(True)
_sc_pass = _make_sc_pass(False)



_BR = 1000
_GRID = M // _BR


def _dot(a, b):
    return lax.dot_general(a, b, (((1,), (0,)), ((), ())),
                           preferred_element_type=jnp.float32,
                           precision=lax.Precision.HIGHEST)


def _ln(h, g, b, eps=1e-5):
    mu = jnp.mean(h, axis=-1, keepdims=True)
    var = jnp.mean((h - mu) ** 2, axis=-1, keepdims=True)
    return (h - mu) * lax.rsqrt(var + eps) * g + b


def _row_spec(w):
    return pl.BlockSpec((_BR, w), lambda i: (i, 0))


_SPLIT_OUT_SPEC = pl.BlockSpec((2, _BR, 64), lambda i: (0, i, 0))


def _full_spec(r, c):
    return pl.BlockSpec((r, c), lambda i: (0, 0))


def _cat(h0, h1):
    return jnp.concatenate([h0[...], h1[...]], axis=-1)


def _split_store(out, h):
    out[0] = h[:, :64]
    out[1] = h[:, 64:]


def _tc_combine_body(a0, a1, bd, ew, out_a, out_bn):
    b = bd[...]
    binv = jnp.where(b > 0, 1.0 / jnp.where(b > 0, b, 1.0), 0.0)
    bn = binv * ew[...]
    out_bn[...] = bn
    _split_store(out_a, _cat(a0, a1) * bn)


_tc_combine = pl.pallas_call(
    _tc_combine_body,
    grid=(_GRID,),
    in_specs=[_row_spec(64), _row_spec(64), _row_spec(1), _row_spec(1)],
    out_specs=[_SPLIT_OUT_SPEC, _row_spec(1)],
    out_shape=[jax.ShapeDtypeStruct((2, R_PAD, 64), jnp.float32),
               jax.ShapeDtypeStruct((M, 1), jnp.float32)],
)


def _tc_combine2_body(a0, a1, bn, out_a):
    _split_store(out_a, _cat(a0, a1) * bn[...])


_tc_combine2 = pl.pallas_call(
    _tc_combine2_body,
    grid=(_GRID,),
    in_specs=[_row_spec(64), _row_spec(64), _row_spec(1)],
    out_specs=_SPLIT_OUT_SPEC,
    out_shape=jax.ShapeDtypeStruct((2, R_PAD, 64), jnp.float32),
)


def _tc_mid_body(p0, p1, dd, W1, b1, g1, bb1, W2, out_t2, out_dinv):
    d = dd[...]
    dinv = jnp.where(d > 0, 1.0 / jnp.where(d > 0, d, 1.0), 0.0)
    out_dinv[...] = dinv
    p = _cat(p0, p1) * dinv
    h = _dot(p, W1[...]) + b1[...]
    h = jnp.maximum(_ln(h, g1[...], bb1[...]), 0.0)
    _split_store(out_t2, _dot(h, W2[...]))


_tc_mid = pl.pallas_call(
    _tc_mid_body,
    grid=(_GRID,),
    in_specs=[_row_spec(64), _row_spec(64), _row_spec(1),
              _full_spec(128, HID), _full_spec(1, HID), _full_spec(1, HID),
              _full_spec(1, HID), _full_spec(HID, 128)],
    out_specs=[_SPLIT_OUT_SPEC, _row_spec(1)],
    out_shape=[jax.ShapeDtypeStruct((2, R_PAD, 64), jnp.float32),
               jax.ShapeDtypeStruct((N, 1), jnp.float32)],
)


def _tc_final_body(p0, p1, dinv, b2, g2, bb2, Wp, bp, gp, bbp, out):
    p = _cat(p0, p1) * dinv[...] + b2[...]
    h = _ln(p, g2[...], bb2[...])
    h = jnp.maximum(_dot(h, Wp[...]) + bp[...], 0.0)
    out[...] = _ln(h, gp[...], bbp[...])


_tc_final = pl.pallas_call(
    _tc_final_body,
    grid=(_GRID,),
    in_specs=[_row_spec(64), _row_spec(64), _row_spec(1),
              _full_spec(1, 128), _full_spec(1, 128), _full_spec(1, 128),
              _full_spec(128, 128), _full_spec(1, 128), _full_spec(1, 128),
              _full_spec(1, 128)],
    out_specs=_row_spec(128),
    out_shape=jax.ShapeDtypeStruct((N, PROJ), jnp.float32),
)


def kernel(x, edge_index, edge_weight, W1, b1, ln1_g, ln1_b, W2, b2, ln2_g,
           ln2_b, Wp, bp, lnp_g, lnp_b):
    pad = E_PAD - E
    node_idx = jnp.concatenate(
        [edge_index[0], jnp.full((pad,), N, jnp.int32)]).reshape(
            NS, NWIN_T, WIN)
    edge_idx = jnp.concatenate(
        [edge_index[1], jnp.full((pad,), M, jnp.int32)]).reshape(
            NS, NWIN_T, WIN)
    ew_pad = jnp.concatenate([edge_weight, jnp.zeros((8,), jnp.float32)])
    zrows = jnp.zeros((R_PAD, 64), jnp.float32)
    xs = jnp.zeros((2, R_PAD, 64), jnp.float32)
    xs = xs.at[0, :N].set(x[:, :64]).at[1, :N].set(x[:, 64:])

    r2 = lambda v: v.reshape(-1, 1)
    a1p, ddp, bdp = _sc_pass_deg(xs, node_idx, edge_idx, ew_pad, zrows)
    a1s, bnorm = _tc_combine(a1p[0], a1p[1], r2(bdp), r2(edge_weight))
    p1p, = _sc_pass(a1s, edge_idx, node_idx, zrows)
    t2, dinv = _tc_mid(p1p[0], p1p[1], r2(ddp),
                       W1, b1.reshape(1, -1), ln1_g.reshape(1, -1),
                       ln1_b.reshape(1, -1), W2)
    a2p, = _sc_pass(t2, node_idx, edge_idx, zrows)
    a2s = _tc_combine2(a2p[0], a2p[1], bnorm)
    p2p, = _sc_pass(a2s, edge_idx, node_idx, zrows)
    out = _tc_final(p2p[0], p2p[1], dinv, b2.reshape(1, -1),
                    ln2_g.reshape(1, -1), ln2_b.reshape(1, -1), Wp,
                    bp.reshape(1, -1), lnp_g.reshape(1, -1),
                    lnp_b.reshape(1, -1))
    return out

# --- scband reference (transcript-rebuilt; emitter-appended) ---
"""Pipeline reference for scband-hgnn-encoder-14705968022045 (READ-ONLY COPY).

The authoritative reference and input builder live on the scoring server;
editing this copy changes nothing except your own understanding.
"""

import jax, jax.numpy as jnp
import numpy as np

N = 10000
E = 320000
M = 10000
IN_DIM, HID, OUT_DIM, PROJ = 128, 256, 128, 128


def layer_norm(x, g, b, eps=1e-5):
    mu = jnp.mean(x, axis=-1, keepdims=True)
    var = jnp.mean((x - mu) ** 2, axis=-1, keepdims=True)
    return (x - mu) / jnp.sqrt(var + eps) * g + b


def hypergraph_conv(x, edge_index, edge_weight, W, bias):
    # Faithful to torch_geometric HypergraphConv (no attention):
    # X' = D^{-1} H W B^{-1} H^T X Theta + bias
    node_idx = edge_index[0]
    edge_idx = edge_index[1]
    xw = x @ W
    Dd = jax.ops.segment_sum(edge_weight[edge_idx], node_idx, num_segments=N)
    Dd_safe = jnp.where(Dd > 0, Dd, 1.0)
    Dinv = jnp.where(Dd > 0, 1.0 / Dd_safe, 0.0)
    Bd = jax.ops.segment_sum(jnp.ones((E,), x.dtype), edge_idx, num_segments=M)
    Bd_safe = jnp.where(Bd > 0, Bd, 1.0)
    Binv = jnp.where(Bd > 0, 1.0 / Bd_safe, 0.0)
    Bnorm = Binv * edge_weight
    # node -> hyperedge aggregation (gather x at node_idx, scatter-add by edge_idx)
    edge_feat = Bnorm[:, None] * jax.ops.segment_sum(xw[node_idx], edge_idx, num_segments=M)
    # hyperedge -> node aggregation
    out = Dinv[:, None] * jax.ops.segment_sum(edge_feat[edge_idx], node_idx, num_segments=N)
    return out + bias


def setup_inputs(seed: int = 0):
    key = jax.random.key(seed)
    ks = jax.random.split(key, 8)
    x = jax.random.normal(ks[0], (N, IN_DIM), dtype=jnp.float32)
    edge_index = jax.random.randint(ks[1], (2, E), 0, M)
    edge_weight = jax.random.uniform(ks[2], (M,), dtype=jnp.float32)
    W1 = jax.random.normal(ks[3], (IN_DIM, HID), dtype=jnp.float32) / np.sqrt(IN_DIM)
    b1 = jnp.zeros((HID,), jnp.float32)
    ln1_g = jnp.ones((HID,), jnp.float32)
    ln1_b = jnp.zeros((HID,), jnp.float32)
    W2 = jax.random.normal(ks[4], (HID, OUT_DIM), dtype=jnp.float32) / np.sqrt(HID)
    b2 = jnp.zeros((OUT_DIM,), jnp.float32)
    ln2_g = jnp.ones((OUT_DIM,), jnp.float32)
    ln2_b = jnp.zeros((OUT_DIM,), jnp.float32)
    Wp = jax.random.normal(ks[5], (OUT_DIM, PROJ), dtype=jnp.float32) / np.sqrt(OUT_DIM)
    bp = jnp.zeros((PROJ,), jnp.float32)
    lnp_g = jnp.ones((PROJ,), jnp.float32)
    lnp_b = jnp.zeros((PROJ,), jnp.float32)
    return {"x": x, "edge_index": edge_index, "edge_weight": edge_weight,
            "W1": W1, "b1": b1, "ln1_g": ln1_g, "ln1_b": ln1_b,
            "W2": W2, "b2": b2, "ln2_g": ln2_g, "ln2_b": ln2_b,
            "Wp": Wp, "bp": bp, "lnp_g": lnp_g, "lnp_b": lnp_b}


def reference(x, edge_index, edge_weight, W1, b1, ln1_g, ln1_b, W2, b2, ln2_g, ln2_b, Wp, bp, lnp_g, lnp_b):
    h = hypergraph_conv(x, edge_index, edge_weight, W1, b1)
    h = layer_norm(h, ln1_g, ln1_b)
    h = jax.nn.relu(h)
    h = hypergraph_conv(h, edge_index, edge_weight, W2, b2)
    h = layer_norm(h, ln2_g, ln2_b)
    h = jax.nn.relu(h @ Wp + bp)
    h = layer_norm(h, lnp_g, lnp_b)
    return h

if __name__ == "__main__":
    import jax
    _d = setup_inputs()
    print(jax.jit(kernel)(*tuple(_d.values())))

</pallas_src>

<mosaic_0001>
#map = affine_map<(d0, d1) -> (0, 0, 0)>
#map1 = affine_map<(d0, d1) -> (0, 0)>
module attributes {stable_mosaic.version = 14 : i64} {
  func.func @sc_pass(%arg0: i32, %arg1: i32, %arg2: memref<2x10008x64xf32, #tpu.memory_space<hbm>>, %arg3: memref<16x157x128xi32, #tpu.memory_space<hbm>>, %arg4: memref<16x157x128xi32, #tpu.memory_space<hbm>>, %arg5: memref<10008x64xf32, #tpu.memory_space<hbm>>, %arg6: memref<2x10000x64xf32, #tpu.memory_space<hbm>>, %arg7: memref<157x128xi32, #tpu.memory_space<vmem>>, %arg8: memref<157x128xi32, #tpu.memory_space<vmem>>, %arg9: memref<128x64xf32, #tpu.memory_space<vmem>>, %arg10: memref<128x64xf32, #tpu.memory_space<vmem>>, %arg11: memref<128x64xf32, #tpu.memory_space<vmem>>, %arg12: memref<128x64xf32, #tpu.memory_space<vmem>>, %arg13: memref<10008x64xf32, #tpu.memory_space<vmem_shared>>, %arg14: memref<!tpu.dma_semaphore, #tpu.memory_space<semaphore_mem>>, %arg15: memref<!tpu.dma_semaphore, #tpu.memory_space<semaphore_mem>>, %arg16: memref<!tpu.dma_semaphore, #tpu.memory_space<semaphore_mem>>, %arg17: memref<!tpu.dma_semaphore, #tpu.memory_space<semaphore_mem>>, %arg18: memref<!tpu.dma_semaphore, #tpu.memory_space<semaphore_mem>>, %arg19: memref<!tpu.dma_semaphore, #tpu.memory_space<semaphore_mem>>, %arg20: memref<!tpu.dma_semaphore, #tpu.memory_space<semaphore_mem>>, %arg21: memref<!tpu.dma_semaphore, #tpu.memory_space<semaphore_mem>>) attributes {dimension_semantics = [#tpu.dimension_semantics<core_parallel>, #tpu.dimension_semantics<subcore_parallel>], iteration_bounds = array<i64: 2, 16>, scalar_prefetch = 0 : i64, scratch_operands = 15 : i64, tpu.core_type = #tpu.core_type<sc_vector_subcore>, window_params = [{transform_indices = #map}, {transform_indices = #map}, {transform_indices = #map}, {transform_indices = #map1}, {transform_indices = #map}]} {
    %lt3A = arith.constant 10 : i32
    %lt3A_0 = arith.cmpi slt, %arg1, %lt3A : i32
    %convert_element_type3A = arith.extui %lt3A_0 : i1 to i32
    %cond3A = arith.constant 0 : i32
    %cond3A_1 = arith.cmpi ne, %convert_element_type3A, %cond3A : i32
    scf.if %cond3A_1 {
      %mul3A = arith.constant 1000 : i32
      %mul3A_72 = arith.muli %arg1, %mul3A : i32
      %mul3A_73 = arith.constant 1000 : i32
      %mul3A_74 = arith.muli %arg1, %mul3A_73 : i32
      "tpu.region"() ({
        %run_scoped3A = tpu.sem_alloc : memref<!tpu.dma_semaphore, #tpu.memory_space<semaphore_mem>>
        %dma_start3A_75 = arith.constant 0 : i32
        %dma_start3A_76 = tpu.memref_slice %arg13[%mul3A_74, %dma_start3A_75] : memref<10008x64xf32, #tpu.memory_space<vmem_shared>> -> memref<1000x64xf32, #tpu.memory_space<vmem_shared>>
        %dma_start3A_77 = arith.constant 0 : i32
        %dma_start3A_78 = tpu.memref_slice %arg5[%mul3A_72, %dma_start3A_77] : memref<10008x64xf32, #tpu.memory_space<hbm>> -> memref<1000x64xf32, #tpu.memory_space<hbm>>
        tpu.enqueue_dma source(%dma_start3A_78 : memref<1000x64xf32, #tpu.memory_space<hbm>>) target(%dma_start3A_76 : memref<1000x64xf32, #tpu.memory_space<vmem_shared>>) target_semaphore(%run_scoped3A : memref<!tpu.dma_semaphore, #tpu.memory_space<semaphore_mem>>)
        %dma_wait3A_79 = arith.constant 0 : i32
        %dma_wait3A_80 = tpu.memref_slice %arg13[%mul3A_74, %dma_wait3A_79] : memref<10008x64xf32, #tpu.memory_space<vmem_shared>> -> memref<1000x64xf32, #tpu.memory_space<vmem_shared>>
        %dma_wait3A_81 = arith.constant 0 : i32
        %dma_wait3A_82 = tpu.memref_slice %arg5[%mul3A_72, %dma_wait3A_81] : memref<10008x64xf32, #tpu.memory_space<hbm>> -> memref<1000x64xf32, #tpu.memory_space<hbm>>
        tpu.wait_dma2 semaphore(%run_scoped3A : memref<!tpu.dma_semaphore, #tpu.memory_space<semaphore_mem>>) src(%dma_wait3A_82 : memref<1000x64xf32, #tpu.memory_space<hbm>>) dst(%dma_wait3A_80 : memref<1000x64xf32, #tpu.memory_space<vmem_shared>>)
        tpu.yield
      }) : () -> ()
    } else {
    }
    "tpu.region"() ({
      %run_scoped3A = tpu.sem_alloc : memref<!tpu.dma_semaphore, #tpu.memory_space<semaphore_mem>>
      %dma_start3A_72 = arith.constant 0 : i32
      %dma_start3A_73 = arith.constant 0 : i32
      %dma_start3A_74 = tpu.memref_slice %arg3[%arg1, %dma_start3A_72, %dma_start3A_73] : memref<16x157x128xi32, #tpu.memory_space<hbm>> -> memref<1x157x128xi32, #tpu.memory_space<hbm>>
      %dma_start3A_75 = tpu.memref_squeeze %dma_start3A_74 : memref<1x157x128xi32, #tpu.memory_space<hbm>> -> memref<157x128xi32, #tpu.memory_space<hbm>>
      %dma_start3A_76 = arith.constant 0 : i32
      %dma_start3A_77 = arith.constant 0 : i32
      %dma_start3A_78 = tpu.memref_slice %arg3[%arg1, %dma_start3A_76, %dma_start3A_77] : memref<16x157x128xi32, #tpu.memory_space<hbm>> -> memref<1x157x128xi32, #tpu.memory_space<hbm>>
      %dma_start3A_79 = tpu.memref_squeeze %dma_start3A_78 : memref<1x157x128xi32, #tpu.memory_space<hbm>> -> memref<157x128xi32, #tpu.memory_space<hbm>>
      tpu.enqueue_dma source(%dma_start3A_79 : memref<157x128xi32, #tpu.memory_space<hbm>>) target(%arg7 : memref<157x128xi32, #tpu.memory_space<vmem>>) target_semaphore(%run_scoped3A : memref<!tpu.dma_semaphore, #tpu.memory_space<semaphore_mem>>)
      %dma_wait3A_80 = arith.constant 0 : i32
      %dma_wait3A_81 = arith.constant 0 : i32
      %dma_wait3A_82 = tpu.memref_slice %arg3[%arg1, %dma_wait3A_80, %dma_wait3A_81] : memref<16x157x128xi32, #tpu.memory_space<hbm>> -> memref<1x157x128xi32, #tpu.memory_space<hbm>>
      %dma_wait3A_83 = tpu.memref_squeeze %dma_wait3A_82 : memref<1x157x128xi32, #tpu.memory_space<hbm>> -> memref<157x128xi32, #tpu.memory_space<hbm>>
      %dma_wait3A_84 = arith.constant 0 : i32
      %dma_wait3A_85 = arith.constant 0 : i32
      %dma_wait3A_86 = tpu.memref_slice %arg3[%arg1, %dma_wait3A_84, %dma_wait3A_85] : memref<16x157x128xi32, #tpu.memory_space<hbm>> -> memref<1x157x128xi32, #tpu.memory_space<hbm>>
      %dma_wait3A_87 = tpu.memref_squeeze %dma_wait3A_86 : memref<1x157x128xi32, #tpu.memory_space<hbm>> -> memref<157x128xi32, #tpu.memory_space<hbm>>
      tpu.wait_dma2 semaphore(%run_scoped3A : memref<!tpu.dma_semaphore, #tpu.memory_space<semaphore_mem>>) src(%dma_wait3A_87 : memref<157x128xi32, #tpu.memory_space<hbm>>) dst(%arg7 : memref<157x128xi32, #tpu.memory_space<vmem>>)
      tpu.yield
    }) : () -> ()
    "tpu.region"() ({
      %run_scoped3A = tpu.sem_alloc : memref<!tpu.dma_semaphore, #tpu.memory_space<semaphore_mem>>
      %dma_start3A_72 = arith.constant 0 : i32
      %dma_start3A_73 = arith.constant 0 : i32
      %dma_start3A_74 = tpu.memref_slice %arg4[%arg1, %dma_start3A_72, %dma_start3A_73] : memref<16x157x128xi32, #tpu.memory_space<hbm>> -> memref<1x157x128xi32, #tpu.memory_space<hbm>>
      %dma_start3A_75 = tpu.memref_squeeze %dma_start3A_74 : memref<1x157x128xi32, #tpu.memory_space<hbm>> -> memref<157x128xi32, #tpu.memory_space<hbm>>
      %dma_start3A_76 = arith.constant 0 : i32
      %dma_start3A_77 = arith.constant 0 : i32
      %dma_start3A_78 = tpu.memref_slice %arg4[%arg1, %dma_start3A_76, %dma_start3A_77] : memref<16x157x128xi32, #tpu.memory_space<hbm>> -> memref<1x157x128xi32, #tpu.memory_space<hbm>>
      %dma_start3A_79 = tpu.memref_squeeze %dma_start3A_78 : memref<1x157x128xi32, #tpu.memory_space<hbm>> -> memref<157x128xi32, #tpu.memory_space<hbm>>
      tpu.enqueue_dma source(%dma_start3A_79 : memref<157x128xi32, #tpu.memory_space<hbm>>) target(%arg8 : memref<157x128xi32, #tpu.memory_space<vmem>>) target_semaphore(%run_scoped3A : memref<!tpu.dma_semaphore, #tpu.memory_space<semaphore_mem>>)
      %dma_wait3A_80 = arith.constant 0 : i32
      %dma_wait3A_81 = arith.constant 0 : i32
      %dma_wait3A_82 = tpu.memref_slice %arg4[%arg1, %dma_wait3A_80, %dma_wait3A_81] : memref<16x157x128xi32, #tpu.memory_space<hbm>> -> memref<1x157x128xi32, #tpu.memory_space<hbm>>
      %dma_wait3A_83 = tpu.memref_squeeze %dma_wait3A_82 : memref<1x157x128xi32, #tpu.memory_space<hbm>> -> memref<157x128xi32, #tpu.memory_space<hbm>>
      %dma_wait3A_84 = arith.constant 0 : i32
      %dma_wait3A_85 = arith.constant 0 : i32
      %dma_wait3A_86 = tpu.memref_slice %arg4[%arg1, %dma_wait3A_84, %dma_wait3A_85] : memref<16x157x128xi32, #tpu.memory_space<hbm>> -> memref<1x157x128xi32, #tpu.memory_space<hbm>>
      %dma_wait3A_87 = tpu.memref_squeeze %dma_wait3A_86 : memref<1x157x128xi32, #tpu.memory_space<hbm>> -> memref<157x128xi32, #tpu.memory_space<hbm>>
      tpu.wait_dma2 semaphore(%run_scoped3A : memref<!tpu.dma_semaphore, #tpu.memory_space<semaphore_mem>>) src(%dma_wait3A_87 : memref<157x128xi32, #tpu.memory_space<hbm>>) dst(%arg8 : memref<157x128xi32, #tpu.memory_space<vmem>>)
      tpu.yield
    }) : () -> ()
    %barrier3A = arith.constant 0 : index
    tpu.barrier barrier_id(%barrier3A)
    %dma_start3A = arith.constant 0 : i32
    %dma_start3A_2 = arith.constant 0 : i32
    %dma_start3A_3 = tpu.memref_slice %arg7[%dma_start3A, %dma_start3A_2] : memref<157x128xi32, #tpu.memory_space<vmem>> -> memref<1x128xi32, #tpu.memory_space<vmem>>
    %dma_start3A_4 = tpu.memref_squeeze %dma_start3A_3 : memref<1x128xi32, #tpu.memory_space<vmem>> -> memref<128xi32, #tpu.memory_space<vmem>>
    %dma_start3A_5 = arith.constant 0 : i32
    %dma_start3A_6 = arith.constant 0 : i32
    %dma_start3A_7 = tpu.memref_slice %arg2[%arg0, %dma_start3A_5, %dma_start3A_6] : memref<2x10008x64xf32, #tpu.memory_space<hbm>> -> memref<1x10008x64xf32, #tpu.memory_space<hbm>>
    %dma_start3A_8 = tpu.memref_squeeze %dma_start3A_7 : memref<1x10008x64xf32, #tpu.memory_space<hbm>> -> memref<10008x64xf32, #tpu.memory_space<hbm>>
    %dma_start3A_9 = arith.constant 0 : i32
    %dma_start3A_10 = arith.constant 0 : i32
    %dma_start3A_11 = tpu.memref_slice %dma_start3A_8[%dma_start3A_9, %dma_start3A_10] : memref<10008x64xf32, #tpu.memory_space<hbm>> -> memref<10008x64xf32, #tpu.memory_space<hbm>>
    tpu.enqueue_indirect_dma source(%dma_start3A_11 : memref<10008x64xf32, #tpu.memory_space<hbm>>) target(%arg9 : memref<128x64xf32, #tpu.memory_space<vmem>>) offsets(%dma_start3A_4 : memref<128xi32, #tpu.memory_space<vmem>>) semaphore(%arg14 : memref<!tpu.dma_semaphore, #tpu.memory_space<semaphore_mem>>)
    %dma_start3A_12 = arith.constant 1 : i32
    %dma_start3A_13 = arith.constant 0 : i32
    %dma_start3A_14 = tpu.memref_slice %arg7[%dma_start3A_12, %dma_start3A_13] : memref<157x128xi32, #tpu.memory_space<vmem>> -> memref<1x128xi32, #tpu.memory_space<vmem>>
    %dma_start3A_15 = tpu.memref_squeeze %dma_start3A_14 : memref<1x128xi32, #tpu.memory_space<vmem>> -> memref<128xi32, #tpu.memory_space<vmem>>
    %dma_start3A_16 = arith.constant 0 : i32
    %dma_start3A_17 = arith.constant 0 : i32
    %dma_start3A_18 = tpu.memref_slice %arg2[%arg0, %dma_start3A_16, %dma_start3A_17] : memref<2x10008x64xf32, #tpu.memory_space<hbm>> -> memref<1x10008x64xf32, #tpu.memory_space<hbm>>
    %dma_start3A_19 = tpu.memref_squeeze %dma_start3A_18 : memref<1x10008x64xf32, #tpu.memory_space<hbm>> -> memref<10008x64xf32, #tpu.memory_space<hbm>>
    %dma_start3A_20 = arith.constant 0 : i32
    %dma_start3A_21 = arith.constant 0 : i32
    %dma_start3A_22 = tpu.memref_slice %dma_start3A_19[%dma_start3A_20, %dma_start3A_21] : memref<10008x64xf32, #tpu.memory_space<hbm>> -> memref<10008x64xf32, #tpu.memory_space<hbm>>
    tpu.enqueue_indirect_dma source(%dma_start3A_22 : memref<10008x64xf32, #tpu.memory_space<hbm>>) target(%arg10 : memref<128x64xf32, #tpu.memory_space<vmem>>) offsets(%dma_start3A_15 : memref<128xi32, #tpu.memory_space<vmem>>) semaphore(%arg15 : memref<!tpu.dma_semaphore, #tpu.memory_space<semaphore_mem>>)
    %scan3A = arith.constant 0 : i32
    %scan3A_23 = arith.constant 0 : i32
    %scan3A_24 = arith.constant 39 : i32
    %scan3A_25 = arith.addi %scan3A_23, %scan3A_24 : i32
    %scan3A_26 = arith.constant 1 : i32
    scf.for %scan3A_72 = %scan3A_23 to %scan3A_25 step %scan3A_26  : i32 {
      %mul3A = arith.constant 4 : i32
      %mul3A_73 = arith.muli %mul3A, %scan3A_72 : i32
      %add3A = arith.constant 0 : i32
      %add3A_74 = arith.addi %mul3A_73, %add3A : i32
      %ge3A = arith.constant 1 : i32
      %ge3A_75 = arith.cmpi sge, %scan3A_72, %ge3A : i32
      %convert_element_type3A_76 = arith.extui %ge3A_75 : i1 to i32
      %cond3A_77 = arith.constant 0 : i32
      %cond3A_78 = arith.cmpi ne, %convert_element_type3A_76, %cond3A_77 : i32
      scf.if %cond3A_78 {
        %sub3A_218 = arith.constant 2 : i32
        %sub3A_219 = arith.subi %add3A_74, %sub3A_218 : i32
        %dma_wait3A_220 = arith.constant 0 : i32
        %dma_wait3A_221 = tpu.memref_slice %arg8[%sub3A_219, %dma_wait3A_220] : memref<157x128xi32, #tpu.memory_space<vmem>> -> memref<1x128xi32, #tpu.memory_space<vmem>>
        %dma_wait3A_222 = tpu.memref_squeeze %dma_wait3A_221 : memref<1x128xi32, #tpu.memory_space<vmem>> -> memref<128xi32, #tpu.memory_space<vmem>>
        %dma_wait3A_223 = arith.constant 0 : i32
        %dma_wait3A_224 = arith.constant 0 : i32
        %dma_wait3A_225 = tpu.memref_slice %arg13[%dma_wait3A_223, %dma_wait3A_224] : memref<10008x64xf32, #tpu.memory_space<vmem_shared>> -> memref<10008x64xf32, #tpu.memory_space<vmem_shared>>
        tpu.wait_indirect_dma semaphore(%arg20 : memref<!tpu.dma_semaphore, #tpu.memory_space<semaphore_mem>>) src(%arg11 : memref<128x64xf32, #tpu.memory_space<vmem>>) dst(%dma_wait3A_225 : memref<10008x64xf32, #tpu.memory_space<vmem_shared>>)
      } else {
      }
      %add3A_79 = arith.constant 2 : i32
      %add3A_80 = arith.addi %add3A_74, %add3A_79 : i32
      %dma_start3A_81 = arith.constant 0 : i32
      %dma_start3A_82 = tpu.memref_slice %arg7[%add3A_80, %dma_start3A_81] : memref<157x128xi32, #tpu.memory_space<vmem>> -> memref<1x128xi32, #tpu.memory_space<vmem>>
      %dma_start3A_83 = tpu.memref_squeeze %dma_start3A_82 : memref<1x128xi32, #tpu.memory_space<vmem>> -> memref<128xi32, #tpu.memory_space<vmem>>
      %dma_start3A_84 = arith.constant 0 : i32
      %dma_start3A_85 = arith.constant 0 : i32
      %dma_start3A_86 = tpu.memref_slice %arg2[%arg0, %dma_start3A_84, %dma_start3A_85] : memref<2x10008x64xf32, #tpu.memory_space<hbm>> -> memref<1x10008x64xf32, #tpu.memory_space<hbm>>
      %dma_start3A_87 = tpu.memref_squeeze %dma_start3A_86 : memref<1x10008x64xf32, #tpu.memory_space<hbm>> -> memref<10008x64xf32, #tpu.memory_space<hbm>>
      %dma_start3A_88 = arith.constant 0 : i32
      %dma_start3A_89 = arith.constant 0 : i32
      %dma_start3A_90 = tpu.memref_slice %dma_start3A_87[%dma_start3A_88, %dma_start3A_89] : memref<10008x64xf32, #tpu.memory_space<hbm>> -> memref<10008x64xf32, #tpu.memory_space<hbm>>
      tpu.enqueue_indirect_dma source(%dma_start3A_90 : memref<10008x64xf32, #tpu.memory_space<hbm>>) target(%arg11 : memref<128x64xf32, #tpu.memory_space<vmem>>) offsets(%dma_start3A_83 : memref<128xi32, #tpu.memory_space<vmem>>) semaphore(%arg16 : memref<!tpu.dma_semaphore, #tpu.memory_space<semaphore_mem>>)
      %dma_wait3A_91 = arith.constant 0 : i32
      %dma_wait3A_92 = tpu.memref_slice %arg7[%add3A_74, %dma_wait3A_91] : memref<157x128xi32, #tpu.memory_space<vmem>> -> memref<1x128xi32, #tpu.memory_space<vmem>>
      %dma_wait3A_93 = tpu.memref_squeeze %dma_wait3A_92 : memref<1x128xi32, #tpu.memory_space<vmem>> -> memref<128xi32, #tpu.memory_space<vmem>>
      %dma_wait3A_94 = arith.constant 0 : i32
      %dma_wait3A_95 = arith.constant 0 : i32
      %dma_wait3A_96 = tpu.memref_slice %arg2[%arg0, %dma_wait3A_94, %dma_wait3A_95] : memref<2x10008x64xf32, #tpu.memory_space<hbm>> -> memref<1x10008x64xf32, #tpu.memory_space<hbm>>
      %dma_wait3A_97 = tpu.memref_squeeze %dma_wait3A_96 : memref<1x10008x64xf32, #tpu.memory_space<hbm>> -> memref<10008x64xf32, #tpu.memory_space<hbm>>
      %dma_wait3A_98 = arith.constant 0 : i32
      %dma_wait3A_99 = arith.constant 0 : i32
      %dma_wait3A_100 = tpu.memref_slice %dma_wait3A_97[%dma_wait3A_98, %dma_wait3A_99] : memref<10008x64xf32, #tpu.memory_space<hbm>> -> memref<10008x64xf32, #tpu.memory_space<hbm>>
      tpu.wait_indirect_dma semaphore(%arg14 : memref<!tpu.dma_semaphore, #tpu.memory_space<semaphore_mem>>) src(%dma_wait3A_100 : memref<10008x64xf32, #tpu.memory_space<hbm>>) dst(%arg9 : memref<128x64xf32, #tpu.memory_space<vmem>>)
      %dma_start3A_101 = arith.constant 0 : i32
      %dma_start3A_102 = tpu.memref_slice %arg8[%add3A_74, %dma_start3A_101] : memref<157x128xi32, #tpu.memory_space<vmem>> -> memref<1x128xi32, #tpu.memory_space<vmem>>
      %dma_start3A_103 = tpu.memref_squeeze %dma_start3A_102 : memref<1x128xi32, #tpu.memory_space<vmem>> -> memref<128xi32, #tpu.memory_space<vmem>>
      %dma_start3A_104 = arith.constant 0 : i32
      %dma_start3A_105 = arith.constant 0 : i32
      %dma_start3A_106 = tpu.memref_slice %arg13[%dma_start3A_104, %dma_start3A_105] : memref<10008x64xf32, #tpu.memory_space<vmem_shared>> -> memref<10008x64xf32, #tpu.memory_space<vmem_shared>>
      tpu.enqueue_indirect_dma source(%arg9 : memref<128x64xf32, #tpu.memory_space<vmem>>) target(%dma_start3A_106 : memref<10008x64xf32, #tpu.memory_space<vmem_shared>>) offsets(%dma_start3A_103 : memref<128xi32, #tpu.memory_space<vmem>>) semaphore(%arg18 : memref<!tpu.dma_semaphore, #tpu.memory_space<semaphore_mem>>) {add = true}
      %mul3A_107 = arith.constant 4 : i32
      %mul3A_108 = arith.muli %mul3A_107, %scan3A_72 : i32
      %add3A_109 = arith.constant 1 : i32
      %add3A_110 = arith.addi %mul3A_108, %add3A_109 : i32
      %ge3A_111 = arith.constant 1 : i32
      %ge3A_112 = arith.cmpi sge, %scan3A_72, %ge3A_111 : i32
      %convert_element_type3A_113 = arith.extui %ge3A_112 : i1 to i32
      %cond3A_114 = arith.constant 0 : i32
      %cond3A_115 = arith.cmpi ne, %convert_element_type3A_113, %cond3A_114 : i32
      scf.if %cond3A_115 {
        %sub3A_218 = arith.constant 2 : i32
        %sub3A_219 = arith.subi %add3A_110, %sub3A_218 : i32
        %dma_wait3A_220 = arith.constant 0 : i32
        %dma_wait3A_221 = tpu.memref_slice %arg8[%sub3A_219, %dma_wait3A_220] : memref<157x128xi32, #tpu.memory_space<vmem>> -> memref<1x128xi32, #tpu.memory_space<vmem>>
        %dma_wait3A_222 = tpu.memref_squeeze %dma_wait3A_221 : memref<1x128xi32, #tpu.memory_space<vmem>> -> memref<128xi32, #tpu.memory_space<vmem>>
        %dma_wait3A_223 = arith.constant 0 : i32
        %dma_wait3A_224 = arith.constant 0 : i32
        %dma_wait3A_225 = tpu.memref_slice %arg13[%dma_wait3A_223, %dma_wait3A_224] : memref<10008x64xf32, #tpu.memory_space<vmem_shared>> -> memref<10008x64xf32, #tpu.memory_space<vmem_shared>>
        tpu.wait_indirect_dma semaphore(%arg21 : memref<!tpu.dma_semaphore, #tpu.memory_space<semaphore_mem>>) src(%arg12 : memref<128x64xf32, #tpu.memory_space<vmem>>) dst(%dma_wait3A_225 : memref<10008x64xf32, #tpu.memory_space<vmem_shared>>)
      } else {
      }
      %add3A_116 = arith.constant 2 : i32
      %add3A_117 = arith.addi %add3A_110, %add3A_116 : i32
      %dma_start3A_118 = arith.constant 0 : i32
      %dma_start3A_119 = tpu.memref_slice %arg7[%add3A_117, %dma_start3A_118] : memref<157x128xi32, #tpu.memory_space<vmem>> -> memref<1x128xi32, #tpu.memory_space<vmem>>
      %dma_start3A_120 = tpu.memref_squeeze %dma_start3A_119 : memref<1x128xi32, #tpu.memory_space<vmem>> -> memref<128xi32, #tpu.memory_space<vmem>>
      %dma_start3A_121 = arith.constant 0 : i32
      %dma_start3A_122 = arith.constant 0 : i32
      %dma_start3A_123 = tpu.memref_slice %arg2[%arg0, %dma_start3A_121, %dma_start3A_122] : memref<2x10008x64xf32, #tpu.memory_space<hbm>> -> memref<1x10008x64xf32, #tpu.memory_space<hbm>>
      %dma_start3A_124 = tpu.memref_squeeze %dma_start3A_123 : memref<1x10008x64xf32, #tpu.memory_space<hbm>> -> memref<10008x64xf32, #tpu.memory_space<hbm>>
      %dma_start3A_125 = arith.constant 0 : i32
      %dma_start3A_126 = arith.constant 0 : i32
      %dma_start3A_127 = tpu.memref_slice %dma_start3A_124[%dma_start3A_125, %dma_start3A_126] : memref<10008x64xf32, #tpu.memory_space<hbm>> -> memref<10008x64xf32, #tpu.memory_space<hbm>>
      tpu.enqueue_indirect_dma source(%dma_start3A_127 : memref<10008x64xf32, #tpu.memory_space<hbm>>) target(%arg12 : memref<128x64xf32, #tpu.memory_space<vmem>>) offsets(%dma_start3A_120 : memref<128xi32, #tpu.memory_space<vmem>>) semaphore(%arg17 : memref<!tpu.dma_semaphore, #tpu.memory_space<semaphore_mem>>)
      %dma_wait3A_128 = arith.constant 0 : i32
      %dma_wait3A_129 = tpu.memref_slice %arg7[%add3A_110, %dma_wait3A_128] : memref<157x128xi32, #tpu.memory_space<vmem>> -> memref<1x128xi32, #tpu.memory_space<vmem>>
      %dma_wait3A_130 = tpu.memref_squeeze %dma_wait3A_129 : memref<1x128xi32, #tpu.memory_space<vmem>> -> memref<128xi32, #tpu.memory_space<vmem>>
      %dma_wait3A_131 = arith.constant 0 : i32
      %dma_wait3A_132 = arith.constant 0 : i32
      %dma_wait3A_133 = tpu.memref_slice %arg2[%arg0, %dma_wait3A_131, %dma_wait3A_132] : memref<2x10008x64xf32, #tpu.memory_space<hbm>> -> memref<1x10008x64xf32, #tpu.memory_space<hbm>>
      %dma_wait3A_134 = tpu.memref_squeeze %dma_wait3A_133 : memref<1x10008x64xf32, #tpu.memory_space<hbm>> -> memref<10008x64xf32, #tpu.memory_space<hbm>>
      %dma_wait3A_135 = arith.constant 0 : i32
      %dma_wait3A_136 = arith.constant 0 : i32
      %dma_wait3A_137 = tpu.memref_slice %dma_wait3A_134[%dma_wait3A_135, %dma_wait3A_136] : memref<10008x64xf32, #tpu.memory_space<hbm>> -> memref<10008x64xf32, #tpu.memory_space<hbm>>
      tpu.wait_indirect_dma semaphore(%arg15 : memref<!tpu.dma_semaphore, #tpu.memory_space<semaphore_mem>>) src(%dma_wait3A_137 : memref<10008x64xf32, #tpu.memory_space<hbm>>) dst(%arg10 : memref<128x64xf32, #tpu.memory_space<vmem>>)
      %dma_start3A_138 = arith.constant 0 : i32
      %dma_start3A_139 = tpu.memref_slice %arg8[%add3A_110, %dma_start3A_138] : memref<157x128xi32, #tpu.memory_space<vmem>> -> memref<1x128xi32, #tpu.memory_space<vmem>>
      %dma_start3A_140 = tpu.memref_squeeze %dma_start3A_139 : memref<1x128xi32, #tpu.memory_space<vmem>> -> memref<128xi32, #tpu.memory_space<vmem>>
      %dma_start3A_141 = arith.constant 0 : i32
      %dma_start3A_142 = arith.constant 0 : i32
      %dma_start3A_143 = tpu.memref_slice %arg13[%dma_start3A_141, %dma_start3A_142] : memref<10008x64xf32, #tpu.memory_space<vmem_shared>> -> memref<10008x64xf32, #tpu.memory_space<vmem_shared>>
      tpu.enqueue_indirect_dma source(%arg10 : memref<128x64xf32, #tpu.memory_space<vmem>>) target(%dma_start3A_143 : memref<10008x64xf32, #tpu.memory_space<vmem_shared>>) offsets(%dma_start3A_140 : memref<128xi32, #tpu.memory_space<vmem>>) semaphore(%arg19 : memref<!tpu.dma_semaphore, #tpu.memory_space<semaphore_mem>>) {add = true}
      %mul3A_144 = arith.constant 4 : i32
      %mul3A_145 = arith.muli %mul3A_144, %scan3A_72 : i32
      %add3A_146 = arith.constant 2 : i32
      %add3A_147 = arith.addi %mul3A_145, %add3A_146 : i32
      %sub3A = arith.constant 2 : i32
      %sub3A_148 = arith.subi %add3A_147, %sub3A : i32
      %dma_wait3A_149 = arith.constant 0 : i32
      %dma_wait3A_150 = tpu.memref_slice %arg8[%sub3A_148, %dma_wait3A_149] : memref<157x128xi32, #tpu.memory_space<vmem>> -> memref<1x128xi32, #tpu.memory_space<vmem>>
      %dma_wait3A_151 = tpu.memref_squeeze %dma_wait3A_150 : memref<1x128xi32, #tpu.memory_space<vmem>> -> memref<128xi32, #tpu.memory_space<vmem>>
      %dma_wait3A_152 = arith.constant 0 : i32
      %dma_wait3A_153 = arith.constant 0 : i32
      %dma_wait3A_154 = tpu.memref_slice %arg13[%dma_wait3A_152, %dma_wait3A_153] : memref<10008x64xf32, #tpu.memory_space<vmem_shared>> -> memref<10008x64xf32, #tpu.memory_space<vmem_shared>>
      tpu.wait_indirect_dma semaphore(%arg18 : memref<!tpu.dma_semaphore, #tpu.memory_space<semaphore_mem>>) src(%arg9 : memref<128x64xf32, #tpu.memory_space<vmem>>) dst(%dma_wait3A_154 : memref<10008x64xf32, #tpu.memory_space<vmem_shared>>)
      %add3A_155 = arith.constant 2 : i32
      %add3A_156 = arith.addi %add3A_147, %add3A_155 : i32
      %dma_start3A_157 = arith.constant 0 : i32
      %dma_start3A_158 = tpu.memref_slice %arg7[%add3A_156, %dma_start3A_157] : memref<157x128xi32, #tpu.memory_space<vmem>> -> memref<1x128xi32, #tpu.memory_space<vmem>>
      %dma_start3A_159 = tpu.memref_squeeze %dma_start3A_158 : memref<1x128xi32, #tpu.memory_space<vmem>> -> memref<128xi32, #tpu.memory_space<vmem>>
      %dma_start3A_160 = arith.constant 0 : i32
      %dma_start3A_161 = arith.constant 0 : i32
      %dma_start3A_162 = tpu.memref_slice %arg2[%arg0, %dma_start3A_160, %dma_start3A_161] : memref<2x10008x64xf32, #tpu.memory_space<hbm>> -> memref<1x10008x64xf32, #tpu.memory_space<hbm>>
      %dma_start3A_163 = tpu.memref_squeeze %dma_start3A_162 : memref<1x10008x64xf32, #tpu.memory_space<hbm>> -> memref<10008x64xf32, #tpu.memory_space<hbm>>
      %dma_start3A_164 = arith.constant 0 : i32
      %dma_start3A_165 = arith.constant 0 : i32
      %dma_start3A_166 = tpu.memref_slice %dma_start3A_163[%dma_start3A_164, %dma_start3A_165] : memref<10008x64xf32, #tpu.memory_space<hbm>> -> memref<10008x64xf32, #tpu.memory_space<hbm>>
      tpu.enqueue_indirect_dma source(%dma_start3A_166 : memref<10008x64xf32, #tpu.memory_space<hbm>>) target(%arg9 : memref<128x64xf32, #tpu.memory_space<vmem>>) offsets(%dma_start3A_159 : memref<128xi32, #tpu.memory_space<vmem>>) semaphore(%arg14 : memref<!tpu.dma_semaphore, #tpu.memory_space<semaphore_mem>>)
      %dma_wait3A_167 = arith.constant 0 : i32
      %dma_wait3A_168 = tpu.memref_slice %arg7[%add3A_147, %dma_wait3A_167] : memref<157x128xi32, #tpu.memory_space<vmem>> -> memref<1x128xi32, #tpu.memory_space<vmem>>
      %dma_wait3A_169 = tpu.memref_squeeze %dma_wait3A_168 : memref<1x128xi32, #tpu.memory_space<vmem>> -> memref<128xi32, #tpu.memory_space<vmem>>
      %dma_wait3A_170 = arith.constant 0 : i32
      %dma_wait3A_171 = arith.constant 0 : i32
      %dma_wait3A_172 = tpu.memref_slice %arg2[%arg0, %dma_wait3A_170, %dma_wait3A_171] : memref<2x10008x64xf32, #tpu.memory_space<hbm>> -> memref<1x10008x64xf32, #tpu.memory_space<hbm>>
      %dma_wait3A_173 = tpu.memref_squeeze %dma_wait3A_172 : memref<1x10008x64xf32, #tpu.memory_space<hbm>> -> memref<10008x64xf32, #tpu.memory_space<hbm>>
      %dma_wait3A_174 = arith.constant 0 : i32
      %dma_wait3A_175 = arith.constant 0 : i32
      %dma_wait3A_176 = tpu.memref_slice %dma_wait3A_173[%dma_wait3A_174, %dma_wait3A_175] : memref<10008x64xf32, #tpu.memory_space<hbm>> -> memref<10008x64xf32, #tpu.memory_space<hbm>>
      tpu.wait_indirect_dma semaphore(%arg16 : memref<!tpu.dma_semaphore, #tpu.memory_space<semaphore_mem>>) src(%dma_wait3A_176 : memref<10008x64xf32, #tpu.memory_space<hbm>>) dst(%arg11 : memref<128x64xf32, #tpu.memory_space<vmem>>)
      %dma_start3A_177 = arith.constant 0 : i32
      %dma_start3A_178 = tpu.memref_slice %arg8[%add3A_147, %dma_start3A_177] : memref<157x128xi32, #tpu.memory_space<vmem>> -> memref<1x128xi32, #tpu.memory_space<vmem>>
      %dma_start3A_179 = tpu.memref_squeeze %dma_start3A_178 : memref<1x128xi32, #tpu.memory_space<vmem>> -> memref<128xi32, #tpu.memory_space<vmem>>
      %dma_start3A_180 = arith.constant 0 : i32
      %dma_start3A_181 = arith.constant 0 : i32
      %dma_start3A_182 = tpu.memref_slice %arg13[%dma_start3A_180, %dma_start3A_181] : memref<10008x64xf32, #tpu.memory_space<vmem_shared>> -> memref<10008x64xf32, #tpu.memory_space<vmem_shared>>
      tpu.enqueue_indirect_dma source(%arg11 : memref<128x64xf32, #tpu.memory_space<vmem>>) target(%dma_start3A_182 : memref<10008x64xf32, #tpu.memory_space<vmem_shared>>) offsets(%dma_start3A_179 : memref<128xi32, #tpu.memory_space<vmem>>) semaphore(%arg20 : memref<!tpu.dma_semaphore, #tpu.memory_space<semaphore_mem>>) {add = true}
      %mul3A_183 = arith.constant 4 : i32
      %mul3A_184 = arith.muli %mul3A_183, %scan3A_72 : i32
      %add3A_185 = arith.constant 3 : i32
      %add3A_186 = arith.addi %mul3A_184, %add3A_185 : i32
      %sub3A_187 = arith.constant 2 : i32
      %sub3A_188 = arith.subi %add3A_186, %sub3A_187 : i32
      %dma_wait3A_189 = arith.constant 0 : i32
      %dma_wait3A_190 = tpu.memref_slice %arg8[%sub3A_188, %dma_wait3A_189] : memref<157x128xi32, #tpu.memory_space<vmem>> -> memref<1x128xi32, #tpu.memory_space<vmem>>
      %dma_wait3A_191 = tpu.memref_squeeze %dma_wait3A_190 : memref<1x128xi32, #tpu.memory_space<vmem>> -> memref<128xi32, #tpu.memory_space<vmem>>
      %dma_wait3A_192 = arith.constant 0 : i32
      %dma_wait3A_193 = arith.constant 0 : i32
      %dma_wait3A_194 = tpu.memref_slice %arg13[%dma_wait3A_192, %dma_wait3A_193] : memref<10008x64xf32, #tpu.memory_space<vmem_shared>> -> memref<10008x64xf32, #tpu.memory_space<vmem_shared>>
      tpu.wait_indirect_dma semaphore(%arg19 : memref<!tpu.dma_semaphore, #tpu.memory_space<semaphore_mem>>) src(%arg10 : memref<128x64xf32, #tpu.memory_space<vmem>>) dst(%dma_wait3A_194 : memref<10008x64xf32, #tpu.memory_space<vmem_shared>>)
      %add3A_195 = arith.constant 2 : i32
      %add3A_196 = arith.addi %add3A_186, %add3A_195 : i32
      %lt3A_197 = arith.constant 157 : i32
      %lt3A_198 = arith.cmpi slt, %add3A_196, %lt3A_197 : i32
      %convert_element_type3A_199 = arith.extui %lt3A_198 : i1 to i32
      %cond3A_200 = arith.constant 0 : i32
      %cond3A_201 = arith.cmpi ne, %convert_element_type3A_199, %cond3A_200 : i32
      scf.if %cond3A_201 {
        %add3A_218 = arith.constant 2 : i32
        %add3A_219 = arith.addi %add3A_186, %add3A_218 : i32
        %dma_start3A_220 = arith.constant 0 : i32
        %dma_start3A_221 = tpu.memref_slice %arg7[%add3A_219, %dma_start3A_220] : memref<157x128xi32, #tpu.memory_space<vmem>> -> memref<1x128xi32, #tpu.memory_space<vmem>>
        %dma_start3A_222 = tpu.memref_squeeze %dma_start3A_221 : memref<1x128xi32, #tpu.memory_space<vmem>> -> memref<128xi32, #tpu.memory_space<vmem>>
        %dma_start3A_223 = arith.constant 0 : i32
        %dma_start3A_224 = arith.constant 0 : i32
        %dma_start3A_225 = tpu.memref_slice %arg2[%arg0, %dma_start3A_223, %dma_start3A_224] : memref<2x10008x64xf32, #tpu.memory_space<hbm>> -> memref<1x10008x64xf32, #tpu.memory_space<hbm>>
        %dma_start3A_226 = tpu.memref_squeeze %dma_start3A_225 : memref<1x10008x64xf32, #tpu.memory_space<hbm>> -> memref<10008x64xf32, #tpu.memory_space<hbm>>
        %dma_start3A_227 = arith.constant 0 : i32
        %dma_start3A_228 = arith.constant 0 : i32
        %dma_start3A_229 = tpu.memref_slice %dma_start3A_226[%dma_start3A_227, %dma_start3A_228] : memref<10008x64xf32, #tpu.memory_space<hbm>> -> memref<10008x64xf32, #tpu.memory_space<hbm>>
        tpu.enqueue_indirect_dma source(%dma_start3A_229 : memref<10008x64xf32, #tpu.memory_space<hbm>>) target(%arg10 : memref<128x64xf32, #tpu.memory_space<vmem>>) offsets(%dma_start3A_222 : memref<128xi32, #tpu.memory_space<vmem>>) semaphore(%arg15 : memref<!tpu.dma_semaphore, #tpu.memory_space<semaphore_mem>>)
      } else {
      }
      %dma_wait3A_202 = arith.constant 0 : i32
      %dma_wait3A_203 = tpu.memref_slice %arg7[%add3A_186, %dma_wait3A_202] : memref<157x128xi32, #tpu.memory_space<vmem>> -> memref<1x128xi32, #tpu.memory_space<vmem>>
      %dma_wait3A_204 = tpu.memref_squeeze %dma_wait3A_203 : memref<1x128xi32, #tpu.memory_space<vmem>> -> memref<128xi32, #tpu.memory_space<vmem>>
      %dma_wait3A_205 = arith.constant 0 : i32
      %dma_wait3A_206 = arith.constant 0 : i32
      %dma_wait3A_207 = tpu.memref_slice %arg2[%arg0, %dma_wait3A_205, %dma_wait3A_206] : memref<2x10008x64xf32, #tpu.memory_space<hbm>> -> memref<1x10008x64xf32, #tpu.memory_space<hbm>>
      %dma_wait3A_208 = tpu.memref_squeeze %dma_wait3A_207 : memref<1x10008x64xf32, #tpu.memory_space<hbm>> -> memref<10008x64xf32, #tpu.memory_space<hbm>>
      %dma_wait3A_209 = arith.constant 0 : i32
      %dma_wait3A_210 = arith.constant 0 : i32
      %dma_wait3A_211 = tpu.memref_slice %dma_wait3A_208[%dma_wait3A_209, %dma_wait3A_210] : memref<10008x64xf32, #tpu.memory_space<hbm>> -> memref<10008x64xf32, #tpu.memory_space<hbm>>
      tpu.wait_indirect_dma semaphore(%arg17 : memref<!tpu.dma_semaphore, #tpu.memory_space<semaphore_mem>>) src(%dma_wait3A_211 : memref<10008x64xf32, #tpu.memory_space<hbm>>) dst(%arg12 : memref<128x64xf32, #tpu.memory_space<vmem>>)
      %dma_start3A_212 = arith.constant 0 : i32
      %dma_start3A_213 = tpu.memref_slice %arg8[%add3A_186, %dma_start3A_212] : memref<157x128xi32, #tpu.memory_space<vmem>> -> memref<1x128xi32, #tpu.memory_space<vmem>>
      %dma_start3A_214 = tpu.memref_squeeze %dma_start3A_213 : memref<1x128xi32, #tpu.memory_space<vmem>> -> memref<128xi32, #tpu.memory_space<vmem>>
      %dma_start3A_215 = arith.constant 0 : i32
      %dma_start3A_216 = arith.constant 0 : i32
      %dma_start3A_217 = tpu.memref_slice %arg13[%dma_start3A_215, %dma_start3A_216] : memref<10008x64xf32, #tpu.memory_space<vmem_shared>> -> memref<10008x64xf32, #tpu.memory_space<vmem_shared>>
      tpu.enqueue_indirect_dma source(%arg12 : memref<128x64xf32, #tpu.memory_space<vmem>>) target(%dma_start3A_217 : memref<10008x64xf32, #tpu.memory_space<vmem_shared>>) offsets(%dma_start3A_214 : memref<128xi32, #tpu.memory_space<vmem>>) semaphore(%arg21 : memref<!tpu.dma_semaphore, #tpu.memory_space<semaphore_mem>>) {add = true}
    }
    %scan3A_27 = arith.constant 39 : i32
    %dma_wait3A = arith.constant 156 : i32
    %dma_wait3A_28 = arith.constant 0 : i32
    %dma_wait3A_29 = tpu.memref_slice %arg7[%dma_wait3A, %dma_wait3A_28] : memref<157x128xi32, #tpu.memory_space<vmem>> -> memref<1x128xi32, #tpu.memory_space<vmem>>
    %dma_wait3A_30 = tpu.memref_squeeze %dma_wait3A_29 : memref<1x128xi32, #tpu.memory_space<vmem>> -> memref<128xi32, #tpu.memory_space<vmem>>
    %dma_wait3A_31 = arith.constant 0 : i32
    %dma_wait3A_32 = arith.constant 0 : i32
    %dma_wait3A_33 = tpu.memref_slice %arg2[%arg0, %dma_wait3A_31, %dma_wait3A_32] : memref<2x10008x64xf32, #tpu.memory_space<hbm>> -> memref<1x10008x64xf32, #tpu.memory_space<hbm>>
    %dma_wait3A_34 = tpu.memref_squeeze %dma_wait3A_33 : memref<1x10008x64xf32, #tpu.memory_space<hbm>> -> memref<10008x64xf32, #tpu.memory_space<hbm>>
    %dma_wait3A_35 = arith.constant 0 : i32
    %dma_wait3A_36 = arith.constant 0 : i32
    %dma_wait3A_37 = tpu.memref_slice %dma_wait3A_34[%dma_wait3A_35, %dma_wait3A_36] : memref<10008x64xf32, #tpu.memory_space<hbm>> -> memref<10008x64xf32, #tpu.memory_space<hbm>>
    tpu.wait_indirect_dma semaphore(%arg14 : memref<!tpu.dma_semaphore, #tpu.memory_space<semaphore_mem>>) src(%dma_wait3A_37 : memref<10008x64xf32, #tpu.memory_space<hbm>>) dst(%arg9 : memref<128x64xf32, #tpu.memory_space<vmem>>)
    %dma_start3A_38 = arith.constant 156 : i32
    %dma_start3A_39 = arith.constant 0 : i32
    %dma_start3A_40 = tpu.memref_slice %arg8[%dma_start3A_38, %dma_start3A_39] : memref<157x128xi32, #tpu.memory_space<vmem>> -> memref<1x128xi32, #tpu.memory_space<vmem>>
    %dma_start3A_41 = tpu.memref_squeeze %dma_start3A_40 : memref<1x128xi32, #tpu.memory_space<vmem>> -> memref<128xi32, #tpu.memory_space<vmem>>
    %dma_start3A_42 = arith.constant 0 : i32
    %dma_start3A_43 = arith.constant 0 : i32
    %dma_start3A_44 = tpu.memref_slice %arg13[%dma_start3A_42, %dma_start3A_43] : memref<10008x64xf32, #tpu.memory_space<vmem_shared>> -> memref<10008x64xf32, #tpu.memory_space<vmem_shared>>
    tpu.enqueue_indirect_dma source(%arg9 : memref<128x64xf32, #tpu.memory_space<vmem>>) target(%dma_start3A_44 : memref<10008x64xf32, #tpu.memory_space<vmem_shared>>) offsets(%dma_start3A_41 : memref<128xi32, #tpu.memory_space<vmem>>) semaphore(%arg18 : memref<!tpu.dma_semaphore, #tpu.memory_space<semaphore_mem>>) {add = true}
    %dma_wait3A_45 = arith.constant 154 : i32
    %dma_wait3A_46 = arith.constant 0 : i32
    %dma_wait3A_47 = tpu.memref_slice %arg8[%dma_wait3A_45, %dma_wait3A_46] : memref<157x128xi32, #tpu.memory_space<vmem>> -> memref<1x128xi32, #tpu.memory_space<vmem>>
    %dma_wait3A_48 = tpu.memref_squeeze %dma_wait3A_47 : memref<1x128xi32, #tpu.memory_space<vmem>> -> memref<128xi32, #tpu.memory_space<vmem>>
    %dma_wait3A_49 = arith.constant 0 : i32
    %dma_wait3A_50 = arith.constant 0 : i32
    %dma_wait3A_51 = tpu.memref_slice %arg13[%dma_wait3A_49, %dma_wait3A_50] : memref<10008x64xf32, #tpu.memory_space<vmem_shared>> -> memref<10008x64xf32, #tpu.memory_space<vmem_shared>>
    tpu.wait_indirect_dma semaphore(%arg20 : memref<!tpu.dma_semaphore, #tpu.memory_space<semaphore_mem>>) src(%arg11 : memref<128x64xf32, #tpu.memory_space<vmem>>) dst(%dma_wait3A_51 : memref<10008x64xf32, #tpu.memory_space<vmem_shared>>)
    %dma_wait3A_52 = arith.constant 155 : i32
    %dma_wait3A_53 = arith.constant 0 : i32
    %dma_wait3A_54 = tpu.memref_slice %arg8[%dma_wait3A_52, %dma_wait3A_53] : memref<157x128xi32, #tpu.memory_space<vmem>> -> memref<1x128xi32, #tpu.memory_space<vmem>>
    %dma_wait3A_55 = tpu.memref_squeeze %dma_wait3A_54 : memref<1x128xi32, #tpu.memory_space<vmem>> -> memref<128xi32, #tpu.memory_space<vmem>>
    %dma_wait3A_56 = arith.constant 0 : i32
    %dma_wait3A_57 = arith.constant 0 : i32
    %dma_wait3A_58 = tpu.memref_slice %arg13[%dma_wait3A_56, %dma_wait3A_57] : memref<10008x64xf32, #tpu.memory_space<vmem_shared>> -> memref<10008x64xf32, #tpu.memory_space<vmem_shared>>
    tpu.wait_indirect_dma semaphore(%arg21 : memref<!tpu.dma_semaphore, #tpu.memory_space<semaphore_mem>>) src(%arg12 : memref<128x64xf32, #tpu.memory_space<vmem>>) dst(%dma_wait3A_58 : memref<10008x64xf32, #tpu.memory_space<vmem_shared>>)
    %dma_wait3A_59 = arith.constant 156 : i32
    %dma_wait3A_60 = arith.constant 0 : i32
    %dma_wait3A_61 = tpu.memref_slice %arg8[%dma_wait3A_59, %dma_wait3A_60] : memref<157x128xi32, #tpu.memory_space<vmem>> -> memref<1x128xi32, #tpu.memory_space<vmem>>
    %dma_wait3A_62 = tpu.memref_squeeze %dma_wait3A_61 : memref<1x128xi32, #tpu.memory_space<vmem>> -> memref<128xi32, #tpu.memory_space<vmem>>
    %dma_wait3A_63 = arith.constant 0 : i32
    %dma_wait3A_64 = arith.constant 0 : i32
    %dma_wait3A_65 = tpu.memref_slice %arg13[%dma_wait3A_63, %dma_wait3A_64] : memref<10008x64xf32, #tpu.memory_space<vmem_shared>> -> memref<10008x64xf32, #tpu.memory_space<vmem_shared>>
    tpu.wait_indirect_dma semaphore(%arg18 : memref<!tpu.dma_semaphore, #tpu.memory_space<semaphore_mem>>) src(%arg9 : memref<128x64xf32, #tpu.memory_space<vmem>>) dst(%dma_wait3A_65 : memref<10008x64xf32, #tpu.memory_space<vmem_shared>>)
    %barrier3A_66 = arith.constant 0 : index
    tpu.barrier barrier_id(%barrier3A_66)
    %lt3A_67 = arith.constant 10 : i32
    %lt3A_68 = arith.cmpi slt, %arg1, %lt3A_67 : i32
    %convert_element_type3A_69 = arith.extui %lt3A_68 : i1 to i32
    %cond3A_70 = arith.constant 0 : i32
    %cond3A_71 = arith.cmpi ne, %convert_element_type3A_69, %cond3A_70 : i32
    scf.if %cond3A_71 {
      %mul3A = arith.constant 1000 : i32
      %mul3A_72 = arith.muli %arg1, %mul3A : i32
      %mul3A_73 = arith.constant 1000 : i32
      %mul3A_74 = arith.muli %arg1, %mul3A_73 : i32
      "tpu.region"() ({
        %run_scoped3A = tpu.sem_alloc : memref<!tpu.dma_semaphore, #tpu.memory_space<semaphore_mem>>
        %dma_start3A_75 = arith.constant 0 : i32
        %dma_start3A_76 = tpu.memref_slice %arg6[%arg0, %mul3A_74, %dma_start3A_75] : memref<2x10000x64xf32, #tpu.memory_space<hbm>> -> memref<1x1000x64xf32, #tpu.memory_space<hbm>>
        %dma_start3A_77 = tpu.memref_squeeze %dma_start3A_76 : memref<1x1000x64xf32, #tpu.memory_space<hbm>> -> memref<1000x64xf32, #tpu.memory_space<hbm>>
        %dma_start3A_78 = arith.constant 0 : i32
        %dma_start3A_79 = tpu.memref_slice %arg13[%mul3A_72, %dma_start3A_78] : memref<10008x64xf32, #tpu.memory_space<vmem_shared>> -> memref<1000x64xf32, #tpu.memory_space<vmem_shared>>
        tpu.enqueue_dma source(%dma_start3A_79 : memref<1000x64xf32, #tpu.memory_space<vmem_shared>>) target(%dma_start3A_77 : memref<1000x64xf32, #tpu.memory_space<hbm>>) target_semaphore(%run_scoped3A : memref<!tpu.dma_semaphore, #tpu.memory_space<semaphore_mem>>)
        %dma_wait3A_80 = arith.constant 0 : i32
        %dma_wait3A_81 = tpu.memref_slice %arg6[%arg0, %mul3A_74, %dma_wait3A_80] : memref<2x10000x64xf32, #tpu.memory_space<hbm>> -> memref<1x1000x64xf32, #tpu.memory_space<hbm>>
        %dma_wait3A_82 = tpu.memref_squeeze %dma_wait3A_81 : memref<1x1000x64xf32, #tpu.memory_space<hbm>> -> memref<1000x64xf32, #tpu.memory_space<hbm>>
        %dma_wait3A_83 = arith.constant 0 : i32
        %dma_wait3A_84 = tpu.memref_slice %arg13[%mul3A_72, %dma_wait3A_83] : memref<10008x64xf32, #tpu.memory_space<vmem_shared>> -> memref<1000x64xf32, #tpu.memory_space<vmem_shared>>
        tpu.wait_dma2 semaphore(%run_scoped3A : memref<!tpu.dma_semaphore, #tpu.memory_space<semaphore_mem>>) src(%dma_wait3A_84 : memref<1000x64xf32, #tpu.memory_space<vmem_shared>>) dst(%dma_wait3A_82 : memref<1000x64xf32, #tpu.memory_space<hbm>>)
        tpu.yield
      }) : () -> ()
    } else {
    }
    return
  }
}

#map = affine_map<(d0, d1) -> (0, 0, 0)>
#map1 = affine_map<(d0, d1) -> (0)>
#map2 = affine_map<(d0, d1) -> (0, 0)>
module attributes {stable_mosaic.version = 14 : i64} {
  func.func @sc_pass_deg(%arg0: i32, %arg1: i32, %arg2: memref<2x10008x64xf32, #tpu.memory_space<hbm>>, %arg3: memref<16x157x128xi32, #tpu.memory_space<hbm>>, %arg4: memref<16x157x128xi32, #tpu.memory_space<hbm>>, %arg5: memref<10008xf32, #tpu.memory_space<hbm>>, %arg6: memref<10008x64xf32, #tpu.memory_space<hbm>>, %arg7: memref<2x10000x64xf32, #tpu.memory_space<hbm>>, %arg8: memref<1x10000xf32, #tpu.memory_space<hbm>>, %arg9: memref<1x10000xf32, #tpu.memory_space<hbm>>, %arg10: memref<157x128xi32, #tpu.memory_space<vmem>>, %arg11: memref<157x128xi32, #tpu.memory_space<vmem>>, %arg12: memref<128x64xf32, #tpu.memory_space<vmem>>, %arg13: memref<128x64xf32, #tpu.memory_space<vmem>>, %arg14: memref<128x64xf32, #tpu.memory_space<vmem>>, %arg15: memref<128x64xf32, #tpu.memory_space<vmem>>, %arg16: memref<128xf32, #tpu.memory_space<vmem>>, %arg17: memref<128xf32, #tpu.memory_space<vmem>>, %arg18: memref<128xf32, #tpu.memory_space<vmem>>, %arg19: memref<128xf32, #tpu.memory_space<vmem>>, %arg20: memref<128xf32, #tpu.memory_space<vmem>>, %arg21: memref<1008xf32, #tpu.memory_space<vmem>>, %arg22: memref<10008x64xf32, #tpu.memory_space<vmem_shared>>, %arg23: memref<10008xf32, #tpu.memory_space<vmem_shared>>, %arg24: memref<10008xf32, #tpu.memory_space<vmem_shared>>, %arg25: memref<!tpu.dma_semaphore, #tpu.memory_space<semaphore_mem>>, %arg26: memref<!tpu.dma_semaphore, #tpu.memory_space<semaphore_mem>>, %arg27: memref<!tpu.dma_semaphore, #tpu.memory_space<semaphore_mem>>, %arg28: memref<!tpu.dma_semaphore, #tpu.memory_space<semaphore_mem>>, %arg29: memref<!tpu.dma_semaphore, #tpu.memory_space<semaphore_mem>>, %arg30: memref<!tpu.dma_semaphore, #tpu.memory_space<semaphore_mem>>, %arg31: memref<!tpu.dma_semaphore, #tpu.memory_space<semaphore_mem>>, %arg32: memref<!tpu.dma_semaphore, #tpu.memory_space<semaphore_mem>>, %arg33: memref<!tpu.dma_semaphore, #tpu.memory_space<semaphore_mem>>, %arg34: memref<!tpu.dma_semaphore, #tpu.memory_space<semaphore_mem>>, %arg35: memref<!tpu.dma_semaphore, #tpu.memory_space<semaphore_mem>>, %arg36: memref<!tpu.dma_semaphore, #tpu.memory_space<semaphore_mem>>, %arg37: memref<!tpu.dma_semaphore, #tpu.memory_space<semaphore_mem>>, %arg38: memref<!tpu.dma_semaphore, #tpu.memory_space<semaphore_mem>>, %arg39: memref<!tpu.dma_semaphore, #tpu.memory_space<semaphore_mem>>, %arg40: memref<!tpu.dma_semaphore, #tpu.memory_space<semaphore_mem>>, %arg41: memref<!tpu.dma_semaphore, #tpu.memory_space<semaphore_mem>>) attributes {dimension_semantics = [#tpu.dimension_semantics<core_parallel>, #tpu.dimension_semantics<subcore_parallel>], iteration_bounds = array<i64: 2, 16>, scalar_prefetch = 0 : i64, scratch_operands = 32 : i64, tpu.core_type = #tpu.core_type<sc_vector_subcore>, window_params = [{transform_indices = #map}, {transform_indices = #map}, {transform_indices = #map}, {transform_indices = #map1}, {transform_indices = #map2}, {transform_indices = #map}, {transform_indices = #map2}, {transform_indices = #map2}]} {
    %lt3A = arith.constant 10 : i32
    %lt3A_0 = arith.cmpi slt, %arg1, %lt3A : i32
    %convert_element_type3A = arith.extui %lt3A_0 : i1 to i32
    %cond3A = arith.constant 0 : i32
    %cond3A_1 = arith.cmpi ne, %convert_element_type3A, %cond3A : i32
    scf.if %cond3A_1 {
      %mul3A = arith.constant 1000 : i32
      %mul3A_181 = arith.muli %arg1, %mul3A : i32
      %mul3A_182 = arith.constant 1000 : i32
      %mul3A_183 = arith.muli %arg1, %mul3A_182 : i32
      "tpu.region"() ({
        %run_scoped3A = tpu.sem_alloc : memref<!tpu.dma_semaphore, #tpu.memory_space<semaphore_mem>>
        %dma_start3A_184 = arith.constant 0 : i32
        %dma_start3A_185 = tpu.memref_slice %arg22[%mul3A_183, %dma_start3A_184] : memref<10008x64xf32, #tpu.memory_space<vmem_shared>> -> memref<1000x64xf32, #tpu.memory_space<vmem_shared>>
        %dma_start3A_186 = arith.constant 0 : i32
        %dma_start3A_187 = tpu.memref_slice %arg6[%mul3A_181, %dma_start3A_186] : memref<10008x64xf32, #tpu.memory_space<hbm>> -> memref<1000x64xf32, #tpu.memory_space<hbm>>
        tpu.enqueue_dma source(%dma_start3A_187 : memref<1000x64xf32, #tpu.memory_space<hbm>>) target(%dma_start3A_185 : memref<1000x64xf32, #tpu.memory_space<vmem_shared>>) target_semaphore(%run_scoped3A : memref<!tpu.dma_semaphore, #tpu.memory_space<semaphore_mem>>)
        %dma_wait3A_188 = arith.constant 0 : i32
        %dma_wait3A_189 = tpu.memref_slice %arg22[%mul3A_183, %dma_wait3A_188] : memref<10008x64xf32, #tpu.memory_space<vmem_shared>> -> memref<1000x64xf32, #tpu.memory_space<vmem_shared>>
        %dma_wait3A_190 = arith.constant 0 : i32
        %dma_wait3A_191 = tpu.memref_slice %arg6[%mul3A_181, %dma_wait3A_190] : memref<10008x64xf32, #tpu.memory_space<hbm>> -> memref<1000x64xf32, #tpu.memory_space<hbm>>
        tpu.wait_dma2 semaphore(%run_scoped3A : memref<!tpu.dma_semaphore, #tpu.memory_space<semaphore_mem>>) src(%dma_wait3A_191 : memref<1000x64xf32, #tpu.memory_space<hbm>>) dst(%dma_wait3A_189 : memref<1000x64xf32, #tpu.memory_space<vmem_shared>>)
        tpu.yield
      }) : () -> ()
    } else {
    }
    "tpu.region"() ({
      %run_scoped3A = tpu.sem_alloc : memref<!tpu.dma_semaphore, #tpu.memory_space<semaphore_mem>>
      %dma_start3A_181 = arith.constant 0 : i32
      %dma_start3A_182 = arith.constant 0 : i32
      %dma_start3A_183 = tpu.memref_slice %arg3[%arg1, %dma_start3A_181, %dma_start3A_182] : memref<16x157x128xi32, #tpu.memory_space<hbm>> -> memref<1x157x128xi32, #tpu.memory_space<hbm>>
      %dma_start3A_184 = tpu.memref_squeeze %dma_start3A_183 : memref<1x157x128xi32, #tpu.memory_space<hbm>> -> memref<157x128xi32, #tpu.memory_space<hbm>>
      %dma_start3A_185 = arith.constant 0 : i32
      %dma_start3A_186 = arith.constant 0 : i32
      %dma_start3A_187 = tpu.memref_slice %arg3[%arg1, %dma_start3A_185, %dma_start3A_186] : memref<16x157x128xi32, #tpu.memory_space<hbm>> -> memref<1x157x128xi32, #tpu.memory_space<hbm>>
      %dma_start3A_188 = tpu.memref_squeeze %dma_start3A_187 : memref<1x157x128xi32, #tpu.memory_space<hbm>> -> memref<157x128xi32, #tpu.memory_space<hbm>>
      tpu.enqueue_dma source(%dma_start3A_188 : memref<157x128xi32, #tpu.memory_space<hbm>>) target(%arg10 : memref<157x128xi32, #tpu.memory_space<vmem>>) target_semaphore(%run_scoped3A : memref<!tpu.dma_semaphore, #tpu.memory_space<semaphore_mem>>)
      %dma_wait3A_189 = arith.constant 0 : i32
      %dma_wait3A_190 = arith.constant 0 : i32
      %dma_wait3A_191 = tpu.memref_slice %arg3[%arg1, %dma_wait3A_189, %dma_wait3A_190] : memref<16x157x128xi32, #tpu.memory_space<hbm>> -> memref<1x157x128xi32, #tpu.memory_space<hbm>>
      %dma_wait3A_192 = tpu.memref_squeeze %dma_wait3A_191 : memref<1x157x128xi32, #tpu.memory_space<hbm>> -> memref<157x128xi32, #tpu.memory_space<hbm>>
      %dma_wait3A_193 = arith.constant 0 : i32
      %dma_wait3A_194 = arith.constant 0 : i32
      %dma_wait3A_195 = tpu.memref_slice %arg3[%arg1, %dma_wait3A_193, %dma_wait3A_194] : memref<16x157x128xi32, #tpu.memory_space<hbm>> -> memref<1x157x128xi32, #tpu.memory_space<hbm>>
      %dma_wait3A_196 = tpu.memref_squeeze %dma_wait3A_195 : memref<1x157x128xi32, #tpu.memory_space<hbm>> -> memref<157x128xi32, #tpu.memory_space<hbm>>
      tpu.wait_dma2 semaphore(%run_scoped3A : memref<!tpu.dma_semaphore, #tpu.memory_space<semaphore_mem>>) src(%dma_wait3A_196 : memref<157x128xi32, #tpu.memory_space<hbm>>) dst(%arg10 : memref<157x128xi32, #tpu.memory_space<vmem>>)
      tpu.yield
    }) : () -> ()
    "tpu.region"() ({
      %run_scoped3A = tpu.sem_alloc : memref<!tpu.dma_semaphore, #tpu.memory_space<semaphore_mem>>
      %dma_start3A_181 = arith.constant 0 : i32
      %dma_start3A_182 = arith.constant 0 : i32
      %dma_start3A_183 = tpu.memref_slice %arg4[%arg1, %dma_start3A_181, %dma_start3A_182] : memref<16x157x128xi32, #tpu.memory_space<hbm>> -> memref<1x157x128xi32, #tpu.memory_space<hbm>>
      %dma_start3A_184 = tpu.memref_squeeze %dma_start3A_183 : memref<1x157x128xi32, #tpu.memory_space<hbm>> -> memref<157x128xi32, #tpu.memory_space<hbm>>
      %dma_start3A_185 = arith.constant 0 : i32
      %dma_start3A_186 = arith.constant 0 : i32
      %dma_start3A_187 = tpu.memref_slice %arg4[%arg1, %dma_start3A_185, %dma_start3A_186] : memref<16x157x128xi32, #tpu.memory_space<hbm>> -> memref<1x157x128xi32, #tpu.memory_space<hbm>>
      %dma_start3A_188 = tpu.memref_squeeze %dma_start3A_187 : memref<1x157x128xi32, #tpu.memory_space<hbm>> -> memref<157x128xi32, #tpu.memory_space<hbm>>
      tpu.enqueue_dma source(%dma_start3A_188 : memref<157x128xi32, #tpu.memory_space<hbm>>) target(%arg11 : memref<157x128xi32, #tpu.memory_space<vmem>>) target_semaphore(%run_scoped3A : memref<!tpu.dma_semaphore, #tpu.memory_space<semaphore_mem>>)
      %dma_wait3A_189 = arith.constant 0 : i32
      %dma_wait3A_190 = arith.constant 0 : i32
      %dma_wait3A_191 = tpu.memref_slice %arg4[%arg1, %dma_wait3A_189, %dma_wait3A_190] : memref<16x157x128xi32, #tpu.memory_space<hbm>> -> memref<1x157x128xi32, #tpu.memory_space<hbm>>
      %dma_wait3A_192 = tpu.memref_squeeze %dma_wait3A_191 : memref<1x157x128xi32, #tpu.memory_space<hbm>> -> memref<157x128xi32, #tpu.memory_space<hbm>>
      %dma_wait3A_193 = arith.constant 0 : i32
      %dma_wait3A_194 = arith.constant 0 : i32
      %dma_wait3A_195 = tpu.memref_slice %arg4[%arg1, %dma_wait3A_193, %dma_wait3A_194] : memref<16x157x128xi32, #tpu.memory_space<hbm>> -> memref<1x157x128xi32, #tpu.memory_space<hbm>>
      %dma_wait3A_196 = tpu.memref_squeeze %dma_wait3A_195 : memref<1x157x128xi32, #tpu.memory_space<hbm>> -> memref<157x128xi32, #tpu.memory_space<hbm>>
      tpu.wait_dma2 semaphore(%run_scoped3A : memref<!tpu.dma_semaphore, #tpu.memory_space<semaphore_mem>>) src(%dma_wait3A_196 : memref<157x128xi32, #tpu.memory_space<hbm>>) dst(%arg11 : memref<157x128xi32, #tpu.memory_space<vmem>>)
      tpu.yield
    }) : () -> ()
    %scan3A = arith.constant 0 : i32
    %scan3A_2 = arith.constant 0 : i32
    %scan3A_3 = arith.constant 63 : i32
    %scan3A_4 = arith.addi %scan3A_2, %scan3A_3 : i32
    %scan3A_5 = arith.constant 1 : i32
    scf.for %scan3A_181 = %scan3A_2 to %scan3A_4 step %scan3A_5  : i32 {
      %broadcast_in_dim3A_182 = arith.constant 0.000000e+00 : f32
      %broadcast_in_dim3A_183 = vector.broadcast %broadcast_in_dim3A_182 : f32 to vector<16xf32>
      %mul3A = arith.constant 16 : i32
      %mul3A_184 = arith.muli %scan3A_181, %mul3A : i32
      %swap3A_185 = arith.index_cast %mul3A_184 : i32 to index
      %swap3A_186 = tpu.vector_load %arg21[%swap3A_185] {strides = array<i32>} : memref<1008xf32, #tpu.memory_space<vmem>>, vector<16xf32>,
      %swap3A_187 = vector.shape_cast %swap3A_186 : vector<16xf32> to vector<16xf32>
      %swap3A_188 = vector.shape_cast %broadcast_in_dim3A_183 : vector<16xf32> to vector<16xf32>
      tpu.vector_store %arg21[%swap3A_185], %swap3A_188 {strides = array<i32>} : memref<1008xf32, #tpu.memory_space<vmem>>, vector<16xf32>,
    }
    %scan3A_6 = arith.constant 63 : i32
    %lt3A_7 = arith.constant 10 : i32
    %lt3A_8 = arith.cmpi slt, %arg1, %lt3A_7 : i32
    %convert_element_type3A_9 = arith.extui %lt3A_8 : i1 to i32
    %cond3A_10 = arith.constant 0 : i32
    %cond3A_11 = arith.cmpi ne, %convert_element_type3A_9, %cond3A_10 : i32
    scf.if %cond3A_11 {
      %mul3A = arith.constant 1000 : i32
      %mul3A_181 = arith.muli %arg1, %mul3A : i32
      "tpu.region"() ({
        %run_scoped3A = tpu.sem_alloc : memref<!tpu.dma_semaphore, #tpu.memory_space<semaphore_mem>>
        %dma_start3A_184 = arith.constant 0 : i32
        %dma_start3A_185 = tpu.memref_slice %arg21[%dma_start3A_184] : memref<1008xf32, #tpu.memory_space<vmem>> -> memref<1000xf32, #tpu.memory_space<vmem>>
        %dma_start3A_186 = tpu.memref_slice %arg23[%mul3A_181] : memref<10008xf32, #tpu.memory_space<vmem_shared>> -> memref<1000xf32, #tpu.memory_space<vmem_shared>>
        %dma_start3A_187 = tpu.memref_slice %arg23[%mul3A_181] : memref<10008xf32, #tpu.memory_space<vmem_shared>> -> memref<1000xf32, #tpu.memory_space<vmem_shared>>
        %dma_start3A_188 = arith.constant 0 : i32
        %dma_start3A_189 = tpu.memref_slice %arg21[%dma_start3A_188] : memref<1008xf32, #tpu.memory_space<vmem>> -> memref<1000xf32, #tpu.memory_space<vmem>>
        tpu.enqueue_dma source(%dma_start3A_189 : memref<1000xf32, #tpu.memory_space<vmem>>) target(%dma_start3A_187 : memref<1000xf32, #tpu.memory_space<vmem_shared>>) target_semaphore(%run_scoped3A : memref<!tpu.dma_semaphore, #tpu.memory_space<semaphore_mem>>)
        %dma_wait3A_190 = arith.constant 0 : i32
        %dma_wait3A_191 = tpu.memref_slice %arg21[%dma_wait3A_190] : memref<1008xf32, #tpu.memory_space<vmem>> -> memref<1000xf32, #tpu.memory_space<vmem>>
        %dma_wait3A_192 = tpu.memref_slice %arg23[%mul3A_181] : memref<10008xf32, #tpu.memory_space<vmem_shared>> -> memref<1000xf32, #tpu.memory_space<vmem_shared>>
        %dma_wait3A_193 = tpu.memref_slice %arg23[%mul3A_181] : memref<10008xf32, #tpu.memory_space<vmem_shared>> -> memref<1000xf32, #tpu.memory_space<vmem_shared>>
        %dma_wait3A_194 = arith.constant 0 : i32
        %dma_wait3A_195 = tpu.memref_slice %arg21[%dma_wait3A_194] : memref<1008xf32, #tpu.memory_space<vmem>> -> memref<1000xf32, #tpu.memory_space<vmem>>
        tpu.wait_dma2 semaphore(%run_scoped3A : memref<!tpu.dma_semaphore, #tpu.memory_space<semaphore_mem>>) src(%dma_wait3A_195 : memref<1000xf32, #tpu.memory_space<vmem>>) dst(%dma_wait3A_193 : memref<1000xf32, #tpu.memory_space<vmem_shared>>)
        tpu.yield
      }) : () -> ()
      %mul3A_182 = arith.constant 1000 : i32
      %mul3A_183 = arith.muli %arg1, %mul3A_182 : i32
      "tpu.region"() ({
        %run_scoped3A = tpu.sem_alloc : memref<!tpu.dma_semaphore, #tpu.memory_space<semaphore_mem>>
        %dma_start3A_184 = arith.constant 0 : i32
        %dma_start3A_185 = tpu.memref_slice %arg21[%dma_start3A_184] : memref<1008xf32, #tpu.memory_space<vmem>> -> memref<1000xf32, #tpu.memory_space<vmem>>
        %dma_start3A_186 = tpu.memref_slice %arg24[%mul3A_183] : memref<10008xf32, #tpu.memory_space<vmem_shared>> -> memref<1000xf32, #tpu.memory_space<vmem_shared>>
        %dma_start3A_187 = tpu.memref_slice %arg24[%mul3A_183] : memref<10008xf32, #tpu.memory_space<vmem_shared>> -> memref<1000xf32, #tpu.memory_space<vmem_shared>>
        %dma_start3A_188 = arith.constant 0 : i32
        %dma_start3A_189 = tpu.memref_slice %arg21[%dma_start3A_188] : memref<1008xf32, #tpu.memory_space<vmem>> -> memref<1000xf32, #tpu.memory_space<vmem>>
        tpu.enqueue_dma source(%dma_start3A_189 : memref<1000xf32, #tpu.memory_space<vmem>>) target(%dma_start3A_187 : memref<1000xf32, #tpu.memory_space<vmem_shared>>) target_semaphore(%run_scoped3A : memref<!tpu.dma_semaphore, #tpu.memory_space<semaphore_mem>>)
        %dma_wait3A_190 = arith.constant 0 : i32
        %dma_wait3A_191 = tpu.memref_slice %arg21[%dma_wait3A_190] : memref<1008xf32, #tpu.memory_space<vmem>> -> memref<1000xf32, #tpu.memory_space<vmem>>
        %dma_wait3A_192 = tpu.memref_slice %arg24[%mul3A_183] : memref<10008xf32, #tpu.memory_space<vmem_shared>> -> memref<1000xf32, #tpu.memory_space<vmem_shared>>
        %dma_wait3A_193 = tpu.memref_slice %arg24[%mul3A_183] : memref<10008xf32, #tpu.memory_space<vmem_shared>> -> memref<1000xf32, #tpu.memory_space<vmem_shared>>
        %dma_wait3A_194 = arith.constant 0 : i32
        %dma_wait3A_195 = tpu.memref_slice %arg21[%dma_wait3A_194] : memref<1008xf32, #tpu.memory_space<vmem>> -> memref<1000xf32, #tpu.memory_space<vmem>>
        tpu.wait_dma2 semaphore(%run_scoped3A : memref<!tpu.dma_semaphore, #tpu.memory_space<semaphore_mem>>) src(%dma_wait3A_195 : memref<1000xf32, #tpu.memory_space<vmem>>) dst(%dma_wait3A_193 : memref<1000xf32, #tpu.memory_space<vmem_shared>>)
        tpu.yield
      }) : () -> ()
    } else {
    }
    %broadcast_in_dim3A = arith.constant 1.000000e+00 : f32
    %broadcast_in_dim3A_12 = vector.broadcast %broadcast_in_dim3A : f32 to vector<16xf32>
    %swap3A = arith.constant 0 : index
    %swap3A_13 = tpu.vector_load %arg20[%swap3A] {strides = array<i32>} : memref<128xf32, #tpu.memory_space<vmem>>, vector<16xf32>,
    %swap3A_14 = vector.shape_cast %swap3A_13 : vector<16xf32> to vector<16xf32>
    %swap3A_15 = vector.shape_cast %broadcast_in_dim3A_12 : vector<16xf32> to vector<16xf32>
    tpu.vector_store %arg20[%swap3A], %swap3A_15 {strides = array<i32>} : memref<128xf32, #tpu.memory_space<vmem>>, vector<16xf32>,
    %broadcast_in_dim3A_16 = arith.constant 1.000000e+00 : f32
    %broadcast_in_dim3A_17 = vector.broadcast %broadcast_in_dim3A_16 : f32 to vector<16xf32>
    %swap3A_18 = arith.constant 16 : index
    %swap3A_19 = tpu.vector_load %arg20[%swap3A_18] {strides = array<i32>} : memref<128xf32, #tpu.memory_space<vmem>>, vector<16xf32>,
    %swap3A_20 = vector.shape_cast %swap3A_19 : vector<16xf32> to vector<16xf32>
    %swap3A_21 = vector.shape_cast %broadcast_in_dim3A_17 : vector<16xf32> to vector<16xf32>
    tpu.vector_store %arg20[%swap3A_18], %swap3A_21 {strides = array<i32>} : memref<128xf32, #tpu.memory_space<vmem>>, vector<16xf32>,
    %broadcast_in_dim3A_22 = arith.constant 1.000000e+00 : f32
    %broadcast_in_dim3A_23 = vector.broadcast %broadcast_in_dim3A_22 : f32 to vector<16xf32>
    %swap3A_24 = arith.constant 32 : index
    %swap3A_25 = tpu.vector_load %arg20[%swap3A_24] {strides = array<i32>} : memref<128xf32, #tpu.memory_space<vmem>>, vector<16xf32>,
    %swap3A_26 = vector.shape_cast %swap3A_25 : vector<16xf32> to vector<16xf32>
    %swap3A_27 = vector.shape_cast %broadcast_in_dim3A_23 : vector<16xf32> to vector<16xf32>
    tpu.vector_store %arg20[%swap3A_24], %swap3A_27 {strides = array<i32>} : memref<128xf32, #tpu.memory_space<vmem>>, vector<16xf32>,
    %broadcast_in_dim3A_28 = arith.constant 1.000000e+00 : f32
    %broadcast_in_dim3A_29 = vector.broadcast %broadcast_in_dim3A_28 : f32 to vector<16xf32>
    %swap3A_30 = arith.constant 48 : index
    %swap3A_31 = tpu.vector_load %arg20[%swap3A_30] {strides = array<i32>} : memref<128xf32, #tpu.memory_space<vmem>>, vector<16xf32>,
    %swap3A_32 = vector.shape_cast %swap3A_31 : vector<16xf32> to vector<16xf32>
    %swap3A_33 = vector.shape_cast %broadcast_in_dim3A_29 : vector<16xf32> to vector<16xf32>
    tpu.vector_store %arg20[%swap3A_30], %swap3A_33 {strides = array<i32>} : memref<128xf32, #tpu.memory_space<vmem>>, vector<16xf32>,
    %broadcast_in_dim3A_34 = arith.constant 1.000000e+00 : f32
    %broadcast_in_dim3A_35 = vector.broadcast %broadcast_in_dim3A_34 : f32 to vector<16xf32>
    %swap3A_36 = arith.constant 64 : index
    %swap3A_37 = tpu.vector_load %arg20[%swap3A_36] {strides = array<i32>} : memref<128xf32, #tpu.memory_space<vmem>>, vector<16xf32>,
    %swap3A_38 = vector.shape_cast %swap3A_37 : vector<16xf32> to vector<16xf32>
    %swap3A_39 = vector.shape_cast %broadcast_in_dim3A_35 : vector<16xf32> to vector<16xf32>
    tpu.vector_store %arg20[%swap3A_36], %swap3A_39 {strides = array<i32>} : memref<128xf32, #tpu.memory_space<vmem>>, vector<16xf32>,
    %broadcast_in_dim3A_40 = arith.constant 1.000000e+00 : f32
    %broadcast_in_dim3A_41 = vector.broadcast %broadcast_in_dim3A_40 : f32 to vector<16xf32>
    %swap3A_42 = arith.constant 80 : index
    %swap3A_43 = tpu.vector_load %arg20[%swap3A_42] {strides = array<i32>} : memref<128xf32, #tpu.memory_space<vmem>>, vector<16xf32>,
    %swap3A_44 = vector.shape_cast %swap3A_43 : vector<16xf32> to vector<16xf32>
    %swap3A_45 = vector.shape_cast %broadcast_in_dim3A_41 : vector<16xf32> to vector<16xf32>
    tpu.vector_store %arg20[%swap3A_42], %swap3A_45 {strides = array<i32>} : memref<128xf32, #tpu.memory_space<vmem>>, vector<16xf32>,
    %broadcast_in_dim3A_46 = arith.constant 1.000000e+00 : f32
    %broadcast_in_dim3A_47 = vector.broadcast %broadcast_in_dim3A_46 : f32 to vector<16xf32>
    %swap3A_48 = arith.constant 96 : index
    %swap3A_49 = tpu.vector_load %arg20[%swap3A_48] {strides = array<i32>} : memref<128xf32, #tpu.memory_space<vmem>>, vector<16xf32>,
    %swap3A_50 = vector.shape_cast %swap3A_49 : vector<16xf32> to vector<16xf32>
    %swap3A_51 = vector.shape_cast %broadcast_in_dim3A_47 : vector<16xf32> to vector<16xf32>
    tpu.vector_store %arg20[%swap3A_48], %swap3A_51 {strides = array<i32>} : memref<128xf32, #tpu.memory_space<vmem>>, vector<16xf32>,
    %broadcast_in_dim3A_52 = arith.constant 1.000000e+00 : f32
    %broadcast_in_dim3A_53 = vector.broadcast %broadcast_in_dim3A_52 : f32 to vector<16xf32>
    %swap3A_54 = arith.constant 112 : index
    %swap3A_55 = tpu.vector_load %arg20[%swap3A_54] {strides = array<i32>} : memref<128xf32, #tpu.memory_space<vmem>>, vector<16xf32>,
    %swap3A_56 = vector.shape_cast %swap3A_55 : vector<16xf32> to vector<16xf32>
    %swap3A_57 = vector.shape_cast %broadcast_in_dim3A_53 : vector<16xf32> to vector<16xf32>
    tpu.vector_store %arg20[%swap3A_54], %swap3A_57 {strides = array<i32>} : memref<128xf32, #tpu.memory_space<vmem>>, vector<16xf32>,
    %barrier3A = arith.constant 0 : index
    tpu.barrier barrier_id(%barrier3A)
    %dma_start3A = arith.constant 0 : i32
    %dma_start3A_58 = arith.constant 0 : i32
    %dma_start3A_59 = tpu.memref_slice %arg10[%dma_start3A, %dma_start3A_58] : memref<157x128xi32, #tpu.memory_space<vmem>> -> memref<1x128xi32, #tpu.memory_space<vmem>>
    %dma_start3A_60 = tpu.memref_squeeze %dma_start3A_59 : memref<1x128xi32, #tpu.memory_space<vmem>> -> memref<128xi32, #tpu.memory_space<vmem>>
    %dma_start3A_61 = arith.constant 0 : i32
    %dma_start3A_62 = arith.constant 0 : i32
    %dma_start3A_63 = tpu.memref_slice %arg2[%arg0, %dma_start3A_61, %dma_start3A_62] : memref<2x10008x64xf32, #tpu.memory_space<hbm>> -> memref<1x10008x64xf32, #tpu.memory_space<hbm>>
    %dma_start3A_64 = tpu.memref_squeeze %dma_start3A_63 : memref<1x10008x64xf32, #tpu.memory_space<hbm>> -> memref<10008x64xf32, #tpu.memory_space<hbm>>
    %dma_start3A_65 = arith.constant 0 : i32
    %dma_start3A_66 = arith.constant 0 : i32
    %dma_start3A_67 = tpu.memref_slice %dma_start3A_64[%dma_start3A_65, %dma_start3A_66] : memref<10008x64xf32, #tpu.memory_space<hbm>> -> memref<10008x64xf32, #tpu.memory_space<hbm>>
    tpu.enqueue_indirect_dma source(%dma_start3A_67 : memref<10008x64xf32, #tpu.memory_space<hbm>>) target(%arg12 : memref<128x64xf32, #tpu.memory_space<vmem>>) offsets(%dma_start3A_60 : memref<128xi32, #tpu.memory_space<vmem>>) semaphore(%arg25 : memref<!tpu.dma_semaphore, #tpu.memory_space<semaphore_mem>>)
    %dma_start3A_68 = arith.constant 1 : i32
    %dma_start3A_69 = arith.constant 0 : i32
    %dma_start3A_70 = tpu.memref_slice %arg10[%dma_start3A_68, %dma_start3A_69] : memref<157x128xi32, #tpu.memory_space<vmem>> -> memref<1x128xi32, #tpu.memory_space<vmem>>
    %dma_start3A_71 = tpu.memref_squeeze %dma_start3A_70 : memref<1x128xi32, #tpu.memory_space<vmem>> -> memref<128xi32, #tpu.memory_space<vmem>>
    %dma_start3A_72 = arith.constant 0 : i32
    %dma_start3A_73 = arith.constant 0 : i32
    %dma_start3A_74 = tpu.memref_slice %arg2[%arg0, %dma_start3A_72, %dma_start3A_73] : memref<2x10008x64xf32, #tpu.memory_space<hbm>> -> memref<1x10008x64xf32, #tpu.memory_space<hbm>>
    %dma_start3A_75 = tpu.memref_squeeze %dma_start3A_74 : memref<1x10008x64xf32, #tpu.memory_space<hbm>> -> memref<10008x64xf32, #tpu.memory_space<hbm>>
    %dma_start3A_76 = arith.constant 0 : i32
    %dma_start3A_77 = arith.constant 0 : i32
    %dma_start3A_78 = tpu.memref_slice %dma_start3A_75[%dma_start3A_76, %dma_start3A_77] : memref<10008x64xf32, #tpu.memory_space<hbm>> -> memref<10008x64xf32, #tpu.memory_space<hbm>>
    tpu.enqueue_indirect_dma source(%dma_start3A_78 : memref<10008x64xf32, #tpu.memory_space<hbm>>) target(%arg13 : memref<128x64xf32, #tpu.memory_space<vmem>>) offsets(%dma_start3A_71 : memref<128xi32, #tpu.memory_space<vmem>>) semaphore(%arg26 : memref<!tpu.dma_semaphore, #tpu.memory_space<semaphore_mem>>)
    %eq3A = arith.constant 0 : i32
    %eq3A_79 = arith.cmpi eq, %arg0, %eq3A : i32
    %convert_element_type3A_80 = arith.extui %eq3A_79 : i1 to i32
    %cond3A_81 = arith.constant 0 : i32
    %cond3A_82 = arith.cmpi ne, %convert_element_type3A_80, %cond3A_81 : i32
    scf.if %cond3A_82 {
      %dma_start3A_181 = arith.constant 0 : i32
      %dma_start3A_182 = arith.constant 0 : i32
      %dma_start3A_183 = tpu.memref_slice %arg11[%dma_start3A_181, %dma_start3A_182] : memref<157x128xi32, #tpu.memory_space<vmem>> -> memref<1x128xi32, #tpu.memory_space<vmem>>
      %dma_start3A_184 = tpu.memref_squeeze %dma_start3A_183 : memref<1x128xi32, #tpu.memory_space<vmem>> -> memref<128xi32, #tpu.memory_space<vmem>>
      %dma_start3A_185 = arith.constant 0 : i32
      %dma_start3A_186 = tpu.memref_slice %arg5[%dma_start3A_185] : memref<10008xf32, #tpu.memory_space<hbm>> -> memref<10008xf32, #tpu.memory_space<hbm>>
      tpu.enqueue_indirect_dma source(%dma_start3A_186 : memref<10008xf32, #tpu.memory_space<hbm>>) target(%arg16 : memref<128xf32, #tpu.memory_space<vmem>>) offsets(%dma_start3A_184 : memref<128xi32, #tpu.memory_space<vmem>>) semaphore(%arg33 : memref<!tpu.dma_semaphore, #tpu.memory_space<semaphore_mem>>)
    } else {
    }
    %eq3A_83 = arith.constant 0 : i32
    %eq3A_84 = arith.cmpi eq, %arg0, %eq3A_83 : i32
    %convert_element_type3A_85 = arith.extui %eq3A_84 : i1 to i32
    %cond3A_86 = arith.constant 0 : i32
    %cond3A_87 = arith.cmpi ne, %convert_element_type3A_85, %cond3A_86 : i32
    scf.if %cond3A_87 {
      %dma_start3A_181 = arith.constant 1 : i32
      %dma_start3A_182 = arith.constant 0 : i32
      %dma_start3A_183 = tpu.memref_slice %arg11[%dma_start3A_181, %dma_start3A_182] : memref<157x128xi32, #tpu.memory_space<vmem>> -> memref<1x128xi32, #tpu.memory_space<vmem>>
      %dma_start3A_184 = tpu.memref_squeeze %dma_start3A_183 : memref<1x128xi32, #tpu.memory_space<vmem>> -> memref<128xi32, #tpu.memory_space<vmem>>
      %dma_start3A_185 = arith.constant 0 : i32
      %dma_start3A_186 = tpu.memref_slice %arg5[%dma_start3A_185] : memref<10008xf32, #tpu.memory_space<hbm>> -> memref<10008xf32, #tpu.memory_space<hbm>>
      tpu.enqueue_indirect_dma source(%dma_start3A_186 : memref<10008xf32, #tpu.memory_space<hbm>>) target(%arg17 : memref<128xf32, #tpu.memory_space<vmem>>) offsets(%dma_start3A_184 : memref<128xi32, #tpu.memory_space<vmem>>) semaphore(%arg34 : memref<!tpu.dma_semaphore, #tpu.memory_space<semaphore_mem>>)
    } else {
    }
    %scan3A_88 = arith.constant 0 : i32
    %scan3A_89 = arith.constant 0 : i32
    %scan3A_90 = arith.constant 39 : i32
    %scan3A_91 = arith.addi %scan3A_89, %scan3A_90 : i32
    %scan3A_92 = arith.constant 1 : i32
    scf.for %scan3A_181 = %scan3A_89 to %scan3A_91 step %scan3A_92  : i32 {
      %mul3A = arith.constant 4 : i32
      %mul3A_182 = arith.muli %mul3A, %scan3A_181 : i32
      %add3A = arith.constant 0 : i32
      %add3A_183 = arith.addi %mul3A_182, %add3A : i32
      %ge3A = arith.constant 1 : i32
      %ge3A_184 = arith.cmpi sge, %scan3A_181, %ge3A : i32
      %convert_element_type3A_185 = arith.extui %ge3A_184 : i1 to i32
      %cond3A_186 = arith.constant 0 : i32
      %cond3A_187 = arith.cmpi ne, %convert_element_type3A_185, %cond3A_186 : i32
      scf.if %cond3A_187 {
        %sub3A_439 = arith.constant 2 : i32
        %sub3A_440 = arith.subi %add3A_183, %sub3A_439 : i32
        %dma_wait3A_441 = arith.constant 0 : i32
        %dma_wait3A_442 = tpu.memref_slice %arg11[%sub3A_440, %dma_wait3A_441] : memref<157x128xi32, #tpu.memory_space<vmem>> -> memref<1x128xi32, #tpu.memory_space<vmem>>
        %dma_wait3A_443 = tpu.memref_squeeze %dma_wait3A_442 : memref<1x128xi32, #tpu.memory_space<vmem>> -> memref<128xi32, #tpu.memory_space<vmem>>
        %dma_wait3A_444 = arith.constant 0 : i32
        %dma_wait3A_445 = arith.constant 0 : i32
        %dma_wait3A_446 = tpu.memref_slice %arg22[%dma_wait3A_444, %dma_wait3A_445] : memref<10008x64xf32, #tpu.memory_space<vmem_shared>> -> memref<10008x64xf32, #tpu.memory_space<vmem_shared>>
        tpu.wait_indirect_dma semaphore(%arg31 : memref<!tpu.dma_semaphore, #tpu.memory_space<semaphore_mem>>) src(%arg14 : memref<128x64xf32, #tpu.memory_space<vmem>>) dst(%dma_wait3A_446 : memref<10008x64xf32, #tpu.memory_space<vmem_shared>>)
      } else {
      }
      %add3A_188 = arith.constant 2 : i32
      %add3A_189 = arith.addi %add3A_183, %add3A_188 : i32
      %dma_start3A_190 = arith.constant 0 : i32
      %dma_start3A_191 = tpu.memref_slice %arg10[%add3A_189, %dma_start3A_190] : memref<157x128xi32, #tpu.memory_space<vmem>> -> memref<1x128xi32, #tpu.memory_space<vmem>>
      %dma_start3A_192 = tpu.memref_squeeze %dma_start3A_191 : memref<1x128xi32, #tpu.memory_space<vmem>> -> memref<128xi32, #tpu.memory_space<vmem>>
      %dma_start3A_193 = arith.constant 0 : i32
      %dma_start3A_194 = arith.constant 0 : i32
      %dma_start3A_195 = tpu.memref_slice %arg2[%arg0, %dma_start3A_193, %dma_start3A_194] : memref<2x10008x64xf32, #tpu.memory_space<hbm>> -> memref<1x10008x64xf32, #tpu.memory_space<hbm>>
      %dma_start3A_196 = tpu.memref_squeeze %dma_start3A_195 : memref<1x10008x64xf32, #tpu.memory_space<hbm>> -> memref<10008x64xf32, #tpu.memory_space<hbm>>
      %dma_start3A_197 = arith.constant 0 : i32
      %dma_start3A_198 = arith.constant 0 : i32
      %dma_start3A_199 = tpu.memref_slice %dma_start3A_196[%dma_start3A_197, %dma_start3A_198] : memref<10008x64xf32, #tpu.memory_space<hbm>> -> memref<10008x64xf32, #tpu.memory_space<hbm>>
      tpu.enqueue_indirect_dma source(%dma_start3A_199 : memref<10008x64xf32, #tpu.memory_space<hbm>>) target(%arg14 : memref<128x64xf32, #tpu.memory_space<vmem>>) offsets(%dma_start3A_192 : memref<128xi32, #tpu.memory_space<vmem>>) semaphore(%arg27 : memref<!tpu.dma_semaphore, #tpu.memory_space<semaphore_mem>>)
      %ge3A_200 = arith.constant 1 : i32
      %ge3A_201 = arith.cmpi sge, %scan3A_181, %ge3A_200 : i32
      %convert_element_type3A_202 = arith.extui %ge3A_201 : i1 to i32
      %cond3A_203 = arith.constant 0 : i32
      %cond3A_204 = arith.cmpi ne, %convert_element_type3A_202, %cond3A_203 : i32
      scf.if %cond3A_204 {
        %sub3A_439 = arith.constant 2 : i32
        %sub3A_440 = arith.subi %add3A_183, %sub3A_439 : i32
        %eq3A_441 = arith.constant 0 : i32
        %eq3A_442 = arith.cmpi eq, %arg0, %eq3A_441 : i32
        %convert_element_type3A_443 = arith.extui %eq3A_442 : i1 to i32
        %cond3A_444 = arith.constant 0 : i32
        %cond3A_445 = arith.cmpi ne, %convert_element_type3A_443, %cond3A_444 : i32
        scf.if %cond3A_445 {
          %dma_wait3A_446 = arith.constant 0 : i32
          %dma_wait3A_447 = tpu.memref_slice %arg10[%sub3A_440, %dma_wait3A_446] : memref<157x128xi32, #tpu.memory_space<vmem>> -> memref<1x128xi32, #tpu.memory_space<vmem>>
          %dma_wait3A_448 = tpu.memref_squeeze %dma_wait3A_447 : memref<1x128xi32, #tpu.memory_space<vmem>> -> memref<128xi32, #tpu.memory_space<vmem>>
          %dma_wait3A_449 = arith.constant 0 : i32
          %dma_wait3A_450 = tpu.memref_slice %arg23[%dma_wait3A_449] : memref<10008xf32, #tpu.memory_space<vmem_shared>> -> memref<10008xf32, #tpu.memory_space<vmem_shared>>
          tpu.wait_indirect_dma semaphore(%arg39 : memref<!tpu.dma_semaphore, #tpu.memory_space<semaphore_mem>>) src(%arg18 : memref<128xf32, #tpu.memory_space<vmem>>) dst(%dma_wait3A_450 : memref<10008xf32, #tpu.memory_space<vmem_shared>>)
        } else {
        }
      } else {
      }
      %add3A_205 = arith.constant 2 : i32
      %add3A_206 = arith.addi %add3A_183, %add3A_205 : i32
      %eq3A_207 = arith.constant 0 : i32
      %eq3A_208 = arith.cmpi eq, %arg0, %eq3A_207 : i32
      %convert_element_type3A_209 = arith.extui %eq3A_208 : i1 to i32
      %cond3A_210 = arith.constant 0 : i32
      %cond3A_211 = arith.cmpi ne, %convert_element_type3A_209, %cond3A_210 : i32
      scf.if %cond3A_211 {
        %dma_start3A_439 = arith.constant 0 : i32
        %dma_start3A_440 = tpu.memref_slice %arg11[%add3A_206, %dma_start3A_439] : memref<157x128xi32, #tpu.memory_space<vmem>> -> memref<1x128xi32, #tpu.memory_space<vmem>>
        %dma_start3A_441 = tpu.memref_squeeze %dma_start3A_440 : memref<1x128xi32, #tpu.memory_space<vmem>> -> memref<128xi32, #tpu.memory_space<vmem>>
        %dma_start3A_442 = arith.constant 0 : i32
        %dma_start3A_443 = tpu.memref_slice %arg5[%dma_start3A_442] : memref<10008xf32, #tpu.memory_space<hbm>> -> memref<10008xf32, #tpu.memory_space<hbm>>
        tpu.enqueue_indirect_dma source(%dma_start3A_443 : memref<10008xf32, #tpu.memory_space<hbm>>) target(%arg18 : memref<128xf32, #tpu.memory_space<vmem>>) offsets(%dma_start3A_441 : memref<128xi32, #tpu.memory_space<vmem>>) semaphore(%arg35 : memref<!tpu.dma_semaphore, #tpu.memory_space<semaphore_mem>>)
      } else {
      }
      %dma_wait3A_212 = arith.constant 0 : i32
      %dma_wait3A_213 = tpu.memref_slice %arg10[%add3A_183, %dma_wait3A_212] : memref<157x128xi32, #tpu.memory_space<vmem>> -> memref<1x128xi32, #tpu.memory_space<vmem>>
      %dma_wait3A_214 = tpu.memref_squeeze %dma_wait3A_213 : memref<1x128xi32, #tpu.memory_space<vmem>> -> memref<128xi32, #tpu.memory_space<vmem>>
      %dma_wait3A_215 = arith.constant 0 : i32
      %dma_wait3A_216 = arith.constant 0 : i32
      %dma_wait3A_217 = tpu.memref_slice %arg2[%arg0, %dma_wait3A_215, %dma_wait3A_216] : memref<2x10008x64xf32, #tpu.memory_space<hbm>> -> memref<1x10008x64xf32, #tpu.memory_space<hbm>>
      %dma_wait3A_218 = tpu.memref_squeeze %dma_wait3A_217 : memref<1x10008x64xf32, #tpu.memory_space<hbm>> -> memref<10008x64xf32, #tpu.memory_space<hbm>>
      %dma_wait3A_219 = arith.constant 0 : i32
      %dma_wait3A_220 = arith.constant 0 : i32
      %dma_wait3A_221 = tpu.memref_slice %dma_wait3A_218[%dma_wait3A_219, %dma_wait3A_220] : memref<10008x64xf32, #tpu.memory_space<hbm>> -> memref<10008x64xf32, #tpu.memory_space<hbm>>
      tpu.wait_indirect_dma semaphore(%arg25 : memref<!tpu.dma_semaphore, #tpu.memory_space<semaphore_mem>>) src(%dma_wait3A_221 : memref<10008x64xf32, #tpu.memory_space<hbm>>) dst(%arg12 : memref<128x64xf32, #tpu.memory_space<vmem>>)
      %eq3A_222 = arith.constant 0 : i32
      %eq3A_223 = arith.cmpi eq, %arg0, %eq3A_222 : i32
      %convert_element_type3A_224 = arith.extui %eq3A_223 : i1 to i32
      %cond3A_225 = arith.constant 0 : i32
      %cond3A_226 = arith.cmpi ne, %convert_element_type3A_224, %cond3A_225 : i32
      scf.if %cond3A_226 {
        %dma_wait3A_439 = arith.constant 0 : i32
        %dma_wait3A_440 = tpu.memref_slice %arg11[%add3A_183, %dma_wait3A_439] : memref<157x128xi32, #tpu.memory_space<vmem>> -> memref<1x128xi32, #tpu.memory_space<vmem>>
        %dma_wait3A_441 = tpu.memref_squeeze %dma_wait3A_440 : memref<1x128xi32, #tpu.memory_space<vmem>> -> memref<128xi32, #tpu.memory_space<vmem>>
        %dma_wait3A_442 = arith.constant 0 : i32
        %dma_wait3A_443 = tpu.memref_slice %arg5[%dma_wait3A_442] : memref<10008xf32, #tpu.memory_space<hbm>> -> memref<10008xf32, #tpu.memory_space<hbm>>
        tpu.wait_indirect_dma semaphore(%arg33 : memref<!tpu.dma_semaphore, #tpu.memory_space<semaphore_mem>>) src(%dma_wait3A_443 : memref<10008xf32, #tpu.memory_space<hbm>>) dst(%arg16 : memref<128xf32, #tpu.memory_space<vmem>>)
      } else {
      }
      %eq3A_227 = arith.constant 0 : i32
      %eq3A_228 = arith.cmpi eq, %arg0, %eq3A_227 : i32
      %convert_element_type3A_229 = arith.extui %eq3A_228 : i1 to i32
      %cond3A_230 = arith.constant 0 : i32
      %cond3A_231 = arith.cmpi ne, %convert_element_type3A_229, %cond3A_230 : i32
      scf.if %cond3A_231 {
        %dma_start3A_439 = arith.constant 0 : i32
        %dma_start3A_440 = tpu.memref_slice %arg10[%add3A_183, %dma_start3A_439] : memref<157x128xi32, #tpu.memory_space<vmem>> -> memref<1x128xi32, #tpu.memory_space<vmem>>
        %dma_start3A_441 = tpu.memref_squeeze %dma_start3A_440 : memref<1x128xi32, #tpu.memory_space<vmem>> -> memref<128xi32, #tpu.memory_space<vmem>>
        %dma_start3A_442 = arith.constant 0 : i32
        %dma_start3A_443 = tpu.memref_slice %arg23[%dma_start3A_442] : memref<10008xf32, #tpu.memory_space<vmem_shared>> -> memref<10008xf32, #tpu.memory_space<vmem_shared>>
        tpu.enqueue_indirect_dma source(%arg16 : memref<128xf32, #tpu.memory_space<vmem>>) target(%dma_start3A_443 : memref<10008xf32, #tpu.memory_space<vmem_shared>>) offsets(%dma_start3A_441 : memref<128xi32, #tpu.memory_space<vmem>>) semaphore(%arg37 : memref<!tpu.dma_semaphore, #tpu.memory_space<semaphore_mem>>) {add = true}
      } else {
      }
      %eq3A_232 = arith.constant 0 : i32
      %eq3A_233 = arith.cmpi eq, %arg0, %eq3A_232 : i32
      %convert_element_type3A_234 = arith.extui %eq3A_233 : i1 to i32
      %cond3A_235 = arith.constant 0 : i32
      %cond3A_236 = arith.cmpi ne, %convert_element_type3A_234, %cond3A_235 : i32
      scf.if %cond3A_236 {
        %dma_start3A_439 = arith.constant 0 : i32
        %dma_start3A_440 = tpu.memref_slice %arg11[%add3A_183, %dma_start3A_439] : memref<157x128xi32, #tpu.memory_space<vmem>> -> memref<1x128xi32, #tpu.memory_space<vmem>>
        %dma_start3A_441 = tpu.memref_squeeze %dma_start3A_440 : memref<1x128xi32, #tpu.memory_space<vmem>> -> memref<128xi32, #tpu.memory_space<vmem>>
        %dma_start3A_442 = arith.constant 0 : i32
        %dma_start3A_443 = tpu.memref_slice %arg24[%dma_start3A_442] : memref<10008xf32, #tpu.memory_space<vmem_shared>> -> memref<10008xf32, #tpu.memory_space<vmem_shared>>
        tpu.enqueue_indirect_dma source(%arg20 : memref<128xf32, #tpu.memory_space<vmem>>) target(%dma_start3A_443 : memref<10008xf32, #tpu.memory_space<vmem_shared>>) offsets(%dma_start3A_441 : memref<128xi32, #tpu.memory_space<vmem>>) semaphore(%arg41 : memref<!tpu.dma_semaphore, #tpu.memory_space<semaphore_mem>>) {add = true}
      } else {
      }
      %dma_start3A_237 = arith.constant 0 : i32
      %dma_start3A_238 = tpu.memref_slice %arg11[%add3A_183, %dma_start3A_237] : memref<157x128xi32, #tpu.memory_space<vmem>> -> memref<1x128xi32, #tpu.memory_space<vmem>>
      %dma_start3A_239 = tpu.memref_squeeze %dma_start3A_238 : memref<1x128xi32, #tpu.memory_space<vmem>> -> memref<128xi32, #tpu.memory_space<vmem>>
      %dma_start3A_240 = arith.constant 0 : i32
      %dma_start3A_241 = arith.constant 0 : i32
      %dma_start3A_242 = tpu.memref_slice %arg22[%dma_start3A_240, %dma_start3A_241] : memref<10008x64xf32, #tpu.memory_space<vmem_shared>> -> memref<10008x64xf32, #tpu.memory_space<vmem_shared>>
      tpu.enqueue_indirect_dma source(%arg12 : memref<128x64xf32, #tpu.memory_space<vmem>>) target(%dma_start3A_242 : memref<10008x64xf32, #tpu.memory_space<vmem_shared>>) offsets(%dma_start3A_239 : memref<128xi32, #tpu.memory_space<vmem>>) semaphore(%arg29 : memref<!tpu.dma_semaphore, #tpu.memory_space<semaphore_mem>>) {add = true}
      %mul3A_243 = arith.constant 4 : i32
      %mul3A_244 = arith.muli %mul3A_243, %scan3A_181 : i32
      %add3A_245 = arith.constant 1 : i32
      %add3A_246 = arith.addi %mul3A_244, %add3A_245 : i32
      %ge3A_247 = arith.constant 1 : i32
      %ge3A_248 = arith.cmpi sge, %scan3A_181, %ge3A_247 : i32
      %convert_element_type3A_249 = arith.extui %ge3A_248 : i1 to i32
      %cond3A_250 = arith.constant 0 : i32
      %cond3A_251 = arith.cmpi ne, %convert_element_type3A_249, %cond3A_250 : i32
      scf.if %cond3A_251 {
        %sub3A_439 = arith.constant 2 : i32
        %sub3A_440 = arith.subi %add3A_246, %sub3A_439 : i32
        %dma_wait3A_441 = arith.constant 0 : i32
        %dma_wait3A_442 = tpu.memref_slice %arg11[%sub3A_440, %dma_wait3A_441] : memref<157x128xi32, #tpu.memory_space<vmem>> -> memref<1x128xi32, #tpu.memory_space<vmem>>
        %dma_wait3A_443 = tpu.memref_squeeze %dma_wait3A_442 : memref<1x128xi32, #tpu.memory_space<vmem>> -> memref<128xi32, #tpu.memory_space<vmem>>
        %dma_wait3A_444 = arith.constant 0 : i32
        %dma_wait3A_445 = arith.constant 0 : i32
        %dma_wait3A_446 = tpu.memref_slice %arg22[%dma_wait3A_444, %dma_wait3A_445] : memref<10008x64xf32, #tpu.memory_space<vmem_shared>> -> memref<10008x64xf32, #tpu.memory_space<vmem_shared>>
        tpu.wait_indirect_dma semaphore(%arg32 : memref<!tpu.dma_semaphore, #tpu.memory_space<semaphore_mem>>) src(%arg15 : memref<128x64xf32, #tpu.memory_space<vmem>>) dst(%dma_wait3A_446 : memref<10008x64xf32, #tpu.memory_space<vmem_shared>>)
      } else {
      }
      %add3A_252 = arith.constant 2 : i32
      %add3A_253 = arith.addi %add3A_246, %add3A_252 : i32
      %dma_start3A_254 = arith.constant 0 : i32
      %dma_start3A_255 = tpu.memref_slice %arg10[%add3A_253, %dma_start3A_254] : memref<157x128xi32, #tpu.memory_space<vmem>> -> memref<1x128xi32, #tpu.memory_space<vmem>>
      %dma_start3A_256 = tpu.memref_squeeze %dma_start3A_255 : memref<1x128xi32, #tpu.memory_space<vmem>> -> memref<128xi32, #tpu.memory_space<vmem>>
      %dma_start3A_257 = arith.constant 0 : i32
      %dma_start3A_258 = arith.constant 0 : i32
      %dma_start3A_259 = tpu.memref_slice %arg2[%arg0, %dma_start3A_257, %dma_start3A_258] : memref<2x10008x64xf32, #tpu.memory_space<hbm>> -> memref<1x10008x64xf32, #tpu.memory_space<hbm>>
      %dma_start3A_260 = tpu.memref_squeeze %dma_start3A_259 : memref<1x10008x64xf32, #tpu.memory_space<hbm>> -> memref<10008x64xf32, #tpu.memory_space<hbm>>
      %dma_start3A_261 = arith.constant 0 : i32
      %dma_start3A_262 = arith.constant 0 : i32
      %dma_start3A_263 = tpu.memref_slice %dma_start3A_260[%dma_start3A_261, %dma_start3A_262] : memref<10008x64xf32, #tpu.memory_space<hbm>> -> memref<10008x64xf32, #tpu.memory_space<hbm>>
      tpu.enqueue_indirect_dma source(%dma_start3A_263 : memref<10008x64xf32, #tpu.memory_space<hbm>>) target(%arg15 : memref<128x64xf32, #tpu.memory_space<vmem>>) offsets(%dma_start3A_256 : memref<128xi32, #tpu.memory_space<vmem>>) semaphore(%arg28 : memref<!tpu.dma_semaphore, #tpu.memory_space<semaphore_mem>>)
      %ge3A_264 = arith.constant 1 : i32
      %ge3A_265 = arith.cmpi sge, %scan3A_181, %ge3A_264 : i32
      %convert_element_type3A_266 = arith.extui %ge3A_265 : i1 to i32
      %cond3A_267 = arith.constant 0 : i32
      %cond3A_268 = arith.cmpi ne, %convert_element_type3A_266, %cond3A_267 : i32
      scf.if %cond3A_268 {
        %sub3A_439 = arith.constant 2 : i32
        %sub3A_440 = arith.subi %add3A_246, %sub3A_439 : i32
        %eq3A_441 = arith.constant 0 : i32
        %eq3A_442 = arith.cmpi eq, %arg0, %eq3A_441 : i32
        %convert_element_type3A_443 = arith.extui %eq3A_442 : i1 to i32
        %cond3A_444 = arith.constant 0 : i32
        %cond3A_445 = arith.cmpi ne, %convert_element_type3A_443, %cond3A_444 : i32
        scf.if %cond3A_445 {
          %dma_wait3A_446 = arith.constant 0 : i32
          %dma_wait3A_447 = tpu.memref_slice %arg10[%sub3A_440, %dma_wait3A_446] : memref<157x128xi32, #tpu.memory_space<vmem>> -> memref<1x128xi32, #tpu.memory_space<vmem>>
          %dma_wait3A_448 = tpu.memref_squeeze %dma_wait3A_447 : memref<1x128xi32, #tpu.memory_space<vmem>> -> memref<128xi32, #tpu.memory_space<vmem>>
          %dma_wait3A_449 = arith.constant 0 : i32
          %dma_wait3A_450 = tpu.memref_slice %arg23[%dma_wait3A_449] : memref<10008xf32, #tpu.memory_space<vmem_shared>> -> memref<10008xf32, #tpu.memory_space<vmem_shared>>
          tpu.wait_indirect_dma semaphore(%arg40 : memref<!tpu.dma_semaphore, #tpu.memory_space<semaphore_mem>>) src(%arg19 : memref<128xf32, #tpu.memory_space<vmem>>) dst(%dma_wait3A_450 : memref<10008xf32, #tpu.memory_space<vmem_shared>>)
        } else {
        }
      } else {
      }
      %add3A_269 = arith.constant 2 : i32
      %add3A_270 = arith.addi %add3A_246, %add3A_269 : i32
      %eq3A_271 = arith.constant 0 : i32
      %eq3A_272 = arith.cmpi eq, %arg0, %eq3A_271 : i32
      %convert_element_type3A_273 = arith.extui %eq3A_272 : i1 to i32
      %cond3A_274 = arith.constant 0 : i32
      %cond3A_275 = arith.cmpi ne, %convert_element_type3A_273, %cond3A_274 : i32
      scf.if %cond3A_275 {
        %dma_start3A_439 = arith.constant 0 : i32
        %dma_start3A_440 = tpu.memref_slice %arg11[%add3A_270, %dma_start3A_439] : memref<157x128xi32, #tpu.memory_space<vmem>> -> memref<1x128xi32, #tpu.memory_space<vmem>>
        %dma_start3A_441 = tpu.memref_squeeze %dma_start3A_440 : memref<1x128xi32, #tpu.memory_space<vmem>> -> memref<128xi32, #tpu.memory_space<vmem>>
        %dma_start3A_442 = arith.constant 0 : i32
        %dma_start3A_443 = tpu.memref_slice %arg5[%dma_start3A_442] : memref<10008xf32, #tpu.memory_space<hbm>> -> memref<10008xf32, #tpu.memory_space<hbm>>
        tpu.enqueue_indirect_dma source(%dma_start3A_443 : memref<10008xf32, #tpu.memory_space<hbm>>) target(%arg19 : memref<128xf32, #tpu.memory_space<vmem>>) offsets(%dma_start3A_441 : memref<128xi32, #tpu.memory_space<vmem>>) semaphore(%arg36 : memref<!tpu.dma_semaphore, #tpu.memory_space<semaphore_mem>>)
      } else {
      }
      %dma_wait3A_276 = arith.constant 0 : i32
      %dma_wait3A_277 = tpu.memref_slice %arg10[%add3A_246, %dma_wait3A_276] : memref<157x128xi32, #tpu.memory_space<vmem>> -> memref<1x128xi32, #tpu.memory_space<vmem>>
      %dma_wait3A_278 = tpu.memref_squeeze %dma_wait3A_277 : memref<1x128xi32, #tpu.memory_space<vmem>> -> memref<128xi32, #tpu.memory_space<vmem>>
      %dma_wait3A_279 = arith.constant 0 : i32
      %dma_wait3A_280 = arith.constant 0 : i32
      %dma_wait3A_281 = tpu.memref_slice %arg2[%arg0, %dma_wait3A_279, %dma_wait3A_280] : memref<2x10008x64xf32, #tpu.memory_space<hbm>> -> memref<1x10008x64xf32, #tpu.memory_space<hbm>>
      %dma_wait3A_282 = tpu.memref_squeeze %dma_wait3A_281 : memref<1x10008x64xf32, #tpu.memory_space<hbm>> -> memref<10008x64xf32, #tpu.memory_space<hbm>>
      %dma_wait3A_283 = arith.constant 0 : i32
      %dma_wait3A_284 = arith.constant 0 : i32
      %dma_wait3A_285 = tpu.memref_slice %dma_wait3A_282[%dma_wait3A_283, %dma_wait3A_284] : memref<10008x64xf32, #tpu.memory_space<hbm>> -> memref<10008x64xf32, #tpu.memory_space<hbm>>
      tpu.wait_indirect_dma semaphore(%arg26 : memref<!tpu.dma_semaphore, #tpu.memory_space<semaphore_mem>>) src(%dma_wait3A_285 : memref<10008x64xf32, #tpu.memory_space<hbm>>) dst(%arg13 : memref<128x64xf32, #tpu.memory_space<vmem>>)
      %eq3A_286 = arith.constant 0 : i32
      %eq3A_287 = arith.cmpi eq, %arg0, %eq3A_286 : i32
      %convert_element_type3A_288 = arith.extui %eq3A_287 : i1 to i32
      %cond3A_289 = arith.constant 0 : i32
      %cond3A_290 = arith.cmpi ne, %convert_element_type3A_288, %cond3A_289 : i32
      scf.if %cond3A_290 {
        %dma_wait3A_439 = arith.constant 0 : i32
        %dma_wait3A_440 = tpu.memref_slice %arg11[%add3A_246, %dma_wait3A_439] : memref<157x128xi32, #tpu.memory_space<vmem>> -> memref<1x128xi32, #tpu.memory_space<vmem>>
        %dma_wait3A_441 = tpu.memref_squeeze %dma_wait3A_440 : memref<1x128xi32, #tpu.memory_space<vmem>> -> memref<128xi32, #tpu.memory_space<vmem>>
        %dma_wait3A_442 = arith.constant 0 : i32
        %dma_wait3A_443 = tpu.memref_slice %arg5[%dma_wait3A_442] : memref<10008xf32, #tpu.memory_space<hbm>> -> memref<10008xf32, #tpu.memory_space<hbm>>
        tpu.wait_indirect_dma semaphore(%arg34 : memref<!tpu.dma_semaphore, #tpu.memory_space<semaphore_mem>>) src(%dma_wait3A_443 : memref<10008xf32, #tpu.memory_space<hbm>>) dst(%arg17 : memref<128xf32, #tpu.memory_space<vmem>>)
      } else {
      }
      %eq3A_291 = arith.constant 0 : i32
      %eq3A_292 = arith.cmpi eq, %arg0, %eq3A_291 : i32
      %convert_element_type3A_293 = arith.extui %eq3A_292 : i1 to i32
      %cond3A_294 = arith.constant 0 : i32
      %cond3A_295 = arith.cmpi ne, %convert_element_type3A_293, %cond3A_294 : i32
      scf.if %cond3A_295 {
        %dma_start3A_439 = arith.constant 0 : i32
        %dma_start3A_440 = tpu.memref_slice %arg10[%add3A_246, %dma_start3A_439] : memref<157x128xi32, #tpu.memory_space<vmem>> -> memref<1x128xi32, #tpu.memory_space<vmem>>
        %dma_start3A_441 = tpu.memref_squeeze %dma_start3A_440 : memref<1x128xi32, #tpu.memory_space<vmem>> -> memref<128xi32, #tpu.memory_space<vmem>>
        %dma_start3A_442 = arith.constant 0 : i32
        %dma_start3A_443 = tpu.memref_slice %arg23[%dma_start3A_442] : memref<10008xf32, #tpu.memory_space<vmem_shared>> -> memref<10008xf32, #tpu.memory_space<vmem_shared>>
        tpu.enqueue_indirect_dma source(%arg17 : memref<128xf32, #tpu.memory_space<vmem>>) target(%dma_start3A_443 : memref<10008xf32, #tpu.memory_space<vmem_shared>>) offsets(%dma_start3A_441 : memref<128xi32, #tpu.memory_space<vmem>>) semaphore(%arg38 : memref<!tpu.dma_semaphore, #tpu.memory_space<semaphore_mem>>) {add = true}
      } else {
      }
      %eq3A_296 = arith.constant 0 : i32
      %eq3A_297 = arith.cmpi eq, %arg0, %eq3A_296 : i32
      %convert_element_type3A_298 = arith.extui %eq3A_297 : i1 to i32
      %cond3A_299 = arith.constant 0 : i32
      %cond3A_300 = arith.cmpi ne, %convert_element_type3A_298, %cond3A_299 : i32
      scf.if %cond3A_300 {
        %dma_start3A_439 = arith.constant 0 : i32
        %dma_start3A_440 = tpu.memref_slice %arg11[%add3A_246, %dma_start3A_439] : memref<157x128xi32, #tpu.memory_space<vmem>> -> memref<1x128xi32, #tpu.memory_space<vmem>>
        %dma_start3A_441 = tpu.memref_squeeze %dma_start3A_440 : memref<1x128xi32, #tpu.memory_space<vmem>> -> memref<128xi32, #tpu.memory_space<vmem>>
        %dma_start3A_442 = arith.constant 0 : i32
        %dma_start3A_443 = tpu.memref_slice %arg24[%dma_start3A_442] : memref<10008xf32, #tpu.memory_space<vmem_shared>> -> memref<10008xf32, #tpu.memory_space<vmem_shared>>
        tpu.enqueue_indirect_dma source(%arg20 : memref<128xf32, #tpu.memory_space<vmem>>) target(%dma_start3A_443 : memref<10008xf32, #tpu.memory_space<vmem_shared>>) offsets(%dma_start3A_441 : memref<128xi32, #tpu.memory_space<vmem>>) semaphore(%arg41 : memref<!tpu.dma_semaphore, #tpu.memory_space<semaphore_mem>>) {add = true}
      } else {
      }
      %dma_start3A_301 = arith.constant 0 : i32
      %dma_start3A_302 = tpu.memref_slice %arg11[%add3A_246, %dma_start3A_301] : memref<157x128xi32, #tpu.memory_space<vmem>> -> memref<1x128xi32, #tpu.memory_space<vmem>>
      %dma_start3A_303 = tpu.memref_squeeze %dma_start3A_302 : memref<1x128xi32, #tpu.memory_space<vmem>> -> memref<128xi32, #tpu.memory_space<vmem>>
      %dma_start3A_304 = arith.constant 0 : i32
      %dma_start3A_305 = arith.constant 0 : i32
      %dma_start3A_306 = tpu.memref_slice %arg22[%dma_start3A_304, %dma_start3A_305] : memref<10008x64xf32, #tpu.memory_space<vmem_shared>> -> memref<10008x64xf32, #tpu.memory_space<vmem_shared>>
      tpu.enqueue_indirect_dma source(%arg13 : memref<128x64xf32, #tpu.memory_space<vmem>>) target(%dma_start3A_306 : memref<10008x64xf32, #tpu.memory_space<vmem_shared>>) offsets(%dma_start3A_303 : memref<128xi32, #tpu.memory_space<vmem>>) semaphore(%arg30 : memref<!tpu.dma_semaphore, #tpu.memory_space<semaphore_mem>>) {add = true}
      %mul3A_307 = arith.constant 4 : i32
      %mul3A_308 = arith.muli %mul3A_307, %scan3A_181 : i32
      %add3A_309 = arith.constant 2 : i32
      %add3A_310 = arith.addi %mul3A_308, %add3A_309 : i32
      %sub3A = arith.constant 2 : i32
      %sub3A_311 = arith.subi %add3A_310, %sub3A : i32
      %dma_wait3A_312 = arith.constant 0 : i32
      %dma_wait3A_313 = tpu.memref_slice %arg11[%sub3A_311, %dma_wait3A_312] : memref<157x128xi32, #tpu.memory_space<vmem>> -> memref<1x128xi32, #tpu.memory_space<vmem>>
      %dma_wait3A_314 = tpu.memref_squeeze %dma_wait3A_313 : memref<1x128xi32, #tpu.memory_space<vmem>> -> memref<128xi32, #tpu.memory_space<vmem>>
      %dma_wait3A_315 = arith.constant 0 : i32
      %dma_wait3A_316 = arith.constant 0 : i32
      %dma_wait3A_317 = tpu.memref_slice %arg22[%dma_wait3A_315, %dma_wait3A_316] : memref<10008x64xf32, #tpu.memory_space<vmem_shared>> -> memref<10008x64xf32, #tpu.memory_space<vmem_shared>>
      tpu.wait_indirect_dma semaphore(%arg29 : memref<!tpu.dma_semaphore, #tpu.memory_space<semaphore_mem>>) src(%arg12 : memref<128x64xf32, #tpu.memory_space<vmem>>) dst(%dma_wait3A_317 : memref<10008x64xf32, #tpu.memory_space<vmem_shared>>)
      %add3A_318 = arith.constant 2 : i32
      %add3A_319 = arith.addi %add3A_310, %add3A_318 : i32
      %dma_start3A_320 = arith.constant 0 : i32
      %dma_start3A_321 = tpu.memref_slice %arg10[%add3A_319, %dma_start3A_320] : memref<157x128xi32, #tpu.memory_space<vmem>> -> memref<1x128xi32, #tpu.memory_space<vmem>>
      %dma_start3A_322 = tpu.memref_squeeze %dma_start3A_321 : memref<1x128xi32, #tpu.memory_space<vmem>> -> memref<128xi32, #tpu.memory_space<vmem>>
      %dma_start3A_323 = arith.constant 0 : i32
      %dma_start3A_324 = arith.constant 0 : i32
      %dma_start3A_325 = tpu.memref_slice %arg2[%arg0, %dma_start3A_323, %dma_start3A_324] : memref<2x10008x64xf32, #tpu.memory_space<hbm>> -> memref<1x10008x64xf32, #tpu.memory_space<hbm>>
      %dma_start3A_326 = tpu.memref_squeeze %dma_start3A_325 : memref<1x10008x64xf32, #tpu.memory_space<hbm>> -> memref<10008x64xf32, #tpu.memory_space<hbm>>
      %dma_start3A_327 = arith.constant 0 : i32
      %dma_start3A_328 = arith.constant 0 : i32
      %dma_start3A_329 = tpu.memref_slice %dma_start3A_326[%dma_start3A_327, %dma_start3A_328] : memref<10008x64xf32, #tpu.memory_space<hbm>> -> memref<10008x64xf32, #tpu.memory_space<hbm>>
      tpu.enqueue_indirect_dma source(%dma_start3A_329 : memref<10008x64xf32, #tpu.memory_space<hbm>>) target(%arg12 : memref<128x64xf32, #tpu.memory_space<vmem>>) offsets(%dma_start3A_322 : memref<128xi32, #tpu.memory_space<vmem>>) semaphore(%arg25 : memref<!tpu.dma_semaphore, #tpu.memory_space<semaphore_mem>>)
      %sub3A_330 = arith.constant 2 : i32
      %sub3A_331 = arith.subi %add3A_310, %sub3A_330 : i32
      %eq3A_332 = arith.constant 0 : i32
      %eq3A_333 = arith.cmpi eq, %arg0, %eq3A_332 : i32
      %convert_element_type3A_334 = arith.extui %eq3A_333 : i1 to i32
      %cond3A_335 = arith.constant 0 : i32
      %cond3A_336 = arith.cmpi ne, %convert_element_type3A_334, %cond3A_335 : i32
      scf.if %cond3A_336 {
        %dma_wait3A_439 = arith.constant 0 : i32
        %dma_wait3A_440 = tpu.memref_slice %arg10[%sub3A_331, %dma_wait3A_439] : memref<157x128xi32, #tpu.memory_space<vmem>> -> memref<1x128xi32, #tpu.memory_space<vmem>>
        %dma_wait3A_441 = tpu.memref_squeeze %dma_wait3A_440 : memref<1x128xi32, #tpu.memory_space<vmem>> -> memref<128xi32, #tpu.memory_space<vmem>>
        %dma_wait3A_442 = arith.constant 0 : i32
        %dma_wait3A_443 = tpu.memref_slice %arg23[%dma_wait3A_442] : memref<10008xf32, #tpu.memory_space<vmem_shared>> -> memref<10008xf32, #tpu.memory_space<vmem_shared>>
        tpu.wait_indirect_dma semaphore(%arg37 : memref<!tpu.dma_semaphore, #tpu.memory_space<semaphore_mem>>) src(%arg16 : memref<128xf32, #tpu.memory_space<vmem>>) dst(%dma_wait3A_443 : memref<10008xf32, #tpu.memory_space<vmem_shared>>)
      } else {
      }
      %add3A_337 = arith.constant 2 : i32
      %add3A_338 = arith.addi %add3A_310, %add3A_337 : i32
      %eq3A_339 = arith.constant 0 : i32
      %eq3A_340 = arith.cmpi eq, %arg0, %eq3A_339 : i32
      %convert_element_type3A_341 = arith.extui %eq3A_340 : i1 to i32
      %cond3A_342 = arith.constant 0 : i32
      %cond3A_343 = arith.cmpi ne, %convert_element_type3A_341, %cond3A_342 : i32
      scf.if %cond3A_343 {
        %dma_start3A_439 = arith.constant 0 : i32
        %dma_start3A_440 = tpu.memref_slice %arg11[%add3A_338, %dma_start3A_439] : memref<157x128xi32, #tpu.memory_space<vmem>> -> memref<1x128xi32, #tpu.memory_space<vmem>>
        %dma_start3A_441 = tpu.memref_squeeze %dma_start3A_440 : memref<1x128xi32, #tpu.memory_space<vmem>> -> memref<128xi32, #tpu.memory_space<vmem>>
        %dma_start3A_442 = arith.constant 0 : i32
        %dma_start3A_443 = tpu.memref_slice %arg5[%dma_start3A_442] : memref<10008xf32, #tpu.memory_space<hbm>> -> memref<10008xf32, #tpu.memory_space<hbm>>
        tpu.enqueue_indirect_dma source(%dma_start3A_443 : memref<10008xf32, #tpu.memory_space<hbm>>) target(%arg16 : memref<128xf32, #tpu.memory_space<vmem>>) offsets(%dma_start3A_441 : memref<128xi32, #tpu.memory_space<vmem>>) semaphore(%arg33 : memref<!tpu.dma_semaphore, #tpu.memory_space<semaphore_mem>>)
      } else {
      }
      %dma_wait3A_344 = arith.constant 0 : i32
      %dma_wait3A_345 = tpu.memref_slice %arg10[%add3A_310, %dma_wait3A_344] : memref<157x128xi32, #tpu.memory_space<vmem>> -> memref<1x128xi32, #tpu.memory_space<vmem>>
      %dma_wait3A_346 = tpu.memref_squeeze %dma_wait3A_345 : memref<1x128xi32, #tpu.memory_space<vmem>> -> memref<128xi32, #tpu.memory_space<vmem>>
      %dma_wait3A_347 = arith.constant 0 : i32
      %dma_wait3A_348 = arith.constant 0 : i32
      %dma_wait3A_349 = tpu.memref_slice %arg2[%arg0, %dma_wait3A_347, %dma_wait3A_348] : memref<2x10008x64xf32, #tpu.memory_space<hbm>> -> memref<1x10008x64xf32, #tpu.memory_space<hbm>>
      %dma_wait3A_350 = tpu.memref_squeeze %dma_wait3A_349 : memref<1x10008x64xf32, #tpu.memory_space<hbm>> -> memref<10008x64xf32, #tpu.memory_space<hbm>>
      %dma_wait3A_351 = arith.constant 0 : i32
      %dma_wait3A_352 = arith.constant 0 : i32
      %dma_wait3A_353 = tpu.memref_slice %dma_wait3A_350[%dma_wait3A_351, %dma_wait3A_352] : memref<10008x64xf32, #tpu.memory_space<hbm>> -> memref<10008x64xf32, #tpu.memory_space<hbm>>
      tpu.wait_indirect_dma semaphore(%arg27 : memref<!tpu.dma_semaphore, #tpu.memory_space<semaphore_mem>>) src(%dma_wait3A_353 : memref<10008x64xf32, #tpu.memory_space<hbm>>) dst(%arg14 : memref<128x64xf32, #tpu.memory_space<vmem>>)
      %eq3A_354 = arith.constant 0 : i32
      %eq3A_355 = arith.cmpi eq, %arg0, %eq3A_354 : i32
      %convert_element_type3A_356 = arith.extui %eq3A_355 : i1 to i32
      %cond3A_357 = arith.constant 0 : i32
      %cond3A_358 = arith.cmpi ne, %convert_element_type3A_356, %cond3A_357 : i32
      scf.if %cond3A_358 {
        %dma_wait3A_439 = arith.constant 0 : i32
        %dma_wait3A_440 = tpu.memref_slice %arg11[%add3A_310, %dma_wait3A_439] : memref<157x128xi32, #tpu.memory_space<vmem>> -> memref<1x128xi32, #tpu.memory_space<vmem>>
        %dma_wait3A_441 = tpu.memref_squeeze %dma_wait3A_440 : memref<1x128xi32, #tpu.memory_space<vmem>> -> memref<128xi32, #tpu.memory_space<vmem>>
        %dma_wait3A_442 = arith.constant 0 : i32
        %dma_wait3A_443 = tpu.memref_slice %arg5[%dma_wait3A_442] : memref<10008xf32, #tpu.memory_space<hbm>> -> memref<10008xf32, #tpu.memory_space<hbm>>
        tpu.wait_indirect_dma semaphore(%arg35 : memref<!tpu.dma_semaphore, #tpu.memory_space<semaphore_mem>>) src(%dma_wait3A_443 : memref<10008xf32, #tpu.memory_space<hbm>>) dst(%arg18 : memref<128xf32, #tpu.memory_space<vmem>>)
      } else {
      }
      %eq3A_359 = arith.constant 0 : i32
      %eq3A_360 = arith.cmpi eq, %arg0, %eq3A_359 : i32
      %convert_element_type3A_361 = arith.extui %eq3A_360 : i1 to i32
      %cond3A_362 = arith.constant 0 : i32
      %cond3A_363 = arith.cmpi ne, %convert_element_type3A_361, %cond3A_362 : i32
      scf.if %cond3A_363 {
        %dma_start3A_439 = arith.constant 0 : i32
        %dma_start3A_440 = tpu.memref_slice %arg10[%add3A_310, %dma_start3A_439] : memref<157x128xi32, #tpu.memory_space<vmem>> -> memref<1x128xi32, #tpu.memory_space<vmem>>
        %dma_start3A_441 = tpu.memref_squeeze %dma_start3A_440 : memref<1x128xi32, #tpu.memory_space<vmem>> -> memref<128xi32, #tpu.memory_space<vmem>>
        %dma_start3A_442 = arith.constant 0 : i32
        %dma_start3A_443 = tpu.memref_slice %arg23[%dma_start3A_442] : memref<10008xf32, #tpu.memory_space<vmem_shared>> -> memref<10008xf32, #tpu.memory_space<vmem_shared>>
        tpu.enqueue_indirect_dma source(%arg18 : memref<128xf32, #tpu.memory_space<vmem>>) target(%dma_start3A_443 : memref<10008xf32, #tpu.memory_space<vmem_shared>>) offsets(%dma_start3A_441 : memref<128xi32, #tpu.memory_space<vmem>>) semaphore(%arg39 : memref<!tpu.dma_semaphore, #tpu.memory_space<semaphore_mem>>) {add = true}
      } else {
      }
      %eq3A_364 = arith.constant 0 : i32
      %eq3A_365 = arith.cmpi eq, %arg0, %eq3A_364 : i32
      %convert_element_type3A_366 = arith.extui %eq3A_365 : i1 to i32
      %cond3A_367 = arith.constant 0 : i32
      %cond3A_368 = arith.cmpi ne, %convert_element_type3A_366, %cond3A_367 : i32
      scf.if %cond3A_368 {
        %dma_start3A_439 = arith.constant 0 : i32
        %dma_start3A_440 = tpu.memref_slice %arg11[%add3A_310, %dma_start3A_439] : memref<157x128xi32, #tpu.memory_space<vmem>> -> memref<1x128xi32, #tpu.memory_space<vmem>>
        %dma_start3A_441 = tpu.memref_squeeze %dma_start3A_440 : memref<1x128xi32, #tpu.memory_space<vmem>> -> memref<128xi32, #tpu.memory_space<vmem>>
        %dma_start3A_442 = arith.constant 0 : i32
        %dma_start3A_443 = tpu.memref_slice %arg24[%dma_start3A_442] : memref<10008xf32, #tpu.memory_space<vmem_shared>> -> memref<10008xf32, #tpu.memory_space<vmem_shared>>
        tpu.enqueue_indirect_dma source(%arg20 : memref<128xf32, #tpu.memory_space<vmem>>) target(%dma_start3A_443 : memref<10008xf32, #tpu.memory_space<vmem_shared>>) offsets(%dma_start3A_441 : memref<128xi32, #tpu.memory_space<vmem>>) semaphore(%arg41 : memref<!tpu.dma_semaphore, #tpu.memory_space<semaphore_mem>>) {add = true}
      } else {
      }
      %dma_start3A_369 = arith.constant 0 : i32
      %dma_start3A_370 = tpu.memref_slice %arg11[%add3A_310, %dma_start3A_369] : memref<157x128xi32, #tpu.memory_space<vmem>> -> memref<1x128xi32, #tpu.memory_space<vmem>>
      %dma_start3A_371 = tpu.memref_squeeze %dma_start3A_370 : memref<1x128xi32, #tpu.memory_space<vmem>> -> memref<128xi32, #tpu.memory_space<vmem>>
      %dma_start3A_372 = arith.constant 0 : i32
      %dma_start3A_373 = arith.constant 0 : i32
      %dma_start3A_374 = tpu.memref_slice %arg22[%dma_start3A_372, %dma_start3A_373] : memref<10008x64xf32, #tpu.memory_space<vmem_shared>> -> memref<10008x64xf32, #tpu.memory_space<vmem_shared>>
      tpu.enqueue_indirect_dma source(%arg14 : memref<128x64xf32, #tpu.memory_space<vmem>>) target(%dma_start3A_374 : memref<10008x64xf32, #tpu.memory_space<vmem_shared>>) offsets(%dma_start3A_371 : memref<128xi32, #tpu.memory_space<vmem>>) semaphore(%arg31 : memref<!tpu.dma_semaphore, #tpu.memory_space<semaphore_mem>>) {add = true}
      %mul3A_375 = arith.constant 4 : i32
      %mul3A_376 = arith.muli %mul3A_375, %scan3A_181 : i32
      %add3A_377 = arith.constant 3 : i32
      %add3A_378 = arith.addi %mul3A_376, %add3A_377 : i32
      %sub3A_379 = arith.constant 2 : i32
      %sub3A_380 = arith.subi %add3A_378, %sub3A_379 : i32
      %dma_wait3A_381 = arith.constant 0 : i32
      %dma_wait3A_382 = tpu.memref_slice %arg11[%sub3A_380, %dma_wait3A_381] : memref<157x128xi32, #tpu.memory_space<vmem>> -> memref<1x128xi32, #tpu.memory_space<vmem>>
      %dma_wait3A_383 = tpu.memref_squeeze %dma_wait3A_382 : memref<1x128xi32, #tpu.memory_space<vmem>> -> memref<128xi32, #tpu.memory_space<vmem>>
      %dma_wait3A_384 = arith.constant 0 : i32
      %dma_wait3A_385 = arith.constant 0 : i32
      %dma_wait3A_386 = tpu.memref_slice %arg22[%dma_wait3A_384, %dma_wait3A_385] : memref<10008x64xf32, #tpu.memory_space<vmem_shared>> -> memref<10008x64xf32, #tpu.memory_space<vmem_shared>>
      tpu.wait_indirect_dma semaphore(%arg30 : memref<!tpu.dma_semaphore, #tpu.memory_space<semaphore_mem>>) src(%arg13 : memref<128x64xf32, #tpu.memory_space<vmem>>) dst(%dma_wait3A_386 : memref<10008x64xf32, #tpu.memory_space<vmem_shared>>)
      %add3A_387 = arith.constant 2 : i32
      %add3A_388 = arith.addi %add3A_378, %add3A_387 : i32
      %lt3A_389 = arith.constant 157 : i32
      %lt3A_390 = arith.cmpi slt, %add3A_388, %lt3A_389 : i32
      %convert_element_type3A_391 = arith.extui %lt3A_390 : i1 to i32
      %cond3A_392 = arith.constant 0 : i32
      %cond3A_393 = arith.cmpi ne, %convert_element_type3A_391, %cond3A_392 : i32
      scf.if %cond3A_393 {
        %add3A_439 = arith.constant 2 : i32
        %add3A_440 = arith.addi %add3A_378, %add3A_439 : i32
        %dma_start3A_441 = arith.constant 0 : i32
        %dma_start3A_442 = tpu.memref_slice %arg10[%add3A_440, %dma_start3A_441] : memref<157x128xi32, #tpu.memory_space<vmem>> -> memref<1x128xi32, #tpu.memory_space<vmem>>
        %dma_start3A_443 = tpu.memref_squeeze %dma_start3A_442 : memref<1x128xi32, #tpu.memory_space<vmem>> -> memref<128xi32, #tpu.memory_space<vmem>>
        %dma_start3A_444 = arith.constant 0 : i32
        %dma_start3A_445 = arith.constant 0 : i32
        %dma_start3A_446 = tpu.memref_slice %arg2[%arg0, %dma_start3A_444, %dma_start3A_445] : memref<2x10008x64xf32, #tpu.memory_space<hbm>> -> memref<1x10008x64xf32, #tpu.memory_space<hbm>>
        %dma_start3A_447 = tpu.memref_squeeze %dma_start3A_446 : memref<1x10008x64xf32, #tpu.memory_space<hbm>> -> memref<10008x64xf32, #tpu.memory_space<hbm>>
        %dma_start3A_448 = arith.constant 0 : i32
        %dma_start3A_449 = arith.constant 0 : i32
        %dma_start3A_450 = tpu.memref_slice %dma_start3A_447[%dma_start3A_448, %dma_start3A_449] : memref<10008x64xf32, #tpu.memory_space<hbm>> -> memref<10008x64xf32, #tpu.memory_space<hbm>>
        tpu.enqueue_indirect_dma source(%dma_start3A_450 : memref<10008x64xf32, #tpu.memory_space<hbm>>) target(%arg13 : memref<128x64xf32, #tpu.memory_space<vmem>>) offsets(%dma_start3A_443 : memref<128xi32, #tpu.memory_space<vmem>>) semaphore(%arg26 : memref<!tpu.dma_semaphore, #tpu.memory_space<semaphore_mem>>)
      } else {
      }
      %sub3A_394 = arith.constant 2 : i32
      %sub3A_395 = arith.subi %add3A_378, %sub3A_394 : i32
      %eq3A_396 = arith.constant 0 : i32
      %eq3A_397 = arith.cmpi eq, %arg0, %eq3A_396 : i32
      %convert_element_type3A_398 = arith.extui %eq3A_397 : i1 to i32
      %cond3A_399 = arith.constant 0 : i32
      %cond3A_400 = arith.cmpi ne, %convert_element_type3A_398, %cond3A_399 : i32
      scf.if %cond3A_400 {
        %dma_wait3A_439 = arith.constant 0 : i32
        %dma_wait3A_440 = tpu.memref_slice %arg10[%sub3A_395, %dma_wait3A_439] : memref<157x128xi32, #tpu.memory_space<vmem>> -> memref<1x128xi32, #tpu.memory_space<vmem>>
        %dma_wait3A_441 = tpu.memref_squeeze %dma_wait3A_440 : memref<1x128xi32, #tpu.memory_space<vmem>> -> memref<128xi32, #tpu.memory_space<vmem>>
        %dma_wait3A_442 = arith.constant 0 : i32
        %dma_wait3A_443 = tpu.memref_slice %arg23[%dma_wait3A_442] : memref<10008xf32, #tpu.memory_space<vmem_shared>> -> memref<10008xf32, #tpu.memory_space<vmem_shared>>
        tpu.wait_indirect_dma semaphore(%arg38 : memref<!tpu.dma_semaphore, #tpu.memory_space<semaphore_mem>>) src(%arg17 : memref<128xf32, #tpu.memory_space<vmem>>) dst(%dma_wait3A_443 : memref<10008xf32, #tpu.memory_space<vmem_shared>>)
      } else {
      }
      %add3A_401 = arith.constant 2 : i32
      %add3A_402 = arith.addi %add3A_378, %add3A_401 : i32
      %lt3A_403 = arith.constant 157 : i32
      %lt3A_404 = arith.cmpi slt, %add3A_402, %lt3A_403 : i32
      %convert_element_type3A_405 = arith.extui %lt3A_404 : i1 to i32
      %cond3A_406 = arith.constant 0 : i32
      %cond3A_407 = arith.cmpi ne, %convert_element_type3A_405, %cond3A_406 : i32
      scf.if %cond3A_407 {
        %add3A_439 = arith.constant 2 : i32
        %add3A_440 = arith.addi %add3A_378, %add3A_439 : i32
        %eq3A_441 = arith.constant 0 : i32
        %eq3A_442 = arith.cmpi eq, %arg0, %eq3A_441 : i32
        %convert_element_type3A_443 = arith.extui %eq3A_442 : i1 to i32
        %cond3A_444 = arith.constant 0 : i32
        %cond3A_445 = arith.cmpi ne, %convert_element_type3A_443, %cond3A_444 : i32
        scf.if %cond3A_445 {
          %dma_start3A_446 = arith.constant 0 : i32
          %dma_start3A_447 = tpu.memref_slice %arg11[%add3A_440, %dma_start3A_446] : memref<157x128xi32, #tpu.memory_space<vmem>> -> memref<1x128xi32, #tpu.memory_space<vmem>>
          %dma_start3A_448 = tpu.memref_squeeze %dma_start3A_447 : memref<1x128xi32, #tpu.memory_space<vmem>> -> memref<128xi32, #tpu.memory_space<vmem>>
          %dma_start3A_449 = arith.constant 0 : i32
          %dma_start3A_450 = tpu.memref_slice %arg5[%dma_start3A_449] : memref<10008xf32, #tpu.memory_space<hbm>> -> memref<10008xf32, #tpu.memory_space<hbm>>
          tpu.enqueue_indirect_dma source(%dma_start3A_450 : memref<10008xf32, #tpu.memory_space<hbm>>) target(%arg17 : memref<128xf32, #tpu.memory_space<vmem>>) offsets(%dma_start3A_448 : memref<128xi32, #tpu.memory_space<vmem>>) semaphore(%arg34 : memref<!tpu.dma_semaphore, #tpu.memory_space<semaphore_mem>>)
        } else {
        }
      } else {
      }
      %dma_wait3A_408 = arith.constant 0 : i32
      %dma_wait3A_409 = tpu.memref_slice %arg10[%add3A_378, %dma_wait3A_408] : memref<157x128xi32, #tpu.memory_space<vmem>> -> memref<1x128xi32, #tpu.memory_space<vmem>>
      %dma_wait3A_410 = tpu.memref_squeeze %dma_wait3A_409 : memref<1x128xi32, #tpu.memory_space<vmem>> -> memref<128xi32, #tpu.memory_space<vmem>>
      %dma_wait3A_411 = arith.constant 0 : i32
      %dma_wait3A_412 = arith.constant 0 : i32
      %dma_wait3A_413 = tpu.memref_slice %arg2[%arg0, %dma_wait3A_411, %dma_wait3A_412] : memref<2x10008x64xf32, #tpu.memory_space<hbm>> -> memref<1x10008x64xf32, #tpu.memory_space<hbm>>
      %dma_wait3A_414 = tpu.memref_squeeze %dma_wait3A_413 : memref<1x10008x64xf32, #tpu.memory_space<hbm>> -> memref<10008x64xf32, #tpu.memory_space<hbm>>
      %dma_wait3A_415 = arith.constant 0 : i32
      %dma_wait3A_416 = arith.constant 0 : i32
      %dma_wait3A_417 = tpu.memref_slice %dma_wait3A_414[%dma_wait3A_415, %dma_wait3A_416] : memref<10008x64xf32, #tpu.memory_space<hbm>> -> memref<10008x64xf32, #tpu.memory_space<hbm>>
      tpu.wait_indirect_dma semaphore(%arg28 : memref<!tpu.dma_semaphore, #tpu.memory_space<semaphore_mem>>) src(%dma_wait3A_417 : memref<10008x64xf32, #tpu.memory_space<hbm>>) dst(%arg15 : memref<128x64xf32, #tpu.memory_space<vmem>>)
      %eq3A_418 = arith.constant 0 : i32
      %eq3A_419 = arith.cmpi eq, %arg0, %eq3A_418 : i32
      %convert_element_type3A_420 = arith.extui %eq3A_419 : i1 to i32
      %cond3A_421 = arith.constant 0 : i32
      %cond3A_422 = arith.cmpi ne, %convert_element_type3A_420, %cond3A_421 : i32
      scf.if %cond3A_422 {
        %dma_wait3A_439 = arith.constant 0 : i32
        %dma_wait3A_440 = tpu.memref_slice %arg11[%add3A_378, %dma_wait3A_439] : memref<157x128xi32, #tpu.memory_space<vmem>> -> memref<1x128xi32, #tpu.memory_space<vmem>>
        %dma_wait3A_441 = tpu.memref_squeeze %dma_wait3A_440 : memref<1x128xi32, #tpu.memory_space<vmem>> -> memref<128xi32, #tpu.memory_space<vmem>>
        %dma_wait3A_442 = arith.constant 0 : i32
        %dma_wait3A_443 = tpu.memref_slice %arg5[%dma_wait3A_442] : memref<10008xf32, #tpu.memory_space<hbm>> -> memref<10008xf32, #tpu.memory_space<hbm>>
        tpu.wait_indirect_dma semaphore(%arg36 : memref<!tpu.dma_semaphore, #tpu.memory_space<semaphore_mem>>) src(%dma_wait3A_443 : memref<10008xf32, #tpu.memory_space<hbm>>) dst(%arg19 : memref<128xf32, #tpu.memory_space<vmem>>)
      } else {
      }
      %eq3A_423 = arith.constant 0 : i32
      %eq3A_424 = arith.cmpi eq, %arg0, %eq3A_423 : i32
      %convert_element_type3A_425 = arith.extui %eq3A_424 : i1 to i32
      %cond3A_426 = arith.constant 0 : i32
      %cond3A_427 = arith.cmpi ne, %convert_element_type3A_425, %cond3A_426 : i32
      scf.if %cond3A_427 {
        %dma_start3A_439 = arith.constant 0 : i32
        %dma_start3A_440 = tpu.memref_slice %arg10[%add3A_378, %dma_start3A_439] : memref<157x128xi32, #tpu.memory_space<vmem>> -> memref<1x128xi32, #tpu.memory_space<vmem>>
        %dma_start3A_441 = tpu.memref_squeeze %dma_start3A_440 : memref<1x128xi32, #tpu.memory_space<vmem>> -> memref<128xi32, #tpu.memory_space<vmem>>
        %dma_start3A_442 = arith.constant 0 : i32
        %dma_start3A_443 = tpu.memref_slice %arg23[%dma_start3A_442] : memref<10008xf32, #tpu.memory_space<vmem_shared>> -> memref<10008xf32, #tpu.memory_space<vmem_shared>>
        tpu.enqueue_indirect_dma source(%arg19 : memref<128xf32, #tpu.memory_space<vmem>>) target(%dma_start3A_443 : memref<10008xf32, #tpu.memory_space<vmem_shared>>) offsets(%dma_start3A_441 : memref<128xi32, #tpu.memory_space<vmem>>) semaphore(%arg40 : memref<!tpu.dma_semaphore, #tpu.memory_space<semaphore_mem>>) {add = true}
      } else {
      }
      %eq3A_428 = arith.constant 0 : i32
      %eq3A_429 = arith.cmpi eq, %arg0, %eq3A_428 : i32
      %convert_element_type3A_430 = arith.extui %eq3A_429 : i1 to i32
      %cond3A_431 = arith.constant 0 : i32
      %cond3A_432 = arith.cmpi ne, %convert_element_type3A_430, %cond3A_431 : i32
      scf.if %cond3A_432 {
        %dma_start3A_439 = arith.constant 0 : i32
        %dma_start3A_440 = tpu.memref_slice %arg11[%add3A_378, %dma_start3A_439] : memref<157x128xi32, #tpu.memory_space<vmem>> -> memref<1x128xi32, #tpu.memory_space<vmem>>
        %dma_start3A_441 = tpu.memref_squeeze %dma_start3A_440 : memref<1x128xi32, #tpu.memory_space<vmem>> -> memref<128xi32, #tpu.memory_space<vmem>>
        %dma_start3A_442 = arith.constant 0 : i32
        %dma_start3A_443 = tpu.memref_slice %arg24[%dma_start3A_442] : memref<10008xf32, #tpu.memory_space<vmem_shared>> -> memref<10008xf32, #tpu.memory_space<vmem_shared>>
        tpu.enqueue_indirect_dma source(%arg20 : memref<128xf32, #tpu.memory_space<vmem>>) target(%dma_start3A_443 : memref<10008xf32, #tpu.memory_space<vmem_shared>>) offsets(%dma_start3A_441 : memref<128xi32, #tpu.memory_space<vmem>>) semaphore(%arg41 : memref<!tpu.dma_semaphore, #tpu.memory_space<semaphore_mem>>) {add = true}
      } else {
      }
      %dma_start3A_433 = arith.constant 0 : i32
      %dma_start3A_434 = tpu.memref_slice %arg11[%add3A_378, %dma_start3A_433] : memref<157x128xi32, #tpu.memory_space<vmem>> -> memref<1x128xi32, #tpu.memory_space<vmem>>
      %dma_start3A_435 = tpu.memref_squeeze %dma_start3A_434 : memref<1x128xi32, #tpu.memory_space<vmem>> -> memref<128xi32, #tpu.memory_space<vmem>>
      %dma_start3A_436 = arith.constant 0 : i32
      %dma_start3A_437 = arith.constant 0 : i32
      %dma_start3A_438 = tpu.memref_slice %arg22[%dma_start3A_436, %dma_start3A_437] : memref<10008x64xf32, #tpu.memory_space<vmem_shared>> -> memref<10008x64xf32, #tpu.memory_space<vmem_shared>>
      tpu.enqueue_indirect_dma source(%arg15 : memref<128x64xf32, #tpu.memory_space<vmem>>) target(%dma_start3A_438 : memref<10008x64xf32, #tpu.memory_space<vmem_shared>>) offsets(%dma_start3A_435 : memref<128xi32, #tpu.memory_space<vmem>>) semaphore(%arg32 : memref<!tpu.dma_semaphore, #tpu.memory_space<semaphore_mem>>) {add = true}
    }
    %scan3A_93 = arith.constant 39 : i32
    %dma_wait3A = arith.constant 156 : i32
    %dma_wait3A_94 = arith.constant 0 : i32
    %dma_wait3A_95 = tpu.memref_slice %arg10[%dma_wait3A, %dma_wait3A_94] : memref<157x128xi32, #tpu.memory_space<vmem>> -> memref<1x128xi32, #tpu.memory_space<vmem>>
    %dma_wait3A_96 = tpu.memref_squeeze %dma_wait3A_95 : memref<1x128xi32, #tpu.memory_space<vmem>> -> memref<128xi32, #tpu.memory_space<vmem>>
    %dma_wait3A_97 = arith.constant 0 : i32
    %dma_wait3A_98 = arith.constant 0 : i32
    %dma_wait3A_99 = tpu.memref_slice %arg2[%arg0, %dma_wait3A_97, %dma_wait3A_98] : memref<2x10008x64xf32, #tpu.memory_space<hbm>> -> memref<1x10008x64xf32, #tpu.memory_space<hbm>>
    %dma_wait3A_100 = tpu.memref_squeeze %dma_wait3A_99 : memref<1x10008x64xf32, #tpu.memory_space<hbm>> -> memref<10008x64xf32, #tpu.memory_space<hbm>>
    %dma_wait3A_101 = arith.constant 0 : i32
    %dma_wait3A_102 = arith.constant 0 : i32
    %dma_wait3A_103 = tpu.memref_slice %dma_wait3A_100[%dma_wait3A_101, %dma_wait3A_102] : memref<10008x64xf32, #tpu.memory_space<hbm>> -> memref<10008x64xf32, #tpu.memory_space<hbm>>
    tpu.wait_indirect_dma semaphore(%arg25 : memref<!tpu.dma_semaphore, #tpu.memory_space<semaphore_mem>>) src(%dma_wait3A_103 : memref<10008x64xf32, #tpu.memory_space<hbm>>) dst(%arg12 : memref<128x64xf32, #tpu.memory_space<vmem>>)
    %eq3A_104 = arith.constant 0 : i32
    %eq3A_105 = arith.cmpi eq, %arg0, %eq3A_104 : i32
    %convert_element_type3A_106 = arith.extui %eq3A_105 : i1 to i32
    %cond3A_107 = arith.constant 0 : i32
    %cond3A_108 = arith.cmpi ne, %convert_element_type3A_106, %cond3A_107 : i32
    scf.if %cond3A_108 {
      %dma_wait3A_181 = arith.constant 156 : i32
      %dma_wait3A_182 = arith.constant 0 : i32
      %dma_wait3A_183 = tpu.memref_slice %arg11[%dma_wait3A_181, %dma_wait3A_182] : memref<157x128xi32, #tpu.memory_space<vmem>> -> memref<1x128xi32, #tpu.memory_space<vmem>>
      %dma_wait3A_184 = tpu.memref_squeeze %dma_wait3A_183 : memref<1x128xi32, #tpu.memory_space<vmem>> -> memref<128xi32, #tpu.memory_space<vmem>>
      %dma_wait3A_185 = arith.constant 0 : i32
      %dma_wait3A_186 = tpu.memref_slice %arg5[%dma_wait3A_185] : memref<10008xf32, #tpu.memory_space<hbm>> -> memref<10008xf32, #tpu.memory_space<hbm>>
      tpu.wait_indirect_dma semaphore(%arg33 : memref<!tpu.dma_semaphore, #tpu.memory_space<semaphore_mem>>) src(%dma_wait3A_186 : memref<10008xf32, #tpu.memory_space<hbm>>) dst(%arg16 : memref<128xf32, #tpu.memory_space<vmem>>)
    } else {
    }
    %eq3A_109 = arith.constant 0 : i32
    %eq3A_110 = arith.cmpi eq, %arg0, %eq3A_109 : i32
    %convert_element_type3A_111 = arith.extui %eq3A_110 : i1 to i32
    %cond3A_112 = arith.constant 0 : i32
    %cond3A_113 = arith.cmpi ne, %convert_element_type3A_111, %cond3A_112 : i32
    scf.if %cond3A_113 {
      %dma_start3A_181 = arith.constant 156 : i32
      %dma_start3A_182 = arith.constant 0 : i32
      %dma_start3A_183 = tpu.memref_slice %arg10[%dma_start3A_181, %dma_start3A_182] : memref<157x128xi32, #tpu.memory_space<vmem>> -> memref<1x128xi32, #tpu.memory_space<vmem>>
      %dma_start3A_184 = tpu.memref_squeeze %dma_start3A_183 : memref<1x128xi32, #tpu.memory_space<vmem>> -> memref<128xi32, #tpu.memory_space<vmem>>
      %dma_start3A_185 = arith.constant 0 : i32
      %dma_start3A_186 = tpu.memref_slice %arg23[%dma_start3A_185] : memref<10008xf32, #tpu.memory_space<vmem_shared>> -> memref<10008xf32, #tpu.memory_space<vmem_shared>>
      tpu.enqueue_indirect_dma source(%arg16 : memref<128xf32, #tpu.memory_space<vmem>>) target(%dma_start3A_186 : memref<10008xf32, #tpu.memory_space<vmem_shared>>) offsets(%dma_start3A_184 : memref<128xi32, #tpu.memory_space<vmem>>) semaphore(%arg37 : memref<!tpu.dma_semaphore, #tpu.memory_space<semaphore_mem>>) {add = true}
    } else {
    }
    %eq3A_114 = arith.constant 0 : i32
    %eq3A_115 = arith.cmpi eq, %arg0, %eq3A_114 : i32
    %convert_element_type3A_116 = arith.extui %eq3A_115 : i1 to i32
    %cond3A_117 = arith.constant 0 : i32
    %cond3A_118 = arith.cmpi ne, %convert_element_type3A_116, %cond3A_117 : i32
    scf.if %cond3A_118 {
      %dma_start3A_181 = arith.constant 156 : i32
      %dma_start3A_182 = arith.constant 0 : i32
      %dma_start3A_183 = tpu.memref_slice %arg11[%dma_start3A_181, %dma_start3A_182] : memref<157x128xi32, #tpu.memory_space<vmem>> -> memref<1x128xi32, #tpu.memory_space<vmem>>
      %dma_start3A_184 = tpu.memref_squeeze %dma_start3A_183 : memref<1x128xi32, #tpu.memory_space<vmem>> -> memref<128xi32, #tpu.memory_space<vmem>>
      %dma_start3A_185 = arith.constant 0 : i32
      %dma_start3A_186 = tpu.memref_slice %arg24[%dma_start3A_185] : memref<10008xf32, #tpu.memory_space<vmem_shared>> -> memref<10008xf32, #tpu.memory_space<vmem_shared>>
      tpu.enqueue_indirect_dma source(%arg20 : memref<128xf32, #tpu.memory_space<vmem>>) target(%dma_start3A_186 : memref<10008xf32, #tpu.memory_space<vmem_shared>>) offsets(%dma_start3A_184 : memref<128xi32, #tpu.memory_space<vmem>>) semaphore(%arg41 : memref<!tpu.dma_semaphore, #tpu.memory_space<semaphore_mem>>) {add = true}
    } else {
    }
    %dma_start3A_119 = arith.constant 156 : i32
    %dma_start3A_120 = arith.constant 0 : i32
    %dma_start3A_121 = tpu.memref_slice %arg11[%dma_start3A_119, %dma_start3A_120] : memref<157x128xi32, #tpu.memory_space<vmem>> -> memref<1x128xi32, #tpu.memory_space<vmem>>
    %dma_start3A_122 = tpu.memref_squeeze %dma_start3A_121 : memref<1x128xi32, #tpu.memory_space<vmem>> -> memref<128xi32, #tpu.memory_space<vmem>>
    %dma_start3A_123 = arith.constant 0 : i32
    %dma_start3A_124 = arith.constant 0 : i32
    %dma_start3A_125 = tpu.memref_slice %arg22[%dma_start3A_123, %dma_start3A_124] : memref<10008x64xf32, #tpu.memory_space<vmem_shared>> -> memref<10008x64xf32, #tpu.memory_space<vmem_shared>>
    tpu.enqueue_indirect_dma source(%arg12 : memref<128x64xf32, #tpu.memory_space<vmem>>) target(%dma_start3A_125 : memref<10008x64xf32, #tpu.memory_space<vmem_shared>>) offsets(%dma_start3A_122 : memref<128xi32, #tpu.memory_space<vmem>>) semaphore(%arg29 : memref<!tpu.dma_semaphore, #tpu.memory_space<semaphore_mem>>) {add = true}
    %dma_wait3A_126 = arith.constant 154 : i32
    %dma_wait3A_127 = arith.constant 0 : i32
    %dma_wait3A_128 = tpu.memref_slice %arg11[%dma_wait3A_126, %dma_wait3A_127] : memref<157x128xi32, #tpu.memory_space<vmem>> -> memref<1x128xi32, #tpu.memory_space<vmem>>
    %dma_wait3A_129 = tpu.memref_squeeze %dma_wait3A_128 : memref<1x128xi32, #tpu.memory_space<vmem>> -> memref<128xi32, #tpu.memory_space<vmem>>
    %dma_wait3A_130 = arith.constant 0 : i32
    %dma_wait3A_131 = arith.constant 0 : i32
    %dma_wait3A_132 = tpu.memref_slice %arg22[%dma_wait3A_130, %dma_wait3A_131] : memref<10008x64xf32, #tpu.memory_space<vmem_shared>> -> memref<10008x64xf32, #tpu.memory_space<vmem_shared>>
    tpu.wait_indirect_dma semaphore(%arg31 : memref<!tpu.dma_semaphore, #tpu.memory_space<semaphore_mem>>) src(%arg14 : memref<128x64xf32, #tpu.memory_space<vmem>>) dst(%dma_wait3A_132 : memref<10008x64xf32, #tpu.memory_space<vmem_shared>>)
    %dma_wait3A_133 = arith.constant 155 : i32
    %dma_wait3A_134 = arith.constant 0 : i32
    %dma_wait3A_135 = tpu.memref_slice %arg11[%dma_wait3A_133, %dma_wait3A_134] : memref<157x128xi32, #tpu.memory_space<vmem>> -> memref<1x128xi32, #tpu.memory_space<vmem>>
    %dma_wait3A_136 = tpu.memref_squeeze %dma_wait3A_135 : memref<1x128xi32, #tpu.memory_space<vmem>> -> memref<128xi32, #tpu.memory_space<vmem>>
    %dma_wait3A_137 = arith.constant 0 : i32
    %dma_wait3A_138 = arith.constant 0 : i32
    %dma_wait3A_139 = tpu.memref_slice %arg22[%dma_wait3A_137, %dma_wait3A_138] : memref<10008x64xf32, #tpu.memory_space<vmem_shared>> -> memref<10008x64xf32, #tpu.memory_space<vmem_shared>>
    tpu.wait_indirect_dma semaphore(%arg32 : memref<!tpu.dma_semaphore, #tpu.memory_space<semaphore_mem>>) src(%arg15 : memref<128x64xf32, #tpu.memory_space<vmem>>) dst(%dma_wait3A_139 : memref<10008x64xf32, #tpu.memory_space<vmem_shared>>)
    %dma_wait3A_140 = arith.constant 156 : i32
    %dma_wait3A_141 = arith.constant 0 : i32
    %dma_wait3A_142 = tpu.memref_slice %arg11[%dma_wait3A_140, %dma_wait3A_141] : memref<157x128xi32, #tpu.memory_space<vmem>> -> memref<1x128xi32, #tpu.memory_space<vmem>>
    %dma_wait3A_143 = tpu.memref_squeeze %dma_wait3A_142 : memref<1x128xi32, #tpu.memory_space<vmem>> -> memref<128xi32, #tpu.memory_space<vmem>>
    %dma_wait3A_144 = arith.constant 0 : i32
    %dma_wait3A_145 = arith.constant 0 : i32
    %dma_wait3A_146 = tpu.memref_slice %arg22[%dma_wait3A_144, %dma_wait3A_145] : memref<10008x64xf32, #tpu.memory_space<vmem_shared>> -> memref<10008x64xf32, #tpu.memory_space<vmem_shared>>
    tpu.wait_indirect_dma semaphore(%arg29 : memref<!tpu.dma_semaphore, #tpu.memory_space<semaphore_mem>>) src(%arg12 : memref<128x64xf32, #tpu.memory_space<vmem>>) dst(%dma_wait3A_146 : memref<10008x64xf32, #tpu.memory_space<vmem_shared>>)
    %eq3A_147 = arith.constant 0 : i32
    %eq3A_148 = arith.cmpi eq, %arg0, %eq3A_147 : i32
    %convert_element_type3A_149 = arith.extui %eq3A_148 : i1 to i32
    %cond3A_150 = arith.constant 0 : i32
    %cond3A_151 = arith.cmpi ne, %convert_element_type3A_149, %cond3A_150 : i32
    scf.if %cond3A_151 {
      %dma_wait3A_181 = arith.constant 154 : i32
      %dma_wait3A_182 = arith.constant 0 : i32
      %dma_wait3A_183 = tpu.memref_slice %arg10[%dma_wait3A_181, %dma_wait3A_182] : memref<157x128xi32, #tpu.memory_space<vmem>> -> memref<1x128xi32, #tpu.memory_space<vmem>>
      %dma_wait3A_184 = tpu.memref_squeeze %dma_wait3A_183 : memref<1x128xi32, #tpu.memory_space<vmem>> -> memref<128xi32, #tpu.memory_space<vmem>>
      %dma_wait3A_185 = arith.constant 0 : i32
      %dma_wait3A_186 = tpu.memref_slice %arg23[%dma_wait3A_185] : memref<10008xf32, #tpu.memory_space<vmem_shared>> -> memref<10008xf32, #tpu.memory_space<vmem_shared>>
      tpu.wait_indirect_dma semaphore(%arg39 : memref<!tpu.dma_semaphore, #tpu.memory_space<semaphore_mem>>) src(%arg18 : memref<128xf32, #tpu.memory_space<vmem>>) dst(%dma_wait3A_186 : memref<10008xf32, #tpu.memory_space<vmem_shared>>)
    } else {
    }
    %eq3A_152 = arith.constant 0 : i32
    %eq3A_153 = arith.cmpi eq, %arg0, %eq3A_152 : i32
    %convert_element_type3A_154 = arith.extui %eq3A_153 : i1 to i32
    %cond3A_155 = arith.constant 0 : i32
    %cond3A_156 = arith.cmpi ne, %convert_element_type3A_154, %cond3A_155 : i32
    scf.if %cond3A_156 {
      %dma_wait3A_181 = arith.constant 155 : i32
      %dma_wait3A_182 = arith.constant 0 : i32
      %dma_wait3A_183 = tpu.memref_slice %arg10[%dma_wait3A_181, %dma_wait3A_182] : memref<157x128xi32, #tpu.memory_space<vmem>> -> memref<1x128xi32, #tpu.memory_space<vmem>>
      %dma_wait3A_184 = tpu.memref_squeeze %dma_wait3A_183 : memref<1x128xi32, #tpu.memory_space<vmem>> -> memref<128xi32, #tpu.memory_space<vmem>>
      %dma_wait3A_185 = arith.constant 0 : i32
      %dma_wait3A_186 = tpu.memref_slice %arg23[%dma_wait3A_185] : memref<10008xf32, #tpu.memory_space<vmem_shared>> -> memref<10008xf32, #tpu.memory_space<vmem_shared>>
      tpu.wait_indirect_dma semaphore(%arg40 : memref<!tpu.dma_semaphore, #tpu.memory_space<semaphore_mem>>) src(%arg19 : memref<128xf32, #tpu.memory_space<vmem>>) dst(%dma_wait3A_186 : memref<10008xf32, #tpu.memory_space<vmem_shared>>)
    } else {
    }
    %eq3A_157 = arith.constant 0 : i32
    %eq3A_158 = arith.cmpi eq, %arg0, %eq3A_157 : i32
    %convert_element_type3A_159 = arith.extui %eq3A_158 : i1 to i32
    %cond3A_160 = arith.constant 0 : i32
    %cond3A_161 = arith.cmpi ne, %convert_element_type3A_159, %cond3A_160 : i32
    scf.if %cond3A_161 {
      %dma_wait3A_181 = arith.constant 156 : i32
      %dma_wait3A_182 = arith.constant 0 : i32
      %dma_wait3A_183 = tpu.memref_slice %arg10[%dma_wait3A_181, %dma_wait3A_182] : memref<157x128xi32, #tpu.memory_space<vmem>> -> memref<1x128xi32, #tpu.memory_space<vmem>>
      %dma_wait3A_184 = tpu.memref_squeeze %dma_wait3A_183 : memref<1x128xi32, #tpu.memory_space<vmem>> -> memref<128xi32, #tpu.memory_space<vmem>>
      %dma_wait3A_185 = arith.constant 0 : i32
      %dma_wait3A_186 = tpu.memref_slice %arg23[%dma_wait3A_185] : memref<10008xf32, #tpu.memory_space<vmem_shared>> -> memref<10008xf32, #tpu.memory_space<vmem_shared>>
      tpu.wait_indirect_dma semaphore(%arg37 : memref<!tpu.dma_semaphore, #tpu.memory_space<semaphore_mem>>) src(%arg16 : memref<128xf32, #tpu.memory_space<vmem>>) dst(%dma_wait3A_186 : memref<10008xf32, #tpu.memory_space<vmem_shared>>)
    } else {
    }
    %scan3A_162 = arith.constant 0 : i32
    %scan3A_163 = arith.constant 0 : i32
    %scan3A_164 = arith.constant 157 : i32
    %scan3A_165 = arith.addi %scan3A_163, %scan3A_164 : i32
    %scan3A_166 = arith.constant 1 : i32
    scf.for %scan3A_181 = %scan3A_163 to %scan3A_165 step %scan3A_166  : i32 {
      %eq3A_182 = arith.constant 0 : i32
      %eq3A_183 = arith.cmpi eq, %arg0, %eq3A_182 : i32
      %convert_element_type3A_184 = arith.extui %eq3A_183 : i1 to i32
      %cond3A_185 = arith.constant 0 : i32
      %cond3A_186 = arith.cmpi ne, %convert_element_type3A_184, %cond3A_185 : i32
      scf.if %cond3A_186 {
        %dma_wait3A_187 = arith.constant 0 : i32
        %dma_wait3A_188 = tpu.memref_slice %arg11[%scan3A_181, %dma_wait3A_187] : memref<157x128xi32, #tpu.memory_space<vmem>> -> memref<1x128xi32, #tpu.memory_space<vmem>>
        %dma_wait3A_189 = tpu.memref_squeeze %dma_wait3A_188 : memref<1x128xi32, #tpu.memory_space<vmem>> -> memref<128xi32, #tpu.memory_space<vmem>>
        %dma_wait3A_190 = arith.constant 0 : i32
        %dma_wait3A_191 = tpu.memref_slice %arg24[%dma_wait3A_190] : memref<10008xf32, #tpu.memory_space<vmem_shared>> -> memref<10008xf32, #tpu.memory_space<vmem_shared>>
        tpu.wait_indirect_dma semaphore(%arg41 : memref<!tpu.dma_semaphore, #tpu.memory_space<semaphore_mem>>) src(%arg20 : memref<128xf32, #tpu.memory_space<vmem>>) dst(%dma_wait3A_191 : memref<10008xf32, #tpu.memory_space<vmem_shared>>)
      } else {
      }
    }
    %scan3A_167 = arith.constant 157 : i32
    %barrier3A_168 = arith.constant 0 : index
    tpu.barrier barrier_id(%barrier3A_168)
    %lt3A_169 = arith.constant 10 : i32
    %lt3A_170 = arith.cmpi slt, %arg1, %lt3A_169 : i32
    %convert_element_type3A_171 = arith.extui %lt3A_170 : i1 to i32
    %cond3A_172 = arith.constant 0 : i32
    %cond3A_173 = arith.cmpi ne, %convert_element_type3A_171, %cond3A_172 : i32
    scf.if %cond3A_173 {
      %mul3A = arith.constant 1000 : i32
      %mul3A_181 = arith.muli %arg1, %mul3A : i32
      %mul3A_182 = arith.constant 1000 : i32
      %mul3A_183 = arith.muli %arg1, %mul3A_182 : i32
      "tpu.region"() ({
        %run_scoped3A = tpu.sem_alloc : memref<!tpu.dma_semaphore, #tpu.memory_space<semaphore_mem>>
        %dma_start3A_184 = arith.constant 0 : i32
        %dma_start3A_185 = tpu.memref_slice %arg7[%arg0, %mul3A_183, %dma_start3A_184] : memref<2x10000x64xf32, #tpu.memory_space<hbm>> -> memref<1x1000x64xf32, #tpu.memory_space<hbm>>
        %dma_start3A_186 = tpu.memref_squeeze %dma_start3A_185 : memref<1x1000x64xf32, #tpu.memory_space<hbm>> -> memref<1000x64xf32, #tpu.memory_space<hbm>>
        %dma_start3A_187 = arith.constant 0 : i32
        %dma_start3A_188 = tpu.memref_slice %arg22[%mul3A_181, %dma_start3A_187] : memref<10008x64xf32, #tpu.memory_space<vmem_shared>> -> memref<1000x64xf32, #tpu.memory_space<vmem_shared>>
        tpu.enqueue_dma source(%dma_start3A_188 : memref<1000x64xf32, #tpu.memory_space<vmem_shared>>) target(%dma_start3A_186 : memref<1000x64xf32, #tpu.memory_space<hbm>>) target_semaphore(%run_scoped3A : memref<!tpu.dma_semaphore, #tpu.memory_space<semaphore_mem>>)
        %dma_wait3A_189 = arith.constant 0 : i32
        %dma_wait3A_190 = tpu.memref_slice %arg7[%arg0, %mul3A_183, %dma_wait3A_189] : memref<2x10000x64xf32, #tpu.memory_space<hbm>> -> memref<1x1000x64xf32, #tpu.memory_space<hbm>>
        %dma_wait3A_191 = tpu.memref_squeeze %dma_wait3A_190 : memref<1x1000x64xf32, #tpu.memory_space<hbm>> -> memref<1000x64xf32, #tpu.memory_space<hbm>>
        %dma_wait3A_192 = arith.constant 0 : i32
        %dma_wait3A_193 = tpu.memref_slice %arg22[%mul3A_181, %dma_wait3A_192] : memref<10008x64xf32, #tpu.memory_space<vmem_shared>> -> memref<1000x64xf32, #tpu.memory_space<vmem_shared>>
        tpu.wait_dma2 semaphore(%run_scoped3A : memref<!tpu.dma_semaphore, #tpu.memory_space<semaphore_mem>>) src(%dma_wait3A_193 : memref<1000x64xf32, #tpu.memory_space<vmem_shared>>) dst(%dma_wait3A_191 : memref<1000x64xf32, #tpu.memory_space<hbm>>)
        tpu.yield
      }) : () -> ()
    } else {
    }
    %eq3A_174 = arith.constant 0 : i32
    %eq3A_175 = arith.cmpi eq, %arg1, %eq3A_174 : i32
    %eq3A_176 = arith.constant 0 : i32
    %eq3A_177 = arith.cmpi eq, %arg0, %eq3A_176 : i32
    %and3A = arith.andi %eq3A_175, %eq3A_177 : i1
    %convert_element_type3A_178 = arith.extui %and3A : i1 to i32
    %cond3A_179 = arith.constant 0 : i32
    %cond3A_180 = arith.cmpi ne, %convert_element_type3A_178, %cond3A_179 : i32
    scf.if %cond3A_180 {
      %run_scoped3A = arith.constant 0 : i32
      "tpu.region"() ({
        %run_scoped3A_182 = tpu.sem_alloc : memref<!tpu.dma_semaphore, #tpu.memory_space<semaphore_mem>>
        %dma_start3A_183 = arith.constant 0 : i32
        %dma_start3A_184 = tpu.memref_slice %arg8[%run_scoped3A, %dma_start3A_183] : memref<1x10000xf32, #tpu.memory_space<hbm>> -> memref<1x10000xf32, #tpu.memory_space<hbm>>
        %dma_start3A_185 = tpu.memref_squeeze %dma_start3A_184 : memref<1x10000xf32, #tpu.memory_space<hbm>> -> memref<10000xf32, #tpu.memory_space<hbm>>
        %dma_start3A_186 = arith.constant 0 : i32
        %dma_start3A_187 = tpu.memref_slice %arg23[%dma_start3A_186] : memref<10008xf32, #tpu.memory_space<vmem_shared>> -> memref<10000xf32, #tpu.memory_space<vmem_shared>>
        tpu.enqueue_dma source(%dma_start3A_187 : memref<10000xf32, #tpu.memory_space<vmem_shared>>) target(%dma_start3A_185 : memref<10000xf32, #tpu.memory_space<hbm>>) target_semaphore(%run_scoped3A_182 : memref<!tpu.dma_semaphore, #tpu.memory_space<semaphore_mem>>)
        %dma_wait3A_188 = arith.constant 0 : i32
        %dma_wait3A_189 = tpu.memref_slice %arg8[%run_scoped3A, %dma_wait3A_188] : memref<1x10000xf32, #tpu.memory_space<hbm>> -> memref<1x10000xf32, #tpu.memory_space<hbm>>
        %dma_wait3A_190 = tpu.memref_squeeze %dma_wait3A_189 : memref<1x10000xf32, #tpu.memory_space<hbm>> -> memref<10000xf32, #tpu.memory_space<hbm>>
        %dma_wait3A_191 = arith.constant 0 : i32
        %dma_wait3A_192 = tpu.memref_slice %arg23[%dma_wait3A_191] : memref<10008xf32, #tpu.memory_space<vmem_shared>> -> memref<10000xf32, #tpu.memory_space<vmem_shared>>
        tpu.wait_dma2 semaphore(%run_scoped3A_182 : memref<!tpu.dma_semaphore, #tpu.memory_space<semaphore_mem>>) src(%dma_wait3A_192 : memref<10000xf32, #tpu.memory_space<vmem_shared>>) dst(%dma_wait3A_190 : memref<10000xf32, #tpu.memory_space<hbm>>)
        tpu.yield
      }) : () -> ()
      %run_scoped3A_181 = arith.constant 0 : i32
      "tpu.region"() ({
        %run_scoped3A_182 = tpu.sem_alloc : memref<!tpu.dma_semaphore, #tpu.memory_space<semaphore_mem>>
        %dma_start3A_183 = arith.constant 0 : i32
        %dma_start3A_184 = tpu.memref_slice %arg9[%run_scoped3A_181, %dma_start3A_183] : memref<1x10000xf32, #tpu.memory_space<hbm>> -> memref<1x10000xf32, #tpu.memory_space<hbm>>
        %dma_start3A_185 = tpu.memref_squeeze %dma_start3A_184 : memref<1x10000xf32, #tpu.memory_space<hbm>> -> memref<10000xf32, #tpu.memory_space<hbm>>
        %dma_start3A_186 = arith.constant 0 : i32
        %dma_start3A_187 = tpu.memref_slice %arg24[%dma_start3A_186] : memref<10008xf32, #tpu.memory_space<vmem_shared>> -> memref<10000xf32, #tpu.memory_space<vmem_shared>>
        tpu.enqueue_dma source(%dma_start3A_187 : memref<10000xf32, #tpu.memory_space<vmem_shared>>) target(%dma_start3A_185 : memref<10000xf32, #tpu.memory_space<hbm>>) target_semaphore(%run_scoped3A_182 : memref<!tpu.dma_semaphore, #tpu.memory_space<semaphore_mem>>)
        %dma_wait3A_188 = arith.constant 0 : i32
        %dma_wait3A_189 = tpu.memref_slice %arg9[%run_scoped3A_181, %dma_wait3A_188] : memref<1x10000xf32, #tpu.memory_space<hbm>> -> memref<1x10000xf32, #tpu.memory_space<hbm>>
        %dma_wait3A_190 = tpu.memref_squeeze %dma_wait3A_189 : memref<1x10000xf32, #tpu.memory_space<hbm>> -> memref<10000xf32, #tpu.memory_space<hbm>>
        %dma_wait3A_191 = arith.constant 0 : i32
        %dma_wait3A_192 = tpu.memref_slice %arg24[%dma_wait3A_191] : memref<10008xf32, #tpu.memory_space<vmem_shared>> -> memref<10000xf32, #tpu.memory_space<vmem_shared>>
        tpu.wait_dma2 semaphore(%run_scoped3A_182 : memref<!tpu.dma_semaphore, #tpu.memory_space<semaphore_mem>>) src(%dma_wait3A_192 : memref<10000xf32, #tpu.memory_space<vmem_shared>>) dst(%dma_wait3A_190 : memref<10000xf32, #tpu.memory_space<hbm>>)
        tpu.yield
      }) : () -> ()
    } else {
    }
    return
  }
}

#map = affine_map<(d0, d1) -> (0, 0, 0)>
#map1 = affine_map<(d0, d1) -> (0, 0)>
module attributes {stable_mosaic.version = 14 : i64} {
  func.func @sc_pass(%arg0: i32, %arg1: i32, %arg2: memref<2x10008x64xf32, #tpu.memory_space<hbm>>, %arg3: memref<16x157x128xi32, #tpu.memory_space<hbm>>, %arg4: memref<16x157x128xi32, #tpu.memory_space<hbm>>, %arg5: memref<10008x64xf32, #tpu.memory_space<hbm>>, %arg6: memref<2x10000x64xf32, #tpu.memory_space<hbm>>, %arg7: memref<157x128xi32, #tpu.memory_space<vmem>>, %arg8: memref<157x128xi32, #tpu.memory_space<vmem>>, %arg9: memref<128x64xf32, #tpu.memory_space<vmem>>, %arg10: memref<128x64xf32, #tpu.memory_space<vmem>>, %arg11: memref<128x64xf32, #tpu.memory_space<vmem>>, %arg12: memref<128x64xf32, #tpu.memory_space<vmem>>, %arg13: memref<10008x64xf32, #tpu.memory_space<vmem_shared>>, %arg14: memref<!tpu.dma_semaphore, #tpu.memory_space<semaphore_mem>>, %arg15: memref<!tpu.dma_semaphore, #tpu.memory_space<semaphore_mem>>, %arg16: memref<!tpu.dma_semaphore, #tpu.memory_space<semaphore_mem>>, %arg17: memref<!tpu.dma_semaphore, #tpu.memory_space<semaphore_mem>>, %arg18: memref<!tpu.dma_semaphore, #tpu.memory_space<semaphore_mem>>, %arg19: memref<!tpu.dma_semaphore, #tpu.memory_space<semaphore_mem>>, %arg20: memref<!tpu.dma_semaphore, #tpu.memory_space<semaphore_mem>>, %arg21: memref<!tpu.dma_semaphore, #tpu.memory_space<semaphore_mem>>) attributes {dimension_semantics = [#tpu.dimension_semantics<core_parallel>, #tpu.dimension_semantics<subcore_parallel>], iteration_bounds = array<i64: 2, 16>, scalar_prefetch = 0 : i64, scratch_operands = 15 : i64, tpu.core_type = #tpu.core_type<sc_vector_subcore>, window_params = [{transform_indices = #map}, {transform_indices = #map}, {transform_indices = #map}, {transform_indices = #map1}, {transform_indices = #map}]} {
    %lt3A = arith.constant 10 : i32
    %lt3A_0 = arith.cmpi slt, %arg1, %lt3A : i32
    %convert_element_type3A = arith.extui %lt3A_0 : i1 to i32
    %cond3A = arith.constant 0 : i32
    %cond3A_1 = arith.cmpi ne, %convert_element_type3A, %cond3A : i32
    scf.if %cond3A_1 {
      %mul3A = arith.constant 1000 : i32
      %mul3A_72 = arith.muli %arg1, %mul3A : i32
      %mul3A_73 = arith.constant 1000 : i32
      %mul3A_74 = arith.muli %arg1, %mul3A_73 : i32
      "tpu.region"() ({
        %run_scoped3A = tpu.sem_alloc : memref<!tpu.dma_semaphore, #tpu.memory_space<semaphore_mem>>
        %dma_start3A_75 = arith.constant 0 : i32
        %dma_start3A_76 = tpu.memref_slice %arg13[%mul3A_74, %dma_start3A_75] : memref<10008x64xf32, #tpu.memory_space<vmem_shared>> -> memref<1000x64xf32, #tpu.memory_space<vmem_shared>>
        %dma_start3A_77 = arith.constant 0 : i32
        %dma_start3A_78 = tpu.memref_slice %arg5[%mul3A_72, %dma_start3A_77] : memref<10008x64xf32, #tpu.memory_space<hbm>> -> memref<1000x64xf32, #tpu.memory_space<hbm>>
        tpu.enqueue_dma source(%dma_start3A_78 : memref<1000x64xf32, #tpu.memory_space<hbm>>) target(%dma_start3A_76 : memref<1000x64xf32, #tpu.memory_space<vmem_shared>>) target_semaphore(%run_scoped3A : memref<!tpu.dma_semaphore, #tpu.memory_space<semaphore_mem>>)
        %dma_wait3A_79 = arith.constant 0 : i32
        %dma_wait3A_80 = tpu.memref_slice %arg13[%mul3A_74, %dma_wait3A_79] : memref<10008x64xf32, #tpu.memory_space<vmem_shared>> -> memref<1000x64xf32, #tpu.memory_space<vmem_shared>>
        %dma_wait3A_81 = arith.constant 0 : i32
        %dma_wait3A_82 = tpu.memref_slice %arg5[%mul3A_72, %dma_wait3A_81] : memref<10008x64xf32, #tpu.memory_space<hbm>> -> memref<1000x64xf32, #tpu.memory_space<hbm>>
        tpu.wait_dma2 semaphore(%run_scoped3A : memref<!tpu.dma_semaphore, #tpu.memory_space<semaphore_mem>>) src(%dma_wait3A_82 : memref<1000x64xf32, #tpu.memory_space<hbm>>) dst(%dma_wait3A_80 : memref<1000x64xf32, #tpu.memory_space<vmem_shared>>)
        tpu.yield
      }) : () -> ()
    } else {
    }
    "tpu.region"() ({
      %run_scoped3A = tpu.sem_alloc : memref<!tpu.dma_semaphore, #tpu.memory_space<semaphore_mem>>
      %dma_start3A_72 = arith.constant 0 : i32
      %dma_start3A_73 = arith.constant 0 : i32
      %dma_start3A_74 = tpu.memref_slice %arg3[%arg1, %dma_start3A_72, %dma_start3A_73] : memref<16x157x128xi32, #tpu.memory_space<hbm>> -> memref<1x157x128xi32, #tpu.memory_space<hbm>>
      %dma_start3A_75 = tpu.memref_squeeze %dma_start3A_74 : memref<1x157x128xi32, #tpu.memory_space<hbm>> -> memref<157x128xi32, #tpu.memory_space<hbm>>
      %dma_start3A_76 = arith.constant 0 : i32
      %dma_start3A_77 = arith.constant 0 : i32
      %dma_start3A_78 = tpu.memref_slice %arg3[%arg1, %dma_start3A_76, %dma_start3A_77] : memref<16x157x128xi32, #tpu.memory_space<hbm>> -> memref<1x157x128xi32, #tpu.memory_space<hbm>>
      %dma_start3A_79 = tpu.memref_squeeze %dma_start3A_78 : memref<1x157x128xi32, #tpu.memory_space<hbm>> -> memref<157x128xi32, #tpu.memory_space<hbm>>
      tpu.enqueue_dma source(%dma_start3A_79 : memref<157x128xi32, #tpu.memory_space<hbm>>) target(%arg7 : memref<157x128xi32, #tpu.memory_space<vmem>>) target_semaphore(%run_scoped3A : memref<!tpu.dma_semaphore, #tpu.memory_space<semaphore_mem>>)
      %dma_wait3A_80 = arith.constant 0 : i32
      %dma_wait3A_81 = arith.constant 0 : i32
      %dma_wait3A_82 = tpu.memref_slice %arg3[%arg1, %dma_wait3A_80, %dma_wait3A_81] : memref<16x157x128xi32, #tpu.memory_space<hbm>> -> memref<1x157x128xi32, #tpu.memory_space<hbm>>
      %dma_wait3A_83 = tpu.memref_squeeze %dma_wait3A_82 : memref<1x157x128xi32, #tpu.memory_space<hbm>> -> memref<157x128xi32, #tpu.memory_space<hbm>>
      %dma_wait3A_84 = arith.constant 0 : i32
      %dma_wait3A_85 = arith.constant 0 : i32
      %dma_wait3A_86 = tpu.memref_slice %arg3[%arg1, %dma_wait3A_84, %dma_wait3A_85] : memref<16x157x128xi32, #tpu.memory_space<hbm>> -> memref<1x157x128xi32, #tpu.memory_space<hbm>>
      %dma_wait3A_87 = tpu.memref_squeeze %dma_wait3A_86 : memref<1x157x128xi32, #tpu.memory_space<hbm>> -> memref<157x128xi32, #tpu.memory_space<hbm>>
      tpu.wait_dma2 semaphore(%run_scoped3A : memref<!tpu.dma_semaphore, #tpu.memory_space<semaphore_mem>>) src(%dma_wait3A_87 : memref<157x128xi32, #tpu.memory_space<hbm>>) dst(%arg7 : memref<157x128xi32, #tpu.memory_space<vmem>>)
      tpu.yield
    }) : () -> ()
    "tpu.region"() ({
      %run_scoped3A = tpu.sem_alloc : memref<!tpu.dma_semaphore, #tpu.memory_space<semaphore_mem>>
      %dma_start3A_72 = arith.constant 0 : i32
      %dma_start3A_73 = arith.constant 0 : i32
      %dma_start3A_74 = tpu.memref_slice %arg4[%arg1, %dma_start3A_72, %dma_start3A_73] : memref<16x157x128xi32, #tpu.memory_space<hbm>> -> memref<1x157x128xi32, #tpu.memory_space<hbm>>
      %dma_start3A_75 = tpu.memref_squeeze %dma_start3A_74 : memref<1x157x128xi32, #tpu.memory_space<hbm>> -> memref<157x128xi32, #tpu.memory_space<hbm>>
      %dma_start3A_76 = arith.constant 0 : i32
      %dma_start3A_77 = arith.constant 0 : i32
      %dma_start3A_78 = tpu.memref_slice %arg4[%arg1, %dma_start3A_76, %dma_start3A_77] : memref<16x157x128xi32, #tpu.memory_space<hbm>> -> memref<1x157x128xi32, #tpu.memory_space<hbm>>
      %dma_start3A_79 = tpu.memref_squeeze %dma_start3A_78 : memref<1x157x128xi32, #tpu.memory_space<hbm>> -> memref<157x128xi32, #tpu.memory_space<hbm>>
      tpu.enqueue_dma source(%dma_start3A_79 : memref<157x128xi32, #tpu.memory_space<hbm>>) target(%arg8 : memref<157x128xi32, #tpu.memory_space<vmem>>) target_semaphore(%run_scoped3A : memref<!tpu.dma_semaphore, #tpu.memory_space<semaphore_mem>>)
      %dma_wait3A_80 = arith.constant 0 : i32
      %dma_wait3A_81 = arith.constant 0 : i32
      %dma_wait3A_82 = tpu.memref_slice %arg4[%arg1, %dma_wait3A_80, %dma_wait3A_81] : memref<16x157x128xi32, #tpu.memory_space<hbm>> -> memref<1x157x128xi32, #tpu.memory_space<hbm>>
      %dma_wait3A_83 = tpu.memref_squeeze %dma_wait3A_82 : memref<1x157x128xi32, #tpu.memory_space<hbm>> -> memref<157x128xi32, #tpu.memory_space<hbm>>
      %dma_wait3A_84 = arith.constant 0 : i32
      %dma_wait3A_85 = arith.constant 0 : i32
      %dma_wait3A_86 = tpu.memref_slice %arg4[%arg1, %dma_wait3A_84, %dma_wait3A_85] : memref<16x157x128xi32, #tpu.memory_space<hbm>> -> memref<1x157x128xi32, #tpu.memory_space<hbm>>
      %dma_wait3A_87 = tpu.memref_squeeze %dma_wait3A_86 : memref<1x157x128xi32, #tpu.memory_space<hbm>> -> memref<157x128xi32, #tpu.memory_space<hbm>>
      tpu.wait_dma2 semaphore(%run_scoped3A : memref<!tpu.dma_semaphore, #tpu.memory_space<semaphore_mem>>) src(%dma_wait3A_87 : memref<157x128xi32, #tpu.memory_space<hbm>>) dst(%arg8 : memref<157x128xi32, #tpu.memory_space<vmem>>)
      tpu.yield
    }) : () -> ()
    %barrier3A = arith.constant 0 : index
    tpu.barrier barrier_id(%barrier3A)
    %dma_start3A = arith.constant 0 : i32
    %dma_start3A_2 = arith.constant 0 : i32
    %dma_start3A_3 = tpu.memref_slice %arg7[%dma_start3A, %dma_start3A_2] : memref<157x128xi32, #tpu.memory_space<vmem>> -> memref<1x128xi32, #tpu.memory_space<vmem>>
    %dma_start3A_4 = tpu.memref_squeeze %dma_start3A_3 : memref<1x128xi32, #tpu.memory_space<vmem>> -> memref<128xi32, #tpu.memory_space<vmem>>
    %dma_start3A_5 = arith.constant 0 : i32
    %dma_start3A_6 = arith.constant 0 : i32
    %dma_start3A_7 = tpu.memref_slice %arg2[%arg0, %dma_start3A_5, %dma_start3A_6] : memref<2x10008x64xf32, #tpu.memory_space<hbm>> -> memref<1x10008x64xf32, #tpu.memory_space<hbm>>
    %dma_start3A_8 = tpu.memref_squeeze %dma_start3A_7 : memref<1x10008x64xf32, #tpu.memory_space<hbm>> -> memref<10008x64xf32, #tpu.memory_space<hbm>>
    %dma_start3A_9 = arith.constant 0 : i32
    %dma_start3A_10 = arith.constant 0 : i32
    %dma_start3A_11 = tpu.memref_slice %dma_start3A_8[%dma_start3A_9, %dma_start3A_10] : memref<10008x64xf32, #tpu.memory_space<hbm>> -> memref<10008x64xf32, #tpu.memory_space<hbm>>
    tpu.enqueue_indirect_dma source(%dma_start3A_11 : memref<10008x64xf32, #tpu.memory_space<hbm>>) target(%arg9 : memref<128x64xf32, #tpu.memory_space<vmem>>) offsets(%dma_start3A_4 : memref<128xi32, #tpu.memory_space<vmem>>) semaphore(%arg14 : memref<!tpu.dma_semaphore, #tpu.memory_space<semaphore_mem>>)
    %dma_start3A_12 = arith.constant 1 : i32
    %dma_start3A_13 = arith.constant 0 : i32
    %dma_start3A_14 = tpu.memref_slice %arg7[%dma_start3A_12, %dma_start3A_13] : memref<157x128xi32, #tpu.memory_space<vmem>> -> memref<1x128xi32, #tpu.memory_space<vmem>>
    %dma_start3A_15 = tpu.memref_squeeze %dma_start3A_14 : memref<1x128xi32, #tpu.memory_space<vmem>> -> memref<128xi32, #tpu.memory_space<vmem>>
    %dma_start3A_16 = arith.constant 0 : i32
    %dma_start3A_17 = arith.constant 0 : i32
    %dma_start3A_18 = tpu.memref_slice %arg2[%arg0, %dma_start3A_16, %dma_start3A_17] : memref<2x10008x64xf32, #tpu.memory_space<hbm>> -> memref<1x10008x64xf32, #tpu.memory_space<hbm>>
    %dma_start3A_19 = tpu.memref_squeeze %dma_start3A_18 : memref<1x10008x64xf32, #tpu.memory_space<hbm>> -> memref<10008x64xf32, #tpu.memory_space<hbm>>
    %dma_start3A_20 = arith.constant 0 : i32
    %dma_start3A_21 = arith.constant 0 : i32
    %dma_start3A_22 = tpu.memref_slice %dma_start3A_19[%dma_start3A_20, %dma_start3A_21] : memref<10008x64xf32, #tpu.memory_space<hbm>> -> memref<10008x64xf32, #tpu.memory_space<hbm>>
    tpu.enqueue_indirect_dma source(%dma_start3A_22 : memref<10008x64xf32, #tpu.memory_space<hbm>>) target(%arg10 : memref<128x64xf32, #tpu.memory_space<vmem>>) offsets(%dma_start3A_15 : memref<128xi32, #tpu.memory_space<vmem>>) semaphore(%arg15 : memref<!tpu.dma_semaphore, #tpu.memory_space<semaphore_mem>>)
    %scan3A = arith.constant 0 : i32
    %scan3A_23 = arith.constant 0 : i32
    %scan3A_24 = arith.constant 39 : i32
    %scan3A_25 = arith.addi %scan3A_23, %scan3A_24 : i32
    %scan3A_26 = arith.constant 1 : i32
    scf.for %scan3A_72 = %scan3A_23 to %scan3A_25 step %scan3A_26  : i32 {
      %mul3A = arith.constant 4 : i32
      %mul3A_73 = arith.muli %mul3A, %scan3A_72 : i32
      %add3A = arith.constant 0 : i32
      %add3A_74 = arith.addi %mul3A_73, %add3A : i32
      %ge3A = arith.constant 1 : i32
      %ge3A_75 = arith.cmpi sge, %scan3A_72, %ge3A : i32
      %convert_element_type3A_76 = arith.extui %ge3A_75 : i1 to i32
      %cond3A_77 = arith.constant 0 : i32
      %cond3A_78 = arith.cmpi ne, %convert_element_type3A_76, %cond3A_77 : i32
      scf.if %cond3A_78 {
        %sub3A_218 = arith.constant 2 : i32
        %sub3A_219 = arith.subi %add3A_74, %sub3A_218 : i32
        %dma_wait3A_220 = arith.constant 0 : i32
        %dma_wait3A_221 = tpu.memref_slice %arg8[%sub3A_219, %dma_wait3A_220] : memref<157x128xi32, #tpu.memory_space<vmem>> -> memref<1x128xi32, #tpu.memory_space<vmem>>
        %dma_wait3A_222 = tpu.memref_squeeze %dma_wait3A_221 : memref<1x128xi32, #tpu.memory_space<vmem>> -> memref<128xi32, #tpu.memory_space<vmem>>
        %dma_wait3A_223 = arith.constant 0 : i32
        %dma_wait3A_224 = arith.constant 0 : i32
        %dma_wait3A_225 = tpu.memref_slice %arg13[%dma_wait3A_223, %dma_wait3A_224] : memref<10008x64xf32, #tpu.memory_space<vmem_shared>> -> memref<10008x64xf32, #tpu.memory_space<vmem_shared>>
        tpu.wait_indirect_dma semaphore(%arg20 : memref<!tpu.dma_semaphore, #tpu.memory_space<semaphore_mem>>) src(%arg11 : memref<128x64xf32, #tpu.memory_space<vmem>>) dst(%dma_wait3A_225 : memref<10008x64xf32, #tpu.memory_space<vmem_shared>>)
      } else {
      }
      %add3A_79 = arith.constant 2 : i32
      %add3A_80 = arith.addi %add3A_74, %add3A_79 : i32
      %dma_start3A_81 = arith.constant 0 : i32
      %dma_start3A_82 = tpu.memref_slice %arg7[%add3A_80, %dma_start3A_81] : memref<157x128xi32, #tpu.memory_space<vmem>> -> memref<1x128xi32, #tpu.memory_space<vmem>>
      %dma_start3A_83 = tpu.memref_squeeze %dma_start3A_82 : memref<1x128xi32, #tpu.memory_space<vmem>> -> memref<128xi32, #tpu.memory_space<vmem>>
      %dma_start3A_84 = arith.constant 0 : i32
      %dma_start3A_85 = arith.constant 0 : i32
      %dma_start3A_86 = tpu.memref_slice %arg2[%arg0, %dma_start3A_84, %dma_start3A_85] : memref<2x10008x64xf32, #tpu.memory_space<hbm>> -> memref<1x10008x64xf32, #tpu.memory_space<hbm>>
      %dma_start3A_87 = tpu.memref_squeeze %dma_start3A_86 : memref<1x10008x64xf32, #tpu.memory_space<hbm>> -> memref<10008x64xf32, #tpu.memory_space<hbm>>
      %dma_start3A_88 = arith.constant 0 : i32
      %dma_start3A_89 = arith.constant 0 : i32
      %dma_start3A_90 = tpu.memref_slice %dma_start3A_87[%dma_start3A_88, %dma_start3A_89] : memref<10008x64xf32, #tpu.memory_space<hbm>> -> memref<10008x64xf32, #tpu.memory_space<hbm>>
      tpu.enqueue_indirect_dma source(%dma_start3A_90 : memref<10008x64xf32, #tpu.memory_space<hbm>>) target(%arg11 : memref<128x64xf32, #tpu.memory_space<vmem>>) offsets(%dma_start3A_83 : memref<128xi32, #tpu.memory_space<vmem>>) semaphore(%arg16 : memref<!tpu.dma_semaphore, #tpu.memory_space<semaphore_mem>>)
      %dma_wait3A_91 = arith.constant 0 : i32
      %dma_wait3A_92 = tpu.memref_slice %arg7[%add3A_74, %dma_wait3A_91] : memref<157x128xi32, #tpu.memory_space<vmem>> -> memref<1x128xi32, #tpu.memory_space<vmem>>
      %dma_wait3A_93 = tpu.memref_squeeze %dma_wait3A_92 : memref<1x128xi32, #tpu.memory_space<vmem>> -> memref<128xi32, #tpu.memory_space<vmem>>
      %dma_wait3A_94 = arith.constant 0 : i32
      %dma_wait3A_95 = arith.constant 0 : i32
      %dma_wait3A_96 = tpu.memref_slice %arg2[%arg0, %dma_wait3A_94, %dma_wait3A_95] : memref<2x10008x64xf32, #tpu.memory_space<hbm>> -> memref<1x10008x64xf32, #tpu.memory_space<hbm>>
      %dma_wait3A_97 = tpu.memref_squeeze %dma_wait3A_96 : memref<1x10008x64xf32, #tpu.memory_space<hbm>> -> memref<10008x64xf32, #tpu.memory_space<hbm>>
      %dma_wait3A_98 = arith.constant 0 : i32
      %dma_wait3A_99 = arith.constant 0 : i32
      %dma_wait3A_100 = tpu.memref_slice %dma_wait3A_97[%dma_wait3A_98, %dma_wait3A_99] : memref<10008x64xf32, #tpu.memory_space<hbm>> -> memref<10008x64xf32, #tpu.memory_space<hbm>>
      tpu.wait_indirect_dma semaphore(%arg14 : memref<!tpu.dma_semaphore, #tpu.memory_space<semaphore_mem>>) src(%dma_wait3A_100 : memref<10008x64xf32, #tpu.memory_space<hbm>>) dst(%arg9 : memref<128x64xf32, #tpu.memory_space<vmem>>)
      %dma_start3A_101 = arith.constant 0 : i32
      %dma_start3A_102 = tpu.memref_slice %arg8[%add3A_74, %dma_start3A_101] : memref<157x128xi32, #tpu.memory_space<vmem>> -> memref<1x128xi32, #tpu.memory_space<vmem>>
      %dma_start3A_103 = tpu.memref_squeeze %dma_start3A_102 : memref<1x128xi32, #tpu.memory_space<vmem>> -> memref<128xi32, #tpu.memory_space<vmem>>
      %dma_start3A_104 = arith.constant 0 : i32
      %dma_start3A_105 = arith.constant 0 : i32
      %dma_start3A_106 = tpu.memref_slice %arg13[%dma_start3A_104, %dma_start3A_105] : memref<10008x64xf32, #tpu.memory_space<vmem_shared>> -> memref<10008x64xf32, #tpu.memory_space<vmem_shared>>
      tpu.enqueue_indirect_dma source(%arg9 : memref<128x64xf32, #tpu.memory_space<vmem>>) target(%dma_start3A_106 : memref<10008x64xf32, #tpu.memory_space<vmem_shared>>) offsets(%dma_start3A_103 : memref<128xi32, #tpu.memory_space<vmem>>) semaphore(%arg18 : memref<!tpu.dma_semaphore, #tpu.memory_space<semaphore_mem>>) {add = true}
      %mul3A_107 = arith.constant 4 : i32
      %mul3A_108 = arith.muli %mul3A_107, %scan3A_72 : i32
      %add3A_109 = arith.constant 1 : i32
      %add3A_110 = arith.addi %mul3A_108, %add3A_109 : i32
      %ge3A_111 = arith.constant 1 : i32
      %ge3A_112 = arith.cmpi sge, %scan3A_72, %ge3A_111 : i32
      %convert_element_type3A_113 = arith.extui %ge3A_112 : i1 to i32
      %cond3A_114 = arith.constant 0 : i32
      %cond3A_115 = arith.cmpi ne, %convert_element_type3A_113, %cond3A_114 : i32
      scf.if %cond3A_115 {
        %sub3A_218 = arith.constant 2 : i32
        %sub3A_219 = arith.subi %add3A_110, %sub3A_218 : i32
        %dma_wait3A_220 = arith.constant 0 : i32
        %dma_wait3A_221 = tpu.memref_slice %arg8[%sub3A_219, %dma_wait3A_220] : memref<157x128xi32, #tpu.memory_space<vmem>> -> memref<1x128xi32, #tpu.memory_space<vmem>>
        %dma_wait3A_222 = tpu.memref_squeeze %dma_wait3A_221 : memref<1x128xi32, #tpu.memory_space<vmem>> -> memref<128xi32, #tpu.memory_space<vmem>>
        %dma_wait3A_223 = arith.constant 0 : i32
        %dma_wait3A_224 = arith.constant 0 : i32
        %dma_wait3A_225 = tpu.memref_slice %arg13[%dma_wait3A_223, %dma_wait3A_224] : memref<10008x64xf32, #tpu.memory_space<vmem_shared>> -> memref<10008x64xf32, #tpu.memory_space<vmem_shared>>
        tpu.wait_indirect_dma semaphore(%arg21 : memref<!tpu.dma_semaphore, #tpu.memory_space<semaphore_mem>>) src(%arg12 : memref<128x64xf32, #tpu.memory_space<vmem>>) dst(%dma_wait3A_225 : memref<10008x64xf32, #tpu.memory_space<vmem_shared>>)
      } else {
      }
      %add3A_116 = arith.constant 2 : i32
      %add3A_117 = arith.addi %add3A_110, %add3A_116 : i32
      %dma_start3A_118 = arith.constant 0 : i32
      %dma_start3A_119 = tpu.memref_slice %arg7[%add3A_117, %dma_start3A_118] : memref<157x128xi32, #tpu.memory_space<vmem>> -> memref<1x128xi32, #tpu.memory_space<vmem>>
      %dma_start3A_120 = tpu.memref_squeeze %dma_start3A_119 : memref<1x128xi32, #tpu.memory_space<vmem>> -> memref<128xi32, #tpu.memory_space<vmem>>
      %dma_start3A_121 = arith.constant 0 : i32
      %dma_start3A_122 = arith.constant 0 : i32
      %dma_start3A_123 = tpu.memref_slice %arg2[%arg0, %dma_start3A_121, %dma_start3A_122] : memref<2x10008x64xf32, #tpu.memory_space<hbm>> -> memref<1x10008x64xf32, #tpu.memory_space<hbm>>
      %dma_start3A_124 = tpu.memref_squeeze %dma_start3A_123 : memref<1x10008x64xf32, #tpu.memory_space<hbm>> -> memref<10008x64xf32, #tpu.memory_space<hbm>>
      %dma_start3A_125 = arith.constant 0 : i32
      %dma_start3A_126 = arith.constant 0 : i32
      %dma_start3A_127 = tpu.memref_slice %dma_start3A_124[%dma_start3A_125, %dma_start3A_126] : memref<10008x64xf32, #tpu.memory_space<hbm>> -> memref<10008x64xf32, #tpu.memory_space<hbm>>
      tpu.enqueue_indirect_dma source(%dma_start3A_127 : memref<10008x64xf32, #tpu.memory_space<hbm>>) target(%arg12 : memref<128x64xf32, #tpu.memory_space<vmem>>) offsets(%dma_start3A_120 : memref<128xi32, #tpu.memory_space<vmem>>) semaphore(%arg17 : memref<!tpu.dma_semaphore, #tpu.memory_space<semaphore_mem>>)
      %dma_wait3A_128 = arith.constant 0 : i32
      %dma_wait3A_129 = tpu.memref_slice %arg7[%add3A_110, %dma_wait3A_128] : memref<157x128xi32, #tpu.memory_space<vmem>> -> memref<1x128xi32, #tpu.memory_space<vmem>>
      %dma_wait3A_130 = tpu.memref_squeeze %dma_wait3A_129 : memref<1x128xi32, #tpu.memory_space<vmem>> -> memref<128xi32, #tpu.memory_space<vmem>>
      %dma_wait3A_131 = arith.constant 0 : i32
      %dma_wait3A_132 = arith.constant 0 : i32
      %dma_wait3A_133 = tpu.memref_slice %arg2[%arg0, %dma_wait3A_131, %dma_wait3A_132] : memref<2x10008x64xf32, #tpu.memory_space<hbm>> -> memref<1x10008x64xf32, #tpu.memory_space<hbm>>
      %dma_wait3A_134 = tpu.memref_squeeze %dma_wait3A_133 : memref<1x10008x64xf32, #tpu.memory_space<hbm>> -> memref<10008x64xf32, #tpu.memory_space<hbm>>
      %dma_wait3A_135 = arith.constant 0 : i32
      %dma_wait3A_136 = arith.constant 0 : i32
      %dma_wait3A_137 = tpu.memref_slice %dma_wait3A_134[%dma_wait3A_135, %dma_wait3A_136] : memref<10008x64xf32, #tpu.memory_space<hbm>> -> memref<10008x64xf32, #tpu.memory_space<hbm>>
      tpu.wait_indirect_dma semaphore(%arg15 : memref<!tpu.dma_semaphore, #tpu.memory_space<semaphore_mem>>) src(%dma_wait3A_137 : memref<10008x64xf32, #tpu.memory_space<hbm>>) dst(%arg10 : memref<128x64xf32, #tpu.memory_space<vmem>>)
      %dma_start3A_138 = arith.constant 0 : i32
      %dma_start3A_139 = tpu.memref_slice %arg8[%add3A_110, %dma_start3A_138] : memref<157x128xi32, #tpu.memory_space<vmem>> -> memref<1x128xi32, #tpu.memory_space<vmem>>
      %dma_start3A_140 = tpu.memref_squeeze %dma_start3A_139 : memref<1x128xi32, #tpu.memory_space<vmem>> -> memref<128xi32, #tpu.memory_space<vmem>>
      %dma_start3A_141 = arith.constant 0 : i32
      %dma_start3A_142 = arith.constant 0 : i32
      %dma_start3A_143 = tpu.memref_slice %arg13[%dma_start3A_141, %dma_start3A_142] : memref<10008x64xf32, #tpu.memory_space<vmem_shared>> -> memref<10008x64xf32, #tpu.memory_space<vmem_shared>>
      tpu.enqueue_indirect_dma source(%arg10 : memref<128x64xf32, #tpu.memory_space<vmem>>) target(%dma_start3A_143 : memref<10008x64xf32, #tpu.memory_space<vmem_shared>>) offsets(%dma_start3A_140 : memref<128xi32, #tpu.memory_space<vmem>>) semaphore(%arg19 : memref<!tpu.dma_semaphore, #tpu.memory_space<semaphore_mem>>) {add = true}
      %mul3A_144 = arith.constant 4 : i32
      %mul3A_145 = arith.muli %mul3A_144, %scan3A_72 : i32
      %add3A_146 = arith.constant 2 : i32
      %add3A_147 = arith.addi %mul3A_145, %add3A_146 : i32
      %sub3A = arith.constant 2 : i32
      %sub3A_148 = arith.subi %add3A_147, %sub3A : i32
      %dma_wait3A_149 = arith.constant 0 : i32
      %dma_wait3A_150 = tpu.memref_slice %arg8[%sub3A_148, %dma_wait3A_149] : memref<157x128xi32, #tpu.memory_space<vmem>> -> memref<1x128xi32, #tpu.memory_space<vmem>>
      %dma_wait3A_151 = tpu.memref_squeeze %dma_wait3A_150 : memref<1x128xi32, #tpu.memory_space<vmem>> -> memref<128xi32, #tpu.memory_space<vmem>>
      %dma_wait3A_152 = arith.constant 0 : i32
      %dma_wait3A_153 = arith.constant 0 : i32
      %dma_wait3A_154 = tpu.memref_slice %arg13[%dma_wait3A_152, %dma_wait3A_153] : memref<10008x64xf32, #tpu.memory_space<vmem_shared>> -> memref<10008x64xf32, #tpu.memory_space<vmem_shared>>
      tpu.wait_indirect_dma semaphore(%arg18 : memref<!tpu.dma_semaphore, #tpu.memory_space<semaphore_mem>>) src(%arg9 : memref<128x64xf32, #tpu.memory_space<vmem>>) dst(%dma_wait3A_154 : memref<10008x64xf32, #tpu.memory_space<vmem_shared>>)
      %add3A_155 = arith.constant 2 : i32
      %add3A_156 = arith.addi %add3A_147, %add3A_155 : i32
      %dma_start3A_157 = arith.constant 0 : i32
      %dma_start3A_158 = tpu.memref_slice %arg7[%add3A_156, %dma_start3A_157] : memref<157x128xi32, #tpu.memory_space<vmem>> -> memref<1x128xi32, #tpu.memory_space<vmem>>
      %dma_start3A_159 = tpu.memref_squeeze %dma_start3A_158 : memref<1x128xi32, #tpu.memory_space<vmem>> -> memref<128xi32, #tpu.memory_space<vmem>>
      %dma_start3A_160 = arith.constant 0 : i32
      %dma_start3A_161 = arith.constant 0 : i32
      %dma_start3A_162 = tpu.memref_slice %arg2[%arg0, %dma_start3A_160, %dma_start3A_161] : memref<2x10008x64xf32, #tpu.memory_space<hbm>> -> memref<1x10008x64xf32, #tpu.memory_space<hbm>>
      %dma_start3A_163 = tpu.memref_squeeze %dma_start3A_162 : memref<1x10008x64xf32, #tpu.memory_space<hbm>> -> memref<10008x64xf32, #tpu.memory_space<hbm>>
      %dma_start3A_164 = arith.constant 0 : i32
      %dma_start3A_165 = arith.constant 0 : i32
      %dma_start3A_166 = tpu.memref_slice %dma_start3A_163[%dma_start3A_164, %dma_start3A_165] : memref<10008x64xf32, #tpu.memory_space<hbm>> -> memref<10008x64xf32, #tpu.memory_space<hbm>>
      tpu.enqueue_indirect_dma source(%dma_start3A_166 : memref<10008x64xf32, #tpu.memory_space<hbm>>) target(%arg9 : memref<128x64xf32, #tpu.memory_space<vmem>>) offsets(%dma_start3A_159 : memref<128xi32, #tpu.memory_space<vmem>>) semaphore(%arg14 : memref<!tpu.dma_semaphore, #tpu.memory_space<semaphore_mem>>)
      %dma_wait3A_167 = arith.constant 0 : i32
      %dma_wait3A_168 = tpu.memref_slice %arg7[%add3A_147, %dma_wait3A_167] : memref<157x128xi32, #tpu.memory_space<vmem>> -> memref<1x128xi32, #tpu.memory_space<vmem>>
      %dma_wait3A_169 = tpu.memref_squeeze %dma_wait3A_168 : memref<1x128xi32, #tpu.memory_space<vmem>> -> memref<128xi32, #tpu.memory_space<vmem>>
      %dma_wait3A_170 = arith.constant 0 : i32
      %dma_wait3A_171 = arith.constant 0 : i32
      %dma_wait3A_172 = tpu.memref_slice %arg2[%arg0, %dma_wait3A_170, %dma_wait3A_171] : memref<2x10008x64xf32, #tpu.memory_space<hbm>> -> memref<1x10008x64xf32, #tpu.memory_space<hbm>>
      %dma_wait3A_173 = tpu.memref_squeeze %dma_wait3A_172 : memref<1x10008x64xf32, #tpu.memory_space<hbm>> -> memref<10008x64xf32, #tpu.memory_space<hbm>>
      %dma_wait3A_174 = arith.constant 0 : i32
      %dma_wait3A_175 = arith.constant 0 : i32
      %dma_wait3A_176 = tpu.memref_slice %dma_wait3A_173[%dma_wait3A_174, %dma_wait3A_175] : memref<10008x64xf32, #tpu.memory_space<hbm>> -> memref<10008x64xf32, #tpu.memory_space<hbm>>
      tpu.wait_indirect_dma semaphore(%arg16 : memref<!tpu.dma_semaphore, #tpu.memory_space<semaphore_mem>>) src(%dma_wait3A_176 : memref<10008x64xf32, #tpu.memory_space<hbm>>) dst(%arg11 : memref<128x64xf32, #tpu.memory_space<vmem>>)
      %dma_start3A_177 = arith.constant 0 : i32
      %dma_start3A_178 = tpu.memref_slice %arg8[%add3A_147, %dma_start3A_177] : memref<157x128xi32, #tpu.memory_space<vmem>> -> memref<1x128xi32, #tpu.memory_space<vmem>>
      %dma_start3A_179 = tpu.memref_squeeze %dma_start3A_178 : memref<1x128xi32, #tpu.memory_space<vmem>> -> memref<128xi32, #tpu.memory_space<vmem>>
      %dma_start3A_180 = arith.constant 0 : i32
      %dma_start3A_181 = arith.constant 0 : i32
      %dma_start3A_182 = tpu.memref_slice %arg13[%dma_start3A_180, %dma_start3A_181] : memref<10008x64xf32, #tpu.memory_space<vmem_shared>> -> memref<10008x64xf32, #tpu.memory_space<vmem_shared>>
      tpu.enqueue_indirect_dma source(%arg11 : memref<128x64xf32, #tpu.memory_space<vmem>>) target(%dma_start3A_182 : memref<10008x64xf32, #tpu.memory_space<vmem_shared>>) offsets(%dma_start3A_179 : memref<128xi32, #tpu.memory_space<vmem>>) semaphore(%arg20 : memref<!tpu.dma_semaphore, #tpu.memory_space<semaphore_mem>>) {add = true}
      %mul3A_183 = arith.constant 4 : i32
      %mul3A_184 = arith.muli %mul3A_183, %scan3A_72 : i32
      %add3A_185 = arith.constant 3 : i32
      %add3A_186 = arith.addi %mul3A_184, %add3A_185 : i32
      %sub3A_187 = arith.constant 2 : i32
      %sub3A_188 = arith.subi %add3A_186, %sub3A_187 : i32
      %dma_wait3A_189 = arith.constant 0 : i32
      %dma_wait3A_190 = tpu.memref_slice %arg8[%sub3A_188, %dma_wait3A_189] : memref<157x128xi32, #tpu.memory_space<vmem>> -> memref<1x128xi32, #tpu.memory_space<vmem>>
      %dma_wait3A_191 = tpu.memref_squeeze %dma_wait3A_190 : memref<1x128xi32, #tpu.memory_space<vmem>> -> memref<128xi32, #tpu.memory_space<vmem>>
      %dma_wait3A_192 = arith.constant 0 : i32
      %dma_wait3A_193 = arith.constant 0 : i32
      %dma_wait3A_194 = tpu.memref_slice %arg13[%dma_wait3A_192, %dma_wait3A_193] : memref<10008x64xf32, #tpu.memory_space<vmem_shared>> -> memref<10008x64xf32, #tpu.memory_space<vmem_shared>>
      tpu.wait_indirect_dma semaphore(%arg19 : memref<!tpu.dma_semaphore, #tpu.memory_space<semaphore_mem>>) src(%arg10 : memref<128x64xf32, #tpu.memory_space<vmem>>) dst(%dma_wait3A_194 : memref<10008x64xf32, #tpu.memory_space<vmem_shared>>)
      %add3A_195 = arith.constant 2 : i32
      %add3A_196 = arith.addi %add3A_186, %add3A_195 : i32
      %lt3A_197 = arith.constant 157 : i32
      %lt3A_198 = arith.cmpi slt, %add3A_196, %lt3A_197 : i32
      %convert_element_type3A_199 = arith.extui %lt3A_198 : i1 to i32
      %cond3A_200 = arith.constant 0 : i32
      %cond3A_201 = arith.cmpi ne, %convert_element_type3A_199, %cond3A_200 : i32
      scf.if %cond3A_201 {
        %add3A_218 = arith.constant 2 : i32
        %add3A_219 = arith.addi %add3A_186, %add3A_218 : i32
        %dma_start3A_220 = arith.constant 0 : i32
        %dma_start3A_221 = tpu.memref_slice %arg7[%add3A_219, %dma_start3A_220] : memref<157x128xi32, #tpu.memory_space<vmem>> -> memref<1x128xi32, #tpu.memory_space<vmem>>
        %dma_start3A_222 = tpu.memref_squeeze %dma_start3A_221 : memref<1x128xi32, #tpu.memory_space<vmem>> -> memref<128xi32, #tpu.memory_space<vmem>>
        %dma_start3A_223 = arith.constant 0 : i32
        %dma_start3A_224 = arith.constant 0 : i32
        %dma_start3A_225 = tpu.memref_slice %arg2[%arg0, %dma_start3A_223, %dma_start3A_224] : memref<2x10008x64xf32, #tpu.memory_space<hbm>> -> memref<1x10008x64xf32, #tpu.memory_space<hbm>>
        %dma_start3A_226 = tpu.memref_squeeze %dma_start3A_225 : memref<1x10008x64xf32, #tpu.memory_space<hbm>> -> memref<10008x64xf32, #tpu.memory_space<hbm>>
        %dma_start3A_227 = arith.constant 0 : i32
        %dma_start3A_228 = arith.constant 0 : i32
        %dma_start3A_229 = tpu.memref_slice %dma_start3A_226[%dma_start3A_227, %dma_start3A_228] : memref<10008x64xf32, #tpu.memory_space<hbm>> -> memref<10008x64xf32, #tpu.memory_space<hbm>>
        tpu.enqueue_indirect_dma source(%dma_start3A_229 : memref<10008x64xf32, #tpu.memory_space<hbm>>) target(%arg10 : memref<128x64xf32, #tpu.memory_space<vmem>>) offsets(%dma_start3A_222 : memref<128xi32, #tpu.memory_space<vmem>>) semaphore(%arg15 : memref<!tpu.dma_semaphore, #tpu.memory_space<semaphore_mem>>)
      } else {
      }
      %dma_wait3A_202 = arith.constant 0 : i32
      %dma_wait3A_203 = tpu.memref_slice %arg7[%add3A_186, %dma_wait3A_202] : memref<157x128xi32, #tpu.memory_space<vmem>> -> memref<1x128xi32, #tpu.memory_space<vmem>>
      %dma_wait3A_204 = tpu.memref_squeeze %dma_wait3A_203 : memref<1x128xi32, #tpu.memory_space<vmem>> -> memref<128xi32, #tpu.memory_space<vmem>>
      %dma_wait3A_205 = arith.constant 0 : i32
      %dma_wait3A_206 = arith.constant 0 : i32
      %dma_wait3A_207 = tpu.memref_slice %arg2[%arg0, %dma_wait3A_205, %dma_wait3A_206] : memref<2x10008x64xf32, #tpu.memory_space<hbm>> -> memref<1x10008x64xf32, #tpu.memory_space<hbm>>
      %dma_wait3A_208 = tpu.memref_squeeze %dma_wait3A_207 : memref<1x10008x64xf32, #tpu.memory_space<hbm>> -> memref<10008x64xf32, #tpu.memory_space<hbm>>
      %dma_wait3A_209 = arith.constant 0 : i32
      %dma_wait3A_210 = arith.constant 0 : i32
      %dma_wait3A_211 = tpu.memref_slice %dma_wait3A_208[%dma_wait3A_209, %dma_wait3A_210] : memref<10008x64xf32, #tpu.memory_space<hbm>> -> memref<10008x64xf32, #tpu.memory_space<hbm>>
      tpu.wait_indirect_dma semaphore(%arg17 : memref<!tpu.dma_semaphore, #tpu.memory_space<semaphore_mem>>) src(%dma_wait3A_211 : memref<10008x64xf32, #tpu.memory_space<hbm>>) dst(%arg12 : memref<128x64xf32, #tpu.memory_space<vmem>>)
      %dma_start3A_212 = arith.constant 0 : i32
      %dma_start3A_213 = tpu.memref_slice %arg8[%add3A_186, %dma_start3A_212] : memref<157x128xi32, #tpu.memory_space<vmem>> -> memref<1x128xi32, #tpu.memory_space<vmem>>
      %dma_start3A_214 = tpu.memref_squeeze %dma_start3A_213 : memref<1x128xi32, #tpu.memory_space<vmem>> -> memref<128xi32, #tpu.memory_space<vmem>>
      %dma_start3A_215 = arith.constant 0 : i32
      %dma_start3A_216 = arith.constant 0 : i32
      %dma_start3A_217 = tpu.memref_slice %arg13[%dma_start3A_215, %dma_start3A_216] : memref<10008x64xf32, #tpu.memory_space<vmem_shared>> -> memref<10008x64xf32, #tpu.memory_space<vmem_shared>>
      tpu.enqueue_indirect_dma source(%arg12 : memref<128x64xf32, #tpu.memory_space<vmem>>) target(%dma_start3A_217 : memref<10008x64xf32, #tpu.memory_space<vmem_shared>>) offsets(%dma_start3A_214 : memref<128xi32, #tpu.memory_space<vmem>>) semaphore(%arg21 : memref<!tpu.dma_semaphore, #tpu.memory_space<semaphore_mem>>) {add = true}
    }
    %scan3A_27 = arith.constant 39 : i32
    %dma_wait3A = arith.constant 156 : i32
    %dma_wait3A_28 = arith.constant 0 : i32
    %dma_wait3A_29 = tpu.memref_slice %arg7[%dma_wait3A, %dma_wait3A_28] : memref<157x128xi32, #tpu.memory_space<vmem>> -> memref<1x128xi32, #tpu.memory_space<vmem>>
    %dma_wait3A_30 = tpu.memref_squeeze %dma_wait3A_29 : memref<1x128xi32, #tpu.memory_space<vmem>> -> memref<128xi32, #tpu.memory_space<vmem>>
    %dma_wait3A_31 = arith.constant 0 : i32
    %dma_wait3A_32 = arith.constant 0 : i32
    %dma_wait3A_33 = tpu.memref_slice %arg2[%arg0, %dma_wait3A_31, %dma_wait3A_32] : memref<2x10008x64xf32, #tpu.memory_space<hbm>> -> memref<1x10008x64xf32, #tpu.memory_space<hbm>>
    %dma_wait3A_34 = tpu.memref_squeeze %dma_wait3A_33 : memref<1x10008x64xf32, #tpu.memory_space<hbm>> -> memref<10008x64xf32, #tpu.memory_space<hbm>>
    %dma_wait3A_35 = arith.constant 0 : i32
    %dma_wait3A_36 = arith.constant 0 : i32
    %dma_wait3A_37 = tpu.memref_slice %dma_wait3A_34[%dma_wait3A_35, %dma_wait3A_36] : memref<10008x64xf32, #tpu.memory_space<hbm>> -> memref<10008x64xf32, #tpu.memory_space<hbm>>
    tpu.wait_indirect_dma semaphore(%arg14 : memref<!tpu.dma_semaphore, #tpu.memory_space<semaphore_mem>>) src(%dma_wait3A_37 : memref<10008x64xf32, #tpu.memory_space<hbm>>) dst(%arg9 : memref<128x64xf32, #tpu.memory_space<vmem>>)
    %dma_start3A_38 = arith.constant 156 : i32
    %dma_start3A_39 = arith.constant 0 : i32
    %dma_start3A_40 = tpu.memref_slice %arg8[%dma_start3A_38, %dma_start3A_39] : memref<157x128xi32, #tpu.memory_space<vmem>> -> memref<1x128xi32, #tpu.memory_space<vmem>>
    %dma_start3A_41 = tpu.memref_squeeze %dma_start3A_40 : memref<1x128xi32, #tpu.memory_space<vmem>> -> memref<128xi32, #tpu.memory_space<vmem>>
    %dma_start3A_42 = arith.constant 0 : i32
    %dma_start3A_43 = arith.constant 0 : i32
    %dma_start3A_44 = tpu.memref_slice %arg13[%dma_start3A_42, %dma_start3A_43] : memref<10008x64xf32, #tpu.memory_space<vmem_shared>> -> memref<10008x64xf32, #tpu.memory_space<vmem_shared>>
    tpu.enqueue_indirect_dma source(%arg9 : memref<128x64xf32, #tpu.memory_space<vmem>>) target(%dma_start3A_44 : memref<10008x64xf32, #tpu.memory_space<vmem_shared>>) offsets(%dma_start3A_41 : memref<128xi32, #tpu.memory_space<vmem>>) semaphore(%arg18 : memref<!tpu.dma_semaphore, #tpu.memory_space<semaphore_mem>>) {add = true}
    %dma_wait3A_45 = arith.constant 154 : i32
    %dma_wait3A_46 = arith.constant 0 : i32
    %dma_wait3A_47 = tpu.memref_slice %arg8[%dma_wait3A_45, %dma_wait3A_46] : memref<157x128xi32, #tpu.memory_space<vmem>> -> memref<1x128xi32, #tpu.memory_space<vmem>>
    %dma_wait3A_48 = tpu.memref_squeeze %dma_wait3A_47 : memref<1x128xi32, #tpu.memory_space<vmem>> -> memref<128xi32, #tpu.memory_space<vmem>>
    %dma_wait3A_49 = arith.constant 0 : i32
    %dma_wait3A_50 = arith.constant 0 : i32
    %dma_wait3A_51 = tpu.memref_slice %arg13[%dma_wait3A_49, %dma_wait3A_50] : memref<10008x64xf32, #tpu.memory_space<vmem_shared>> -> memref<10008x64xf32, #tpu.memory_space<vmem_shared>>
    tpu.wait_indirect_dma semaphore(%arg20 : memref<!tpu.dma_semaphore, #tpu.memory_space<semaphore_mem>>) src(%arg11 : memref<128x64xf32, #tpu.memory_space<vmem>>) dst(%dma_wait3A_51 : memref<10008x64xf32, #tpu.memory_space<vmem_shared>>)
    %dma_wait3A_52 = arith.constant 155 : i32
    %dma_wait3A_53 = arith.constant 0 : i32
    %dma_wait3A_54 = tpu.memref_slice %arg8[%dma_wait3A_52, %dma_wait3A_53] : memref<157x128xi32, #tpu.memory_space<vmem>> -> memref<1x128xi32, #tpu.memory_space<vmem>>
    %dma_wait3A_55 = tpu.memref_squeeze %dma_wait3A_54 : memref<1x128xi32, #tpu.memory_space<vmem>> -> memref<128xi32, #tpu.memory_space<vmem>>
    %dma_wait3A_56 = arith.constant 0 : i32
    %dma_wait3A_57 = arith.constant 0 : i32
    %dma_wait3A_58 = tpu.memref_slice %arg13[%dma_wait3A_56, %dma_wait3A_57] : memref<10008x64xf32, #tpu.memory_space<vmem_shared>> -> memref<10008x64xf32, #tpu.memory_space<vmem_shared>>
    tpu.wait_indirect_dma semaphore(%arg21 : memref<!tpu.dma_semaphore, #tpu.memory_space<semaphore_mem>>) src(%arg12 : memref<128x64xf32, #tpu.memory_space<vmem>>) dst(%dma_wait3A_58 : memref<10008x64xf32, #tpu.memory_space<vmem_shared>>)
    %dma_wait3A_59 = arith.constant 156 : i32
    %dma_wait3A_60 = arith.constant 0 : i32
    %dma_wait3A_61 = tpu.memref_slice %arg8[%dma_wait3A_59, %dma_wait3A_60] : memref<157x128xi32, #tpu.memory_space<vmem>> -> memref<1x128xi32, #tpu.memory_space<vmem>>
    %dma_wait3A_62 = tpu.memref_squeeze %dma_wait3A_61 : memref<1x128xi32, #tpu.memory_space<vmem>> -> memref<128xi32, #tpu.memory_space<vmem>>
    %dma_wait3A_63 = arith.constant 0 : i32
    %dma_wait3A_64 = arith.constant 0 : i32
    %dma_wait3A_65 = tpu.memref_slice %arg13[%dma_wait3A_63, %dma_wait3A_64] : memref<10008x64xf32, #tpu.memory_space<vmem_shared>> -> memref<10008x64xf32, #tpu.memory_space<vmem_shared>>
    tpu.wait_indirect_dma semaphore(%arg18 : memref<!tpu.dma_semaphore, #tpu.memory_space<semaphore_mem>>) src(%arg9 : memref<128x64xf32, #tpu.memory_space<vmem>>) dst(%dma_wait3A_65 : memref<10008x64xf32, #tpu.memory_space<vmem_shared>>)
    %barrier3A_66 = arith.constant 0 : index
    tpu.barrier barrier_id(%barrier3A_66)
    %lt3A_67 = arith.constant 10 : i32
    %lt3A_68 = arith.cmpi slt, %arg1, %lt3A_67 : i32
    %convert_element_type3A_69 = arith.extui %lt3A_68 : i1 to i32
    %cond3A_70 = arith.constant 0 : i32
    %cond3A_71 = arith.cmpi ne, %convert_element_type3A_69, %cond3A_70 : i32
    scf.if %cond3A_71 {
      %mul3A = arith.constant 1000 : i32
      %mul3A_72 = arith.muli %arg1, %mul3A : i32
      %mul3A_73 = arith.constant 1000 : i32
      %mul3A_74 = arith.muli %arg1, %mul3A_73 : i32
      "tpu.region"() ({
        %run_scoped3A = tpu.sem_alloc : memref<!tpu.dma_semaphore, #tpu.memory_space<semaphore_mem>>
        %dma_start3A_75 = arith.constant 0 : i32
        %dma_start3A_76 = tpu.memref_slice %arg6[%arg0, %mul3A_74, %dma_start3A_75] : memref<2x10000x64xf32, #tpu.memory_space<hbm>> -> memref<1x1000x64xf32, #tpu.memory_space<hbm>>
        %dma_start3A_77 = tpu.memref_squeeze %dma_start3A_76 : memref<1x1000x64xf32, #tpu.memory_space<hbm>> -> memref<1000x64xf32, #tpu.memory_space<hbm>>
        %dma_start3A_78 = arith.constant 0 : i32
        %dma_start3A_79 = tpu.memref_slice %arg13[%mul3A_72, %dma_start3A_78] : memref<10008x64xf32, #tpu.memory_space<vmem_shared>> -> memref<1000x64xf32, #tpu.memory_space<vmem_shared>>
        tpu.enqueue_dma source(%dma_start3A_79 : memref<1000x64xf32, #tpu.memory_space<vmem_shared>>) target(%dma_start3A_77 : memref<1000x64xf32, #tpu.memory_space<hbm>>) target_semaphore(%run_scoped3A : memref<!tpu.dma_semaphore, #tpu.memory_space<semaphore_mem>>)
        %dma_wait3A_80 = arith.constant 0 : i32
        %dma_wait3A_81 = tpu.memref_slice %arg6[%arg0, %mul3A_74, %dma_wait3A_80] : memref<2x10000x64xf32, #tpu.memory_space<hbm>> -> memref<1x1000x64xf32, #tpu.memory_space<hbm>>
        %dma_wait3A_82 = tpu.memref_squeeze %dma_wait3A_81 : memref<1x1000x64xf32, #tpu.memory_space<hbm>> -> memref<1000x64xf32, #tpu.memory_space<hbm>>
        %dma_wait3A_83 = arith.constant 0 : i32
        %dma_wait3A_84 = tpu.memref_slice %arg13[%mul3A_72, %dma_wait3A_83] : memref<10008x64xf32, #tpu.memory_space<vmem_shared>> -> memref<1000x64xf32, #tpu.memory_space<vmem_shared>>
        tpu.wait_dma2 semaphore(%run_scoped3A : memref<!tpu.dma_semaphore, #tpu.memory_space<semaphore_mem>>) src(%dma_wait3A_84 : memref<1000x64xf32, #tpu.memory_space<vmem_shared>>) dst(%dma_wait3A_82 : memref<1000x64xf32, #tpu.memory_space<hbm>>)
        tpu.yield
      }) : () -> ()
    } else {
    }
    return
  }
}

#map = affine_map<(d0, d1) -> (0, 0, 0)>
#map1 = affine_map<(d0, d1) -> (0, 0)>
module attributes {stable_mosaic.version = 14 : i64} {
  func.func @sc_pass(%arg0: i32, %arg1: i32, %arg2: memref<2x10008x64xf32, #tpu.memory_space<hbm>>, %arg3: memref<16x157x128xi32, #tpu.memory_space<hbm>>, %arg4: memref<16x157x128xi32, #tpu.memory_space<hbm>>, %arg5: memref<10008x64xf32, #tpu.memory_space<hbm>>, %arg6: memref<2x10000x64xf32, #tpu.memory_space<hbm>>, %arg7: memref<157x128xi32, #tpu.memory_space<vmem>>, %arg8: memref<157x128xi32, #tpu.memory_space<vmem>>, %arg9: memref<128x64xf32, #tpu.memory_space<vmem>>, %arg10: memref<128x64xf32, #tpu.memory_space<vmem>>, %arg11: memref<128x64xf32, #tpu.memory_space<vmem>>, %arg12: memref<128x64xf32, #tpu.memory_space<vmem>>, %arg13: memref<10008x64xf32, #tpu.memory_space<vmem_shared>>, %arg14: memref<!tpu.dma_semaphore, #tpu.memory_space<semaphore_mem>>, %arg15: memref<!tpu.dma_semaphore, #tpu.memory_space<semaphore_mem>>, %arg16: memref<!tpu.dma_semaphore, #tpu.memory_space<semaphore_mem>>, %arg17: memref<!tpu.dma_semaphore, #tpu.memory_space<semaphore_mem>>, %arg18: memref<!tpu.dma_semaphore, #tpu.memory_space<semaphore_mem>>, %arg19: memref<!tpu.dma_semaphore, #tpu.memory_space<semaphore_mem>>, %arg20: memref<!tpu.dma_semaphore, #tpu.memory_space<semaphore_mem>>, %arg21: memref<!tpu.dma_semaphore, #tpu.memory_space<semaphore_mem>>) attributes {dimension_semantics = [#tpu.dimension_semantics<core_parallel>, #tpu.dimension_semantics<subcore_parallel>], iteration_bounds = array<i64: 2, 16>, scalar_prefetch = 0 : i64, scratch_operands = 15 : i64, tpu.core_type = #tpu.core_type<sc_vector_subcore>, window_params = [{transform_indices = #map}, {transform_indices = #map}, {transform_indices = #map}, {transform_indices = #map1}, {transform_indices = #map}]} {
    %lt3A = arith.constant 10 : i32
    %lt3A_0 = arith.cmpi slt, %arg1, %lt3A : i32
    %convert_element_type3A = arith.extui %lt3A_0 : i1 to i32
    %cond3A = arith.constant 0 : i32
    %cond3A_1 = arith.cmpi ne, %convert_element_type3A, %cond3A : i32
    scf.if %cond3A_1 {
      %mul3A = arith.constant 1000 : i32
      %mul3A_72 = arith.muli %arg1, %mul3A : i32
      %mul3A_73 = arith.constant 1000 : i32
      %mul3A_74 = arith.muli %arg1, %mul3A_73 : i32
      "tpu.region"() ({
        %run_scoped3A = tpu.sem_alloc : memref<!tpu.dma_semaphore, #tpu.memory_space<semaphore_mem>>
        %dma_start3A_75 = arith.constant 0 : i32
        %dma_start3A_76 = tpu.memref_slice %arg13[%mul3A_74, %dma_start3A_75] : memref<10008x64xf32, #tpu.memory_space<vmem_shared>> -> memref<1000x64xf32, #tpu.memory_space<vmem_shared>>
        %dma_start3A_77 = arith.constant 0 : i32
        %dma_start3A_78 = tpu.memref_slice %arg5[%mul3A_72, %dma_start3A_77] : memref<10008x64xf32, #tpu.memory_space<hbm>> -> memref<1000x64xf32, #tpu.memory_space<hbm>>
        tpu.enqueue_dma source(%dma_start3A_78 : memref<1000x64xf32, #tpu.memory_space<hbm>>) target(%dma_start3A_76 : memref<1000x64xf32, #tpu.memory_space<vmem_shared>>) target_semaphore(%run_scoped3A : memref<!tpu.dma_semaphore, #tpu.memory_space<semaphore_mem>>)
        %dma_wait3A_79 = arith.constant 0 : i32
        %dma_wait3A_80 = tpu.memref_slice %arg13[%mul3A_74, %dma_wait3A_79] : memref<10008x64xf32, #tpu.memory_space<vmem_shared>> -> memref<1000x64xf32, #tpu.memory_space<vmem_shared>>
        %dma_wait3A_81 = arith.constant 0 : i32
        %dma_wait3A_82 = tpu.memref_slice %arg5[%mul3A_72, %dma_wait3A_81] : memref<10008x64xf32, #tpu.memory_space<hbm>> -> memref<1000x64xf32, #tpu.memory_space<hbm>>
        tpu.wait_dma2 semaphore(%run_scoped3A : memref<!tpu.dma_semaphore, #tpu.memory_space<semaphore_mem>>) src(%dma_wait3A_82 : memref<1000x64xf32, #tpu.memory_space<hbm>>) dst(%dma_wait3A_80 : memref<1000x64xf32, #tpu.memory_space<vmem_shared>>)
        tpu.yield
      }) : () -> ()
    } else {
    }
    "tpu.region"() ({
      %run_scoped3A = tpu.sem_alloc : memref<!tpu.dma_semaphore, #tpu.memory_space<semaphore_mem>>
      %dma_start3A_72 = arith.constant 0 : i32
      %dma_start3A_73 = arith.constant 0 : i32
      %dma_start3A_74 = tpu.memref_slice %arg3[%arg1, %dma_start3A_72, %dma_start3A_73] : memref<16x157x128xi32, #tpu.memory_space<hbm>> -> memref<1x157x128xi32, #tpu.memory_space<hbm>>
      %dma_start3A_75 = tpu.memref_squeeze %dma_start3A_74 : memref<1x157x128xi32, #tpu.memory_space<hbm>> -> memref<157x128xi32, #tpu.memory_space<hbm>>
      %dma_start3A_76 = arith.constant 0 : i32
      %dma_start3A_77 = arith.constant 0 : i32
      %dma_start3A_78 = tpu.memref_slice %arg3[%arg1, %dma_start3A_76, %dma_start3A_77] : memref<16x157x128xi32, #tpu.memory_space<hbm>> -> memref<1x157x128xi32, #tpu.memory_space<hbm>>
      %dma_start3A_79 = tpu.memref_squeeze %dma_start3A_78 : memref<1x157x128xi32, #tpu.memory_space<hbm>> -> memref<157x128xi32, #tpu.memory_space<hbm>>
      tpu.enqueue_dma source(%dma_start3A_79 : memref<157x128xi32, #tpu.memory_space<hbm>>) target(%arg7 : memref<157x128xi32, #tpu.memory_space<vmem>>) target_semaphore(%run_scoped3A : memref<!tpu.dma_semaphore, #tpu.memory_space<semaphore_mem>>)
      %dma_wait3A_80 = arith.constant 0 : i32
      %dma_wait3A_81 = arith.constant 0 : i32
      %dma_wait3A_82 = tpu.memref_slice %arg3[%arg1, %dma_wait3A_80, %dma_wait3A_81] : memref<16x157x128xi32, #tpu.memory_space<hbm>> -> memref<1x157x128xi32, #tpu.memory_space<hbm>>
      %dma_wait3A_83 = tpu.memref_squeeze %dma_wait3A_82 : memref<1x157x128xi32, #tpu.memory_space<hbm>> -> memref<157x128xi32, #tpu.memory_space<hbm>>
      %dma_wait3A_84 = arith.constant 0 : i32
      %dma_wait3A_85 = arith.constant 0 : i32
      %dma_wait3A_86 = tpu.memref_slice %arg3[%arg1, %dma_wait3A_84, %dma_wait3A_85] : memref<16x157x128xi32, #tpu.memory_space<hbm>> -> memref<1x157x128xi32, #tpu.memory_space<hbm>>
      %dma_wait3A_87 = tpu.memref_squeeze %dma_wait3A_86 : memref<1x157x128xi32, #tpu.memory_space<hbm>> -> memref<157x128xi32, #tpu.memory_space<hbm>>
      tpu.wait_dma2 semaphore(%run_scoped3A : memref<!tpu.dma_semaphore, #tpu.memory_space<semaphore_mem>>) src(%dma_wait3A_87 : memref<157x128xi32, #tpu.memory_space<hbm>>) dst(%arg7 : memref<157x128xi32, #tpu.memory_space<vmem>>)
      tpu.yield
    }) : () -> ()
    "tpu.region"() ({
      %run_scoped3A = tpu.sem_alloc : memref<!tpu.dma_semaphore, #tpu.memory_space<semaphore_mem>>
      %dma_start3A_72 = arith.constant 0 : i32
      %dma_start3A_73 = arith.constant 0 : i32
      %dma_start3A_74 = tpu.memref_slice %arg4[%arg1, %dma_start3A_72, %dma_start3A_73] : memref<16x157x128xi32, #tpu.memory_space<hbm>> -> memref<1x157x128xi32, #tpu.memory_space<hbm>>
      %dma_start3A_75 = tpu.memref_squeeze %dma_start3A_74 : memref<1x157x128xi32, #tpu.memory_space<hbm>> -> memref<157x128xi32, #tpu.memory_space<hbm>>
      %dma_start3A_76 = arith.constant 0 : i32
      %dma_start3A_77 = arith.constant 0 : i32
      %dma_start3A_78 = tpu.memref_slice %arg4[%arg1, %dma_start3A_76, %dma_start3A_77] : memref<16x157x128xi32, #tpu.memory_space<hbm>> -> memref<1x157x128xi32, #tpu.memory_space<hbm>>
      %dma_start3A_79 = tpu.memref_squeeze %dma_start3A_78 : memref<1x157x128xi32, #tpu.memory_space<hbm>> -> memref<157x128xi32, #tpu.memory_space<hbm>>
      tpu.enqueue_dma source(%dma_start3A_79 : memref<157x128xi32, #tpu.memory_space<hbm>>) target(%arg8 : memref<157x128xi32, #tpu.memory_space<vmem>>) target_semaphore(%run_scoped3A : memref<!tpu.dma_semaphore, #tpu.memory_space<semaphore_mem>>)
      %dma_wait3A_80 = arith.constant 0 : i32
      %dma_wait3A_81 = arith.constant 0 : i32
      %dma_wait3A_82 = tpu.memref_slice %arg4[%arg1, %dma_wait3A_80, %dma_wait3A_81] : memref<16x157x128xi32, #tpu.memory_space<hbm>> -> memref<1x157x128xi32, #tpu.memory_space<hbm>>
      %dma_wait3A_83 = tpu.memref_squeeze %dma_wait3A_82 : memref<1x157x128xi32, #tpu.memory_space<hbm>> -> memref<157x128xi32, #tpu.memory_space<hbm>>
      %dma_wait3A_84 = arith.constant 0 : i32
      %dma_wait3A_85 = arith.constant 0 : i32
      %dma_wait3A_86 = tpu.memref_slice %arg4[%arg1, %dma_wait3A_84, %dma_wait3A_85] : memref<16x157x128xi32, #tpu.memory_space<hbm>> -> memref<1x157x128xi32, #tpu.memory_space<hbm>>
      %dma_wait3A_87 = tpu.memref_squeeze %dma_wait3A_86 : memref<1x157x128xi32, #tpu.memory_space<hbm>> -> memref<157x128xi32, #tpu.memory_space<hbm>>
      tpu.wait_dma2 semaphore(%run_scoped3A : memref<!tpu.dma_semaphore, #tpu.memory_space<semaphore_mem>>) src(%dma_wait3A_87 : memref<157x128xi32, #tpu.memory_space<hbm>>) dst(%arg8 : memref<157x128xi32, #tpu.memory_space<vmem>>)
      tpu.yield
    }) : () -> ()
    %barrier3A = arith.constant 0 : index
    tpu.barrier barrier_id(%barrier3A)
    %dma_start3A = arith.constant 0 : i32
    %dma_start3A_2 = arith.constant 0 : i32
    %dma_start3A_3 = tpu.memref_slice %arg7[%dma_start3A, %dma_start3A_2] : memref<157x128xi32, #tpu.memory_space<vmem>> -> memref<1x128xi32, #tpu.memory_space<vmem>>
    %dma_start3A_4 = tpu.memref_squeeze %dma_start3A_3 : memref<1x128xi32, #tpu.memory_space<vmem>> -> memref<128xi32, #tpu.memory_space<vmem>>
    %dma_start3A_5 = arith.constant 0 : i32
    %dma_start3A_6 = arith.constant 0 : i32
    %dma_start3A_7 = tpu.memref_slice %arg2[%arg0, %dma_start3A_5, %dma_start3A_6] : memref<2x10008x64xf32, #tpu.memory_space<hbm>> -> memref<1x10008x64xf32, #tpu.memory_space<hbm>>
    %dma_start3A_8 = tpu.memref_squeeze %dma_start3A_7 : memref<1x10008x64xf32, #tpu.memory_space<hbm>> -> memref<10008x64xf32, #tpu.memory_space<hbm>>
    %dma_start3A_9 = arith.constant 0 : i32
    %dma_start3A_10 = arith.constant 0 : i32
    %dma_start3A_11 = tpu.memref_slice %dma_start3A_8[%dma_start3A_9, %dma_start3A_10] : memref<10008x64xf32, #tpu.memory_space<hbm>> -> memref<10008x64xf32, #tpu.memory_space<hbm>>
    tpu.enqueue_indirect_dma source(%dma_start3A_11 : memref<10008x64xf32, #tpu.memory_space<hbm>>) target(%arg9 : memref<128x64xf32, #tpu.memory_space<vmem>>) offsets(%dma_start3A_4 : memref<128xi32, #tpu.memory_space<vmem>>) semaphore(%arg14 : memref<!tpu.dma_semaphore, #tpu.memory_space<semaphore_mem>>)
    %dma_start3A_12 = arith.constant 1 : i32
    %dma_start3A_13 = arith.constant 0 : i32
    %dma_start3A_14 = tpu.memref_slice %arg7[%dma_start3A_12, %dma_start3A_13] : memref<157x128xi32, #tpu.memory_space<vmem>> -> memref<1x128xi32, #tpu.memory_space<vmem>>
    %dma_start3A_15 = tpu.memref_squeeze %dma_start3A_14 : memref<1x128xi32, #tpu.memory_space<vmem>> -> memref<128xi32, #tpu.memory_space<vmem>>
    %dma_start3A_16 = arith.constant 0 : i32
    %dma_start3A_17 = arith.constant 0 : i32
    %dma_start3A_18 = tpu.memref_slice %arg2[%arg0, %dma_start3A_16, %dma_start3A_17] : memref<2x10008x64xf32, #tpu.memory_space<hbm>> -> memref<1x10008x64xf32, #tpu.memory_space<hbm>>
    %dma_start3A_19 = tpu.memref_squeeze %dma_start3A_18 : memref<1x10008x64xf32, #tpu.memory_space<hbm>> -> memref<10008x64xf32, #tpu.memory_space<hbm>>
    %dma_start3A_20 = arith.constant 0 : i32
    %dma_start3A_21 = arith.constant 0 : i32
    %dma_start3A_22 = tpu.memref_slice %dma_start3A_19[%dma_start3A_20, %dma_start3A_21] : memref<10008x64xf32, #tpu.memory_space<hbm>> -> memref<10008x64xf32, #tpu.memory_space<hbm>>
    tpu.enqueue_indirect_dma source(%dma_start3A_22 : memref<10008x64xf32, #tpu.memory_space<hbm>>) target(%arg10 : memref<128x64xf32, #tpu.memory_space<vmem>>) offsets(%dma_start3A_15 : memref<128xi32, #tpu.memory_space<vmem>>) semaphore(%arg15 : memref<!tpu.dma_semaphore, #tpu.memory_space<semaphore_mem>>)
    %scan3A = arith.constant 0 : i32
    %scan3A_23 = arith.constant 0 : i32
    %scan3A_24 = arith.constant 39 : i32
    %scan3A_25 = arith.addi %scan3A_23, %scan3A_24 : i32
    %scan3A_26 = arith.constant 1 : i32
    scf.for %scan3A_72 = %scan3A_23 to %scan3A_25 step %scan3A_26  : i32 {
      %mul3A = arith.constant 4 : i32
      %mul3A_73 = arith.muli %mul3A, %scan3A_72 : i32
      %add3A = arith.constant 0 : i32
      %add3A_74 = arith.addi %mul3A_73, %add3A : i32
      %ge3A = arith.constant 1 : i32
      %ge3A_75 = arith.cmpi sge, %scan3A_72, %ge3A : i32
      %convert_element_type3A_76 = arith.extui %ge3A_75 : i1 to i32
      %cond3A_77 = arith.constant 0 : i32
      %cond3A_78 = arith.cmpi ne, %convert_element_type3A_76, %cond3A_77 : i32
      scf.if %cond3A_78 {
        %sub3A_218 = arith.constant 2 : i32
        %sub3A_219 = arith.subi %add3A_74, %sub3A_218 : i32
        %dma_wait3A_220 = arith.constant 0 : i32
        %dma_wait3A_221 = tpu.memref_slice %arg8[%sub3A_219, %dma_wait3A_220] : memref<157x128xi32, #tpu.memory_space<vmem>> -> memref<1x128xi32, #tpu.memory_space<vmem>>
        %dma_wait3A_222 = tpu.memref_squeeze %dma_wait3A_221 : memref<1x128xi32, #tpu.memory_space<vmem>> -> memref<128xi32, #tpu.memory_space<vmem>>
        %dma_wait3A_223 = arith.constant 0 : i32
        %dma_wait3A_224 = arith.constant 0 : i32
        %dma_wait3A_225 = tpu.memref_slice %arg13[%dma_wait3A_223, %dma_wait3A_224] : memref<10008x64xf32, #tpu.memory_space<vmem_shared>> -> memref<10008x64xf32, #tpu.memory_space<vmem_shared>>
        tpu.wait_indirect_dma semaphore(%arg20 : memref<!tpu.dma_semaphore, #tpu.memory_space<semaphore_mem>>) src(%arg11 : memref<128x64xf32, #tpu.memory_space<vmem>>) dst(%dma_wait3A_225 : memref<10008x64xf32, #tpu.memory_space<vmem_shared>>)
      } else {
      }
      %add3A_79 = arith.constant 2 : i32
      %add3A_80 = arith.addi %add3A_74, %add3A_79 : i32
      %dma_start3A_81 = arith.constant 0 : i32
      %dma_start3A_82 = tpu.memref_slice %arg7[%add3A_80, %dma_start3A_81] : memref<157x128xi32, #tpu.memory_space<vmem>> -> memref<1x128xi32, #tpu.memory_space<vmem>>
      %dma_start3A_83 = tpu.memref_squeeze %dma_start3A_82 : memref<1x128xi32, #tpu.memory_space<vmem>> -> memref<128xi32, #tpu.memory_space<vmem>>
      %dma_start3A_84 = arith.constant 0 : i32
      %dma_start3A_85 = arith.constant 0 : i32
      %dma_start3A_86 = tpu.memref_slice %arg2[%arg0, %dma_start3A_84, %dma_start3A_85] : memref<2x10008x64xf32, #tpu.memory_space<hbm>> -> memref<1x10008x64xf32, #tpu.memory_space<hbm>>
      %dma_start3A_87 = tpu.memref_squeeze %dma_start3A_86 : memref<1x10008x64xf32, #tpu.memory_space<hbm>> -> memref<10008x64xf32, #tpu.memory_space<hbm>>
      %dma_start3A_88 = arith.constant 0 : i32
      %dma_start3A_89 = arith.constant 0 : i32
      %dma_start3A_90 = tpu.memref_slice %dma_start3A_87[%dma_start3A_88, %dma_start3A_89] : memref<10008x64xf32, #tpu.memory_space<hbm>> -> memref<10008x64xf32, #tpu.memory_space<hbm>>
      tpu.enqueue_indirect_dma source(%dma_start3A_90 : memref<10008x64xf32, #tpu.memory_space<hbm>>) target(%arg11 : memref<128x64xf32, #tpu.memory_space<vmem>>) offsets(%dma_start3A_83 : memref<128xi32, #tpu.memory_space<vmem>>) semaphore(%arg16 : memref<!tpu.dma_semaphore, #tpu.memory_space<semaphore_mem>>)
      %dma_wait3A_91 = arith.constant 0 : i32
      %dma_wait3A_92 = tpu.memref_slice %arg7[%add3A_74, %dma_wait3A_91] : memref<157x128xi32, #tpu.memory_space<vmem>> -> memref<1x128xi32, #tpu.memory_space<vmem>>
      %dma_wait3A_93 = tpu.memref_squeeze %dma_wait3A_92 : memref<1x128xi32, #tpu.memory_space<vmem>> -> memref<128xi32, #tpu.memory_space<vmem>>
      %dma_wait3A_94 = arith.constant 0 : i32
      %dma_wait3A_95 = arith.constant 0 : i32
      %dma_wait3A_96 = tpu.memref_slice %arg2[%arg0, %dma_wait3A_94, %dma_wait3A_95] : memref<2x10008x64xf32, #tpu.memory_space<hbm>> -> memref<1x10008x64xf32, #tpu.memory_space<hbm>>
      %dma_wait3A_97 = tpu.memref_squeeze %dma_wait3A_96 : memref<1x10008x64xf32, #tpu.memory_space<hbm>> -> memref<10008x64xf32, #tpu.memory_space<hbm>>
      %dma_wait3A_98 = arith.constant 0 : i32
      %dma_wait3A_99 = arith.constant 0 : i32
      %dma_wait3A_100 = tpu.memref_slice %dma_wait3A_97[%dma_wait3A_98, %dma_wait3A_99] : memref<10008x64xf32, #tpu.memory_space<hbm>> -> memref<10008x64xf32, #tpu.memory_space<hbm>>
      tpu.wait_indirect_dma semaphore(%arg14 : memref<!tpu.dma_semaphore, #tpu.memory_space<semaphore_mem>>) src(%dma_wait3A_100 : memref<10008x64xf32, #tpu.memory_space<hbm>>) dst(%arg9 : memref<128x64xf32, #tpu.memory_space<vmem>>)
      %dma_start3A_101 = arith.constant 0 : i32
      %dma_start3A_102 = tpu.memref_slice %arg8[%add3A_74, %dma_start3A_101] : memref<157x128xi32, #tpu.memory_space<vmem>> -> memref<1x128xi32, #tpu.memory_space<vmem>>
      %dma_start3A_103 = tpu.memref_squeeze %dma_start3A_102 : memref<1x128xi32, #tpu.memory_space<vmem>> -> memref<128xi32, #tpu.memory_space<vmem>>
      %dma_start3A_104 = arith.constant 0 : i32
      %dma_start3A_105 = arith.constant 0 : i32
      %dma_start3A_106 = tpu.memref_slice %arg13[%dma_start3A_104, %dma_start3A_105] : memref<10008x64xf32, #tpu.memory_space<vmem_shared>> -> memref<10008x64xf32, #tpu.memory_space<vmem_shared>>
      tpu.enqueue_indirect_dma source(%arg9 : memref<128x64xf32, #tpu.memory_space<vmem>>) target(%dma_start3A_106 : memref<10008x64xf32, #tpu.memory_space<vmem_shared>>) offsets(%dma_start3A_103 : memref<128xi32, #tpu.memory_space<vmem>>) semaphore(%arg18 : memref<!tpu.dma_semaphore, #tpu.memory_space<semaphore_mem>>) {add = true}
      %mul3A_107 = arith.constant 4 : i32
      %mul3A_108 = arith.muli %mul3A_107, %scan3A_72 : i32
      %add3A_109 = arith.constant 1 : i32
      %add3A_110 = arith.addi %mul3A_108, %add3A_109 : i32
      %ge3A_111 = arith.constant 1 : i32
      %ge3A_112 = arith.cmpi sge, %scan3A_72, %ge3A_111 : i32
      %convert_element_type3A_113 = arith.extui %ge3A_112 : i1 to i32
      %cond3A_114 = arith.constant 0 : i32
      %cond3A_115 = arith.cmpi ne, %convert_element_type3A_113, %cond3A_114 : i32
      scf.if %cond3A_115 {
        %sub3A_218 = arith.constant 2 : i32
        %sub3A_219 = arith.subi %add3A_110, %sub3A_218 : i32
        %dma_wait3A_220 = arith.constant 0 : i32
        %dma_wait3A_221 = tpu.memref_slice %arg8[%sub3A_219, %dma_wait3A_220] : memref<157x128xi32, #tpu.memory_space<vmem>> -> memref<1x128xi32, #tpu.memory_space<vmem>>
        %dma_wait3A_222 = tpu.memref_squeeze %dma_wait3A_221 : memref<1x128xi32, #tpu.memory_space<vmem>> -> memref<128xi32, #tpu.memory_space<vmem>>
        %dma_wait3A_223 = arith.constant 0 : i32
        %dma_wait3A_224 = arith.constant 0 : i32
        %dma_wait3A_225 = tpu.memref_slice %arg13[%dma_wait3A_223, %dma_wait3A_224] : memref<10008x64xf32, #tpu.memory_space<vmem_shared>> -> memref<10008x64xf32, #tpu.memory_space<vmem_shared>>
        tpu.wait_indirect_dma semaphore(%arg21 : memref<!tpu.dma_semaphore, #tpu.memory_space<semaphore_mem>>) src(%arg12 : memref<128x64xf32, #tpu.memory_space<vmem>>) dst(%dma_wait3A_225 : memref<10008x64xf32, #tpu.memory_space<vmem_shared>>)
      } else {
      }
      %add3A_116 = arith.constant 2 : i32
      %add3A_117 = arith.addi %add3A_110, %add3A_116 : i32
      %dma_start3A_118 = arith.constant 0 : i32
      %dma_start3A_119 = tpu.memref_slice %arg7[%add3A_117, %dma_start3A_118] : memref<157x128xi32, #tpu.memory_space<vmem>> -> memref<1x128xi32, #tpu.memory_space<vmem>>
      %dma_start3A_120 = tpu.memref_squeeze %dma_start3A_119 : memref<1x128xi32, #tpu.memory_space<vmem>> -> memref<128xi32, #tpu.memory_space<vmem>>
      %dma_start3A_121 = arith.constant 0 : i32
      %dma_start3A_122 = arith.constant 0 : i32
      %dma_start3A_123 = tpu.memref_slice %arg2[%arg0, %dma_start3A_121, %dma_start3A_122] : memref<2x10008x64xf32, #tpu.memory_space<hbm>> -> memref<1x10008x64xf32, #tpu.memory_space<hbm>>
      %dma_start3A_124 = tpu.memref_squeeze %dma_start3A_123 : memref<1x10008x64xf32, #tpu.memory_space<hbm>> -> memref<10008x64xf32, #tpu.memory_space<hbm>>
      %dma_start3A_125 = arith.constant 0 : i32
      %dma_start3A_126 = arith.constant 0 : i32
      %dma_start3A_127 = tpu.memref_slice %dma_start3A_124[%dma_start3A_125, %dma_start3A_126] : memref<10008x64xf32, #tpu.memory_space<hbm>> -> memref<10008x64xf32, #tpu.memory_space<hbm>>
      tpu.enqueue_indirect_dma source(%dma_start3A_127 : memref<10008x64xf32, #tpu.memory_space<hbm>>) target(%arg12 : memref<128x64xf32, #tpu.memory_space<vmem>>) offsets(%dma_start3A_120 : memref<128xi32, #tpu.memory_space<vmem>>) semaphore(%arg17 : memref<!tpu.dma_semaphore, #tpu.memory_space<semaphore_mem>>)
      %dma_wait3A_128 = arith.constant 0 : i32
      %dma_wait3A_129 = tpu.memref_slice %arg7[%add3A_110, %dma_wait3A_128] : memref<157x128xi32, #tpu.memory_space<vmem>> -> memref<1x128xi32, #tpu.memory_space<vmem>>
      %dma_wait3A_130 = tpu.memref_squeeze %dma_wait3A_129 : memref<1x128xi32, #tpu.memory_space<vmem>> -> memref<128xi32, #tpu.memory_space<vmem>>
      %dma_wait3A_131 = arith.constant 0 : i32
      %dma_wait3A_132 = arith.constant 0 : i32
      %dma_wait3A_133 = tpu.memref_slice %arg2[%arg0, %dma_wait3A_131, %dma_wait3A_132] : memref<2x10008x64xf32, #tpu.memory_space<hbm>> -> memref<1x10008x64xf32, #tpu.memory_space<hbm>>
      %dma_wait3A_134 = tpu.memref_squeeze %dma_wait3A_133 : memref<1x10008x64xf32, #tpu.memory_space<hbm>> -> memref<10008x64xf32, #tpu.memory_space<hbm>>
      %dma_wait3A_135 = arith.constant 0 : i32
      %dma_wait3A_136 = arith.constant 0 : i32
      %dma_wait3A_137 = tpu.memref_slice %dma_wait3A_134[%dma_wait3A_135, %dma_wait3A_136] : memref<10008x64xf32, #tpu.memory_space<hbm>> -> memref<10008x64xf32, #tpu.memory_space<hbm>>
      tpu.wait_indirect_dma semaphore(%arg15 : memref<!tpu.dma_semaphore, #tpu.memory_space<semaphore_mem>>) src(%dma_wait3A_137 : memref<10008x64xf32, #tpu.memory_space<hbm>>) dst(%arg10 : memref<128x64xf32, #tpu.memory_space<vmem>>)
      %dma_start3A_138 = arith.constant 0 : i32
      %dma_start3A_139 = tpu.memref_slice %arg8[%add3A_110, %dma_start3A_138] : memref<157x128xi32, #tpu.memory_space<vmem>> -> memref<1x128xi32, #tpu.memory_space<vmem>>
      %dma_start3A_140 = tpu.memref_squeeze %dma_start3A_139 : memref<1x128xi32, #tpu.memory_space<vmem>> -> memref<128xi32, #tpu.memory_space<vmem>>
      %dma_start3A_141 = arith.constant 0 : i32
      %dma_start3A_142 = arith.constant 0 : i32
      %dma_start3A_143 = tpu.memref_slice %arg13[%dma_start3A_141, %dma_start3A_142] : memref<10008x64xf32, #tpu.memory_space<vmem_shared>> -> memref<10008x64xf32, #tpu.memory_space<vmem_shared>>
      tpu.enqueue_indirect_dma source(%arg10 : memref<128x64xf32, #tpu.memory_space<vmem>>) target(%dma_start3A_143 : memref<10008x64xf32, #tpu.memory_space<vmem_shared>>) offsets(%dma_start3A_140 : memref<128xi32, #tpu.memory_space<vmem>>) semaphore(%arg19 : memref<!tpu.dma_semaphore, #tpu.memory_space<semaphore_mem>>) {add = true}
      %mul3A_144 = arith.constant 4 : i32
      %mul3A_145 = arith.muli %mul3A_144, %scan3A_72 : i32
      %add3A_146 = arith.constant 2 : i32
      %add3A_147 = arith.addi %mul3A_145, %add3A_146 : i32
      %sub3A = arith.constant 2 : i32
      %sub3A_148 = arith.subi %add3A_147, %sub3A : i32
      %dma_wait3A_149 = arith.constant 0 : i32
      %dma_wait3A_150 = tpu.memref_slice %arg8[%sub3A_148, %dma_wait3A_149] : memref<157x128xi32, #tpu.memory_space<vmem>> -> memref<1x128xi32, #tpu.memory_space<vmem>>
      %dma_wait3A_151 = tpu.memref_squeeze %dma_wait3A_150 : memref<1x128xi32, #tpu.memory_space<vmem>> -> memref<128xi32, #tpu.memory_space<vmem>>
      %dma_wait3A_152 = arith.constant 0 : i32
      %dma_wait3A_153 = arith.constant 0 : i32
      %dma_wait3A_154 = tpu.memref_slice %arg13[%dma_wait3A_152, %dma_wait3A_153] : memref<10008x64xf32, #tpu.memory_space<vmem_shared>> -> memref<10008x64xf32, #tpu.memory_space<vmem_shared>>
      tpu.wait_indirect_dma semaphore(%arg18 : memref<!tpu.dma_semaphore, #tpu.memory_space<semaphore_mem>>) src(%arg9 : memref<128x64xf32, #tpu.memory_space<vmem>>) dst(%dma_wait3A_154 : memref<10008x64xf32, #tpu.memory_space<vmem_shared>>)
      %add3A_155 = arith.constant 2 : i32
      %add3A_156 = arith.addi %add3A_147, %add3A_155 : i32
      %dma_start3A_157 = arith.constant 0 : i32
      %dma_start3A_158 = tpu.memref_slice %arg7[%add3A_156, %dma_start3A_157] : memref<157x128xi32, #tpu.memory_space<vmem>> -> memref<1x128xi32, #tpu.memory_space<vmem>>
      %dma_start3A_159 = tpu.memref_squeeze %dma_start3A_158 : memref<1x128xi32, #tpu.memory_space<vmem>> -> memref<128xi32, #tpu.memory_space<vmem>>
      %dma_start3A_160 = arith.constant 0 : i32
      %dma_start3A_161 = arith.constant 0 : i32
      %dma_start3A_162 = tpu.memref_slice %arg2[%arg0, %dma_start3A_160, %dma_start3A_161] : memref<2x10008x64xf32, #tpu.memory_space<hbm>> -> memref<1x10008x64xf32, #tpu.memory_space<hbm>>
      %dma_start3A_163 = tpu.memref_squeeze %dma_start3A_162 : memref<1x10008x64xf32, #tpu.memory_space<hbm>> -> memref<10008x64xf32, #tpu.memory_space<hbm>>
      %dma_start3A_164 = arith.constant 0 : i32
      %dma_start3A_165 = arith.constant 0 : i32
      %dma_start3A_166 = tpu.memref_slice %dma_start3A_163[%dma_start3A_164, %dma_start3A_165] : memref<10008x64xf32, #tpu.memory_space<hbm>> -> memref<10008x64xf32, #tpu.memory_space<hbm>>
      tpu.enqueue_indirect_dma source(%dma_start3A_166 : memref<10008x64xf32, #tpu.memory_space<hbm>>) target(%arg9 : memref<128x64xf32, #tpu.memory_space<vmem>>) offsets(%dma_start3A_159 : memref<128xi32, #tpu.memory_space<vmem>>) semaphore(%arg14 : memref<!tpu.dma_semaphore, #tpu.memory_space<semaphore_mem>>)
      %dma_wait3A_167 = arith.constant 0 : i32
      %dma_wait3A_168 = tpu.memref_slice %arg7[%add3A_147, %dma_wait3A_167] : memref<157x128xi32, #tpu.memory_space<vmem>> -> memref<1x128xi32, #tpu.memory_space<vmem>>
      %dma_wait3A_169 = tpu.memref_squeeze %dma_wait3A_168 : memref<1x128xi32, #tpu.memory_space<vmem>> -> memref<128xi32, #tpu.memory_space<vmem>>
      %dma_wait3A_170 = arith.constant 0 : i32
      %dma_wait3A_171 = arith.constant 0 : i32
      %dma_wait3A_172 = tpu.memref_slice %arg2[%arg0, %dma_wait3A_170, %dma_wait3A_171] : memref<2x10008x64xf32, #tpu.memory_space<hbm>> -> memref<1x10008x64xf32, #tpu.memory_space<hbm>>
      %dma_wait3A_173 = tpu.memref_squeeze %dma_wait3A_172 : memref<1x10008x64xf32, #tpu.memory_space<hbm>> -> memref<10008x64xf32, #tpu.memory_space<hbm>>
      %dma_wait3A_174 = arith.constant 0 : i32
      %dma_wait3A_175 = arith.constant 0 : i32
      %dma_wait3A_176 = tpu.memref_slice %dma_wait3A_173[%dma_wait3A_174, %dma_wait3A_175] : memref<10008x64xf32, #tpu.memory_space<hbm>> -> memref<10008x64xf32, #tpu.memory_space<hbm>>
      tpu.wait_indirect_dma semaphore(%arg16 : memref<!tpu.dma_semaphore, #tpu.memory_space<semaphore_mem>>) src(%dma_wait3A_176 : memref<10008x64xf32, #tpu.memory_space<hbm>>) dst(%arg11 : memref<128x64xf32, #tpu.memory_space<vmem>>)
      %dma_start3A_177 = arith.constant 0 : i32
      %dma_start3A_178 = tpu.memref_slice %arg8[%add3A_147, %dma_start3A_177] : memref<157x128xi32, #tpu.memory_space<vmem>> -> memref<1x128xi32, #tpu.memory_space<vmem>>
      %dma_start3A_179 = tpu.memref_squeeze %dma_start3A_178 : memref<1x128xi32, #tpu.memory_space<vmem>> -> memref<128xi32, #tpu.memory_space<vmem>>
      %dma_start3A_180 = arith.constant 0 : i32
      %dma_start3A_181 = arith.constant 0 : i32
      %dma_start3A_182 = tpu.memref_slice %arg13[%dma_start3A_180, %dma_start3A_181] : memref<10008x64xf32, #tpu.memory_space<vmem_shared>> -> memref<10008x64xf32, #tpu.memory_space<vmem_shared>>
      tpu.enqueue_indirect_dma source(%arg11 : memref<128x64xf32, #tpu.memory_space<vmem>>) target(%dma_start3A_182 : memref<10008x64xf32, #tpu.memory_space<vmem_shared>>) offsets(%dma_start3A_179 : memref<128xi32, #tpu.memory_space<vmem>>) semaphore(%arg20 : memref<!tpu.dma_semaphore, #tpu.memory_space<semaphore_mem>>) {add = true}
      %mul3A_183 = arith.constant 4 : i32
      %mul3A_184 = arith.muli %mul3A_183, %scan3A_72 : i32
      %add3A_185 = arith.constant 3 : i32
      %add3A_186 = arith.addi %mul3A_184, %add3A_185 : i32
      %sub3A_187 = arith.constant 2 : i32
      %sub3A_188 = arith.subi %add3A_186, %sub3A_187 : i32
      %dma_wait3A_189 = arith.constant 0 : i32
      %dma_wait3A_190 = tpu.memref_slice %arg8[%sub3A_188, %dma_wait3A_189] : memref<157x128xi32, #tpu.memory_space<vmem>> -> memref<1x128xi32, #tpu.memory_space<vmem>>
      %dma_wait3A_191 = tpu.memref_squeeze %dma_wait3A_190 : memref<1x128xi32, #tpu.memory_space<vmem>> -> memref<128xi32, #tpu.memory_space<vmem>>
      %dma_wait3A_192 = arith.constant 0 : i32
      %dma_wait3A_193 = arith.constant 0 : i32
      %dma_wait3A_194 = tpu.memref_slice %arg13[%dma_wait3A_192, %dma_wait3A_193] : memref<10008x64xf32, #tpu.memory_space<vmem_shared>> -> memref<10008x64xf32, #tpu.memory_space<vmem_shared>>
      tpu.wait_indirect_dma semaphore(%arg19 : memref<!tpu.dma_semaphore, #tpu.memory_space<semaphore_mem>>) src(%arg10 : memref<128x64xf32, #tpu.memory_space<vmem>>) dst(%dma_wait3A_194 : memref<10008x64xf32, #tpu.memory_space<vmem_shared>>)
      %add3A_195 = arith.constant 2 : i32
      %add3A_196 = arith.addi %add3A_186, %add3A_195 : i32
      %lt3A_197 = arith.constant 157 : i32
      %lt3A_198 = arith.cmpi slt, %add3A_196, %lt3A_197 : i32
      %convert_element_type3A_199 = arith.extui %lt3A_198 : i1 to i32
      %cond3A_200 = arith.constant 0 : i32
      %cond3A_201 = arith.cmpi ne, %convert_element_type3A_199, %cond3A_200 : i32
      scf.if %cond3A_201 {
        %add3A_218 = arith.constant 2 : i32
        %add3A_219 = arith.addi %add3A_186, %add3A_218 : i32
        %dma_start3A_220 = arith.constant 0 : i32
        %dma_start3A_221 = tpu.memref_slice %arg7[%add3A_219, %dma_start3A_220] : memref<157x128xi32, #tpu.memory_space<vmem>> -> memref<1x128xi32, #tpu.memory_space<vmem>>
        %dma_start3A_222 = tpu.memref_squeeze %dma_start3A_221 : memref<1x128xi32, #tpu.memory_space<vmem>> -> memref<128xi32, #tpu.memory_space<vmem>>
        %dma_start3A_223 = arith.constant 0 : i32
        %dma_start3A_224 = arith.constant 0 : i32
        %dma_start3A_225 = tpu.memref_slice %arg2[%arg0, %dma_start3A_223, %dma_start3A_224] : memref<2x10008x64xf32, #tpu.memory_space<hbm>> -> memref<1x10008x64xf32, #tpu.memory_space<hbm>>
        %dma_start3A_226 = tpu.memref_squeeze %dma_start3A_225 : memref<1x10008x64xf32, #tpu.memory_space<hbm>> -> memref<10008x64xf32, #tpu.memory_space<hbm>>
        %dma_start3A_227 = arith.constant 0 : i32
        %dma_start3A_228 = arith.constant 0 : i32
        %dma_start3A_229 = tpu.memref_slice %dma_start3A_226[%dma_start3A_227, %dma_start3A_228] : memref<10008x64xf32, #tpu.memory_space<hbm>> -> memref<10008x64xf32, #tpu.memory_space<hbm>>
        tpu.enqueue_indirect_dma source(%dma_start3A_229 : memref<10008x64xf32, #tpu.memory_space<hbm>>) target(%arg10 : memref<128x64xf32, #tpu.memory_space<vmem>>) offsets(%dma_start3A_222 : memref<128xi32, #tpu.memory_space<vmem>>) semaphore(%arg15 : memref<!tpu.dma_semaphore, #tpu.memory_space<semaphore_mem>>)
      } else {
      }
      %dma_wait3A_202 = arith.constant 0 : i32
      %dma_wait3A_203 = tpu.memref_slice %arg7[%add3A_186, %dma_wait3A_202] : memref<157x128xi32, #tpu.memory_space<vmem>> -> memref<1x128xi32, #tpu.memory_space<vmem>>
      %dma_wait3A_204 = tpu.memref_squeeze %dma_wait3A_203 : memref<1x128xi32, #tpu.memory_space<vmem>> -> memref<128xi32, #tpu.memory_space<vmem>>
      %dma_wait3A_205 = arith.constant 0 : i32
      %dma_wait3A_206 = arith.constant 0 : i32
      %dma_wait3A_207 = tpu.memref_slice %arg2[%arg0, %dma_wait3A_205, %dma_wait3A_206] : memref<2x10008x64xf32, #tpu.memory_space<hbm>> -> memref<1x10008x64xf32, #tpu.memory_space<hbm>>
      %dma_wait3A_208 = tpu.memref_squeeze %dma_wait3A_207 : memref<1x10008x64xf32, #tpu.memory_space<hbm>> -> memref<10008x64xf32, #tpu.memory_space<hbm>>
      %dma_wait3A_209 = arith.constant 0 : i32
      %dma_wait3A_210 = arith.constant 0 : i32
      %dma_wait3A_211 = tpu.memref_slice %dma_wait3A_208[%dma_wait3A_209, %dma_wait3A_210] : memref<10008x64xf32, #tpu.memory_space<hbm>> -> memref<10008x64xf32, #tpu.memory_space<hbm>>
      tpu.wait_indirect_dma semaphore(%arg17 : memref<!tpu.dma_semaphore, #tpu.memory_space<semaphore_mem>>) src(%dma_wait3A_211 : memref<10008x64xf32, #tpu.memory_space<hbm>>) dst(%arg12 : memref<128x64xf32, #tpu.memory_space<vmem>>)
      %dma_start3A_212 = arith.constant 0 : i32
      %dma_start3A_213 = tpu.memref_slice %arg8[%add3A_186, %dma_start3A_212] : memref<157x128xi32, #tpu.memory_space<vmem>> -> memref<1x128xi32, #tpu.memory_space<vmem>>
      %dma_start3A_214 = tpu.memref_squeeze %dma_start3A_213 : memref<1x128xi32, #tpu.memory_space<vmem>> -> memref<128xi32, #tpu.memory_space<vmem>>
      %dma_start3A_215 = arith.constant 0 : i32
      %dma_start3A_216 = arith.constant 0 : i32
      %dma_start3A_217 = tpu.memref_slice %arg13[%dma_start3A_215, %dma_start3A_216] : memref<10008x64xf32, #tpu.memory_space<vmem_shared>> -> memref<10008x64xf32, #tpu.memory_space<vmem_shared>>
      tpu.enqueue_indirect_dma source(%arg12 : memref<128x64xf32, #tpu.memory_space<vmem>>) target(%dma_start3A_217 : memref<10008x64xf32, #tpu.memory_space<vmem_shared>>) offsets(%dma_start3A_214 : memref<128xi32, #tpu.memory_space<vmem>>) semaphore(%arg21 : memref<!tpu.dma_semaphore, #tpu.memory_space<semaphore_mem>>) {add = true}
    }
    %scan3A_27 = arith.constant 39 : i32
    %dma_wait3A = arith.constant 156 : i32
    %dma_wait3A_28 = arith.constant 0 : i32
    %dma_wait3A_29 = tpu.memref_slice %arg7[%dma_wait3A, %dma_wait3A_28] : memref<157x128xi32, #tpu.memory_space<vmem>> -> memref<1x128xi32, #tpu.memory_space<vmem>>
    %dma_wait3A_30 = tpu.memref_squeeze %dma_wait3A_29 : memref<1x128xi32, #tpu.memory_space<vmem>> -> memref<128xi32, #tpu.memory_space<vmem>>
    %dma_wait3A_31 = arith.constant 0 : i32
    %dma_wait3A_32 = arith.constant 0 : i32
    %dma_wait3A_33 = tpu.memref_slice %arg2[%arg0, %dma_wait3A_31, %dma_wait3A_32] : memref<2x10008x64xf32, #tpu.memory_space<hbm>> -> memref<1x10008x64xf32, #tpu.memory_space<hbm>>
    %dma_wait3A_34 = tpu.memref_squeeze %dma_wait3A_33 : memref<1x10008x64xf32, #tpu.memory_space<hbm>> -> memref<10008x64xf32, #tpu.memory_space<hbm>>
    %dma_wait3A_35 = arith.constant 0 : i32
    %dma_wait3A_36 = arith.constant 0 : i32
    %dma_wait3A_37 = tpu.memref_slice %dma_wait3A_34[%dma_wait3A_35, %dma_wait3A_36] : memref<10008x64xf32, #tpu.memory_space<hbm>> -> memref<10008x64xf32, #tpu.memory_space<hbm>>
    tpu.wait_indirect_dma semaphore(%arg14 : memref<!tpu.dma_semaphore, #tpu.memory_space<semaphore_mem>>) src(%dma_wait3A_37 : memref<10008x64xf32, #tpu.memory_space<hbm>>) dst(%arg9 : memref<128x64xf32, #tpu.memory_space<vmem>>)
    %dma_start3A_38 = arith.constant 156 : i32
    %dma_start3A_39 = arith.constant 0 : i32
    %dma_start3A_40 = tpu.memref_slice %arg8[%dma_start3A_38, %dma_start3A_39] : memref<157x128xi32, #tpu.memory_space<vmem>> -> memref<1x128xi32, #tpu.memory_space<vmem>>
    %dma_start3A_41 = tpu.memref_squeeze %dma_start3A_40 : memref<1x128xi32, #tpu.memory_space<vmem>> -> memref<128xi32, #tpu.memory_space<vmem>>
    %dma_start3A_42 = arith.constant 0 : i32
    %dma_start3A_43 = arith.constant 0 : i32
    %dma_start3A_44 = tpu.memref_slice %arg13[%dma_start3A_42, %dma_start3A_43] : memref<10008x64xf32, #tpu.memory_space<vmem_shared>> -> memref<10008x64xf32, #tpu.memory_space<vmem_shared>>
    tpu.enqueue_indirect_dma source(%arg9 : memref<128x64xf32, #tpu.memory_space<vmem>>) target(%dma_start3A_44 : memref<10008x64xf32, #tpu.memory_space<vmem_shared>>) offsets(%dma_start3A_41 : memref<128xi32, #tpu.memory_space<vmem>>) semaphore(%arg18 : memref<!tpu.dma_semaphore, #tpu.memory_space<semaphore_mem>>) {add = true}
    %dma_wait3A_45 = arith.constant 154 : i32
    %dma_wait3A_46 = arith.constant 0 : i32
    %dma_wait3A_47 = tpu.memref_slice %arg8[%dma_wait3A_45, %dma_wait3A_46] : memref<157x128xi32, #tpu.memory_space<vmem>> -> memref<1x128xi32, #tpu.memory_space<vmem>>
    %dma_wait3A_48 = tpu.memref_squeeze %dma_wait3A_47 : memref<1x128xi32, #tpu.memory_space<vmem>> -> memref<128xi32, #tpu.memory_space<vmem>>
    %dma_wait3A_49 = arith.constant 0 : i32
    %dma_wait3A_50 = arith.constant 0 : i32
    %dma_wait3A_51 = tpu.memref_slice %arg13[%dma_wait3A_49, %dma_wait3A_50] : memref<10008x64xf32, #tpu.memory_space<vmem_shared>> -> memref<10008x64xf32, #tpu.memory_space<vmem_shared>>
    tpu.wait_indirect_dma semaphore(%arg20 : memref<!tpu.dma_semaphore, #tpu.memory_space<semaphore_mem>>) src(%arg11 : memref<128x64xf32, #tpu.memory_space<vmem>>) dst(%dma_wait3A_51 : memref<10008x64xf32, #tpu.memory_space<vmem_shared>>)
    %dma_wait3A_52 = arith.constant 155 : i32
    %dma_wait3A_53 = arith.constant 0 : i32
    %dma_wait3A_54 = tpu.memref_slice %arg8[%dma_wait3A_52, %dma_wait3A_53] : memref<157x128xi32, #tpu.memory_space<vmem>> -> memref<1x128xi32, #tpu.memory_space<vmem>>
    %dma_wait3A_55 = tpu.memref_squeeze %dma_wait3A_54 : memref<1x128xi32, #tpu.memory_space<vmem>> -> memref<128xi32, #tpu.memory_space<vmem>>
    %dma_wait3A_56 = arith.constant 0 : i32
    %dma_wait3A_57 = arith.constant 0 : i32
    %dma_wait3A_58 = tpu.memref_slice %arg13[%dma_wait3A_56, %dma_wait3A_57] : memref<10008x64xf32, #tpu.memory_space<vmem_shared>> -> memref<10008x64xf32, #tpu.memory_space<vmem_shared>>
    tpu.wait_indirect_dma semaphore(%arg21 : memref<!tpu.dma_semaphore, #tpu.memory_space<semaphore_mem>>) src(%arg12 : memref<128x64xf32, #tpu.memory_space<vmem>>) dst(%dma_wait3A_58 : memref<10008x64xf32, #tpu.memory_space<vmem_shared>>)
    %dma_wait3A_59 = arith.constant 156 : i32
    %dma_wait3A_60 = arith.constant 0 : i32
    %dma_wait3A_61 = tpu.memref_slice %arg8[%dma_wait3A_59, %dma_wait3A_60] : memref<157x128xi32, #tpu.memory_space<vmem>> -> memref<1x128xi32, #tpu.memory_space<vmem>>
    %dma_wait3A_62 = tpu.memref_squeeze %dma_wait3A_61 : memref<1x128xi32, #tpu.memory_space<vmem>> -> memref<128xi32, #tpu.memory_space<vmem>>
    %dma_wait3A_63 = arith.constant 0 : i32
    %dma_wait3A_64 = arith.constant 0 : i32
    %dma_wait3A_65 = tpu.memref_slice %arg13[%dma_wait3A_63, %dma_wait3A_64] : memref<10008x64xf32, #tpu.memory_space<vmem_shared>> -> memref<10008x64xf32, #tpu.memory_space<vmem_shared>>
    tpu.wait_indirect_dma semaphore(%arg18 : memref<!tpu.dma_semaphore, #tpu.memory_space<semaphore_mem>>) src(%arg9 : memref<128x64xf32, #tpu.memory_space<vmem>>) dst(%dma_wait3A_65 : memref<10008x64xf32, #tpu.memory_space<vmem_shared>>)
    %barrier3A_66 = arith.constant 0 : index
    tpu.barrier barrier_id(%barrier3A_66)
    %lt3A_67 = arith.constant 10 : i32
    %lt3A_68 = arith.cmpi slt, %arg1, %lt3A_67 : i32
    %convert_element_type3A_69 = arith.extui %lt3A_68 : i1 to i32
    %cond3A_70 = arith.constant 0 : i32
    %cond3A_71 = arith.cmpi ne, %convert_element_type3A_69, %cond3A_70 : i32
    scf.if %cond3A_71 {
      %mul3A = arith.constant 1000 : i32
      %mul3A_72 = arith.muli %arg1, %mul3A : i32
      %mul3A_73 = arith.constant 1000 : i32
      %mul3A_74 = arith.muli %arg1, %mul3A_73 : i32
      "tpu.region"() ({
        %run_scoped3A = tpu.sem_alloc : memref<!tpu.dma_semaphore, #tpu.memory_space<semaphore_mem>>
        %dma_start3A_75 = arith.constant 0 : i32
        %dma_start3A_76 = tpu.memref_slice %arg6[%arg0, %mul3A_74, %dma_start3A_75] : memref<2x10000x64xf32, #tpu.memory_space<hbm>> -> memref<1x1000x64xf32, #tpu.memory_space<hbm>>
        %dma_start3A_77 = tpu.memref_squeeze %dma_start3A_76 : memref<1x1000x64xf32, #tpu.memory_space<hbm>> -> memref<1000x64xf32, #tpu.memory_space<hbm>>
        %dma_start3A_78 = arith.constant 0 : i32
        %dma_start3A_79 = tpu.memref_slice %arg13[%mul3A_72, %dma_start3A_78] : memref<10008x64xf32, #tpu.memory_space<vmem_shared>> -> memref<1000x64xf32, #tpu.memory_space<vmem_shared>>
        tpu.enqueue_dma source(%dma_start3A_79 : memref<1000x64xf32, #tpu.memory_space<vmem_shared>>) target(%dma_start3A_77 : memref<1000x64xf32, #tpu.memory_space<hbm>>) target_semaphore(%run_scoped3A : memref<!tpu.dma_semaphore, #tpu.memory_space<semaphore_mem>>)
        %dma_wait3A_80 = arith.constant 0 : i32
        %dma_wait3A_81 = tpu.memref_slice %arg6[%arg0, %mul3A_74, %dma_wait3A_80] : memref<2x10000x64xf32, #tpu.memory_space<hbm>> -> memref<1x1000x64xf32, #tpu.memory_space<hbm>>
        %dma_wait3A_82 = tpu.memref_squeeze %dma_wait3A_81 : memref<1x1000x64xf32, #tpu.memory_space<hbm>> -> memref<1000x64xf32, #tpu.memory_space<hbm>>
        %dma_wait3A_83 = arith.constant 0 : i32
        %dma_wait3A_84 = tpu.memref_slice %arg13[%mul3A_72, %dma_wait3A_83] : memref<10008x64xf32, #tpu.memory_space<vmem_shared>> -> memref<1000x64xf32, #tpu.memory_space<vmem_shared>>
        tpu.wait_dma2 semaphore(%run_scoped3A : memref<!tpu.dma_semaphore, #tpu.memory_space<semaphore_mem>>) src(%dma_wait3A_84 : memref<1000x64xf32, #tpu.memory_space<vmem_shared>>) dst(%dma_wait3A_82 : memref<1000x64xf32, #tpu.memory_space<hbm>>)
        tpu.yield
      }) : () -> ()
    } else {
    }
    return
  }
}

module attributes {stable_mosaic.version = 14 : i64} {
  func.func @_tc_combine_body(%arg0: i32, %arg1: memref<1000x64xf32, #tpu.memory_space<vmem>>, %arg2: memref<1000x64xf32, #tpu.memory_space<vmem>>, %arg3: memref<1000x1xf32, #tpu.memory_space<vmem>>, %arg4: memref<1000x1xf32, #tpu.memory_space<vmem>>, %arg5: memref<2x1000x64xf32, #tpu.memory_space<vmem>>, %arg6: memref<1000x1xf32, #tpu.memory_space<vmem>>) attributes {dimension_semantics = [#tpu.dimension_semantics<arbitrary>], iteration_bounds = array<i64: 10>, scalar_prefetch = 0 : i64, scratch_operands = 0 : i64, tpu.core_type = #tpu.core_type<tc>, window_params = [{transform_indices = @transform_0, window_bounds = array<i64: 1000, 64>}, {transform_indices = @transform_1, window_bounds = array<i64: 1000, 64>}, {transform_indices = @transform_2, window_bounds = array<i64: 1000, 1>}, {transform_indices = @transform_3, window_bounds = array<i64: 1000, 1>}, {transform_indices = @transform_4, window_bounds = array<i64: 2, 1000, 64>}, {transform_indices = @transform_5, window_bounds = array<i64: 1000, 1>}]} {
    %get3A = arith.constant 0 : index
    %get3A_0 = arith.constant 0 : index
    %get3A_1 = vector.load %arg3[%get3A, %get3A_0] : memref<1000x1xf32, #tpu.memory_space<vmem>>, vector<1000x1xf32>
    %gt3A = arith.constant 0.000000e+00 : f32
    %gt3A_2 = vector.broadcast %gt3A : f32 to vector<1000x1xf32>
    %gt3A_3 = arith.cmpf ogt, %get3A_1, %gt3A_2 : vector<1000x1xf32>
    %gt3A_4 = arith.constant 0.000000e+00 : f32
    %gt3A_5 = vector.broadcast %gt3A_4 : f32 to vector<1000x1xf32>
    %gt3A_6 = arith.cmpf ogt, %get3A_1, %gt3A_5 : vector<1000x1xf32>
    %jit3A = arith.constant 1.000000e+00 : f32
    %broadcast_in_dim3A = vector.broadcast %jit3A : f32 to vector<1000x1xf32>
    %select_n3A = arith.select %gt3A_6, %get3A_1, %broadcast_in_dim3A : vector<1000x1xi1>, vector<1000x1xf32>
    %div3A = arith.constant 1.000000e+00 : f32
    %div3A_7 = vector.broadcast %div3A : f32 to vector<1000x1xf32>
    %div3A_8 = arith.divf %div3A_7, %select_n3A : vector<1000x1xf32>
    %jit3A_9 = arith.constant 0.000000e+00 : f32
    %broadcast_in_dim3A_10 = vector.broadcast %jit3A_9 : f32 to vector<1000x1xf32>
    %select_n3A_11 = arith.select %gt3A_3, %div3A_8, %broadcast_in_dim3A_10 : vector<1000x1xi1>, vector<1000x1xf32>
    %get3A_12 = arith.constant 0 : index
    %get3A_13 = arith.constant 0 : index
    %get3A_14 = vector.load %arg4[%get3A_12, %get3A_13] : memref<1000x1xf32, #tpu.memory_space<vmem>>, vector<1000x1xf32>
    %mul3A = arith.mulf %select_n3A_11, %get3A_14 : vector<1000x1xf32>
    %swap3A = arith.constant 0 : index
    %swap3A_15 = arith.constant 0 : index
    %swap3A_16 = vector.load %arg6[%swap3A, %swap3A_15] : memref<1000x1xf32, #tpu.memory_space<vmem>>, vector<1000x1xf32>
    tpu.vector_store %arg6[%swap3A, %swap3A_15], %mul3A {strides = array<i32>} : memref<1000x1xf32, #tpu.memory_space<vmem>>, vector<1000x1xf32>,
    %get3A_17 = arith.constant 0 : index
    %get3A_18 = arith.constant 0 : index
    %get3A_19 = vector.load %arg1[%get3A_17, %get3A_18] : memref<1000x64xf32, #tpu.memory_space<vmem>>, vector<1000x64xf32>
    %get3A_20 = arith.constant 0 : index
    %get3A_21 = arith.constant 0 : index
    %get3A_22 = vector.load %arg2[%get3A_20, %get3A_21] : memref<1000x64xf32, #tpu.memory_space<vmem>>, vector<1000x64xf32>
    %concatenate3A = tpu.concatenate %get3A_19, %get3A_22 in 1 : vector<1000x64xf32>, vector<1000x64xf32> -> vector<1000x128xf32>
    %mul3A_23 = vector.broadcast %mul3A : vector<1000x1xf32> to vector<1000x128xf32>
    %mul3A_24 = arith.mulf %concatenate3A, %mul3A_23 : vector<1000x128xf32>
    %slice3A = vector.extract_strided_slice %mul3A_24 {offsets = [0, 0], sizes = [1000, 64], strides = [1, 1]} : vector<1000x128xf32> to vector<1000x64xf32>
    %swap3A_25 = arith.constant 0 : index
    %swap3A_26 = arith.constant 0 : index
    %swap3A_27 = arith.constant 0 : index
    %swap3A_28 = vector.load %arg5[%swap3A_25, %swap3A_26, %swap3A_27] : memref<2x1000x64xf32, #tpu.memory_space<vmem>>, vector<1x1000x64xf32>
    %swap3A_29 = vector.shape_cast %swap3A_28 : vector<1x1000x64xf32> to vector<1000x64xf32>
    %swap3A_30 = vector.shape_cast %slice3A : vector<1000x64xf32> to vector<1x1000x64xf32>
    tpu.vector_store %arg5[%swap3A_25, %swap3A_26, %swap3A_27], %swap3A_30 {strides = array<i32>} : memref<2x1000x64xf32, #tpu.memory_space<vmem>>, vector<1x1000x64xf32>,
    %slice3A_31 = vector.extract_strided_slice %mul3A_24 {offsets = [0, 64], sizes = [1000, 64], strides = [1, 1]} : vector<1000x128xf32> to vector<1000x64xf32>
    %swap3A_32 = arith.constant 1 : index
    %swap3A_33 = arith.constant 0 : index
    %swap3A_34 = arith.constant 0 : index
    %swap3A_35 = vector.load %arg5[%swap3A_32, %swap3A_33, %swap3A_34] : memref<2x1000x64xf32, #tpu.memory_space<vmem>>, vector<1x1000x64xf32>
    %swap3A_36 = vector.shape_cast %swap3A_35 : vector<1x1000x64xf32> to vector<1000x64xf32>
    %swap3A_37 = vector.shape_cast %slice3A_31 : vector<1000x64xf32> to vector<1x1000x64xf32>
    tpu.vector_store %arg5[%swap3A_32, %swap3A_33, %swap3A_34], %swap3A_37 {strides = array<i32>} : memref<2x1000x64xf32, #tpu.memory_space<vmem>>, vector<1x1000x64xf32>,
    return
  }
  func.func @transform_0(%arg0: i32) -> (i32, i32) {
    %c0_i32 = arith.constant 0 : i32
    %c0_i32_0 = arith.constant 0 : i32
    return %arg0, %c0_i32 : i32, i32
  }
  func.func @transform_1(%arg0: i32) -> (i32, i32) {
    %c0_i32 = arith.constant 0 : i32
    %c0_i32_0 = arith.constant 0 : i32
    return %arg0, %c0_i32 : i32, i32
  }
  func.func @transform_2(%arg0: i32) -> (i32, i32) {
    %c0_i32 = arith.constant 0 : i32
    %c0_i32_0 = arith.constant 0 : i32
    return %arg0, %c0_i32 : i32, i32
  }
  func.func @transform_3(%arg0: i32) -> (i32, i32) {
    %c0_i32 = arith.constant 0 : i32
    %c0_i32_0 = arith.constant 0 : i32
    return %arg0, %c0_i32 : i32, i32
  }
  func.func @transform_4(%arg0: i32) -> (i32, i32, i32) {
    %c0_i32 = arith.constant 0 : i32
    %c0_i32_0 = arith.constant 0 : i32
    %c0_i32_1 = arith.constant 0 : i32
    return %c0_i32, %arg0, %c0_i32_0 : i32, i32, i32
  }
  func.func @transform_5(%arg0: i32) -> (i32, i32) {
    %c0_i32 = arith.constant 0 : i32
    %c0_i32_0 = arith.constant 0 : i32
    return %arg0, %c0_i32 : i32, i32
  }
}

module attributes {stable_mosaic.version = 14 : i64} {
  func.func @_tc_mid_body(%arg0: i32, %arg1: memref<1000x64xf32, #tpu.memory_space<vmem>>, %arg2: memref<1000x64xf32, #tpu.memory_space<vmem>>, %arg3: memref<1000x1xf32, #tpu.memory_space<vmem>>, %arg4: memref<128x256xf32, #tpu.memory_space<vmem>>, %arg5: memref<1x256xf32, #tpu.memory_space<vmem>>, %arg6: memref<1x256xf32, #tpu.memory_space<vmem>>, %arg7: memref<1x256xf32, #tpu.memory_space<vmem>>, %arg8: memref<256x128xf32, #tpu.memory_space<vmem>>, %arg9: memref<2x1000x64xf32, #tpu.memory_space<vmem>>, %arg10: memref<1000x1xf32, #tpu.memory_space<vmem>>) attributes {dimension_semantics = [#tpu.dimension_semantics<arbitrary>], iteration_bounds = array<i64: 10>, scalar_prefetch = 0 : i64, scratch_operands = 0 : i64, tpu.core_type = #tpu.core_type<tc>, window_params = [{transform_indices = @transform_0, window_bounds = array<i64: 1000, 64>}, {transform_indices = @transform_1, window_bounds = array<i64: 1000, 64>}, {transform_indices = @transform_2, window_bounds = array<i64: 1000, 1>}, {pipeline_mode = #tpu.pipeline_mode<synchronous>, transform_indices = @transform_3, window_bounds = array<i64: 128, 256>}, {pipeline_mode = #tpu.pipeline_mode<synchronous>, transform_indices = @transform_4, window_bounds = array<i64: 1, 256>}, {pipeline_mode = #tpu.pipeline_mode<synchronous>, transform_indices = @transform_5, window_bounds = array<i64: 1, 256>}, {pipeline_mode = #tpu.pipeline_mode<synchronous>, transform_indices = @transform_6, window_bounds = array<i64: 1, 256>}, {pipeline_mode = #tpu.pipeline_mode<synchronous>, transform_indices = @transform_7, window_bounds = array<i64: 256, 128>}, {transform_indices = @transform_8, window_bounds = array<i64: 2, 1000, 64>}, {transform_indices = @transform_9, window_bounds = array<i64: 1000, 1>}]} {
    %get3A = arith.constant 0 : index
    %get3A_0 = arith.constant 0 : index
    %get3A_1 = vector.load %arg3[%get3A, %get3A_0] : memref<1000x1xf32, #tpu.memory_space<vmem>>, vector<1000x1xf32>
    %gt3A = arith.constant 0.000000e+00 : f32
    %gt3A_2 = vector.broadcast %gt3A : f32 to vector<1000x1xf32>
    %gt3A_3 = arith.cmpf ogt, %get3A_1, %gt3A_2 : vector<1000x1xf32>
    %gt3A_4 = arith.constant 0.000000e+00 : f32
    %gt3A_5 = vector.broadcast %gt3A_4 : f32 to vector<1000x1xf32>
    %gt3A_6 = arith.cmpf ogt, %get3A_1, %gt3A_5 : vector<1000x1xf32>
    %jit3A = arith.constant 1.000000e+00 : f32
    %broadcast_in_dim3A = vector.broadcast %jit3A : f32 to vector<1000x1xf32>
    %select_n3A = arith.select %gt3A_6, %get3A_1, %broadcast_in_dim3A : vector<1000x1xi1>, vector<1000x1xf32>
    %div3A = arith.constant 1.000000e+00 : f32
    %div3A_7 = vector.broadcast %div3A : f32 to vector<1000x1xf32>
    %div3A_8 = arith.divf %div3A_7, %select_n3A : vector<1000x1xf32>
    %jit3A_9 = arith.constant 0.000000e+00 : f32
    %broadcast_in_dim3A_10 = vector.broadcast %jit3A_9 : f32 to vector<1000x1xf32>
    %select_n3A_11 = arith.select %gt3A_3, %div3A_8, %broadcast_in_dim3A_10 : vector<1000x1xi1>, vector<1000x1xf32>
    %swap3A = arith.constant 0 : index
    %swap3A_12 = arith.constant 0 : index
    %swap3A_13 = vector.load %arg10[%swap3A, %swap3A_12] : memref<1000x1xf32, #tpu.memory_space<vmem>>, vector<1000x1xf32>
    tpu.vector_store %arg10[%swap3A, %swap3A_12], %select_n3A_11 {strides = array<i32>} : memref<1000x1xf32, #tpu.memory_space<vmem>>, vector<1000x1xf32>,
    %get3A_14 = arith.constant 0 : index
    %get3A_15 = arith.constant 0 : index
    %get3A_16 = vector.load %arg1[%get3A_14, %get3A_15] : memref<1000x64xf32, #tpu.memory_space<vmem>>, vector<1000x64xf32>
    %get3A_17 = arith.constant 0 : index
    %get3A_18 = arith.constant 0 : index
    %get3A_19 = vector.load %arg2[%get3A_17, %get3A_18] : memref<1000x64xf32, #tpu.memory_space<vmem>>, vector<1000x64xf32>
    %concatenate3A = tpu.concatenate %get3A_16, %get3A_19 in 1 : vector<1000x64xf32>, vector<1000x64xf32> -> vector<1000x128xf32>
    %mul3A = vector.broadcast %select_n3A_11 : vector<1000x1xf32> to vector<1000x128xf32>
    %mul3A_20 = arith.mulf %concatenate3A, %mul3A : vector<1000x128xf32>
    %get3A_21 = arith.constant 0 : index
    %get3A_22 = arith.constant 0 : index
    %get3A_23 = vector.load %arg4[%get3A_21, %get3A_22] : memref<128x256xf32, #tpu.memory_space<vmem>>, vector<128x256xf32>
    %dot_general3A = arith.constant dense<0.000000e+00> : vector<1000x256xf32>
    %dot_general3A_24 = tpu.matmul %mul3A_20, %get3A_23, %dot_general3A {dimension_numbers = #tpu.dot_dimension_numbers<[1], [0], [0], [1], [0, 0, 1, 1], [], []>, precision = #tpu.contract_precision<fp32>, transpose_lhs_hint = false} : vector<1000x128xf32>, vector<128x256xf32>, vector<1000x256xf32> -> vector<1000x256xf32>
    %get3A_25 = arith.constant 0 : index
    %get3A_26 = arith.constant 0 : index
    %get3A_27 = vector.load %arg5[%get3A_25, %get3A_26] : memref<1x256xf32, #tpu.memory_space<vmem>>, vector<1x256xf32>
    %add3A = vector.broadcast %get3A_27 : vector<1x256xf32> to vector<1000x256xf32>
    %add3A_28 = arith.addf %dot_general3A_24, %add3A : vector<1000x256xf32>
    %get3A_29 = arith.constant 0 : index
    %get3A_30 = arith.constant 0 : index
    %get3A_31 = vector.load %arg6[%get3A_29, %get3A_30] : memref<1x256xf32, #tpu.memory_space<vmem>>, vector<1x256xf32>
    %get3A_32 = arith.constant 0 : index
    %get3A_33 = arith.constant 0 : index
    %get3A_34 = vector.load %arg7[%get3A_32, %get3A_33] : memref<1x256xf32, #tpu.memory_space<vmem>>, vector<1x256xf32>
    %reduce_sum3A = arith.constant dense<0.000000e+00> : vector<1000xf32>
    %reduce_sum3A_35 = vector.multi_reduction <add>, %add3A_28, %reduce_sum3A [1] : vector<1000x256xf32> to vector<1000xf32>
    %broadcast_in_dim3A_36 = vector.shape_cast %reduce_sum3A_35 : vector<1000xf32> to vector<1000x1xf32>
    %div3A_37 = arith.constant 2.560000e+02 : f32
    %div3A_38 = vector.broadcast %div3A_37 : f32 to vector<1000x1xf32>
    %div3A_39 = arith.divf %broadcast_in_dim3A_36, %div3A_38 : vector<1000x1xf32>
    %sub3A = vector.broadcast %div3A_39 : vector<1000x1xf32> to vector<1000x256xf32>
    %sub3A_40 = arith.subf %add3A_28, %sub3A : vector<1000x256xf32>
    %integer_pow3A = arith.mulf %sub3A_40, %sub3A_40 : vector<1000x256xf32>
    %reduce_sum3A_41 = arith.constant dense<0.000000e+00> : vector<1000xf32>
    %reduce_sum3A_42 = vector.multi_reduction <add>, %integer_pow3A, %reduce_sum3A_41 [1] : vector<1000x256xf32> to vector<1000xf32>
    %broadcast_in_dim3A_43 = vector.shape_cast %reduce_sum3A_42 : vector<1000xf32> to vector<1000x1xf32>
    %div3A_44 = arith.constant 2.560000e+02 : f32
    %div3A_45 = vector.broadcast %div3A_44 : f32 to vector<1000x1xf32>
    %div3A_46 = arith.divf %broadcast_in_dim3A_43, %div3A_45 : vector<1000x1xf32>
    %sub3A_47 = vector.broadcast %div3A_39 : vector<1000x1xf32> to vector<1000x256xf32>
    %sub3A_48 = arith.subf %add3A_28, %sub3A_47 : vector<1000x256xf32>
    %add3A_49 = arith.constant 9.99999974E-6 : f32
    %add3A_50 = vector.broadcast %add3A_49 : f32 to vector<1000x1xf32>
    %add3A_51 = arith.addf %div3A_46, %add3A_50 : vector<1000x1xf32>
    %rsqrt3A = math.rsqrt %add3A_51 : vector<1000x1xf32>
    %mul3A_52 = vector.broadcast %rsqrt3A : vector<1000x1xf32> to vector<1000x256xf32>
    %mul3A_53 = arith.mulf %sub3A_48, %mul3A_52 : vector<1000x256xf32>
    %mul3A_54 = vector.broadcast %get3A_31 : vector<1x256xf32> to vector<1000x256xf32>
    %mul3A_55 = arith.mulf %mul3A_53, %mul3A_54 : vector<1000x256xf32>
    %add3A_56 = vector.broadcast %get3A_34 : vector<1x256xf32> to vector<1000x256xf32>
    %add3A_57 = arith.addf %mul3A_55, %add3A_56 : vector<1000x256xf32>
    %max3A = arith.constant 0.000000e+00 : f32
    %max3A_58 = vector.broadcast %max3A : f32 to vector<1000x256xf32>
    %max3A_59 = arith.maximumf %add3A_57, %max3A_58 : vector<1000x256xf32>
    %get3A_60 = arith.constant 0 : index
    %get3A_61 = arith.constant 0 : index
    %get3A_62 = vector.load %arg8[%get3A_60, %get3A_61] : memref<256x128xf32, #tpu.memory_space<vmem>>, vector<256x128xf32>
    %dot_general3A_63 = arith.constant dense<0.000000e+00> : vector<1000x128xf32>
    %dot_general3A_64 = tpu.matmul %max3A_59, %get3A_62, %dot_general3A_63 {dimension_numbers = #tpu.dot_dimension_numbers<[1], [0], [0], [1], [0, 0, 1, 1], [], []>, precision = #tpu.contract_precision<fp32>, transpose_lhs_hint = false} : vector<1000x256xf32>, vector<256x128xf32>, vector<1000x128xf32> -> vector<1000x128xf32>
    %slice3A = vector.extract_strided_slice %dot_general3A_64 {offsets = [0, 0], sizes = [1000, 64], strides = [1, 1]} : vector<1000x128xf32> to vector<1000x64xf32>
    %swap3A_65 = arith.constant 0 : index
    %swap3A_66 = arith.constant 0 : index
    %swap3A_67 = arith.constant 0 : index
    %swap3A_68 = vector.load %arg9[%swap3A_65, %swap3A_66, %swap3A_67] : memref<2x1000x64xf32, #tpu.memory_space<vmem>>, vector<1x1000x64xf32>
    %swap3A_69 = vector.shape_cast %swap3A_68 : vector<1x1000x64xf32> to vector<1000x64xf32>
    %swap3A_70 = vector.shape_cast %slice3A : vector<1000x64xf32> to vector<1x1000x64xf32>
    tpu.vector_store %arg9[%swap3A_65, %swap3A_66, %swap3A_67], %swap3A_70 {strides = array<i32>} : memref<2x1000x64xf32, #tpu.memory_space<vmem>>, vector<1x1000x64xf32>,
    %slice3A_71 = vector.extract_strided_slice %dot_general3A_64 {offsets = [0, 64], sizes = [1000, 64], strides = [1, 1]} : vector<1000x128xf32> to vector<1000x64xf32>
    %swap3A_72 = arith.constant 1 : index
    %swap3A_73 = arith.constant 0 : index
    %swap3A_74 = arith.constant 0 : index
    %swap3A_75 = vector.load %arg9[%swap3A_72, %swap3A_73, %swap3A_74] : memref<2x1000x64xf32, #tpu.memory_space<vmem>>, vector<1x1000x64xf32>
    %swap3A_76 = vector.shape_cast %swap3A_75 : vector<1x1000x64xf32> to vector<1000x64xf32>
    %swap3A_77 = vector.shape_cast %slice3A_71 : vector<1000x64xf32> to vector<1x1000x64xf32>
    tpu.vector_store %arg9[%swap3A_72, %swap3A_73, %swap3A_74], %swap3A_77 {strides = array<i32>} : memref<2x1000x64xf32, #tpu.memory_space<vmem>>, vector<1x1000x64xf32>,
    return
  }
  func.func @transform_0(%arg0: i32) -> (i32, i32) {
    %c0_i32 = arith.constant 0 : i32
    %c0_i32_0 = arith.constant 0 : i32
    return %arg0, %c0_i32 : i32, i32
  }
  func.func @transform_1(%arg0: i32) -> (i32, i32) {
    %c0_i32 = arith.constant 0 : i32
    %c0_i32_0 = arith.constant 0 : i32
    return %arg0, %c0_i32 : i32, i32
  }
  func.func @transform_2(%arg0: i32) -> (i32, i32) {
    %c0_i32 = arith.constant 0 : i32
    %c0_i32_0 = arith.constant 0 : i32
    return %arg0, %c0_i32 : i32, i32
  }
  func.func @transform_3(%arg0: i32) -> (i32, i32) {
    %c0_i32 = arith.constant 0 : i32
    %c0_i32_0 = arith.constant 0 : i32
    %c0_i32_1 = arith.constant 0 : i32
    return %c0_i32, %c0_i32_0 : i32, i32
  }
  func.func @transform_4(%arg0: i32) -> (i32, i32) {
    %c0_i32 = arith.constant 0 : i32
    %c0_i32_0 = arith.constant 0 : i32
    %c0_i32_1 = arith.constant 0 : i32
    return %c0_i32, %c0_i32_0 : i32, i32
  }
  func.func @transform_5(%arg0: i32) -> (i32, i32) {
    %c0_i32 = arith.constant 0 : i32
    %c0_i32_0 = arith.constant 0 : i32
    %c0_i32_1 = arith.constant 0 : i32
    return %c0_i32, %c0_i32_0 : i32, i32
  }
  func.func @transform_6(%arg0: i32) -> (i32, i32) {
    %c0_i32 = arith.constant 0 : i32
    %c0_i32_0 = arith.constant 0 : i32
    %c0_i32_1 = arith.constant 0 : i32
    return %c0_i32, %c0_i32_0 : i32, i32
  }
  func.func @transform_7(%arg0: i32) -> (i32, i32) {
    %c0_i32 = arith.constant 0 : i32
    %c0_i32_0 = arith.constant 0 : i32
    %c0_i32_1 = arith.constant 0 : i32
    return %c0_i32, %c0_i32_0 : i32, i32
  }
  func.func @transform_8(%arg0: i32) -> (i32, i32, i32) {
    %c0_i32 = arith.constant 0 : i32
    %c0_i32_0 = arith.constant 0 : i32
    %c0_i32_1 = arith.constant 0 : i32
    return %c0_i32, %arg0, %c0_i32_0 : i32, i32, i32
  }
  func.func @transform_9(%arg0: i32) -> (i32, i32) {
    %c0_i32 = arith.constant 0 : i32
    %c0_i32_0 = arith.constant 0 : i32
    return %arg0, %c0_i32 : i32, i32
  }
}

module attributes {stable_mosaic.version = 14 : i64} {
  func.func @_tc_combine2_body(%arg0: i32, %arg1: memref<1000x64xf32, #tpu.memory_space<vmem>>, %arg2: memref<1000x64xf32, #tpu.memory_space<vmem>>, %arg3: memref<1000x1xf32, #tpu.memory_space<vmem>>, %arg4: memref<2x1000x64xf32, #tpu.memory_space<vmem>>) attributes {dimension_semantics = [#tpu.dimension_semantics<arbitrary>], iteration_bounds = array<i64: 10>, scalar_prefetch = 0 : i64, scratch_operands = 0 : i64, tpu.core_type = #tpu.core_type<tc>, window_params = [{transform_indices = @transform_0, window_bounds = array<i64: 1000, 64>}, {transform_indices = @transform_1, window_bounds = array<i64: 1000, 64>}, {transform_indices = @transform_2, window_bounds = array<i64: 1000, 1>}, {transform_indices = @transform_3, window_bounds = array<i64: 2, 1000, 64>}]} {
    %get3A = arith.constant 0 : index
    %get3A_0 = arith.constant 0 : index
    %get3A_1 = vector.load %arg1[%get3A, %get3A_0] : memref<1000x64xf32, #tpu.memory_space<vmem>>, vector<1000x64xf32>
    %get3A_2 = arith.constant 0 : index
    %get3A_3 = arith.constant 0 : index
    %get3A_4 = vector.load %arg2[%get3A_2, %get3A_3] : memref<1000x64xf32, #tpu.memory_space<vmem>>, vector<1000x64xf32>
    %concatenate3A = tpu.concatenate %get3A_1, %get3A_4 in 1 : vector<1000x64xf32>, vector<1000x64xf32> -> vector<1000x128xf32>
    %get3A_5 = arith.constant 0 : index
    %get3A_6 = arith.constant 0 : index
    %get3A_7 = vector.load %arg3[%get3A_5, %get3A_6] : memref<1000x1xf32, #tpu.memory_space<vmem>>, vector<1000x1xf32>
    %mul3A = vector.broadcast %get3A_7 : vector<1000x1xf32> to vector<1000x128xf32>
    %mul3A_8 = arith.mulf %concatenate3A, %mul3A : vector<1000x128xf32>
    %slice3A = vector.extract_strided_slice %mul3A_8 {offsets = [0, 0], sizes = [1000, 64], strides = [1, 1]} : vector<1000x128xf32> to vector<1000x64xf32>
    %swap3A = arith.constant 0 : index
    %swap3A_9 = arith.constant 0 : index
    %swap3A_10 = arith.constant 0 : index
    %swap3A_11 = vector.load %arg4[%swap3A, %swap3A_9, %swap3A_10] : memref<2x1000x64xf32, #tpu.memory_space<vmem>>, vector<1x1000x64xf32>
    %swap3A_12 = vector.shape_cast %swap3A_11 : vector<1x1000x64xf32> to vector<1000x64xf32>
    %swap3A_13 = vector.shape_cast %slice3A : vector<1000x64xf32> to vector<1x1000x64xf32>
    tpu.vector_store %arg4[%swap3A, %swap3A_9, %swap3A_10], %swap3A_13 {strides = array<i32>} : memref<2x1000x64xf32, #tpu.memory_space<vmem>>, vector<1x1000x64xf32>,
    %slice3A_14 = vector.extract_strided_slice %mul3A_8 {offsets = [0, 64], sizes = [1000, 64], strides = [1, 1]} : vector<1000x128xf32> to vector<1000x64xf32>
    %swap3A_15 = arith.constant 1 : index
    %swap3A_16 = arith.constant 0 : index
    %swap3A_17 = arith.constant 0 : index
    %swap3A_18 = vector.load %arg4[%swap3A_15, %swap3A_16, %swap3A_17] : memref<2x1000x64xf32, #tpu.memory_space<vmem>>, vector<1x1000x64xf32>
    %swap3A_19 = vector.shape_cast %swap3A_18 : vector<1x1000x64xf32> to vector<1000x64xf32>
    %swap3A_20 = vector.shape_cast %slice3A_14 : vector<1000x64xf32> to vector<1x1000x64xf32>
    tpu.vector_store %arg4[%swap3A_15, %swap3A_16, %swap3A_17], %swap3A_20 {strides = array<i32>} : memref<2x1000x64xf32, #tpu.memory_space<vmem>>, vector<1x1000x64xf32>,
    return
  }
  func.func @transform_0(%arg0: i32) -> (i32, i32) {
    %c0_i32 = arith.constant 0 : i32
    %c0_i32_0 = arith.constant 0 : i32
    return %arg0, %c0_i32 : i32, i32
  }
  func.func @transform_1(%arg0: i32) -> (i32, i32) {
    %c0_i32 = arith.constant 0 : i32
    %c0_i32_0 = arith.constant 0 : i32
    return %arg0, %c0_i32 : i32, i32
  }
  func.func @transform_2(%arg0: i32) -> (i32, i32) {
    %c0_i32 = arith.constant 0 : i32
    %c0_i32_0 = arith.constant 0 : i32
    return %arg0, %c0_i32 : i32, i32
  }
  func.func @transform_3(%arg0: i32) -> (i32, i32, i32) {
    %c0_i32 = arith.constant 0 : i32
    %c0_i32_0 = arith.constant 0 : i32
    %c0_i32_1 = arith.constant 0 : i32
    return %c0_i32, %arg0, %c0_i32_0 : i32, i32, i32
  }
}

module attributes {stable_mosaic.version = 14 : i64} {
  func.func @_tc_final_body(%arg0: i32, %arg1: memref<1000x64xf32, #tpu.memory_space<vmem>>, %arg2: memref<1000x64xf32, #tpu.memory_space<vmem>>, %arg3: memref<1000x1xf32, #tpu.memory_space<vmem>>, %arg4: memref<1x128xf32, #tpu.memory_space<vmem>>, %arg5: memref<1x128xf32, #tpu.memory_space<vmem>>, %arg6: memref<1x128xf32, #tpu.memory_space<vmem>>, %arg7: memref<128x128xf32, #tpu.memory_space<vmem>>, %arg8: memref<1x128xf32, #tpu.memory_space<vmem>>, %arg9: memref<1x128xf32, #tpu.memory_space<vmem>>, %arg10: memref<1x128xf32, #tpu.memory_space<vmem>>, %arg11: memref<1000x128xf32, #tpu.memory_space<vmem>>) attributes {dimension_semantics = [#tpu.dimension_semantics<arbitrary>], iteration_bounds = array<i64: 10>, scalar_prefetch = 0 : i64, scratch_operands = 0 : i64, tpu.core_type = #tpu.core_type<tc>, window_params = [{transform_indices = @transform_0, window_bounds = array<i64: 1000, 64>}, {transform_indices = @transform_1, window_bounds = array<i64: 1000, 64>}, {transform_indices = @transform_2, window_bounds = array<i64: 1000, 1>}, {pipeline_mode = #tpu.pipeline_mode<synchronous>, transform_indices = @transform_3, window_bounds = array<i64: 1, 128>}, {pipeline_mode = #tpu.pipeline_mode<synchronous>, transform_indices = @transform_4, window_bounds = array<i64: 1, 128>}, {pipeline_mode = #tpu.pipeline_mode<synchronous>, transform_indices = @transform_5, window_bounds = array<i64: 1, 128>}, {pipeline_mode = #tpu.pipeline_mode<synchronous>, transform_indices = @transform_6, window_bounds = array<i64: 128, 128>}, {pipeline_mode = #tpu.pipeline_mode<synchronous>, transform_indices = @transform_7, window_bounds = array<i64: 1, 128>}, {pipeline_mode = #tpu.pipeline_mode<synchronous>, transform_indices = @transform_8, window_bounds = array<i64: 1, 128>}, {pipeline_mode = #tpu.pipeline_mode<synchronous>, transform_indices = @transform_9, window_bounds = array<i64: 1, 128>}, {transform_indices = @transform_10, window_bounds = array<i64: 1000, 128>}]} {
    %get3A = arith.constant 0 : index
    %get3A_0 = arith.constant 0 : index
    %get3A_1 = vector.load %arg1[%get3A, %get3A_0] : memref<1000x64xf32, #tpu.memory_space<vmem>>, vector<1000x64xf32>
    %get3A_2 = arith.constant 0 : index
    %get3A_3 = arith.constant 0 : index
    %get3A_4 = vector.load %arg2[%get3A_2, %get3A_3] : memref<1000x64xf32, #tpu.memory_space<vmem>>, vector<1000x64xf32>
    %concatenate3A = tpu.concatenate %get3A_1, %get3A_4 in 1 : vector<1000x64xf32>, vector<1000x64xf32> -> vector<1000x128xf32>
    %get3A_5 = arith.constant 0 : index
    %get3A_6 = arith.constant 0 : index
    %get3A_7 = vector.load %arg3[%get3A_5, %get3A_6] : memref<1000x1xf32, #tpu.memory_space<vmem>>, vector<1000x1xf32>
    %mul3A = vector.broadcast %get3A_7 : vector<1000x1xf32> to vector<1000x128xf32>
    %mul3A_8 = arith.mulf %concatenate3A, %mul3A : vector<1000x128xf32>
    %get3A_9 = arith.constant 0 : index
    %get3A_10 = arith.constant 0 : index
    %get3A_11 = vector.load %arg4[%get3A_9, %get3A_10] : memref<1x128xf32, #tpu.memory_space<vmem>>, vector<1x128xf32>
    %add3A = vector.broadcast %get3A_11 : vector<1x128xf32> to vector<1000x128xf32>
    %add3A_12 = arith.addf %mul3A_8, %add3A : vector<1000x128xf32>
    %get3A_13 = arith.constant 0 : index
    %get3A_14 = arith.constant 0 : index
    %get3A_15 = vector.load %arg5[%get3A_13, %get3A_14] : memref<1x128xf32, #tpu.memory_space<vmem>>, vector<1x128xf32>
    %get3A_16 = arith.constant 0 : index
    %get3A_17 = arith.constant 0 : index
    %get3A_18 = vector.load %arg6[%get3A_16, %get3A_17] : memref<1x128xf32, #tpu.memory_space<vmem>>, vector<1x128xf32>
    %reduce_sum3A = arith.constant dense<0.000000e+00> : vector<1000xf32>
    %reduce_sum3A_19 = vector.multi_reduction <add>, %add3A_12, %reduce_sum3A [1] : vector<1000x128xf32> to vector<1000xf32>
    %broadcast_in_dim3A = vector.shape_cast %reduce_sum3A_19 : vector<1000xf32> to vector<1000x1xf32>
    %div3A = arith.constant 1.280000e+02 : f32
    %div3A_20 = vector.broadcast %div3A : f32 to vector<1000x1xf32>
    %div3A_21 = arith.divf %broadcast_in_dim3A, %div3A_20 : vector<1000x1xf32>
    %sub3A = vector.broadcast %div3A_21 : vector<1000x1xf32> to vector<1000x128xf32>
    %sub3A_22 = arith.subf %add3A_12, %sub3A : vector<1000x128xf32>
    %integer_pow3A = arith.mulf %sub3A_22, %sub3A_22 : vector<1000x128xf32>
    %reduce_sum3A_23 = arith.constant dense<0.000000e+00> : vector<1000xf32>
    %reduce_sum3A_24 = vector.multi_reduction <add>, %integer_pow3A, %reduce_sum3A_23 [1] : vector<1000x128xf32> to vector<1000xf32>
    %broadcast_in_dim3A_25 = vector.shape_cast %reduce_sum3A_24 : vector<1000xf32> to vector<1000x1xf32>
    %div3A_26 = arith.constant 1.280000e+02 : f32
    %div3A_27 = vector.broadcast %div3A_26 : f32 to vector<1000x1xf32>
    %div3A_28 = arith.divf %broadcast_in_dim3A_25, %div3A_27 : vector<1000x1xf32>
    %sub3A_29 = vector.broadcast %div3A_21 : vector<1000x1xf32> to vector<1000x128xf32>
    %sub3A_30 = arith.subf %add3A_12, %sub3A_29 : vector<1000x128xf32>
    %add3A_31 = arith.constant 9.99999974E-6 : f32
    %add3A_32 = vector.broadcast %add3A_31 : f32 to vector<1000x1xf32>
    %add3A_33 = arith.addf %div3A_28, %add3A_32 : vector<1000x1xf32>
    %rsqrt3A = math.rsqrt %add3A_33 : vector<1000x1xf32>
    %mul3A_34 = vector.broadcast %rsqrt3A : vector<1000x1xf32> to vector<1000x128xf32>
    %mul3A_35 = arith.mulf %sub3A_30, %mul3A_34 : vector<1000x128xf32>
    %mul3A_36 = vector.broadcast %get3A_15 : vector<1x128xf32> to vector<1000x128xf32>
    %mul3A_37 = arith.mulf %mul3A_35, %mul3A_36 : vector<1000x128xf32>
    %add3A_38 = vector.broadcast %get3A_18 : vector<1x128xf32> to vector<1000x128xf32>
    %add3A_39 = arith.addf %mul3A_37, %add3A_38 : vector<1000x128xf32>
    %get3A_40 = arith.constant 0 : index
    %get3A_41 = arith.constant 0 : index
    %get3A_42 = vector.load %arg7[%get3A_40, %get3A_41] : memref<128x128xf32, #tpu.memory_space<vmem>>, vector<128x128xf32>
    %dot_general3A = arith.constant dense<0.000000e+00> : vector<1000x128xf32>
    %dot_general3A_43 = tpu.matmul %add3A_39, %get3A_42, %dot_general3A {dimension_numbers = #tpu.dot_dimension_numbers<[1], [0], [0], [1], [0, 0, 1, 1], [], []>, precision = #tpu.contract_precision<fp32>, transpose_lhs_hint = false} : vector<1000x128xf32>, vector<128x128xf32>, vector<1000x128xf32> -> vector<1000x128xf32>
    %get3A_44 = arith.constant 0 : index
    %get3A_45 = arith.constant 0 : index
    %get3A_46 = vector.load %arg8[%get3A_44, %get3A_45] : memref<1x128xf32, #tpu.memory_space<vmem>>, vector<1x128xf32>
    %add3A_47 = vector.broadcast %get3A_46 : vector<1x128xf32> to vector<1000x128xf32>
    %add3A_48 = arith.addf %dot_general3A_43, %add3A_47 : vector<1000x128xf32>
    %max3A = arith.constant 0.000000e+00 : f32
    %max3A_49 = vector.broadcast %max3A : f32 to vector<1000x128xf32>
    %max3A_50 = arith.maximumf %add3A_48, %max3A_49 : vector<1000x128xf32>
    %get3A_51 = arith.constant 0 : index
    %get3A_52 = arith.constant 0 : index
    %get3A_53 = vector.load %arg9[%get3A_51, %get3A_52] : memref<1x128xf32, #tpu.memory_space<vmem>>, vector<1x128xf32>
    %get3A_54 = arith.constant 0 : index
    %get3A_55 = arith.constant 0 : index
    %get3A_56 = vector.load %arg10[%get3A_54, %get3A_55] : memref<1x128xf32, #tpu.memory_space<vmem>>, vector<1x128xf32>
    %reduce_sum3A_57 = arith.constant dense<0.000000e+00> : vector<1000xf32>
    %reduce_sum3A_58 = vector.multi_reduction <add>, %max3A_50, %reduce_sum3A_57 [1] : vector<1000x128xf32> to vector<1000xf32>
    %broadcast_in_dim3A_59 = vector.shape_cast %reduce_sum3A_58 : vector<1000xf32> to vector<1000x1xf32>
    %div3A_60 = arith.constant 1.280000e+02 : f32
    %div3A_61 = vector.broadcast %div3A_60 : f32 to vector<1000x1xf32>
    %div3A_62 = arith.divf %broadcast_in_dim3A_59, %div3A_61 : vector<1000x1xf32>
    %sub3A_63 = vector.broadcast %div3A_62 : vector<1000x1xf32> to vector<1000x128xf32>
    %sub3A_64 = arith.subf %max3A_50, %sub3A_63 : vector<1000x128xf32>
    %integer_pow3A_65 = arith.mulf %sub3A_64, %sub3A_64 : vector<1000x128xf32>
    %reduce_sum3A_66 = arith.constant dense<0.000000e+00> : vector<1000xf32>
    %reduce_sum3A_67 = vector.multi_reduction <add>, %integer_pow3A_65, %reduce_sum3A_66 [1] : vector<1000x128xf32> to vector<1000xf32>
    %broadcast_in_dim3A_68 = vector.shape_cast %reduce_sum3A_67 : vector<1000xf32> to vector<1000x1xf32>
    %div3A_69 = arith.constant 1.280000e+02 : f32
    %div3A_70 = vector.broadcast %div3A_69 : f32 to vector<1000x1xf32>
    %div3A_71 = arith.divf %broadcast_in_dim3A_68, %div3A_70 : vector<1000x1xf32>
    %sub3A_72 = vector.broadcast %div3A_62 : vector<1000x1xf32> to vector<1000x128xf32>
    %sub3A_73 = arith.subf %max3A_50, %sub3A_72 : vector<1000x128xf32>
    %add3A_74 = arith.constant 9.99999974E-6 : f32
    %add3A_75 = vector.broadcast %add3A_74 : f32 to vector<1000x1xf32>
    %add3A_76 = arith.addf %div3A_71, %add3A_75 : vector<1000x1xf32>
    %rsqrt3A_77 = math.rsqrt %add3A_76 : vector<1000x1xf32>
    %mul3A_78 = vector.broadcast %rsqrt3A_77 : vector<1000x1xf32> to vector<1000x128xf32>
    %mul3A_79 = arith.mulf %sub3A_73, %mul3A_78 : vector<1000x128xf32>
    %mul3A_80 = vector.broadcast %get3A_53 : vector<1x128xf32> to vector<1000x128xf32>
    %mul3A_81 = arith.mulf %mul3A_79, %mul3A_80 : vector<1000x128xf32>
    %add3A_82 = vector.broadcast %get3A_56 : vector<1x128xf32> to vector<1000x128xf32>
    %add3A_83 = arith.addf %mul3A_81, %add3A_82 : vector<1000x128xf32>
    %swap3A = arith.constant 0 : index
    %swap3A_84 = arith.constant 0 : index
    %swap3A_85 = vector.load %arg11[%swap3A, %swap3A_84] : memref<1000x128xf32, #tpu.memory_space<vmem>>, vector<1000x128xf32>
    tpu.vector_store %arg11[%swap3A, %swap3A_84], %add3A_83 {strides = array<i32>} : memref<1000x128xf32, #tpu.memory_space<vmem>>, vector<1000x128xf32>,
    return
  }
  func.func @transform_0(%arg0: i32) -> (i32, i32) {
    %c0_i32 = arith.constant 0 : i32
    %c0_i32_0 = arith.constant 0 : i32
    return %arg0, %c0_i32 : i32, i32
  }
  func.func @transform_1(%arg0: i32) -> (i32, i32) {
    %c0_i32 = arith.constant 0 : i32
    %c0_i32_0 = arith.constant 0 : i32
    return %arg0, %c0_i32 : i32, i32
  }
  func.func @transform_2(%arg0: i32) -> (i32, i32) {
    %c0_i32 = arith.constant 0 : i32
    %c0_i32_0 = arith.constant 0 : i32
    return %arg0, %c0_i32 : i32, i32
  }
  func.func @transform_3(%arg0: i32) -> (i32, i32) {
    %c0_i32 = arith.constant 0 : i32
    %c0_i32_0 = arith.constant 0 : i32
    %c0_i32_1 = arith.constant 0 : i32
    return %c0_i32, %c0_i32_0 : i32, i32
  }
  func.func @transform_4(%arg0: i32) -> (i32, i32) {
    %c0_i32 = arith.constant 0 : i32
    %c0_i32_0 = arith.constant 0 : i32
    %c0_i32_1 = arith.constant 0 : i32
    return %c0_i32, %c0_i32_0 : i32, i32
  }
  func.func @transform_5(%arg0: i32) -> (i32, i32) {
    %c0_i32 = arith.constant 0 : i32
    %c0_i32_0 = arith.constant 0 : i32
    %c0_i32_1 = arith.constant 0 : i32
    return %c0_i32, %c0_i32_0 : i32, i32
  }
  func.func @transform_6(%arg0: i32) -> (i32, i32) {
    %c0_i32 = arith.constant 0 : i32
    %c0_i32_0 = arith.constant 0 : i32
    %c0_i32_1 = arith.constant 0 : i32
    return %c0_i32, %c0_i32_0 : i32, i32
  }
  func.func @transform_7(%arg0: i32) -> (i32, i32) {
    %c0_i32 = arith.constant 0 : i32
    %c0_i32_0 = arith.constant 0 : i32
    %c0_i32_1 = arith.constant 0 : i32
    return %c0_i32, %c0_i32_0 : i32, i32
  }
  func.func @transform_8(%arg0: i32) -> (i32, i32) {
    %c0_i32 = arith.constant 0 : i32
    %c0_i32_0 = arith.constant 0 : i32
    %c0_i32_1 = arith.constant 0 : i32
    return %c0_i32, %c0_i32_0 : i32, i32
  }
  func.func @transform_9(%arg0: i32) -> (i32, i32) {
    %c0_i32 = arith.constant 0 : i32
    %c0_i32_0 = arith.constant 0 : i32
    %c0_i32_1 = arith.constant 0 : i32
    return %c0_i32, %c0_i32_0 : i32, i32
  }
  func.func @transform_10(%arg0: i32) -> (i32, i32) {
    %c0_i32 = arith.constant 0 : i32
    %c0_i32_0 = arith.constant 0 : i32
    return %arg0, %c0_i32 : i32, i32
  }
}

</mosaic_0001>

<sc_bundles>
// kernel: sc_pass.11.cloned.1.call-start
scs
__scs_entry_jumppad:
0x0: {  	(pc) =	sbr.rel $0x88, $3  }
0x1: {  	(tag) =	ssettag $0x0;
	lr =	simm.s32 $0x1  }
0x2: {  	[smem:$0x3F92] =	sst lr;
	_ =	strace $0xD0000000  }
0x3: {  	_ = 	snop  }
0x4: {  	_ = 	snop  }
0x5: {  	_ = 	snop  }
0x6: {  	_ = 	snop  }
0x7: {  	_ = 	snop  }
__scs_overlays_trampoline_lowered:
0x8: {  	[smem:$0x3FA1] =	sst s0  }
0x9: {  	[smem:$0x3FA2] =	sst s1  }
0xa: {  	[smem:$0x3FA3] =	sst s2  }
0xb: {  	[smem:$0x3FA4] =	sst s3  }
0xc: {  	[smem:$0x3FA5] =	sst s4  }
0xd: {  	[smem:$0x3FA6] =	sst s5  }
0xe: {  	[smem:$0x3FA7] =	sst s6  }
0xf: {  	[smem:$0x3FA8] =	sst s7  }
0x10: {  	[smem:$0x3FA9] =	sst s8  }
0x11: {  	[smem:$0x3FAA] =	sst s9;
	s0 =	simm.s32 @!p0 $0x0  }
0x12: {  	s1 =	sld [smem:$0x3F90];
	s0 =	simm.s32 @p0 $0x1  }
0x13: {  	[smem:$0x3FAB] =	sst s0;
	s0 =	simm.s32 @!p1 $0x0  }
0x14: {  	s2 =	sld [smem:$0x3F8F];
	s0 =	simm.s32 @p1 $0x1  }
0x15: {  	[smem:$0x3FAC] =	sst s0;
	s0 =	simm.s32 @!p2 $0x0  }
0x16: {  	s3 =	sld [smem:$0x3FDB];
	s0 =	simm.s32 @p2 $0x1  }
0x17: {  	s4 =	simm.s32 $0x1BF5;
	[smem:$0x3FAE] =	sst s0  }
0x18: {  	s0 =	sld [smem:$0x3F91];
	_ =	swait.ge [sflag:s4], $0x0  }
0x19: {  	s7 =	sld [smem:$0x3F92]  }
0x1a: {  	s8 =	sadd.s32 $0xFFFFE003, lr  }
0x1b: {  	s9 =	sadd.s32 $0xFFFFFEF7, lr;
	s5 =	simm.s32 $0xFFFFFFFF;
	p2 =	slt.u32 s8, $0xFFFFF086  }
0x1c: {  	p1 =	slt.u32 s9, $0xF7A;
	s5 =	simm.s32 @!p2 $0x0  }
0x1d: {  	s5 =	simm.s32 @p1 $0x1;
	p0 =	seq.s32 s7, s2  }
0x1e: {  	s7 =	smul.u32 @!p0 $0xF7A, s2;
	p2 =	seq.s32 @!p0 s5, $0x0  }
0x1f: {  	s9 =	smul.u32 $0xF7A, s1;
	s8 =	simm.s32 @!p0 $0x1BF5;
	p2 =	por !p2, p0  }
0x20: {  	[sflag:s8] =	ssyncset.s32 @!p0 $0xFFFFF086;
	s6 =	sadd.s32 @!p0 s3, s7;
	s7 =	simm.s32 @!p0 $0x108  }
0x21: {  	s3 =	sadd.s32 s3, s9;
	s6 =	sadd.s32 @!p0 $0x88, s6;
	s7 =	simm.s32 @p2 $0x1082  }
0x22: {  	[simem:s7], [sflag:s8] =	dma.local @!p0 [hbm:s6], $0xF7A  }
0x23: {  	s9 =	sor.u32 $0xD0000000, s2;
	s6 =	simm.s32 $0x108;
	_ =	swait.ge @!p0 [sflag:s8], $0x0  }
0x24: {  	s3 =	sadd.s32 $0x88, s3;
	s6 =	simm.s32 @!p1 $0x1082;
	[sflag:s4] =	ssyncset.s32 $0xFFFFF086  }
0x25: {  	[simem:s6], [sflag:s4] =	dma.local [hbm:s3], $0xF7A  }
0x26: {  	[smem:$0x3F92] =	sst s1;
	(tag) =	ssettag s2;
	_ =	strace s9  }
0x27: {  	s1 =	sld [smem:$0x3FA2]  }
0x28: {  	s2 =	sld [smem:$0x3FA3]  }
0x29: {  	s4 =	sld [smem:$0x3FA5]  }
0x2a: {  	p0 =	seq.s32 s5, $0x0;
	s5 =	sld [smem:$0x3FA6]  }
0x2b: {  	s6 =	sld [smem:$0x3FA7]  }
0x2c: {  	s7 =	sld [smem:$0x3FA8]  }
0x2d: {  	s3 =	simm.s32 $0x108;
	s8 =	sld [smem:$0x3FA9]  }
0x2e: {  	s3 =	simm.s32 @!p0 $0x1082;
	s9 =	sld [smem:$0x3FAA]  }
0x2f: {  	lr =	sadd.s32 s0, s3;
	s0 =	sld [smem:$0x3FA1]  }
0x30: {  	s3 =	sld [smem:$0x3FA4]  }
0x31: {  	[smem:$0x3FAD] =	sst s10  }
0x32: {  	s10 =	sld [smem:$0x3FAB];
	_ =	sdelay $0x3  }
0x33: {  	p0 =	seq.s32 s10, $0x1;
	s10 =	sld [smem:$0x3FAD];
	_ =	sdelay $0x3  }
0x34: {  	[smem:$0x3FAD] =	sst s10  }
0x35: {  	s10 =	sld [smem:$0x3FAC];
	_ =	sdelay $0x3  }
0x36: {  	p1 =	seq.s32 s10, $0x1;
	s10 =	sld [smem:$0x3FAD];
	_ =	sdelay $0x3  }
0x37: {  	[smem:$0x3FAD] =	sst s10  }
0x38: {  	s10 =	sld [smem:$0x3FAE]  }
0x39: {  	_ = 	snop;
	(pc) =	sbr.ind lr, $3  }
0x3a: {  	_ = 	snop  }
0x3b: {  	_ = 	snop  }
0x3c: {  	p2 =	seq.s32 s10, $0x1;
	s10 =	sld [smem:$0x3FAD]  }
0x3d: {  	_ =	shalt  }
0x3e: {  	_ =	shalt  }
0x3f: {  	_ =	shalt  }
0x40: {  	_ =	shalt  }
0x41: {  	_ =	shalt  }
0x42: {  	_ =	shalt  }
0x43: {  	_ =	shalt  }
0x44: {  	_ =	shalt  }
0x45: {  	_ =	shalt  }
0x46: {  	_ =	shalt  }
0x47: {  	_ =	shalt  }
0x48: {  	_ =	shalt  }
0x49: {  	_ =	shalt  }
0x4a: {  	_ =	shalt  }
0x4b: {  	_ =	shalt  }
0x4c: {  	_ =	shalt  }
0x4d: {  	_ =	shalt  }
0x4e: {  	_ =	shalt  }
0x4f: {  	_ =	shalt  }
0x50: {  	_ =	shalt  }
0x51: {  	_ =	shalt  }
0x52: {  	_ =	shalt  }
0x53: {  	_ =	shalt  }
0x54: {  	_ =	shalt  }
0x55: {  	_ =	shalt  }
0x56: {  	_ =	shalt  }
0x57: {  	_ =	shalt  }
0x58: {  	_ =	shalt  }
0x59: {  	_ =	shalt  }
0x5a: {  	_ =	shalt  }
0x5b: {  	_ =	shalt  }
0x5c: {  	_ =	shalt  }
0x5d: {  	_ =	shalt  }
0x5e: {  	_ =	shalt  }
0x5f: {  	_ =	shalt  }
0x60: {  	_ =	shalt  }
0x61: {  	_ =	shalt  }
0x62: {  	_ =	shalt  }
0x63: {  	_ =	shalt  }
0x64: {  	_ =	shalt  }
0x65: {  	_ =	shalt  }
0x66: {  	_ =	shalt  }
0x67: {  	_ =	shalt  }
0x68: {  	_ =	shalt  }
0x69: {  	_ =	shalt  }
0x6a: {  	_ =	shalt  }
0x6b: {  	_ =	shalt  }
0x6c: {  	_ =	shalt  }
0x6d: {  	_ =	shalt  }
0x6e: {  	_ =	shalt  }
0x6f: {  	_ =	shalt  }
0x70: {  	_ =	shalt  }
0x71: {  	_ =	shalt  }
0x72: {  	_ =	shalt  }
0x73: {  	_ =	shalt  }
0x74: {  	_ =	shalt  }
0x75: {  	_ =	shalt  }
0x76: {  	_ =	shalt  }
0x77: {  	_ =	shalt  }
0x78: {  	_ =	shalt  }
0x79: {  	_ =	shalt  }
0x7a: {  	_ =	shalt  }
0x7b: {  	_ =	shalt  }
0x7c: {  	_ =	shalt  }
0x7d: {  	_ =	shalt  }
0x7e: {  	_ =	shalt  }
0x7f: {  	_ =	shalt  }
0x80: {  	_ =	shalt  }
0x81: {  	_ =	shalt  }
0x82: {  	_ =	shalt  }
0x83: {  	_ =	shalt  }
0x84: {  	_ =	shalt  }
0x85: {  	_ =	shalt  }
0x86: {  	_ =	shalt  }
0x87: {  	_ =	shalt  }
.Lfunc_end0:
.L_simem_size_0:
called_computation.3_lowered:
.L_overlay_start_0:
0x88: {  	s2 =	sld [smem:$0x3FD9]  }
0x89: {  	s3 =	sld [smem:$0x3FFE];
	_ =	sdelay $0x1  }
0x8a: {  	s1 =	srdreg.scid  }
0x8b: {  	s0 =	sand.u32 $0x1, s1  }
0x8c: {  	s17 =	sshll.u32 s0, $0xA;
	s2 =	sadd.s32 s3, s2  }
0x8d: {  	s2 =	sadd.s32 s2, s17  }
0x8e: {  	[smem:$0x3FB9] =	sst s2  }
0x8f: {  	_ = 	snop  }
0x90: {  	s2 =	sld [smem:$0x3FD0];
	(tm) =	ssettm $0x1  }
0x91: {  	s18 =	sld [smem:$0x3FFB];
	_ =	sdelay $0x3  }
0x92: {  	_ =	strace s18  }
0x93: {  	s3 =	sld [smem:$0x3FFC];
	_ =	sdelay $0x3  }
0x94: {  	_ =	strace s3  }
0x95: {  	s3 =	sld [smem:$0x3FFD];
	_ =	sdelay $0x3  }
0x96: {  	_ =	strace s3  }
0x97: {  	_ =	strace $0x8FFFFFFF  }
0x98: {  	s19 =	sld [smem:$0x3FDB];
	_ =	sdelay $0x1  }
0x99: {  	s4 =	simm.s32 $_scs_section_size  }
0x9a: {  	s5 =	simm.s32 $_size__tile_overlayer_lowered;
	s6 =	simm.s32 $_tile_overlayer_lowered  }
0x9b: {  	s22 =	simm.s32 $0x1BFF;
	s21 =	sshll.u32 s6, $0x1;
	s3 =	sadd.s32 s4, s19  }
0x9c: {  	s7 =	simm.s32 $0x0;
	s20 =	sshll.u32 s5, $0x1;
	s5 =	sadd.s32 s21, s3  }
0x9d: {  	[timem:s7], [sflag:s22] =	dma.local [hbm:s5], s20  }
0x9e: {  	_ =	swait.ge [sflag:s22], s20  }
0x9f: {  	s4 =	ssub.s32 $0x0, s20;
	[sflag:s22] =	ssyncset.done $0x0  }
0xa0: {  	[sflag:s22] =	ssyncadd.s32 s4;
	_ =	sdelay $0x1  }
0xa1: {  	s23 =	simm.s32 $0x1B8B  }
0xa2: {  	_ =	swait.ge [sflag:s23], $0x1  }
0xa3: {  	[sflag:s23] =	ssyncset.done $0x0  }
0xa4: {  	s25 =	simm.s32 $0x1B8E;
	s24 =	sld [smem:$0x3FFE];
	[sflag:s23] =	ssyncadd.s32 $0xFFFFFFFF  }
0xa5: {  	s26 =	simm.s32 $execute0_lowered;
	[smem:$0x3FD2] =	sst s25  }
0xa6: {  	s5 =	sshll.u32 s26, $0x1;
	_ =	strace $0x8000004F;
	[dreg:$0x1] =	wrdreg $0xFFFFFFFF  }
0xa7: {  	s28 =	simm.s32 $_size_execute0_lowered;
	s3 =	sadd.s32 s3, s5;
	[dreg:$0x0] =	wrdreg $0x0  }
0xa8: {  	s5 =	sshll.u32 s28, $0x1;
	[dreg:$0x2] =	wrdreg s3  }
0xa9: {  	[dreg:$0x3] =	wrdreg s5  }
0xaa: {  	[dreg:$0x4] =	wrdreg $0xC0  }
0xab: {  	_ =	task [dreg:s7], $0x5FFFF  }
0xac: {  	[dreg:$0x1] =	wrdreg $0xFFFFFFFF  }
0xad: {  	[dreg:$0x0] =	wrdreg $0x60  }
0xae: {  	[dreg:$0x2] =	wrdreg s24  }
0xaf: {  	[dreg:$0x3] =	wrdreg s2  }
0xb0: {  	[dreg:$0x4] =	wrdreg $0x11D000  }
0xb1: {  	[dreg:$0x5] =	wrdreg $0x9  }
0xb2: {  	_ =	task.clear_ibuf [dreg:s7], $0x6FFFF;
	_ =	strace $0x9000004F  }
0xb3: {  	s29 =	simm.s32 $0x9;
	_ =	strace $0x80000051  }
0xb4: {  	_ =	swait.ge [sflag:s29], $0x1  }
0xb5: {  	[sflag:s29] =	ssyncadd.s32 $0xFFFFFFFF  }
0xb6: {  	_ =	strace $0x90000051  }
0xb7: {  	_ =	sfence  }
0xb8: {  	s30 =	sld [smem:$0x0];
	_ =	sdelay $0x2  }
0xb9: {  	s31 =	sshll.u32 s1, $0xD;
	s1 =	sshrl.u32 s1, $0x2  }
0xba: {  	s3 =	sand.u32 $0x4000, s31;
	s1 =	sadd.s32 s1, s30  }
0xbb: {  	s0 =	sor.u32 s3, s0;
	s1 =	sshll.u32 s1, $0x11  }
0xbc: {  	s0 =	sor.u32 s1, s0  }
0xbd: {  	s0 =	sadd.s32 $0x8F2B, s0  }
0xbe: {  	[sflag:s0] =	ssyncadd.remote.s32 $0x1  }
0xbf: {  	_ =	sfence.sel $0xFFFF  }
0xc0: {  	[dreg:$0x0] =	wrdreg $0xFFFFFFFF;
	(pc) =	sbr.abs _section_cstart, $3  }
0xc1: {  	[dreg:$0x1] =	wrdreg $0xFFFFFFFF  }
0xc2: {  	_ =	task.clear_ibuf [dreg:s7], $0x2FFFF;
	_ =	strace $0x9FFFFFFF  }
0xc3: {  	(tm) =	ssettm $0x7FFFFFFF  }
tec
execute0_lowered:
.L_overlay_start_1:
0x0: {  	(tag) =	ssettag $0x1  }
0x1: {  	s0 =	rddreg [dreg:$0x0]  }
0x2: {  	s1 =	rddreg [dreg:$0x1];
	s3 =	srdreg.scid  }
0x3: {  	s2 =	rddreg [dreg:$0x2];
	s12 =	stileid.u32;
	s13 =	simm.s32 $0x4E80  }
0x4: {  	s14 =	simm.s32 $0x80;
	s15 =	simm.s32 $0x9D00;
	s16 =	simm.s32 $0xBD00  }
0x5: {  	s18 =	simm.s32 $0xDD00;
	s19 =	simm.s32 $0x1;
	s21 =	simm.s32 $0xFD00  }
0x6: {  	s22 =	simm.s32 $0x2;
	s24 =	simm.s32 $0x5;
	s29 =	simm.s32 $0x6  }
0x7: {  	s31 =	simm.s32 $0x4;
	s17 =	simm.s32 $0x8;
	s20 =	simm.s32 $0x9C00  }
0x8: {  	s23 =	simm.s32 $0x9C80;
	s25 =	simm.s32 $0x0;
	s6 =	smul.u32 $0x9D0, s12  }
0x9: {  	s4 =	sand.u32 $0x1, s3;
	s3 =	simm.s32 $0x0;
	s7 =	smul.u32 $0xFA00, s12  }
0xa: {  	p0 =	sgt.u32 s12, $0x9;
	s5 =	smul.u32 $0x138C0, s4;
	[smem:$0x7FF] =	sst s3  }
0xb: {  	s9 =	ssub.s32 $0x2, s4;
	s10 =	smul.u32 $0x9C400, s4;
	_ =	strace $0x80000050  }
0xc: {  	s6 =	sadd.s32 s6, s0;
	s26 =	sshrl.u32 s7, $0x3;
	s28 =	sshrl.u32 s9, $0x1  }
0xd: {  	s11 =	sadd.s32 s7, s2;
	s8 =	sadd.s32 s5, s0;
	s0 =	sadd.s32 s26, s0  }
0xe: {  	s9 =	ssub.s32 s9, s28;
	s5 =	sadd.s32 $0x3800, s6;
	s6 =	sadd.s32 $0xD600, s6  }
0xf: {  	s30 =	sadd.s32 s7, s10;
	s11 =	sshrl.u32 @!p0 s11, $0x3;
	s26 =	simm.s32 $0x3  }
0x10: {  	s4 =	sadd.s32 $0x3EC00, s0;
	s7 =	sadd.s32 $0x17400, s8;
	s0 =	sshrl.u32 s30, $0x3  }
0x11: {  	s9 =	smax.u32 s9, $0x1;
	s8 =	sadd.s32 s1, s0;
	s0 =	sshll.u32 @!p0 s12, $0x6  }
0x12: {  	s12 =	simm.s32 $0x9;
	s1 =	simm.s32 $0x7;
	s10 =	sor.u32 @!p0 $0x1C09, s0  }
.LBB2_1:
0x13: {  	[spmem:s11], [sflag:s10] =	dma.local @!p0 [hbm:s4], $0x1F40  }
0x14: {  	s28 =	simm.s32 @!p0 $0x9  }
0x15: {  	_ =	swait.ge @!p0 [sflag:s28], $0x1F40  }
0x16: {  	[sflag:s28] =	ssyncset.done @!p0 $0x0  }
0x17: {  	[sflag:s28] =	ssyncadd.s32 @!p0 $0xFFFFE0C0  }
0x18: {  	[tilespmem:s3], [sflag:$0x9] =	stream.linear.gather [hbm4b:s5+s3], $0x4E80, $0x38;
	[tilespmem:$0x1B960] =	vst v63  }
0x19: {  	_ =	swait.ge [sflag:s12], $0x4E80  }
0x1a: {  	[sflag:s12] =	ssyncset.done $0x0  }
0x1b: {  	[sflag:s12] =	ssyncadd.s32 $0xFFFFB180  }
0x1c: {  	[tilespmem:s13], [sflag:$0x9] =	stream.linear.gather [hbm4b:s6+s3], $0x4E80, $0x38;
	[tilespmem:$0x1B960] =	vst v63  }
0x1d: {  	_ =	swait.ge [sflag:s12], $0x4E80  }
0x1e: {  	[sflag:s12] =	ssyncset.done $0x0  }
0x1f: {  	[sflag:s12] =	ssyncadd.s32 $0xFFFFB180  }
0x20: {  	[bflag:$0x0] =	sbarrier.arrive $0xFFFF  }
0x21: {  	[tilespmem:s15], [sflag:$0x1] =	stream.indirect.gather [hbm4b:s7+s14], $0x40, s3, s14, $0xb8;
	[tilespmem:$0x1B960] =	vst v63  }
0x22: {  	_ = 	snop  }
0x23: {  	[tilespmem:s16], [sflag:$0x2] =	stream.indirect.gather [hbm4b:s7+s14], $0x40, s14, s14, $0xb8;
	[tilespmem:$0x1B960] =	vst v63  }
0x24: {  	s0 =	simm.s32 $0x100  }
0x25: {  	[tilespmem:s18], [sflag:$0x3] =	stream.indirect.gather [hbm4b:s7+s14], $0x40, s0, s14, $0xb8;
	[tilespmem:$0x1B960] =	vst v63  }
0x26: {  	_ =	swait.ge [sflag:s19], $0x2000  }
0x27: {  	[sflag:s19] =	ssyncset.done $0x0  }
0x28: {  	[sflag:s19] =	ssyncadd.s32 $0xFFFFE000  }
0x29: {  	[spmem:s2] =	stream.indirect.scatter.add.f32 [tilespmem:s15], [sflag:$0x5], $0x40, s13, s14, $0xb8;
	[tilespmem:$0x1B960] =	vst v63  }
0x2a: {  	s0 =	simm.s32 $0x180  }
0x2b: {  	[tilespmem:s21], [sflag:$0x4] =	stream.indirect.gather [hbm4b:s7+s14], $0x40, s0, s14, $0xb8;
	[tilespmem:$0x1B960] =	vst v63  }
0x2c: {  	_ =	swait.ge [sflag:s22], $0x2000  }
0x2d: {  	[sflag:s22] =	ssyncset.done $0x0  }
0x2e: {  	s0 =	simm.s32 $0x4F00;
	[sflag:s22] =	ssyncadd.s32 $0xFFFFE000  }
0x2f: {  	[spmem:s2] =	stream.indirect.scatter.add.f32 [tilespmem:s16], [sflag:$0x6], $0x40, s0, s14, $0xb8;
	[tilespmem:$0x1B960] =	vst v63  }
0x30: {  	_ =	swait.ge [sflag:s24], $0x2000  }
0x31: {  	[sflag:s24] =	ssyncset.done $0x0  }
0x32: {  	s0 =	simm.s32 $0x200;
	[sflag:s24] =	ssyncadd.s32 $0xFFFFE000  }
0x33: {  	[tilespmem:s15], [sflag:$0x1] =	stream.indirect.gather [hbm4b:s7+s14], $0x40, s0, s14, $0xb8;
	[tilespmem:$0x1B960] =	vst v63  }
0x34: {  	_ =	swait.ge [sflag:s26], $0x2000  }
0x35: {  	[sflag:s26] =	ssyncset.done $0x0  }
0x36: {  	s0 =	simm.s32 $0x4F80;
	[sflag:s26] =	ssyncadd.s32 $0xFFFFE000  }
0x37: {  	[spmem:s2] =	stream.indirect.scatter.add.f32 [tilespmem:s18], [sflag:$0x7], $0x40, s0, s14, $0xb8;
	[tilespmem:$0x1B960] =	vst v63  }
0x38: {  	_ =	swait.ge [sflag:s29], $0x2000  }
0x39: {  	[sflag:s29] =	ssyncset.done $0x0  }
0x3a: {  	s0 =	simm.s32 $0x280;
	[sflag:s29] =	ssyncadd.s32 $0xFFFFE000  }
0x3b: {  	[tilespmem:s16], [sflag:$0x2] =	stream.indirect.gather [hbm4b:s7+s14], $0x40, s0, s14, $0xb8;
	[tilespmem:$0x1B960] =	vst v63  }
0x3c: {  	_ =	swait.ge [sflag:s31], $0x2000  }
0x3d: {  	[sflag:s31] =	ssyncset.done $0x0  }
0x3e: {  	s0 =	simm.s32 $0x5000;
	[sflag:s31] =	ssyncadd.s32 $0xFFFFE000  }
0x3f: {  	[spmem:s2] =	stream.indirect.scatter.add.f32 [tilespmem:s21], [sflag:$0x8], $0x40, s0, s14, $0xb8;
	[tilespmem:$0x1B960] =	vst v63  }
0x40: {  	_ =	swait.ge [sflag:s1], $0x2000  }
0x41: {  	[sflag:s1] =	ssyncset.done $0x0  }
0x42: {  	s28 =	simm.s32 $0x300;
	[sflag:s1] =	ssyncadd.s32 $0xFFFFE000  }
0x43: {  	[tilespmem:s18], [sflag:$0x3] =	stream.indirect.gather [hbm4b:s7+s14], $0x40, s28, s14, $0xb8;
	[tilespmem:$0x1B960] =	vst v63  }
0x44: {  	_ =	swait.ge [sflag:s19], $0x2000  }
0x45: {  	[sflag:s19] =	ssyncset.done $0x0  }
0x46: {  	s28 =	simm.s32 $0x5080;
	[sflag:s19] =	ssyncadd.s32 $0xFFFFE000  }
0x47: {  	[spmem:s2] =	stream.indirect.scatter.add.f32 [tilespmem:s15], [sflag:$0x5], $0x40, s28, s14, $0xb8;
	[tilespmem:$0x1B960] =	vst v63  }
0x48: {  	_ =	swait.ge [sflag:s17], $0x2000  }
0x49: {  	[sflag:s17] =	ssyncset.done $0x0  }
0x4a: {  	s28 =	simm.s32 $0x380;
	[sflag:s17] =	ssyncadd.s32 $0xFFFFE000  }
0x4b: {  	[tilespmem:s21], [sflag:$0x4] =	stream.indirect.gather [hbm4b:s7+s14], $0x40, s28, s14, $0xb8;
	[tilespmem:$0x1B960] =	vst v63  }
0x4c: {  	_ =	swait.ge [sflag:s22], $0x2000  }
0x4d: {  	[sflag:s22] =	ssyncset.done $0x0  }
0x4e: {  	s28 =	simm.s32 $0x5100;
	[sflag:s22] =	ssyncadd.s32 $0xFFFFE000  }
0x4f: {  	[spmem:s2] =	stream.indirect.scatter.add.f32 [tilespmem:s16], [sflag:$0x6], $0x40, s28, s14, $0xb8;
	[tilespmem:$0x1B960] =	vst v63  }
0x50: {  	_ =	swait.ge [sflag:s24], $0x2000  }
0x51: {  	[sflag:s24] =	ssyncset.done $0x0  }
0x52: {  	s28 =	simm.s32 $0x400;
	[sflag:s24] =	ssyncadd.s32 $0xFFFFE000  }
0x53: {  	[tilespmem:s15], [sflag:$0x1] =	stream.indirect.gather [hbm4b:s7+s14], $0x40, s28, s14, $0xb8;
	[tilespmem:$0x1B960] =	vst v63  }
0x54: {  	_ =	swait.ge [sflag:s26], $0x2000  }
0x55: {  	[sflag:s26] =	ssyncset.done $0x0  }
0x56: {  	s28 =	simm.s32 $0x5180;
	[sflag:s26] =	ssyncadd.s32 $0xFFFFE000  }
0x57: {  	[spmem:s2] =	stream.indirect.scatter.add.f32 [tilespmem:s18], [sflag:$0x7], $0x40, s28, s14, $0xb8;
	[tilespmem:$0x1B960] =	vst v63  }
0x58: {  	_ =	swait.ge [sflag:s29], $0x2000  }
0x59: {  	[sflag:s29] =	ssyncset.done $0x0  }
0x5a: {  	s28 =	simm.s32 $0x480;
	[sflag:s29] =	ssyncadd.s32 $0xFFFFE000  }
0x5b: {  	[tilespmem:s16], [sflag:$0x2] =	stream.indirect.gather [hbm4b:s7+s14], $0x40, s28, s14, $0xb8;
	[tilespmem:$0x1B960] =	vst v63  }
0x5c: {  	_ =	swait.ge [sflag:s31], $0x2000  }
0x5d: {  	[sflag:s31] =	ssyncset.done $0x0  }
0x5e: {  	s30 =	simm.s32 $0x5200;
	s28 =	simm.s32 $0x800;
	[sflag:s31] =	ssyncadd.s32 $0xFFFFE000  }
.LBB2_2:
0x5f: {  	[spmem:s2] =	stream.indirect.scatter.add.f32 [tilespmem:s21], [sflag:$0x8], $0x40, s30, s14, $0xb8;
	[tilespmem:$0x1B960] =	vst v63  }
0x60: {  	s30 =	smov.u32 s28  }
0x61: {  	p1 =	sne.s32 s28, $0x12000;
	s28 =	sadd.s32 $0x800, s28;
	_ =	swait.ge [sflag:s1], $0x2000  }
0x62: {  	s30 =	sshra.s32 s30, $0x2;
	[sflag:s1] =	ssyncset.done $0x0  }
0x63: {  	s0 =	sadd.s32 $0x300, s30;
	[sflag:s1] =	ssyncadd.s32 $0xFFFFE000  }
0x64: {  	[tilespmem:s18], [sflag:$0x3] =	stream.indirect.gather [hbm4b:s7+s14], $0x40, s0, s14, $0xb8;
	[tilespmem:$0x1B960] =	vst v63  }
0x65: {  	_ =	swait.ge [sflag:s19], $0x2000  }
0x66: {  	[sflag:s19] =	ssyncset.done $0x0  }
0x67: {  	s0 =	sadd.s32 $0x5080, s30;
	[sflag:s19] =	ssyncadd.s32 $0xFFFFE000  }
0x68: {  	[spmem:s2] =	stream.indirect.scatter.add.f32 [tilespmem:s15], [sflag:$0x5], $0x40, s0, s14, $0xb8;
	[tilespmem:$0x1B960] =	vst v63  }
0x69: {  	_ =	swait.ge [sflag:s17], $0x2000  }
0x6a: {  	[sflag:s17] =	ssyncset.done $0x0  }
0x6b: {  	s0 =	sadd.s32 $0x380, s30;
	[sflag:s17] =	ssyncadd.s32 $0xFFFFE000  }
0x6c: {  	[tilespmem:s21], [sflag:$0x4] =	stream.indirect.gather [hbm4b:s7+s14], $0x40, s0, s14, $0xb8;
	[tilespmem:$0x1B960] =	vst v63  }
0x6d: {  	_ =	swait.ge [sflag:s22], $0x2000  }
0x6e: {  	[sflag:s22] =	ssyncset.done $0x0  }
0x6f: {  	s0 =	sadd.s32 $0x5100, s30;
	[sflag:s22] =	ssyncadd.s32 $0xFFFFE000  }
0x70: {  	[spmem:s2] =	stream.indirect.scatter.add.f32 [tilespmem:s16], [sflag:$0x6], $0x40, s0, s14, $0xb8;
	[tilespmem:$0x1B960] =	vst v63  }
0x71: {  	_ =	swait.ge [sflag:s24], $0x2000  }
0x72: {  	[sflag:s24] =	ssyncset.done $0x0  }
0x73: {  	s0 =	sadd.s32 $0x400, s30;
	[sflag:s24] =	ssyncadd.s32 $0xFFFFE000  }
0x74: {  	[tilespmem:s15], [sflag:$0x1] =	stream.indirect.gather [hbm4b:s7+s14], $0x40, s0, s14, $0xb8;
	[tilespmem:$0x1B960] =	vst v63  }
0x75: {  	_ =	swait.ge [sflag:s26], $0x2000  }
0x76: {  	[sflag:s26] =	ssyncset.done $0x0  }
0x77: {  	s0 =	sadd.s32 $0x5180, s30;
	[sflag:s26] =	ssyncadd.s32 $0xFFFFE000  }
0x78: {  	[spmem:s2] =	stream.indirect.scatter.add.f32 [tilespmem:s18], [sflag:$0x7], $0x40, s0, s14, $0xb8;
	[tilespmem:$0x1B960] =	vst v63  }
0x79: {  	_ =	swait.ge [sflag:s29], $0x2000  }
0x7a: {  	[sflag:s29] =	ssyncset.done $0x0  }
.Ltmp0:
0x7b: {  	s0 =	sadd.s32 $0x480, s30;
	[sflag:s29] =	ssyncadd.s32 $0xFFFFE000;
	(pc) =	sbr.rel @p1 .LBB2_2-.Ltmp0, $4  }
0x7c: {  	[tilespmem:s16], [sflag:$0x2] =	stream.indirect.gather [hbm4b:s7+s14], $0x40, s0, s14, $0xb8;
	[tilespmem:$0x1B960] =	vst v63  }
0x7d: {  	_ =	swait.ge [sflag:s31], $0x2000  }
0x7e: {  	[sflag:s31] =	ssyncset.done $0x0  }
0x7f: {  	s30 =	sadd.s32 $0x5200, s30;
	[sflag:s31] =	ssyncadd.s32 $0xFFFFE000  }
0x80: {  	[spmem:s2] =	stream.indirect.scatter.add.f32 [tilespmem:s21], [sflag:$0x8], $0x40, s30, s14, $0xb8;
	[tilespmem:$0x1B960] =	vst v63  }
0x81: {  	_ =	swait.ge [sflag:s1], $0x2000  }
0x82: {  	[sflag:s1] =	ssyncset.done $0x0  }
0x83: {  	s0 =	simm.s32 $0x4D00;
	[sflag:s1] =	ssyncadd.s32 $0xFFFFE000  }
0x84: {  	[tilespmem:s18], [sflag:$0x3] =	stream.indirect.gather [hbm4b:s7+s14], $0x40, s0, s14, $0xb8;
	[tilespmem:$0x1B960] =	vst v63  }
0x85: {  	_ =	swait.ge [sflag:s19], $0x2000  }
0x86: {  	[sflag:s19] =	ssyncset.done $0x0  }
0x87: {  	s30 =	simm.s32 $0x9A80;
	[sflag:s19] =	ssyncadd.s32 $0xFFFFE000  }
0x88: {  	[spmem:s2] =	stream.indirect.scatter.add.f32 [tilespmem:s15], [sflag:$0x5], $0x40, s30, s14, $0xb8;
	[tilespmem:$0x1B960] =	vst v63  }
0x89: {  	_ =	swait.ge [sflag:s17], $0x2000  }
0x8a: {  	[sflag:s17] =	ssyncset.done $0x0  }
0x8b: {  	s28 =	simm.s32 $0x4D80;
	[sflag:s17] =	ssyncadd.s32 $0xFFFFE000  }
0x8c: {  	[tilespmem:s21], [sflag:$0x4] =	stream.indirect.gather [hbm4b:s7+s14], $0x40, s28, s14, $0xb8;
	[tilespmem:$0x1B960] =	vst v63  }
0x8d: {  	_ =	swait.ge [sflag:s22], $0x2000  }
0x8e: {  	[sflag:s22] =	ssyncset.done $0x0  }
0x8f: {  	s30 =	simm.s32 $0x9B00;
	[sflag:s22] =	ssyncadd.s32 $0xFFFFE000  }
0x90: {  	[spmem:s2] =	stream.indirect.scatter.add.f32 [tilespmem:s16], [sflag:$0x6], $0x40, s30, s14, $0xb8;
	[tilespmem:$0x1B960] =	vst v63  }
0x91: {  	_ =	swait.ge [sflag:s24], $0x2000  }
0x92: {  	[sflag:s24] =	ssyncset.done $0x0  }
0x93: {  	s28 =	simm.s32 $0x4E00;
	[sflag:s24] =	ssyncadd.s32 $0xFFFFE000  }
0x94: {  	[tilespmem:s15], [sflag:$0x1] =	stream.indirect.gather [hbm4b:s7+s14], $0x40, s28, s14, $0xb8;
	[tilespmem:$0x1B960] =	vst v63  }
0x95: {  	_ =	swait.ge [sflag:s26], $0x2000  }
0x96: {  	[sflag:s26] =	ssyncset.done $0x0  }
0x97: {  	s30 =	simm.s32 $0x9B80;
	[sflag:s26] =	ssyncadd.s32 $0xFFFFE000  }
0x98: {  	[spmem:s2] =	stream.indirect.scatter.add.f32 [tilespmem:s18], [sflag:$0x7], $0x40, s30, s14, $0xb8;
	[tilespmem:$0x1B960] =	vst v63  }
0x99: {  	_ =	swait.ge [sflag:s29], $0x2000  }
0x9a: {  	[sflag:s29] =	ssyncset.done $0x0  }
0x9b: {  	[sflag:s29] =	ssyncadd.s32 $0xFFFFE000  }
0x9c: {  	_ =	swait.ge [sflag:s31], $0x2000  }
0x9d: {  	[sflag:s31] =	ssyncset.done $0x0  }
0x9e: {  	[sflag:s31] =	ssyncadd.s32 $0xFFFFE000  }
0x9f: {  	[spmem:s2] =	stream.indirect.scatter.add.f32 [tilespmem:s21], [sflag:$0x8], $0x40, s20, s14, $0xb8;
	[tilespmem:$0x1B960] =	vst v63  }
0xa0: {  	_ =	swait.ge [sflag:s19], $0x2000  }
0xa1: {  	[sflag:s19] =	ssyncset.done $0x0  }
0xa2: {  	[sflag:s19] =	ssyncadd.s32 $0xFFFFE000  }
0xa3: {  	[spmem:s2] =	stream.indirect.scatter.add.f32 [tilespmem:s15], [sflag:$0x5], $0x40, s23, s14, $0xb8;
	[tilespmem:$0x1B960] =	vst v63  }
0xa4: {  	_ =	swait.ge [sflag:s1], $0x2000  }
0xa5: {  	[sflag:s1] =	ssyncset.done $0x0  }
0xa6: {  	[sflag:s1] =	ssyncadd.s32 $0xFFFFE000  }
0xa7: {  	_ =	swait.ge [sflag:s17], $0x2000  }
0xa8: {  	[sflag:s17] =	ssyncset.done $0x0  }
0xa9: {  	[sflag:s17] =	ssyncadd.s32 $0xFFFFE000  }
0xaa: {  	_ =	swait.ge [sflag:s24], $0x2000  }
0xab: {  	s25 =	sadd.s32 $0x1, s25;
	[sflag:s24] =	ssyncset.done $0x0  }
0xac: {  	p1 =	sne.s32 s25, s9;
	[sflag:s24] =	ssyncadd.s32 $0xFFFFE000  }
.Ltmp1:
0xad: {  	s0 =	simm.s32 @!p0 $0x9;
	[bflag:$0x0] =	sbarrier.arrive $0xFFFF;
	(pc) =	sbr.rel @p1 .LBB2_1-.Ltmp1, $4  }
0xae: {  	[hbm:s8], [sflag:s10] =	dma.local @!p0 [spmem:s11], $0x1F40  }
0xaf: {  	_ =	swait.ge @!p0 [sflag:s0], $0x1F40  }
0xb0: {  	[sflag:s0] =	ssyncset.done @!p0 $0x0  }
0xb1: {  	[sflag:s0] =	ssyncadd.s32 @!p0 $0xFFFFE0C0  }
0xb2: {  	_ =	sfence.sel $0x180000  }
0xb3: {  	[bflag:$0x0] =	sbarrier.arrive $0xFFFF  }
0xb4: {  	_ =	strace $0x90000050  }
0xb5: {  	s0 =	stileid.u32;
	[bflag:$0x2] =	sbarrier.arrive $0xFFFF  }
0xb6: {  	p0 =	sne.s32 s0, $0x0;
	s0 =	rddreg [dreg:$0x3]  }
0xb7: {  	s0 =	sadd.s32 @!p0 $0x100000, s0  }
0xb8: {  	[sflag:s0] =	ssyncadd.tile.s32 @!p0 $0x1;
	_ =	shalt  }
.Lfunc_end2:
_tile_overlayer_lowered:
.L_overlay_start_2:
0xb9: {  	(tag) =	ssettag $0x2  }
0xba: {  	s0 =	rddreg [dreg:$0x0];
	s2 =	stileid.u32  }
0xbb: {  	s1 =	rddreg [dreg:$0x1];
	p0 =	sne.s32 s2, $0x0  }
0xbc: {  	s3 =	rddreg [dreg:$0x2];
	[bflag:$0x3] =	sbarrier.arrive $0xFFFF;
	s2 =	simm.s32 @!p0 $0x1C09  }
0xbd: {  	[timem:s3], [sflag:s2] =	dma.local @!p0 [hbm:s0], s1  }
0xbe: {  	s0 =	simm.s32 @!p0 $0x9  }
0xbf: {  	_ =	swait.ge @!p0 [sflag:s0], s1  }
0xc0: {  	s1 =	ssub.s32 @!p0 $0x0, s1;
	[sflag:s0] =	ssyncset.done @!p0 $0x0  }
0xc1: {  	[sflag:s0] =	ssyncadd.s32 @!p0 s1  }
0xc2: {  	[bflag:$0x3] =	sbarrier.arrive $0xFFFF  }
0xc3: {  	_ =	shalt  }

// kernel: sc_pass.5.cloned.1.call-start
scs
__scs_entry_jumppad:
0x0: {  	(pc) =	sbr.rel $0x88, $3  }
0x1: {  	(tag) =	ssettag $0x0;
	lr =	simm.s32 $0x1  }
0x2: {  	[smem:$0x3F92] =	sst lr;
	_ =	strace $0xD0000000  }
0x3: {  	_ = 	snop  }
0x4: {  	_ = 	snop  }
0x5: {  	_ = 	snop  }
0x6: {  	_ = 	snop  }
0x7: {  	_ = 	snop  }
__scs_overlays_trampoline_lowered:
0x8: {  	[smem:$0x3FA1] =	sst s0  }
0x9: {  	[smem:$0x3FA2] =	sst s1  }
0xa: {  	[smem:$0x3FA3] =	sst s2  }
0xb: {  	[smem:$0x3FA4] =	sst s3  }
0xc: {  	[smem:$0x3FA5] =	sst s4  }
0xd: {  	[smem:$0x3FA6] =	sst s5  }
0xe: {  	[smem:$0x3FA7] =	sst s6  }
0xf: {  	[smem:$0x3FA8] =	sst s7  }
0x10: {  	[smem:$0x3FA9] =	sst s8  }
0x11: {  	[smem:$0x3FAA] =	sst s9;
	s0 =	simm.s32 @!p0 $0x0  }
0x12: {  	s1 =	sld [smem:$0x3F90];
	s0 =	simm.s32 @p0 $0x1  }
0x13: {  	[smem:$0x3FAB] =	sst s0;
	s0 =	simm.s32 @!p1 $0x0  }
0x14: {  	s2 =	sld [smem:$0x3F8F];
	s0 =	simm.s32 @p1 $0x1  }
0x15: {  	[smem:$0x3FAC] =	sst s0;
	s0 =	simm.s32 @!p2 $0x0  }
0x16: {  	s3 =	sld [smem:$0x3FDB];
	s0 =	simm.s32 @p2 $0x1  }
0x17: {  	s4 =	simm.s32 $0x1BF5;
	[smem:$0x3FAE] =	sst s0  }
0x18: {  	s0 =	sld [smem:$0x3F91];
	_ =	swait.ge [sflag:s4], $0x0  }
0x19: {  	s7 =	sld [smem:$0x3F92]  }
0x1a: {  	s8 =	sadd.s32 $0xFFFFE003, lr  }
0x1b: {  	s9 =	sadd.s32 $0xFFFFFEF7, lr;
	s5 =	simm.s32 $0xFFFFFFFF;
	p2 =	slt.u32 s8, $0xFFFFF086  }
0x1c: {  	p1 =	slt.u32 s9, $0xF7A;
	s5 =	simm.s32 @!p2 $0x0  }
0x1d: {  	s5 =	simm.s32 @p1 $0x1;
	p0 =	seq.s32 s7, s2  }
0x1e: {  	s7 =	smul.u32 @!p0 $0xF7A, s2;
	p2 =	seq.s32 @!p0 s5, $0x0  }
0x1f: {  	s9 =	smul.u32 $0xF7A, s1;
	s8 =	simm.s32 @!p0 $0x1BF5;
	p2 =	por !p2, p0  }
0x20: {  	[sflag:s8] =	ssyncset.s32 @!p0 $0xFFFFF086;
	s6 =	sadd.s32 @!p0 s3, s7;
	s7 =	simm.s32 @!p0 $0x108  }
0x21: {  	s3 =	sadd.s32 s3, s9;
	s6 =	sadd.s32 @!p0 $0x88, s6;
	s7 =	simm.s32 @p2 $0x1082  }
0x22: {  	[simem:s7], [sflag:s8] =	dma.local @!p0 [hbm:s6], $0xF7A  }
0x23: {  	s9 =	sor.u32 $0xD0000000, s2;
	s6 =	simm.s32 $0x108;
	_ =	swait.ge @!p0 [sflag:s8], $0x0  }
0x24: {  	s3 =	sadd.s32 $0x88, s3;
	s6 =	simm.s32 @!p1 $0x1082;
	[sflag:s4] =	ssyncset.s32 $0xFFFFF086  }
0x25: {  	[simem:s6], [sflag:s4] =	dma.local [hbm:s3], $0xF7A  }
0x26: {  	[smem:$0x3F92] =	sst s1;
	(tag) =	ssettag s2;
	_ =	strace s9  }
0x27: {  	s1 =	sld [smem:$0x3FA2]  }
0x28: {  	s2 =	sld [smem:$0x3FA3]  }
0x29: {  	s4 =	sld [smem:$0x3FA5]  }
0x2a: {  	p0 =	seq.s32 s5, $0x0;
	s5 =	sld [smem:$0x3FA6]  }
0x2b: {  	s6 =	sld [smem:$0x3FA7]  }
0x2c: {  	s7 =	sld [smem:$0x3FA8]  }
0x2d: {  	s3 =	simm.s32 $0x108;
	s8 =	sld [smem:$0x3FA9]  }
0x2e: {  	s3 =	simm.s32 @!p0 $0x1082;
	s9 =	sld [smem:$0x3FAA]  }
0x2f: {  	lr =	sadd.s32 s0, s3;
	s0 =	sld [smem:$0x3FA1]  }
0x30: {  	s3 =	sld [smem:$0x3FA4]  }
0x31: {  	[smem:$0x3FAD] =	sst s10  }
0x32: {  	s10 =	sld [smem:$0x3FAB];
	_ =	sdelay $0x3  }
0x33: {  	p0 =	seq.s32 s10, $0x1;
	s10 =	sld [smem:$0x3FAD];
	_ =	sdelay $0x3  }
0x34: {  	[smem:$0x3FAD] =	sst s10  }
0x35: {  	s10 =	sld [smem:$0x3FAC];
	_ =	sdelay $0x3  }
0x36: {  	p1 =	seq.s32 s10, $0x1;
	s10 =	sld [smem:$0x3FAD];
	_ =	sdelay $0x3  }
0x37: {  	[smem:$0x3FAD] =	sst s10  }
0x38: {  	s10 =	sld [smem:$0x3FAE]  }
0x39: {  	_ = 	snop;
	(pc) =	sbr.ind lr, $3  }
0x3a: {  	_ = 	snop  }
0x3b: {  	_ = 	snop  }
0x3c: {  	p2 =	seq.s32 s10, $0x1;
	s10 =	sld [smem:$0x3FAD]  }
0x3d: {  	_ =	shalt  }
0x3e: {  	_ =	shalt  }
0x3f: {  	_ =	shalt  }
0x40: {  	_ =	shalt  }
0x41: {  	_ =	shalt  }
0x42: {  	_ =	shalt  }
0x43: {  	_ =	shalt  }
0x44: {  	_ =	shalt  }
0x45: {  	_ =	shalt  }
0x46: {  	_ =	shalt  }
0x47: {  	_ =	shalt  }
0x48: {  	_ =	shalt  }
0x49: {  	_ =	shalt  }
0x4a: {  	_ =	shalt  }
0x4b: {  	_ =	shalt  }
0x4c: {  	_ =	shalt  }
0x4d: {  	_ =	shalt  }
0x4e: {  	_ =	shalt  }
0x4f: {  	_ =	shalt  }
0x50: {  	_ =	shalt  }
0x51: {  	_ =	shalt  }
0x52: {  	_ =	shalt  }
0x53: {  	_ =	shalt  }
0x54: {  	_ =	shalt  }
0x55: {  	_ =	shalt  }
0x56: {  	_ =	shalt  }
0x57: {  	_ =	shalt  }
0x58: {  	_ =	shalt  }
0x59: {  	_ =	shalt  }
0x5a: {  	_ =	shalt  }
0x5b: {  	_ =	shalt  }
0x5c: {  	_ =	shalt  }
0x5d: {  	_ =	shalt  }
0x5e: {  	_ =	shalt  }
0x5f: {  	_ =	shalt  }
0x60: {  	_ =	shalt  }
0x61: {  	_ =	shalt  }
0x62: {  	_ =	shalt  }
0x63: {  	_ =	shalt  }
0x64: {  	_ =	shalt  }
0x65: {  	_ =	shalt  }
0x66: {  	_ =	shalt  }
0x67: {  	_ =	shalt  }
0x68: {  	_ =	shalt  }
0x69: {  	_ =	shalt  }
0x6a: {  	_ =	shalt  }
0x6b: {  	_ =	shalt  }
0x6c: {  	_ =	shalt  }
0x6d: {  	_ =	shalt  }
0x6e: {  	_ =	shalt  }
0x6f: {  	_ =	shalt  }
0x70: {  	_ =	shalt  }
0x71: {  	_ =	shalt  }
0x72: {  	_ =	shalt  }
0x73: {  	_ =	shalt  }
0x74: {  	_ =	shalt  }
0x75: {  	_ =	shalt  }
0x76: {  	_ =	shalt  }
0x77: {  	_ =	shalt  }
0x78: {  	_ =	shalt  }
0x79: {  	_ =	shalt  }
0x7a: {  	_ =	shalt  }
0x7b: {  	_ =	shalt  }
0x7c: {  	_ =	shalt  }
0x7d: {  	_ =	shalt  }
0x7e: {  	_ =	shalt  }
0x7f: {  	_ =	shalt  }
0x80: {  	_ =	shalt  }
0x81: {  	_ =	shalt  }
0x82: {  	_ =	shalt  }
0x83: {  	_ =	shalt  }
0x84: {  	_ =	shalt  }
0x85: {  	_ =	shalt  }
0x86: {  	_ =	shalt  }
0x87: {  	_ =	shalt  }
.Lfunc_end0:
.L_simem_size_0:
called_computation.1_lowered:
.L_overlay_start_0:
0x88: {  	s2 =	sld [smem:$0x3FD9]  }
0x89: {  	s3 =	sld [smem:$0x3FFE];
	_ =	sdelay $0x1  }
0x8a: {  	s1 =	srdreg.scid  }
0x8b: {  	s0 =	sand.u32 $0x1, s1  }
0x8c: {  	s17 =	sshll.u32 s0, $0xA;
	s2 =	sadd.s32 s3, s2  }
0x8d: {  	s2 =	sadd.s32 s2, s17  }
0x8e: {  	[smem:$0x3FB9] =	sst s2  }
0x8f: {  	_ = 	snop  }
0x90: {  	s2 =	sld [smem:$0x3FD0];
	(tm) =	ssettm $0x1  }
0x91: {  	s18 =	sld [smem:$0x3FFB];
	_ =	sdelay $0x3  }
0x92: {  	_ =	strace s18  }
0x93: {  	s3 =	sld [smem:$0x3FFC];
	_ =	sdelay $0x3  }
0x94: {  	_ =	strace s3  }
0x95: {  	s3 =	sld [smem:$0x3FFD];
	_ =	sdelay $0x3  }
0x96: {  	_ =	strace s3  }
0x97: {  	_ =	strace $0x8FFFFFFF  }
0x98: {  	s19 =	sld [smem:$0x3FDB];
	_ =	sdelay $0x1  }
0x99: {  	s4 =	simm.s32 $_scs_section_size  }
0x9a: {  	s5 =	simm.s32 $_size__tile_overlayer_lowered;
	s6 =	simm.s32 $_tile_overlayer_lowered  }
0x9b: {  	s22 =	simm.s32 $0x1BFF;
	s21 =	sshll.u32 s6, $0x1;
	s3 =	sadd.s32 s4, s19  }
0x9c: {  	s7 =	simm.s32 $0x0;
	s20 =	sshll.u32 s5, $0x1;
	s5 =	sadd.s32 s21, s3  }
0x9d: {  	[timem:s7], [sflag:s22] =	dma.local [hbm:s5], s20  }
0x9e: {  	_ =	swait.ge [sflag:s22], s20  }
0x9f: {  	s4 =	ssub.s32 $0x0, s20;
	[sflag:s22] =	ssyncset.done $0x0  }
0xa0: {  	[sflag:s22] =	ssyncadd.s32 s4;
	_ =	sdelay $0x1  }
0xa1: {  	s23 =	simm.s32 $0x1B8B  }
0xa2: {  	_ =	swait.ge [sflag:s23], $0x1  }
0xa3: {  	[sflag:s23] =	ssyncset.done $0x0  }
0xa4: {  	s25 =	simm.s32 $0x1B8E;
	s24 =	sld [smem:$0x3FFE];
	[sflag:s23] =	ssyncadd.s32 $0xFFFFFFFF  }
0xa5: {  	s26 =	simm.s32 $execute0_lowered;
	[smem:$0x3FD2] =	sst s25  }
0xa6: {  	s5 =	sshll.u32 s26, $0x1;
	_ =	strace $0x80000049;
	[dreg:$0x1] =	wrdreg $0xFFFFFFFF  }
0xa7: {  	s28 =	simm.s32 $_size_execute0_lowered;
	s3 =	sadd.s32 s3, s5;
	[dreg:$0x0] =	wrdreg $0x0  }
0xa8: {  	s5 =	sshll.u32 s28, $0x1;
	[dreg:$0x2] =	wrdreg s3  }
0xa9: {  	[dreg:$0x3] =	wrdreg s5  }
0xaa: {  	[dreg:$0x4] =	wrdreg $0xC0  }
0xab: {  	_ =	task [dreg:s7], $0x5FFFF  }
0xac: {  	[dreg:$0x1] =	wrdreg $0xFFFFFFFF  }
0xad: {  	[dreg:$0x0] =	wrdreg $0x60  }
0xae: {  	[dreg:$0x2] =	wrdreg s24  }
0xaf: {  	[dreg:$0x3] =	wrdreg s2  }
0xb0: {  	[dreg:$0x4] =	wrdreg $0x11D000  }
0xb1: {  	[dreg:$0x5] =	wrdreg $0x9  }
0xb2: {  	_ =	task.clear_ibuf [dreg:s7], $0x6FFFF;
	_ =	strace $0x90000049  }
0xb3: {  	s29 =	simm.s32 $0x9;
	_ =	strace $0x8000004B  }
0xb4: {  	_ =	swait.ge [sflag:s29], $0x1  }
0xb5: {  	[sflag:s29] =	ssyncadd.s32 $0xFFFFFFFF  }
0xb6: {  	_ =	strace $0x9000004B  }
0xb7: {  	_ =	sfence  }
0xb8: {  	s30 =	sld [smem:$0x0];
	_ =	sdelay $0x2  }
0xb9: {  	s31 =	sshll.u32 s1, $0xD;
	s1 =	sshrl.u32 s1, $0x2  }
0xba: {  	s3 =	sand.u32 $0x4000, s31;
	s1 =	sadd.s32 s1, s30  }
0xbb: {  	s0 =	sor.u32 s3, s0;
	s1 =	sshll.u32 s1, $0x11  }
0xbc: {  	s0 =	sor.u32 s1, s0  }
0xbd: {  	s0 =	sadd.s32 $0x8F2B, s0  }
0xbe: {  	[sflag:s0] =	ssyncadd.remote.s32 $0x1  }
0xbf: {  	_ =	sfence.sel $0xFFFF  }
0xc0: {  	[dreg:$0x0] =	wrdreg $0xFFFFFFFF;
	(pc) =	sbr.abs _section_cstart, $3  }
0xc1: {  	[dreg:$0x1] =	wrdreg $0xFFFFFFFF  }
0xc2: {  	_ =	task.clear_ibuf [dreg:s7], $0x2FFFF;
	_ =	strace $0x9FFFFFFF  }
0xc3: {  	(tm) =	ssettm $0x7FFFFFFF  }
tec
execute0_lowered:
.L_overlay_start_1:
0x0: {  	(tag) =	ssettag $0x1  }
0x1: {  	s0 =	rddreg [dreg:$0x0]  }
0x2: {  	s1 =	rddreg [dreg:$0x1];
	s3 =	srdreg.scid  }
0x3: {  	s2 =	rddreg [dreg:$0x2];
	s12 =	stileid.u32;
	s13 =	simm.s32 $0x4E80  }
0x4: {  	s14 =	simm.s32 $0x80;
	s15 =	simm.s32 $0x9D00;
	s16 =	simm.s32 $0xBD00  }
0x5: {  	s18 =	simm.s32 $0xDD00;
	s19 =	simm.s32 $0x1;
	s21 =	simm.s32 $0xFD00  }
0x6: {  	s22 =	simm.s32 $0x2;
	s24 =	simm.s32 $0x5;
	s29 =	simm.s32 $0x6  }
0x7: {  	s31 =	simm.s32 $0x4;
	s17 =	simm.s32 $0x8;
	s20 =	simm.s32 $0x9C00  }
0x8: {  	s23 =	simm.s32 $0x9C80;
	s25 =	simm.s32 $0x0;
	s6 =	smul.u32 $0x9D0, s12  }
0x9: {  	s4 =	sand.u32 $0x1, s3;
	s3 =	simm.s32 $0x0;
	s7 =	smul.u32 $0xFA00, s12  }
0xa: {  	p0 =	sgt.u32 s12, $0x9;
	s5 =	smul.u32 $0x138C0, s4;
	[smem:$0x7FF] =	sst s3  }
0xb: {  	s9 =	ssub.s32 $0x2, s4;
	s10 =	smul.u32 $0x9C400, s4;
	_ =	strace $0x8000004A  }
0xc: {  	s6 =	sadd.s32 s6, s0;
	s26 =	sshrl.u32 s7, $0x3;
	s28 =	sshrl.u32 s9, $0x1  }
0xd: {  	s11 =	sadd.s32 s7, s2;
	s8 =	sadd.s32 s5, s0;
	s0 =	sadd.s32 s26, s0  }
0xe: {  	s9 =	ssub.s32 s9, s28;
	s5 =	sadd.s32 $0x3800, s6;
	s6 =	sadd.s32 $0xD600, s6  }
0xf: {  	s30 =	sadd.s32 s7, s10;
	s11 =	sshrl.u32 @!p0 s11, $0x3;
	s26 =	simm.s32 $0x3  }
0x10: {  	s4 =	sadd.s32 $0x3EC00, s0;
	s7 =	sadd.s32 $0x52600, s8;
	s0 =	sshrl.u32 s30, $0x3  }
0x11: {  	s9 =	smax.u32 s9, $0x1;
	s8 =	sadd.s32 s1, s0;
	s0 =	sshll.u32 @!p0 s12, $0x6  }
0x12: {  	s12 =	simm.s32 $0x9;
	s1 =	simm.s32 $0x7;
	s10 =	sor.u32 @!p0 $0x1C09, s0  }
.LBB2_1:
0x13: {  	[spmem:s11], [sflag:s10] =	dma.local @!p0 [hbm:s4], $0x1F40  }
0x14: {  	s28 =	simm.s32 @!p0 $0x9  }
0x15: {  	_ =	swait.ge @!p0 [sflag:s28], $0x1F40  }
0x16: {  	[sflag:s28] =	ssyncset.done @!p0 $0x0  }
0x17: {  	[sflag:s28] =	ssyncadd.s32 @!p0 $0xFFFFE0C0  }
0x18: {  	[tilespmem:s3], [sflag:$0x9] =	stream.linear.gather [hbm4b:s5+s3], $0x4E80, $0x38;
	[tilespmem:$0x1B960] =	vst v63  }
0x19: {  	_ =	swait.ge [sflag:s12], $0x4E80  }
0x1a: {  	[sflag:s12] =	ssyncset.done $0x0  }
0x1b: {  	[sflag:s12] =	ssyncadd.s32 $0xFFFFB180  }
0x1c: {  	[tilespmem:s13], [sflag:$0x9] =	stream.linear.gather [hbm4b:s6+s3], $0x4E80, $0x38;
	[tilespmem:$0x1B960] =	vst v63  }
0x1d: {  	_ =	swait.ge [sflag:s12], $0x4E80  }
0x1e: {  	[sflag:s12] =	ssyncset.done $0x0  }
0x1f: {  	[sflag:s12] =	ssyncadd.s32 $0xFFFFB180  }
0x20: {  	[bflag:$0x0] =	sbarrier.arrive $0xFFFF  }
0x21: {  	[tilespmem:s15], [sflag:$0x1] =	stream.indirect.gather [hbm4b:s7+s14], $0x40, s3, s14, $0xb8;
	[tilespmem:$0x1B960] =	vst v63  }
0x22: {  	_ = 	snop  }
0x23: {  	[tilespmem:s16], [sflag:$0x2] =	stream.indirect.gather [hbm4b:s7+s14], $0x40, s14, s14, $0xb8;
	[tilespmem:$0x1B960] =	vst v63  }
0x24: {  	s0 =	simm.s32 $0x100  }
0x25: {  	[tilespmem:s18], [sflag:$0x3] =	stream.indirect.gather [hbm4b:s7+s14], $0x40, s0, s14, $0xb8;
	[tilespmem:$0x1B960] =	vst v63  }
0x26: {  	_ =	swait.ge [sflag:s19], $0x2000  }
0x27: {  	[sflag:s19] =	ssyncset.done $0x0  }
0x28: {  	[sflag:s19] =	ssyncadd.s32 $0xFFFFE000  }
0x29: {  	[spmem:s2] =	stream.indirect.scatter.add.f32 [tilespmem:s15], [sflag:$0x5], $0x40, s13, s14, $0xb8;
	[tilespmem:$0x1B960] =	vst v63  }
0x2a: {  	s0 =	simm.s32 $0x180  }
0x2b: {  	[tilespmem:s21], [sflag:$0x4] =	stream.indirect.gather [hbm4b:s7+s14], $0x40, s0, s14, $0xb8;
	[tilespmem:$0x1B960] =	vst v63  }
0x2c: {  	_ =	swait.ge [sflag:s22], $0x2000  }
0x2d: {  	[sflag:s22] =	ssyncset.done $0x0  }
0x2e: {  	s0 =	simm.s32 $0x4F00;
	[sflag:s22] =	ssyncadd.s32 $0xFFFFE000  }
0x2f: {  	[spmem:s2] =	stream.indirect.scatter.add.f32 [tilespmem:s16], [sflag:$0x6], $0x40, s0, s14, $0xb8;
	[tilespmem:$0x1B960] =	vst v63  }
0x30: {  	_ =	swait.ge [sflag:s24], $0x2000  }
0x31: {  	[sflag:s24] =	ssyncset.done $0x0  }
0x32: {  	s0 =	simm.s32 $0x200;
	[sflag:s24] =	ssyncadd.s32 $0xFFFFE000  }
0x33: {  	[tilespmem:s15], [sflag:$0x1] =	stream.indirect.gather [hbm4b:s7+s14], $0x40, s0, s14, $0xb8;
	[tilespmem:$0x1B960] =	vst v63  }
0x34: {  	_ =	swait.ge [sflag:s26], $0x2000  }
0x35: {  	[sflag:s26] =	ssyncset.done $0x0  }
0x36: {  	s0 =	simm.s32 $0x4F80;
	[sflag:s26] =	ssyncadd.s32 $0xFFFFE000  }
0x37: {  	[spmem:s2] =	stream.indirect.scatter.add.f32 [tilespmem:s18], [sflag:$0x7], $0x40, s0, s14, $0xb8;
	[tilespmem:$0x1B960] =	vst v63  }
0x38: {  	_ =	swait.ge [sflag:s29], $0x2000  }
0x39: {  	[sflag:s29] =	ssyncset.done $0x0  }
0x3a: {  	s0 =	simm.s32 $0x280;
	[sflag:s29] =	ssyncadd.s32 $0xFFFFE000  }
0x3b: {  	[tilespmem:s16], [sflag:$0x2] =	stream.indirect.gather [hbm4b:s7+s14], $0x40, s0, s14, $0xb8;
	[tilespmem:$0x1B960] =	vst v63  }
0x3c: {  	_ =	swait.ge [sflag:s31], $0x2000  }
0x3d: {  	[sflag:s31] =	ssyncset.done $0x0  }
0x3e: {  	s0 =	simm.s32 $0x5000;
	[sflag:s31] =	ssyncadd.s32 $0xFFFFE000  }
0x3f: {  	[spmem:s2] =	stream.indirect.scatter.add.f32 [tilespmem:s21], [sflag:$0x8], $0x40, s0, s14, $0xb8;
	[tilespmem:$0x1B960] =	vst v63  }
0x40: {  	_ =	swait.ge [sflag:s1], $0x2000  }
0x41: {  	[sflag:s1] =	ssyncset.done $0x0  }
0x42: {  	s28 =	simm.s32 $0x300;
	[sflag:s1] =	ssyncadd.s32 $0xFFFFE000  }
0x43: {  	[tilespmem:s18], [sflag:$0x3] =	stream.indirect.gather [hbm4b:s7+s14], $0x40, s28, s14, $0xb8;
	[tilespmem:$0x1B960] =	vst v63  }
0x44: {  	_ =	swait.ge [sflag:s19], $0x2000  }
0x45: {  	[sflag:s19] =	ssyncset.done $0x0  }
0x46: {  	s28 =	simm.s32 $0x5080;
	[sflag:s19] =	ssyncadd.s32 $0xFFFFE000  }
0x47: {  	[spmem:s2] =	stream.indirect.scatter.add.f32 [tilespmem:s15], [sflag:$0x5], $0x40, s28, s14, $0xb8;
	[tilespmem:$0x1B960] =	vst v63  }
0x48: {  	_ =	swait.ge [sflag:s17], $0x2000  }
0x49: {  	[sflag:s17] =	ssyncset.done $0x0  }
0x4a: {  	s28 =	simm.s32 $0x380;
	[sflag:s17] =	ssyncadd.s32 $0xFFFFE000  }
0x4b: {  	[tilespmem:s21], [sflag:$0x4] =	stream.indirect.gather [hbm4b:s7+s14], $0x40, s28, s14, $0xb8;
	[tilespmem:$0x1B960] =	vst v63  }
0x4c: {  	_ =	swait.ge [sflag:s22], $0x2000  }
0x4d: {  	[sflag:s22] =	ssyncset.done $0x0  }
0x4e: {  	s28 =	simm.s32 $0x5100;
	[sflag:s22] =	ssyncadd.s32 $0xFFFFE000  }
0x4f: {  	[spmem:s2] =	stream.indirect.scatter.add.f32 [tilespmem:s16], [sflag:$0x6], $0x40, s28, s14, $0xb8;
	[tilespmem:$0x1B960] =	vst v63  }
0x50: {  	_ =	swait.ge [sflag:s24], $0x2000  }
0x51: {  	[sflag:s24] =	ssyncset.done $0x0  }
0x52: {  	s28 =	simm.s32 $0x400;
	[sflag:s24] =	ssyncadd.s32 $0xFFFFE000  }
0x53: {  	[tilespmem:s15], [sflag:$0x1] =	stream.indirect.gather [hbm4b:s7+s14], $0x40, s28, s14, $0xb8;
	[tilespmem:$0x1B960] =	vst v63  }
0x54: {  	_ =	swait.ge [sflag:s26], $0x2000  }
0x55: {  	[sflag:s26] =	ssyncset.done $0x0  }
0x56: {  	s28 =	simm.s32 $0x5180;
	[sflag:s26] =	ssyncadd.s32 $0xFFFFE000  }
0x57: {  	[spmem:s2] =	stream.indirect.scatter.add.f32 [tilespmem:s18], [sflag:$0x7], $0x40, s28, s14, $0xb8;
	[tilespmem:$0x1B960] =	vst v63  }
0x58: {  	_ =	swait.ge [sflag:s29], $0x2000  }
0x59: {  	[sflag:s29] =	ssyncset.done $0x0  }
0x5a: {  	s28 =	simm.s32 $0x480;
	[sflag:s29] =	ssyncadd.s32 $0xFFFFE000  }
0x5b: {  	[tilespmem:s16], [sflag:$0x2] =	stream.indirect.gather [hbm4b:s7+s14], $0x40, s28, s14, $0xb8;
	[tilespmem:$0x1B960] =	vst v63  }
0x5c: {  	_ =	swait.ge [sflag:s31], $0x2000  }
0x5d: {  	[sflag:s31] =	ssyncset.done $0x0  }
0x5e: {  	s30 =	simm.s32 $0x5200;
	s28 =	simm.s32 $0x800;
	[sflag:s31] =	ssyncadd.s32 $0xFFFFE000  }
.LBB2_2:
0x5f: {  	[spmem:s2] =	stream.indirect.scatter.add.f32 [tilespmem:s21], [sflag:$0x8], $0x40, s30, s14, $0xb8;
	[tilespmem:$0x1B960] =	vst v63  }
0x60: {  	s30 =	smov.u32 s28  }
0x61: {  	p1 =	sne.s32 s28, $0x12000;
	s28 =	sadd.s32 $0x800, s28;
	_ =	swait.ge [sflag:s1], $0x2000  }
0x62: {  	s30 =	sshra.s32 s30, $0x2;
	[sflag:s1] =	ssyncset.done $0x0  }
0x63: {  	s0 =	sadd.s32 $0x300, s30;
	[sflag:s1] =	ssyncadd.s32 $0xFFFFE000  }
0x64: {  	[tilespmem:s18], [sflag:$0x3] =	stream.indirect.gather [hbm4b:s7+s14], $0x40, s0, s14, $0xb8;
	[tilespmem:$0x1B960] =	vst v63  }
0x65: {  	_ =	swait.ge [sflag:s19], $0x2000  }
0x66: {  	[sflag:s19] =	ssyncset.done $0x0  }
0x67: {  	s0 =	sadd.s32 $0x5080, s30;
	[sflag:s19] =	ssyncadd.s32 $0xFFFFE000  }
0x68: {  	[spmem:s2] =	stream.indirect.scatter.add.f32 [tilespmem:s15], [sflag:$0x5], $0x40, s0, s14, $0xb8;
	[tilespmem:$0x1B960] =	vst v63  }
0x69: {  	_ =	swait.ge [sflag:s17], $0x2000  }
0x6a: {  	[sflag:s17] =	ssyncset.done $0x0  }
0x6b: {  	s0 =	sadd.s32 $0x380, s30;
	[sflag:s17] =	ssyncadd.s32 $0xFFFFE000  }
0x6c: {  	[tilespmem:s21], [sflag:$0x4] =	stream.indirect.gather [hbm4b:s7+s14], $0x40, s0, s14, $0xb8;
	[tilespmem:$0x1B960] =	vst v63  }
0x6d: {  	_ =	swait.ge [sflag:s22], $0x2000  }
0x6e: {  	[sflag:s22] =	ssyncset.done $0x0  }
0x6f: {  	s0 =	sadd.s32 $0x5100, s30;
	[sflag:s22] =	ssyncadd.s32 $0xFFFFE000  }
0x70: {  	[spmem:s2] =	stream.indirect.scatter.add.f32 [tilespmem:s16], [sflag:$0x6], $0x40, s0, s14, $0xb8;
	[tilespmem:$0x1B960] =	vst v63  }
0x71: {  	_ =	swait.ge [sflag:s24], $0x2000  }
0x72: {  	[sflag:s24] =	ssyncset.done $0x0  }
0x73: {  	s0 =	sadd.s32 $0x400, s30;
	[sflag:s24] =	ssyncadd.s32 $0xFFFFE000  }
0x74: {  	[tilespmem:s15], [sflag:$0x1] =	stream.indirect.gather [hbm4b:s7+s14], $0x40, s0, s14, $0xb8;
	[tilespmem:$0x1B960] =	vst v63  }
0x75: {  	_ =	swait.ge [sflag:s26], $0x2000  }
0x76: {  	[sflag:s26] =	ssyncset.done $0x0  }
0x77: {  	s0 =	sadd.s32 $0x5180, s30;
	[sflag:s26] =	ssyncadd.s32 $0xFFFFE000  }
0x78: {  	[spmem:s2] =	stream.indirect.scatter.add.f32 [tilespmem:s18], [sflag:$0x7], $0x40, s0, s14, $0xb8;
	[tilespmem:$0x1B960] =	vst v63  }
0x79: {  	_ =	swait.ge [sflag:s29], $0x2000  }
0x7a: {  	[sflag:s29] =	ssyncset.done $0x0  }
.Ltmp0:
0x7b: {  	s0 =	sadd.s32 $0x480, s30;
	[sflag:s29] =	ssyncadd.s32 $0xFFFFE000;
	(pc) =	sbr.rel @p1 .LBB2_2-.Ltmp0, $4  }
0x7c: {  	[tilespmem:s16], [sflag:$0x2] =	stream.indirect.gather [hbm4b:s7+s14], $0x40, s0, s14, $0xb8;
	[tilespmem:$0x1B960] =	vst v63  }
0x7d: {  	_ =	swait.ge [sflag:s31], $0x2000  }
0x7e: {  	[sflag:s31] =	ssyncset.done $0x0  }
0x7f: {  	s30 =	sadd.s32 $0x5200, s30;
	[sflag:s31] =	ssyncadd.s32 $0xFFFFE000  }
0x80: {  	[spmem:s2] =	stream.indirect.scatter.add.f32 [tilespmem:s21], [sflag:$0x8], $0x40, s30, s14, $0xb8;
	[tilespmem:$0x1B960] =	vst v63  }
0x81: {  	_ =	swait.ge [sflag:s1], $0x2000  }
0x82: {  	[sflag:s1] =	ssyncset.done $0x0  }
0x83: {  	s0 =	simm.s32 $0x4D00;
	[sflag:s1] =	ssyncadd.s32 $0xFFFFE000  }
0x84: {  	[tilespmem:s18], [sflag:$0x3] =	stream.indirect.gather [hbm4b:s7+s14], $0x40, s0, s14, $0xb8;
	[tilespmem:$0x1B960] =	vst v63  }
0x85: {  	_ =	swait.ge [sflag:s19], $0x2000  }
0x86: {  	[sflag:s19] =	ssyncset.done $0x0  }
0x87: {  	s30 =	simm.s32 $0x9A80;
	[sflag:s19] =	ssyncadd.s32 $0xFFFFE000  }
0x88: {  	[spmem:s2] =	stream.indirect.scatter.add.f32 [tilespmem:s15], [sflag:$0x5], $0x40, s30, s14, $0xb8;
	[tilespmem:$0x1B960] =	vst v63  }
0x89: {  	_ =	swait.ge [sflag:s17], $0x2000  }
0x8a: {  	[sflag:s17] =	ssyncset.done $0x0  }
0x8b: {  	s28 =	simm.s32 $0x4D80;
	[sflag:s17] =	ssyncadd.s32 $0xFFFFE000  }
0x8c: {  	[tilespmem:s21], [sflag:$0x4] =	stream.indirect.gather [hbm4b:s7+s14], $0x40, s28, s14, $0xb8;
	[tilespmem:$0x1B960] =	vst v63  }
0x8d: {  	_ =	swait.ge [sflag:s22], $0x2000  }
0x8e: {  	[sflag:s22] =	ssyncset.done $0x0  }
0x8f: {  	s30 =	simm.s32 $0x9B00;
	[sflag:s22] =	ssyncadd.s32 $0xFFFFE000  }
0x90: {  	[spmem:s2] =	stream.indirect.scatter.add.f32 [tilespmem:s16], [sflag:$0x6], $0x40, s30, s14, $0xb8;
	[tilespmem:$0x1B960] =	vst v63  }
0x91: {  	_ =	swait.ge [sflag:s24], $0x2000  }
0x92: {  	[sflag:s24] =	ssyncset.done $0x0  }
0x93: {  	s28 =	simm.s32 $0x4E00;
	[sflag:s24] =	ssyncadd.s32 $0xFFFFE000  }
0x94: {  	[tilespmem:s15], [sflag:$0x1] =	stream.indirect.gather [hbm4b:s7+s14], $0x40, s28, s14, $0xb8;
	[tilespmem:$0x1B960] =	vst v63  }
0x95: {  	_ =	swait.ge [sflag:s26], $0x2000  }
0x96: {  	[sflag:s26] =	ssyncset.done $0x0  }
0x97: {  	s30 =	simm.s32 $0x9B80;
	[sflag:s26] =	ssyncadd.s32 $0xFFFFE000  }
0x98: {  	[spmem:s2] =	stream.indirect.scatter.add.f32 [tilespmem:s18], [sflag:$0x7], $0x40, s30, s14, $0xb8;
	[tilespmem:$0x1B960] =	vst v63  }
0x99: {  	_ =	swait.ge [sflag:s29], $0x2000  }
0x9a: {  	[sflag:s29] =	ssyncset.done $0x0  }
0x9b: {  	[sflag:s29] =	ssyncadd.s32 $0xFFFFE000  }
0x9c: {  	_ =	swait.ge [sflag:s31], $0x2000  }
0x9d: {  	[sflag:s31] =	ssyncset.done $0x0  }
0x9e: {  	[sflag:s31] =	ssyncadd.s32 $0xFFFFE000  }
0x9f: {  	[spmem:s2] =	stream.indirect.scatter.add.f32 [tilespmem:s21], [sflag:$0x8], $0x40, s20, s14, $0xb8;
	[tilespmem:$0x1B960] =	vst v63  }
0xa0: {  	_ =	swait.ge [sflag:s19], $0x2000  }
0xa1: {  	[sflag:s19] =	ssyncset.done $0x0  }
0xa2: {  	[sflag:s19] =	ssyncadd.s32 $0xFFFFE000  }
0xa3: {  	[spmem:s2] =	stream.indirect.scatter.add.f32 [tilespmem:s15], [sflag:$0x5], $0x40, s23, s14, $0xb8;
	[tilespmem:$0x1B960] =	vst v63  }
0xa4: {  	_ =	swait.ge [sflag:s1], $0x2000  }
0xa5: {  	[sflag:s1] =	ssyncset.done $0x0  }
0xa6: {  	[sflag:s1] =	ssyncadd.s32 $0xFFFFE000  }
0xa7: {  	_ =	swait.ge [sflag:s17], $0x2000  }
0xa8: {  	[sflag:s17] =	ssyncset.done $0x0  }
0xa9: {  	[sflag:s17] =	ssyncadd.s32 $0xFFFFE000  }
0xaa: {  	_ =	swait.ge [sflag:s24], $0x2000  }
0xab: {  	s25 =	sadd.s32 $0x1, s25;
	[sflag:s24] =	ssyncset.done $0x0  }
0xac: {  	p1 =	sne.s32 s25, s9;
	[sflag:s24] =	ssyncadd.s32 $0xFFFFE000  }
.Ltmp1:
0xad: {  	s0 =	simm.s32 @!p0 $0x9;
	[bflag:$0x0] =	sbarrier.arrive $0xFFFF;
	(pc) =	sbr.rel @p1 .LBB2_1-.Ltmp1, $4  }
0xae: {  	[hbm:s8], [sflag:s10] =	dma.local @!p0 [spmem:s11], $0x1F40  }
0xaf: {  	_ =	swait.ge @!p0 [sflag:s0], $0x1F40  }
0xb0: {  	[sflag:s0] =	ssyncset.done @!p0 $0x0  }
0xb1: {  	[sflag:s0] =	ssyncadd.s32 @!p0 $0xFFFFE0C0  }
0xb2: {  	_ =	sfence.sel $0x180000  }
0xb3: {  	[bflag:$0x0] =	sbarrier.arrive $0xFFFF  }
0xb4: {  	_ =	strace $0x9000004A  }
0xb5: {  	s0 =	stileid.u32;
	[bflag:$0x2] =	sbarrier.arrive $0xFFFF  }
0xb6: {  	p0 =	sne.s32 s0, $0x0;
	s0 =	rddreg [dreg:$0x3]  }
0xb7: {  	s0 =	sadd.s32 @!p0 $0x100000, s0  }
0xb8: {  	[sflag:s0] =	ssyncadd.tile.s32 @!p0 $0x1;
	_ =	shalt  }
.Lfunc_end2:
_tile_overlayer_lowered:
.L_overlay_start_2:
0xb9: {  	(tag) =	ssettag $0x2  }
0xba: {  	s0 =	rddreg [dreg:$0x0];
	s2 =	stileid.u32  }
0xbb: {  	s1 =	rddreg [dreg:$0x1];
	p0 =	sne.s32 s2, $0x0  }
0xbc: {  	s3 =	rddreg [dreg:$0x2];
	[bflag:$0x3] =	sbarrier.arrive $0xFFFF;
	s2 =	simm.s32 @!p0 $0x1C09  }
0xbd: {  	[timem:s3], [sflag:s2] =	dma.local @!p0 [hbm:s0], s1  }
0xbe: {  	s0 =	simm.s32 @!p0 $0x9  }
0xbf: {  	_ =	swait.ge @!p0 [sflag:s0], s1  }
0xc0: {  	s1 =	ssub.s32 @!p0 $0x0, s1;
	[sflag:s0] =	ssyncset.done @!p0 $0x0  }
0xc1: {  	[sflag:s0] =	ssyncadd.s32 @!p0 s1  }
0xc2: {  	[bflag:$0x3] =	sbarrier.arrive $0xFFFF  }
0xc3: {  	_ =	shalt  }

// kernel: sc_pass.8.cloned.1.call-start
scs
__scs_entry_jumppad:
0x0: {  	(pc) =	sbr.rel $0x88, $3  }
0x1: {  	(tag) =	ssettag $0x0;
	lr =	simm.s32 $0x1  }
0x2: {  	[smem:$0x3F92] =	sst lr;
	_ =	strace $0xD0000000  }
0x3: {  	_ = 	snop  }
0x4: {  	_ = 	snop  }
0x5: {  	_ = 	snop  }
0x6: {  	_ = 	snop  }
0x7: {  	_ = 	snop  }
__scs_overlays_trampoline_lowered:
0x8: {  	[smem:$0x3FA1] =	sst s0  }
0x9: {  	[smem:$0x3FA2] =	sst s1  }
0xa: {  	[smem:$0x3FA3] =	sst s2  }
0xb: {  	[smem:$0x3FA4] =	sst s3  }
0xc: {  	[smem:$0x3FA5] =	sst s4  }
0xd: {  	[smem:$0x3FA6] =	sst s5  }
0xe: {  	[smem:$0x3FA7] =	sst s6  }
0xf: {  	[smem:$0x3FA8] =	sst s7  }
0x10: {  	[smem:$0x3FA9] =	sst s8  }
0x11: {  	[smem:$0x3FAA] =	sst s9;
	s0 =	simm.s32 @!p0 $0x0  }
0x12: {  	s1 =	sld [smem:$0x3F90];
	s0 =	simm.s32 @p0 $0x1  }
0x13: {  	[smem:$0x3FAB] =	sst s0;
	s0 =	simm.s32 @!p1 $0x0  }
0x14: {  	s2 =	sld [smem:$0x3F8F];
	s0 =	simm.s32 @p1 $0x1  }
0x15: {  	[smem:$0x3FAC] =	sst s0;
	s0 =	simm.s32 @!p2 $0x0  }
0x16: {  	s3 =	sld [smem:$0x3FDB];
	s0 =	simm.s32 @p2 $0x1  }
0x17: {  	s4 =	simm.s32 $0x1BF5;
	[smem:$0x3FAE] =	sst s0  }
0x18: {  	s0 =	sld [smem:$0x3F91];
	_ =	swait.ge [sflag:s4], $0x0  }
0x19: {  	s7 =	sld [smem:$0x3F92]  }
0x1a: {  	s8 =	sadd.s32 $0xFFFFE003, lr  }
0x1b: {  	s9 =	sadd.s32 $0xFFFFFEF7, lr;
	s5 =	simm.s32 $0xFFFFFFFF;
	p2 =	slt.u32 s8, $0xFFFFF086  }
0x1c: {  	p1 =	slt.u32 s9, $0xF7A;
	s5 =	simm.s32 @!p2 $0x0  }
0x1d: {  	s5 =	simm.s32 @p1 $0x1;
	p0 =	seq.s32 s7, s2  }
0x1e: {  	s7 =	smul.u32 @!p0 $0xF7A, s2;
	p2 =	seq.s32 @!p0 s5, $0x0  }
0x1f: {  	s9 =	smul.u32 $0xF7A, s1;
	s8 =	simm.s32 @!p0 $0x1BF5;
	p2 =	por !p2, p0  }
0x20: {  	[sflag:s8] =	ssyncset.s32 @!p0 $0xFFFFF086;
	s6 =	sadd.s32 @!p0 s3, s7;
	s7 =	simm.s32 @!p0 $0x108  }
0x21: {  	s3 =	sadd.s32 s3, s9;
	s6 =	sadd.s32 @!p0 $0x88, s6;
	s7 =	simm.s32 @p2 $0x1082  }
0x22: {  	[simem:s7], [sflag:s8] =	dma.local @!p0 [hbm:s6], $0xF7A  }
0x23: {  	s9 =	sor.u32 $0xD0000000, s2;
	s6 =	simm.s32 $0x108;
	_ =	swait.ge @!p0 [sflag:s8], $0x0  }
0x24: {  	s3 =	sadd.s32 $0x88, s3;
	s6 =	simm.s32 @!p1 $0x1082;
	[sflag:s4] =	ssyncset.s32 $0xFFFFF086  }
0x25: {  	[simem:s6], [sflag:s4] =	dma.local [hbm:s3], $0xF7A  }
0x26: {  	[smem:$0x3F92] =	sst s1;
	(tag) =	ssettag s2;
	_ =	strace s9  }
0x27: {  	s1 =	sld [smem:$0x3FA2]  }
0x28: {  	s2 =	sld [smem:$0x3FA3]  }
0x29: {  	s4 =	sld [smem:$0x3FA5]  }
0x2a: {  	p0 =	seq.s32 s5, $0x0;
	s5 =	sld [smem:$0x3FA6]  }
0x2b: {  	s6 =	sld [smem:$0x3FA7]  }
0x2c: {  	s7 =	sld [smem:$0x3FA8]  }
0x2d: {  	s3 =	simm.s32 $0x108;
	s8 =	sld [smem:$0x3FA9]  }
0x2e: {  	s3 =	simm.s32 @!p0 $0x1082;
	s9 =	sld [smem:$0x3FAA]  }
0x2f: {  	lr =	sadd.s32 s0, s3;
	s0 =	sld [smem:$0x3FA1]  }
0x30: {  	s3 =	sld [smem:$0x3FA4]  }
0x31: {  	[smem:$0x3FAD] =	sst s10  }
0x32: {  	s10 =	sld [smem:$0x3FAB];
	_ =	sdelay $0x3  }
0x33: {  	p0 =	seq.s32 s10, $0x1;
	s10 =	sld [smem:$0x3FAD];
	_ =	sdelay $0x3  }
0x34: {  	[smem:$0x3FAD] =	sst s10  }
0x35: {  	s10 =	sld [smem:$0x3FAC];
	_ =	sdelay $0x3  }
0x36: {  	p1 =	seq.s32 s10, $0x1;
	s10 =	sld [smem:$0x3FAD];
	_ =	sdelay $0x3  }
0x37: {  	[smem:$0x3FAD] =	sst s10  }
0x38: {  	s10 =	sld [smem:$0x3FAE]  }
0x39: {  	_ = 	snop;
	(pc) =	sbr.ind lr, $3  }
0x3a: {  	_ = 	snop  }
0x3b: {  	_ = 	snop  }
0x3c: {  	p2 =	seq.s32 s10, $0x1;
	s10 =	sld [smem:$0x3FAD]  }
0x3d: {  	_ =	shalt  }
0x3e: {  	_ =	shalt  }
0x3f: {  	_ =	shalt  }
0x40: {  	_ =	shalt  }
0x41: {  	_ =	shalt  }
0x42: {  	_ =	shalt  }
0x43: {  	_ =	shalt  }
0x44: {  	_ =	shalt  }
0x45: {  	_ =	shalt  }
0x46: {  	_ =	shalt  }
0x47: {  	_ =	shalt  }
0x48: {  	_ =	shalt  }
0x49: {  	_ =	shalt  }
0x4a: {  	_ =	shalt  }
0x4b: {  	_ =	shalt  }
0x4c: {  	_ =	shalt  }
0x4d: {  	_ =	shalt  }
0x4e: {  	_ =	shalt  }
0x4f: {  	_ =	shalt  }
0x50: {  	_ =	shalt  }
0x51: {  	_ =	shalt  }
0x52: {  	_ =	shalt  }
0x53: {  	_ =	shalt  }
0x54: {  	_ =	shalt  }
0x55: {  	_ =	shalt  }
0x56: {  	_ =	shalt  }
0x57: {  	_ =	shalt  }
0x58: {  	_ =	shalt  }
0x59: {  	_ =	shalt  }
0x5a: {  	_ =	shalt  }
0x5b: {  	_ =	shalt  }
0x5c: {  	_ =	shalt  }
0x5d: {  	_ =	shalt  }
0x5e: {  	_ =	shalt  }
0x5f: {  	_ =	shalt  }
0x60: {  	_ =	shalt  }
0x61: {  	_ =	shalt  }
0x62: {  	_ =	shalt  }
0x63: {  	_ =	shalt  }
0x64: {  	_ =	shalt  }
0x65: {  	_ =	shalt  }
0x66: {  	_ =	shalt  }
0x67: {  	_ =	shalt  }
0x68: {  	_ =	shalt  }
0x69: {  	_ =	shalt  }
0x6a: {  	_ =	shalt  }
0x6b: {  	_ =	shalt  }
0x6c: {  	_ =	shalt  }
0x6d: {  	_ =	shalt  }
0x6e: {  	_ =	shalt  }
0x6f: {  	_ =	shalt  }
0x70: {  	_ =	shalt  }
0x71: {  	_ =	shalt  }
0x72: {  	_ =	shalt  }
0x73: {  	_ =	shalt  }
0x74: {  	_ =	shalt  }
0x75: {  	_ =	shalt  }
0x76: {  	_ =	shalt  }
0x77: {  	_ =	shalt  }
0x78: {  	_ =	shalt  }
0x79: {  	_ =	shalt  }
0x7a: {  	_ =	shalt  }
0x7b: {  	_ =	shalt  }
0x7c: {  	_ =	shalt  }
0x7d: {  	_ =	shalt  }
0x7e: {  	_ =	shalt  }
0x7f: {  	_ =	shalt  }
0x80: {  	_ =	shalt  }
0x81: {  	_ =	shalt  }
0x82: {  	_ =	shalt  }
0x83: {  	_ =	shalt  }
0x84: {  	_ =	shalt  }
0x85: {  	_ =	shalt  }
0x86: {  	_ =	shalt  }
0x87: {  	_ =	shalt  }
.Lfunc_end0:
.L_simem_size_0:
called_computation.2_lowered:
.L_overlay_start_0:
0x88: {  	s2 =	sld [smem:$0x3FD9]  }
0x89: {  	s3 =	sld [smem:$0x3FFE];
	_ =	sdelay $0x1  }
0x8a: {  	s1 =	srdreg.scid  }
0x8b: {  	s0 =	sand.u32 $0x1, s1  }
0x8c: {  	s17 =	sshll.u32 s0, $0xA;
	s2 =	sadd.s32 s3, s2  }
0x8d: {  	s2 =	sadd.s32 s2, s17  }
0x8e: {  	[smem:$0x3FB9] =	sst s2  }
0x8f: {  	_ = 	snop  }
0x90: {  	s2 =	sld [smem:$0x3FD0];
	(tm) =	ssettm $0x1  }
0x91: {  	s18 =	sld [smem:$0x3FFB];
	_ =	sdelay $0x3  }
0x92: {  	_ =	strace s18  }
0x93: {  	s3 =	sld [smem:$0x3FFC];
	_ =	sdelay $0x3  }
0x94: {  	_ =	strace s3  }
0x95: {  	s3 =	sld [smem:$0x3FFD];
	_ =	sdelay $0x3  }
0x96: {  	_ =	strace s3  }
0x97: {  	_ =	strace $0x8FFFFFFF  }
0x98: {  	s19 =	sld [smem:$0x3FDB];
	_ =	sdelay $0x1  }
0x99: {  	s4 =	simm.s32 $_scs_section_size  }
0x9a: {  	s5 =	simm.s32 $_size__tile_overlayer_lowered;
	s6 =	simm.s32 $_tile_overlayer_lowered  }
0x9b: {  	s22 =	simm.s32 $0x1BFF;
	s21 =	sshll.u32 s6, $0x1;
	s3 =	sadd.s32 s4, s19  }
0x9c: {  	s7 =	simm.s32 $0x0;
	s20 =	sshll.u32 s5, $0x1;
	s5 =	sadd.s32 s21, s3  }
0x9d: {  	[timem:s7], [sflag:s22] =	dma.local [hbm:s5], s20  }
0x9e: {  	_ =	swait.ge [sflag:s22], s20  }
0x9f: {  	s4 =	ssub.s32 $0x0, s20;
	[sflag:s22] =	ssyncset.done $0x0  }
0xa0: {  	[sflag:s22] =	ssyncadd.s32 s4;
	_ =	sdelay $0x1  }
0xa1: {  	s23 =	simm.s32 $0x1B8B  }
0xa2: {  	_ =	swait.ge [sflag:s23], $0x1  }
0xa3: {  	[sflag:s23] =	ssyncset.done $0x0  }
0xa4: {  	s25 =	simm.s32 $0x1B8E;
	s24 =	sld [smem:$0x3FFE];
	[sflag:s23] =	ssyncadd.s32 $0xFFFFFFFF  }
0xa5: {  	s26 =	simm.s32 $execute0_lowered;
	[smem:$0x3FD2] =	sst s25  }
0xa6: {  	s5 =	sshll.u32 s26, $0x1;
	_ =	strace $0x8000004C;
	[dreg:$0x1] =	wrdreg $0xFFFFFFFF  }
0xa7: {  	s28 =	simm.s32 $_size_execute0_lowered;
	s3 =	sadd.s32 s3, s5;
	[dreg:$0x0] =	wrdreg $0x0  }
0xa8: {  	s5 =	sshll.u32 s28, $0x1;
	[dreg:$0x2] =	wrdreg s3  }
0xa9: {  	[dreg:$0x3] =	wrdreg s5  }
0xaa: {  	[dreg:$0x4] =	wrdreg $0xC0  }
0xab: {  	_ =	task [dreg:s7], $0x5FFFF  }
0xac: {  	[dreg:$0x1] =	wrdreg $0xFFFFFFFF  }
0xad: {  	[dreg:$0x0] =	wrdreg $0x60  }
0xae: {  	[dreg:$0x2] =	wrdreg s24  }
0xaf: {  	[dreg:$0x3] =	wrdreg s2  }
0xb0: {  	[dreg:$0x4] =	wrdreg $0x11D000  }
0xb1: {  	[dreg:$0x5] =	wrdreg $0x9  }
0xb2: {  	_ =	task.clear_ibuf [dreg:s7], $0x6FFFF;
	_ =	strace $0x9000004C  }
0xb3: {  	s29 =	simm.s32 $0x9;
	_ =	strace $0x8000004E  }
0xb4: {  	_ =	swait.ge [sflag:s29], $0x1  }
0xb5: {  	[sflag:s29] =	ssyncadd.s32 $0xFFFFFFFF  }
0xb6: {  	_ =	strace $0x9000004E  }
0xb7: {  	_ =	sfence  }
0xb8: {  	s30 =	sld [smem:$0x0];
	_ =	sdelay $0x2  }
0xb9: {  	s31 =	sshll.u32 s1, $0xD;
	s1 =	sshrl.u32 s1, $0x2  }
0xba: {  	s3 =	sand.u32 $0x4000, s31;
	s1 =	sadd.s32 s1, s30  }
0xbb: {  	s0 =	sor.u32 s3, s0;
	s1 =	sshll.u32 s1, $0x11  }
0xbc: {  	s0 =	sor.u32 s1, s0  }
0xbd: {  	s0 =	sadd.s32 $0x8F2B, s0  }
0xbe: {  	[sflag:s0] =	ssyncadd.remote.s32 $0x1  }
0xbf: {  	_ =	sfence.sel $0xFFFF  }
0xc0: {  	[dreg:$0x0] =	wrdreg $0xFFFFFFFF;
	(pc) =	sbr.abs _section_cstart, $3  }
0xc1: {  	[dreg:$0x1] =	wrdreg $0xFFFFFFFF  }
0xc2: {  	_ =	task.clear_ibuf [dreg:s7], $0x2FFFF;
	_ =	strace $0x9FFFFFFF  }
0xc3: {  	(tm) =	ssettm $0x7FFFFFFF  }
tec
execute0_lowered:
.L_overlay_start_1:
0x0: {  	(tag) =	ssettag $0x1  }
0x1: {  	s0 =	rddreg [dreg:$0x0]  }
0x2: {  	s1 =	rddreg [dreg:$0x1];
	s3 =	srdreg.scid  }
0x3: {  	s2 =	rddreg [dreg:$0x2];
	s12 =	stileid.u32;
	s13 =	simm.s32 $0x4E80  }
0x4: {  	s14 =	simm.s32 $0x80;
	s15 =	simm.s32 $0x9D00;
	s16 =	simm.s32 $0xBD00  }
0x5: {  	s18 =	simm.s32 $0xDD00;
	s19 =	simm.s32 $0x1;
	s21 =	simm.s32 $0xFD00  }
0x6: {  	s22 =	simm.s32 $0x2;
	s24 =	simm.s32 $0x5;
	s29 =	simm.s32 $0x6  }
0x7: {  	s31 =	simm.s32 $0x4;
	s17 =	simm.s32 $0x8;
	s20 =	simm.s32 $0x9C00  }
0x8: {  	s23 =	simm.s32 $0x9C80;
	s25 =	simm.s32 $0x0;
	s6 =	smul.u32 $0x9D0, s12  }
0x9: {  	s4 =	sand.u32 $0x1, s3;
	s3 =	simm.s32 $0x0;
	s7 =	smul.u32 $0xFA00, s12  }
0xa: {  	p0 =	sgt.u32 s12, $0x9;
	s5 =	smul.u32 $0x138C0, s4;
	[smem:$0x7FF] =	sst s3  }
0xb: {  	s9 =	ssub.s32 $0x2, s4;
	s10 =	smul.u32 $0x9C400, s4;
	_ =	strace $0x8000004D  }
0xc: {  	s6 =	sadd.s32 s6, s0;
	s26 =	sshrl.u32 s7, $0x3;
	s28 =	sshrl.u32 s9, $0x1  }
0xd: {  	s11 =	sadd.s32 s7, s2;
	s8 =	sadd.s32 s5, s0;
	s0 =	sadd.s32 s26, s0  }
0xe: {  	s9 =	ssub.s32 s9, s28;
	s5 =	sadd.s32 $0xD600, s6;
	s6 =	sadd.s32 $0x3800, s6  }
0xf: {  	s30 =	sadd.s32 s7, s10;
	s11 =	sshrl.u32 @!p0 s11, $0x3;
	s26 =	simm.s32 $0x3  }
0x10: {  	s4 =	sadd.s32 $0x3EC00, s0;
	s7 =	sadd.s32 $0x17400, s8;
	s0 =	sshrl.u32 s30, $0x3  }
0x11: {  	s9 =	smax.u32 s9, $0x1;
	s8 =	sadd.s32 s1, s0;
	s0 =	sshll.u32 @!p0 s12, $0x6  }
0x12: {  	s12 =	simm.s32 $0x9;
	s1 =	simm.s32 $0x7;
	s10 =	sor.u32 @!p0 $0x1C09, s0  }
.LBB2_1:
0x13: {  	[spmem:s11], [sflag:s10] =	dma.local @!p0 [hbm:s4], $0x1F40  }
0x14: {  	s28 =	simm.s32 @!p0 $0x9  }
0x15: {  	_ =	swait.ge @!p0 [sflag:s28], $0x1F40  }
0x16: {  	[sflag:s28] =	ssyncset.done @!p0 $0x0  }
0x17: {  	[sflag:s28] =	ssyncadd.s32 @!p0 $0xFFFFE0C0  }
0x18: {  	[tilespmem:s3], [sflag:$0x9] =	stream.linear.gather [hbm4b:s5+s3], $0x4E80, $0x38;
	[tilespmem:$0x1B960] =	vst v63  }
0x19: {  	_ =	swait.ge [sflag:s12], $0x4E80  }
0x1a: {  	[sflag:s12] =	ssyncset.done $0x0  }
0x1b: {  	[sflag:s12] =	ssyncadd.s32 $0xFFFFB180  }
0x1c: {  	[tilespmem:s13], [sflag:$0x9] =	stream.linear.gather [hbm4b:s6+s3], $0x4E80, $0x38;
	[tilespmem:$0x1B960] =	vst v63  }
0x1d: {  	_ =	swait.ge [sflag:s12], $0x4E80  }
0x1e: {  	[sflag:s12] =	ssyncset.done $0x0  }
0x1f: {  	[sflag:s12] =	ssyncadd.s32 $0xFFFFB180  }
0x20: {  	[bflag:$0x0] =	sbarrier.arrive $0xFFFF  }
0x21: {  	[tilespmem:s15], [sflag:$0x1] =	stream.indirect.gather [hbm4b:s7+s14], $0x40, s3, s14, $0xb8;
	[tilespmem:$0x1B960] =	vst v63  }
0x22: {  	_ = 	snop  }
0x23: {  	[tilespmem:s16], [sflag:$0x2] =	stream.indirect.gather [hbm4b:s7+s14], $0x40, s14, s14, $0xb8;
	[tilespmem:$0x1B960] =	vst v63  }
0x24: {  	s0 =	simm.s32 $0x100  }
0x25: {  	[tilespmem:s18], [sflag:$0x3] =	stream.indirect.gather [hbm4b:s7+s14], $0x40, s0, s14, $0xb8;
	[tilespmem:$0x1B960] =	vst v63  }
0x26: {  	_ =	swait.ge [sflag:s19], $0x2000  }
0x27: {  	[sflag:s19] =	ssyncset.done $0x0  }
0x28: {  	[sflag:s19] =	ssyncadd.s32 $0xFFFFE000  }
0x29: {  	[spmem:s2] =	stream.indirect.scatter.add.f32 [tilespmem:s15], [sflag:$0x5], $0x40, s13, s14, $0xb8;
	[tilespmem:$0x1B960] =	vst v63  }
0x2a: {  	s0 =	simm.s32 $0x180  }
0x2b: {  	[tilespmem:s21], [sflag:$0x4] =	stream.indirect.gather [hbm4b:s7+s14], $0x40, s0, s14, $0xb8;
	[tilespmem:$0x1B960] =	vst v63  }
0x2c: {  	_ =	swait.ge [sflag:s22], $0x2000  }
0x2d: {  	[sflag:s22] =	ssyncset.done $0x0  }
0x2e: {  	s0 =	simm.s32 $0x4F00;
	[sflag:s22] =	ssyncadd.s32 $0xFFFFE000  }
0x2f: {  	[spmem:s2] =	stream.indirect.scatter.add.f32 [tilespmem:s16], [sflag:$0x6], $0x40, s0, s14, $0xb8;
	[tilespmem:$0x1B960] =	vst v63  }
0x30: {  	_ =	swait.ge [sflag:s24], $0x2000  }
0x31: {  	[sflag:s24] =	ssyncset.done $0x0  }
0x32: {  	s0 =	simm.s32 $0x200;
	[sflag:s24] =	ssyncadd.s32 $0xFFFFE000  }
0x33: {  	[tilespmem:s15], [sflag:$0x1] =	stream.indirect.gather [hbm4b:s7+s14], $0x40, s0, s14, $0xb8;
	[tilespmem:$0x1B960] =	vst v63  }
0x34: {  	_ =	swait.ge [sflag:s26], $0x2000  }
0x35: {  	[sflag:s26] =	ssyncset.done $0x0  }
0x36: {  	s0 =	simm.s32 $0x4F80;
	[sflag:s26] =	ssyncadd.s32 $0xFFFFE000  }
0x37: {  	[spmem:s2] =	stream.indirect.scatter.add.f32 [tilespmem:s18], [sflag:$0x7], $0x40, s0, s14, $0xb8;
	[tilespmem:$0x1B960] =	vst v63  }
0x38: {  	_ =	swait.ge [sflag:s29], $0x2000  }
0x39: {  	[sflag:s29] =	ssyncset.done $0x0  }
0x3a: {  	s0 =	simm.s32 $0x280;
	[sflag:s29] =	ssyncadd.s32 $0xFFFFE000  }
0x3b: {  	[tilespmem:s16], [sflag:$0x2] =	stream.indirect.gather [hbm4b:s7+s14], $0x40, s0, s14, $0xb8;
	[tilespmem:$0x1B960] =	vst v63  }
0x3c: {  	_ =	swait.ge [sflag:s31], $0x2000  }
0x3d: {  	[sflag:s31] =	ssyncset.done $0x0  }
0x3e: {  	s0 =	simm.s32 $0x5000;
	[sflag:s31] =	ssyncadd.s32 $0xFFFFE000  }
0x3f: {  	[spmem:s2] =	stream.indirect.scatter.add.f32 [tilespmem:s21], [sflag:$0x8], $0x40, s0, s14, $0xb8;
	[tilespmem:$0x1B960] =	vst v63  }
0x40: {  	_ =	swait.ge [sflag:s1], $0x2000  }
0x41: {  	[sflag:s1] =	ssyncset.done $0x0  }
0x42: {  	s28 =	simm.s32 $0x300;
	[sflag:s1] =	ssyncadd.s32 $0xFFFFE000  }
0x43: {  	[tilespmem:s18], [sflag:$0x3] =	stream.indirect.gather [hbm4b:s7+s14], $0x40, s28, s14, $0xb8;
	[tilespmem:$0x1B960] =	vst v63  }
0x44: {  	_ =	swait.ge [sflag:s19], $0x2000  }
0x45: {  	[sflag:s19] =	ssyncset.done $0x0  }
0x46: {  	s28 =	simm.s32 $0x5080;
	[sflag:s19] =	ssyncadd.s32 $0xFFFFE000  }
0x47: {  	[spmem:s2] =	stream.indirect.scatter.add.f32 [tilespmem:s15], [sflag:$0x5], $0x40, s28, s14, $0xb8;
	[tilespmem:$0x1B960] =	vst v63  }
0x48: {  	_ =	swait.ge [sflag:s17], $0x2000  }
0x49: {  	[sflag:s17] =	ssyncset.done $0x0  }
0x4a: {  	s28 =	simm.s32 $0x380;
	[sflag:s17] =	ssyncadd.s32 $0xFFFFE000  }
0x4b: {  	[tilespmem:s21], [sflag:$0x4] =	stream.indirect.gather [hbm4b:s7+s14], $0x40, s28, s14, $0xb8;
	[tilespmem:$0x1B960] =	vst v63  }
0x4c: {  	_ =	swait.ge [sflag:s22], $0x2000  }
0x4d: {  	[sflag:s22] =	ssyncset.done $0x0  }
0x4e: {  	s28 =	simm.s32 $0x5100;
	[sflag:s22] =	ssyncadd.s32 $0xFFFFE000  }
0x4f: {  	[spmem:s2] =	stream.indirect.scatter.add.f32 [tilespmem:s16], [sflag:$0x6], $0x40, s28, s14, $0xb8;
	[tilespmem:$0x1B960] =	vst v63  }
0x50: {  	_ =	swait.ge [sflag:s24], $0x2000  }
0x51: {  	[sflag:s24] =	ssyncset.done $0x0  }
0x52: {  	s28 =	simm.s32 $0x400;
	[sflag:s24] =	ssyncadd.s32 $0xFFFFE000  }
0x53: {  	[tilespmem:s15], [sflag:$0x1] =	stream.indirect.gather [hbm4b:s7+s14], $0x40, s28, s14, $0xb8;
	[tilespmem:$0x1B960] =	vst v63  }
0x54: {  	_ =	swait.ge [sflag:s26], $0x2000  }
0x55: {  	[sflag:s26] =	ssyncset.done $0x0  }
0x56: {  	s28 =	simm.s32 $0x5180;
	[sflag:s26] =	ssyncadd.s32 $0xFFFFE000  }
0x57: {  	[spmem:s2] =	stream.indirect.scatter.add.f32 [tilespmem:s18], [sflag:$0x7], $0x40, s28, s14, $0xb8;
	[tilespmem:$0x1B960] =	vst v63  }
0x58: {  	_ =	swait.ge [sflag:s29], $0x2000  }
0x59: {  	[sflag:s29] =	ssyncset.done $0x0  }
0x5a: {  	s28 =	simm.s32 $0x480;
	[sflag:s29] =	ssyncadd.s32 $0xFFFFE000  }
0x5b: {  	[tilespmem:s16], [sflag:$0x2] =	stream.indirect.gather [hbm4b:s7+s14], $0x40, s28, s14, $0xb8;
	[tilespmem:$0x1B960] =	vst v63  }
0x5c: {  	_ =	swait.ge [sflag:s31], $0x2000  }
0x5d: {  	[sflag:s31] =	ssyncset.done $0x0  }
0x5e: {  	s30 =	simm.s32 $0x5200;
	s28 =	simm.s32 $0x800;
	[sflag:s31] =	ssyncadd.s32 $0xFFFFE000  }
.LBB2_2:
0x5f: {  	[spmem:s2] =	stream.indirect.scatter.add.f32 [tilespmem:s21], [sflag:$0x8], $0x40, s30, s14, $0xb8;
	[tilespmem:$0x1B960] =	vst v63  }
0x60: {  	s30 =	smov.u32 s28  }
0x61: {  	p1 =	sne.s32 s28, $0x12000;
	s28 =	sadd.s32 $0x800, s28;
	_ =	swait.ge [sflag:s1], $0x2000  }
0x62: {  	s30 =	sshra.s32 s30, $0x2;
	[sflag:s1] =	ssyncset.done $0x0  }
0x63: {  	s0 =	sadd.s32 $0x300, s30;
	[sflag:s1] =	ssyncadd.s32 $0xFFFFE000  }
0x64: {  	[tilespmem:s18], [sflag:$0x3] =	stream.indirect.gather [hbm4b:s7+s14], $0x40, s0, s14, $0xb8;
	[tilespmem:$0x1B960] =	vst v63  }
0x65: {  	_ =	swait.ge [sflag:s19], $0x2000  }
0x66: {  	[sflag:s19] =	ssyncset.done $0x0  }
0x67: {  	s0 =	sadd.s32 $0x5080, s30;
	[sflag:s19] =	ssyncadd.s32 $0xFFFFE000  }
0x68: {  	[spmem:s2] =	stream.indirect.scatter.add.f32 [tilespmem:s15], [sflag:$0x5], $0x40, s0, s14, $0xb8;
	[tilespmem:$0x1B960] =	vst v63  }
0x69: {  	_ =	swait.ge [sflag:s17], $0x2000  }
0x6a: {  	[sflag:s17] =	ssyncset.done $0x0  }
0x6b: {  	s0 =	sadd.s32 $0x380, s30;
	[sflag:s17] =	ssyncadd.s32 $0xFFFFE000  }
0x6c: {  	[tilespmem:s21], [sflag:$0x4] =	stream.indirect.gather [hbm4b:s7+s14], $0x40, s0, s14, $0xb8;
	[tilespmem:$0x1B960] =	vst v63  }
0x6d: {  	_ =	swait.ge [sflag:s22], $0x2000  }
0x6e: {  	[sflag:s22] =	ssyncset.done $0x0  }
0x6f: {  	s0 =	sadd.s32 $0x5100, s30;
	[sflag:s22] =	ssyncadd.s32 $0xFFFFE000  }
0x70: {  	[spmem:s2] =	stream.indirect.scatter.add.f32 [tilespmem:s16], [sflag:$0x6], $0x40, s0, s14, $0xb8;
	[tilespmem:$0x1B960] =	vst v63  }
0x71: {  	_ =	swait.ge [sflag:s24], $0x2000  }
0x72: {  	[sflag:s24] =	ssyncset.done $0x0  }
0x73: {  	s0 =	sadd.s32 $0x400, s30;
	[sflag:s24] =	ssyncadd.s32 $0xFFFFE000  }
0x74: {  	[tilespmem:s15], [sflag:$0x1] =	stream.indirect.gather [hbm4b:s7+s14], $0x40, s0, s14, $0xb8;
	[tilespmem:$0x1B960] =	vst v63  }
0x75: {  	_ =	swait.ge [sflag:s26], $0x2000  }
0x76: {  	[sflag:s26] =	ssyncset.done $0x0  }
0x77: {  	s0 =	sadd.s32 $0x5180, s30;
	[sflag:s26] =	ssyncadd.s32 $0xFFFFE000  }
0x78: {  	[spmem:s2] =	stream.indirect.scatter.add.f32 [tilespmem:s18], [sflag:$0x7], $0x40, s0, s14, $0xb8;
	[tilespmem:$0x1B960] =	vst v63  }
0x79: {  	_ =	swait.ge [sflag:s29], $0x2000  }
0x7a: {  	[sflag:s29] =	ssyncset.done $0x0  }
.Ltmp0:
0x7b: {  	s0 =	sadd.s32 $0x480, s30;
	[sflag:s29] =	ssyncadd.s32 $0xFFFFE000;
	(pc) =	sbr.rel @p1 .LBB2_2-.Ltmp0, $4  }
0x7c: {  	[tilespmem:s16], [sflag:$0x2] =	stream.indirect.gather [hbm4b:s7+s14], $0x40, s0, s14, $0xb8;
	[tilespmem:$0x1B960] =	vst v63  }
0x7d: {  	_ =	swait.ge [sflag:s31], $0x2000  }
0x7e: {  	[sflag:s31] =	ssyncset.done $0x0  }
0x7f: {  	s30 =	sadd.s32 $0x5200, s30;
	[sflag:s31] =	ssyncadd.s32 $0xFFFFE000  }
0x80: {  	[spmem:s2] =	stream.indirect.scatter.add.f32 [tilespmem:s21], [sflag:$0x8], $0x40, s30, s14, $0xb8;
	[tilespmem:$0x1B960] =	vst v63  }
0x81: {  	_ =	swait.ge [sflag:s1], $0x2000  }
0x82: {  	[sflag:s1] =	ssyncset.done $0x0  }
0x83: {  	s0 =	simm.s32 $0x4D00;
	[sflag:s1] =	ssyncadd.s32 $0xFFFFE000  }
0x84: {  	[tilespmem:s18], [sflag:$0x3] =	stream.indirect.gather [hbm4b:s7+s14], $0x40, s0, s14, $0xb8;
	[tilespmem:$0x1B960] =	vst v63  }
0x85: {  	_ =	swait.ge [sflag:s19], $0x2000  }
0x86: {  	[sflag:s19] =	ssyncset.done $0x0  }
0x87: {  	s30 =	simm.s32 $0x9A80;
	[sflag:s19] =	ssyncadd.s32 $0xFFFFE000  }
0x88: {  	[spmem:s2] =	stream.indirect.scatter.add.f32 [tilespmem:s15], [sflag:$0x5], $0x40, s30, s14, $0xb8;
	[tilespmem:$0x1B960] =	vst v63  }
0x89: {  	_ =	swait.ge [sflag:s17], $0x2000  }
0x8a: {  	[sflag:s17] =	ssyncset.done $0x0  }
0x8b: {  	s28 =	simm.s32 $0x4D80;
	[sflag:s17] =	ssyncadd.s32 $0xFFFFE000  }
0x8c: {  	[tilespmem:s21], [sflag:$0x4] =	stream.indirect.gather [hbm4b:s7+s14], $0x40, s28, s14, $0xb8;
	[tilespmem:$0x1B960] =	vst v63  }
0x8d: {  	_ =	swait.ge [sflag:s22], $0x2000  }
0x8e: {  	[sflag:s22] =	ssyncset.done $0x0  }
0x8f: {  	s30 =	simm.s32 $0x9B00;
	[sflag:s22] =	ssyncadd.s32 $0xFFFFE000  }
0x90: {  	[spmem:s2] =	stream.indirect.scatter.add.f32 [tilespmem:s16], [sflag:$0x6], $0x40, s30, s14, $0xb8;
	[tilespmem:$0x1B960] =	vst v63  }
0x91: {  	_ =	swait.ge [sflag:s24], $0x2000  }
0x92: {  	[sflag:s24] =	ssyncset.done $0x0  }
0x93: {  	s28 =	simm.s32 $0x4E00;
	[sflag:s24] =	ssyncadd.s32 $0xFFFFE000  }
0x94: {  	[tilespmem:s15], [sflag:$0x1] =	stream.indirect.gather [hbm4b:s7+s14], $0x40, s28, s14, $0xb8;
	[tilespmem:$0x1B960] =	vst v63  }
0x95: {  	_ =	swait.ge [sflag:s26], $0x2000  }
0x96: {  	[sflag:s26] =	ssyncset.done $0x0  }
0x97: {  	s30 =	simm.s32 $0x9B80;
	[sflag:s26] =	ssyncadd.s32 $0xFFFFE000  }
0x98: {  	[spmem:s2] =	stream.indirect.scatter.add.f32 [tilespmem:s18], [sflag:$0x7], $0x40, s30, s14, $0xb8;
	[tilespmem:$0x1B960] =	vst v63  }
0x99: {  	_ =	swait.ge [sflag:s29], $0x2000  }
0x9a: {  	[sflag:s29] =	ssyncset.done $0x0  }
0x9b: {  	[sflag:s29] =	ssyncadd.s32 $0xFFFFE000  }
0x9c: {  	_ =	swait.ge [sflag:s31], $0x2000  }
0x9d: {  	[sflag:s31] =	ssyncset.done $0x0  }
0x9e: {  	[sflag:s31] =	ssyncadd.s32 $0xFFFFE000  }
0x9f: {  	[spmem:s2] =	stream.indirect.scatter.add.f32 [tilespmem:s21], [sflag:$0x8], $0x40, s20, s14, $0xb8;
	[tilespmem:$0x1B960] =	vst v63  }
0xa0: {  	_ =	swait.ge [sflag:s19], $0x2000  }
0xa1: {  	[sflag:s19] =	ssyncset.done $0x0  }
0xa2: {  	[sflag:s19] =	ssyncadd.s32 $0xFFFFE000  }
0xa3: {  	[spmem:s2] =	stream.indirect.scatter.add.f32 [tilespmem:s15], [sflag:$0x5], $0x40, s23, s14, $0xb8;
	[tilespmem:$0x1B960] =	vst v63  }
0xa4: {  	_ =	swait.ge [sflag:s1], $0x2000  }
0xa5: {  	[sflag:s1] =	ssyncset.done $0x0  }
0xa6: {  	[sflag:s1] =	ssyncadd.s32 $0xFFFFE000  }
0xa7: {  	_ =	swait.ge [sflag:s17], $0x2000  }
0xa8: {  	[sflag:s17] =	ssyncset.done $0x0  }
0xa9: {  	[sflag:s17] =	ssyncadd.s32 $0xFFFFE000  }
0xaa: {  	_ =	swait.ge [sflag:s24], $0x2000  }
0xab: {  	s25 =	sadd.s32 $0x1, s25;
	[sflag:s24] =	ssyncset.done $0x0  }
0xac: {  	p1 =	sne.s32 s25, s9;
	[sflag:s24] =	ssyncadd.s32 $0xFFFFE000  }
.Ltmp1:
0xad: {  	s0 =	simm.s32 @!p0 $0x9;
	[bflag:$0x0] =	sbarrier.arrive $0xFFFF;
	(pc) =	sbr.rel @p1 .LBB2_1-.Ltmp1, $4  }
0xae: {  	[hbm:s8], [sflag:s10] =	dma.local @!p0 [spmem:s11], $0x1F40  }
0xaf: {  	_ =	swait.ge @!p0 [sflag:s0], $0x1F40  }
0xb0: {  	[sflag:s0] =	ssyncset.done @!p0 $0x0  }
0xb1: {  	[sflag:s0] =	ssyncadd.s32 @!p0 $0xFFFFE0C0  }
0xb2: {  	_ =	sfence.sel $0x180000  }
0xb3: {  	[bflag:$0x0] =	sbarrier.arrive $0xFFFF  }
0xb4: {  	_ =	strace $0x9000004D  }
0xb5: {  	s0 =	stileid.u32;
	[bflag:$0x2] =	sbarrier.arrive $0xFFFF  }
0xb6: {  	p0 =	sne.s32 s0, $0x0;
	s0 =	rddreg [dreg:$0x3]  }
0xb7: {  	s0 =	sadd.s32 @!p0 $0x100000, s0  }
0xb8: {  	[sflag:s0] =	ssyncadd.tile.s32 @!p0 $0x1;
	_ =	shalt  }
.Lfunc_end2:
_tile_overlayer_lowered:
.L_overlay_start_2:
0xb9: {  	(tag) =	ssettag $0x2  }
0xba: {  	s0 =	rddreg [dreg:$0x0];
	s2 =	stileid.u32  }
0xbb: {  	s1 =	rddreg [dreg:$0x1];
	p0 =	sne.s32 s2, $0x0  }
0xbc: {  	s3 =	rddreg [dreg:$0x2];
	[bflag:$0x3] =	sbarrier.arrive $0xFFFF;
	s2 =	simm.s32 @!p0 $0x1C09  }
0xbd: {  	[timem:s3], [sflag:s2] =	dma.local @!p0 [hbm:s0], s1  }
0xbe: {  	s0 =	simm.s32 @!p0 $0x9  }
0xbf: {  	_ =	swait.ge @!p0 [sflag:s0], s1  }
0xc0: {  	s1 =	ssub.s32 @!p0 $0x0, s1;
	[sflag:s0] =	ssyncset.done @!p0 $0x0  }
0xc1: {  	[sflag:s0] =	ssyncadd.s32 @!p0 s1  }
0xc2: {  	[bflag:$0x3] =	sbarrier.arrive $0xFFFF  }
0xc3: {  	_ =	shalt  }

// kernel: sc_pass_deg.3.cloned.1.call-start
scs
__scs_entry_jumppad:
0x0: {  	(pc) =	sbr.rel $0x88, $3  }
0x1: {  	(tag) =	ssettag $0x0;
	lr =	simm.s32 $0x1  }
0x2: {  	[smem:$0x3F92] =	sst lr;
	_ =	strace $0xD0000000  }
0x3: {  	_ = 	snop  }
0x4: {  	_ = 	snop  }
0x5: {  	_ = 	snop  }
0x6: {  	_ = 	snop  }
0x7: {  	_ = 	snop  }
__scs_overlays_trampoline_lowered:
0x8: {  	[smem:$0x3FA1] =	sst s0  }
0x9: {  	[smem:$0x3FA2] =	sst s1  }
0xa: {  	[smem:$0x3FA3] =	sst s2  }
0xb: {  	[smem:$0x3FA4] =	sst s3  }
0xc: {  	[smem:$0x3FA5] =	sst s4  }
0xd: {  	[smem:$0x3FA6] =	sst s5  }
0xe: {  	[smem:$0x3FA7] =	sst s6  }
0xf: {  	[smem:$0x3FA8] =	sst s7  }
0x10: {  	[smem:$0x3FA9] =	sst s8  }
0x11: {  	[smem:$0x3FAA] =	sst s9;
	s0 =	simm.s32 @!p0 $0x0  }
0x12: {  	s1 =	sld [smem:$0x3F90];
	s0 =	simm.s32 @p0 $0x1  }
0x13: {  	[smem:$0x3FAB] =	sst s0;
	s0 =	simm.s32 @!p1 $0x0  }
0x14: {  	s2 =	sld [smem:$0x3F8F];
	s0 =	simm.s32 @p1 $0x1  }
0x15: {  	[smem:$0x3FAC] =	sst s0;
	s0 =	simm.s32 @!p2 $0x0  }
0x16: {  	s3 =	sld [smem:$0x3FDB];
	s0 =	simm.s32 @p2 $0x1  }
0x17: {  	s4 =	simm.s32 $0x1BF5;
	[smem:$0x3FAE] =	sst s0  }
0x18: {  	s0 =	sld [smem:$0x3F91];
	_ =	swait.ge [sflag:s4], $0x0  }
0x19: {  	s7 =	sld [smem:$0x3F92]  }
0x1a: {  	s8 =	sadd.s32 $0xFFFFE003, lr  }
0x1b: {  	s9 =	sadd.s32 $0xFFFFFEF7, lr;
	s5 =	simm.s32 $0xFFFFFFFF;
	p2 =	slt.u32 s8, $0xFFFFF086  }
0x1c: {  	p1 =	slt.u32 s9, $0xF7A;
	s5 =	simm.s32 @!p2 $0x0  }
0x1d: {  	s5 =	simm.s32 @p1 $0x1;
	p0 =	seq.s32 s7, s2  }
0x1e: {  	s7 =	smul.u32 @!p0 $0xF7A, s2;
	p2 =	seq.s32 @!p0 s5, $0x0  }
0x1f: {  	s9 =	smul.u32 $0xF7A, s1;
	s8 =	simm.s32 @!p0 $0x1BF5;
	p2 =	por !p2, p0  }
0x20: {  	[sflag:s8] =	ssyncset.s32 @!p0 $0xFFFFF086;
	s6 =	sadd.s32 @!p0 s3, s7;
	s7 =	simm.s32 @!p0 $0x108  }
0x21: {  	s3 =	sadd.s32 s3, s9;
	s6 =	sadd.s32 @!p0 $0x88, s6;
	s7 =	simm.s32 @p2 $0x1082  }
0x22: {  	[simem:s7], [sflag:s8] =	dma.local @!p0 [hbm:s6], $0xF7A  }
0x23: {  	s9 =	sor.u32 $0xD0000000, s2;
	s6 =	simm.s32 $0x108;
	_ =	swait.ge @!p0 [sflag:s8], $0x0  }
0x24: {  	s3 =	sadd.s32 $0x88, s3;
	s6 =	simm.s32 @!p1 $0x1082;
	[sflag:s4] =	ssyncset.s32 $0xFFFFF086  }
0x25: {  	[simem:s6], [sflag:s4] =	dma.local [hbm:s3], $0xF7A  }
0x26: {  	[smem:$0x3F92] =	sst s1;
	(tag) =	ssettag s2;
	_ =	strace s9  }
0x27: {  	s1 =	sld [smem:$0x3FA2]  }
0x28: {  	s2 =	sld [smem:$0x3FA3]  }
0x29: {  	s4 =	sld [smem:$0x3FA5]  }
0x2a: {  	p0 =	seq.s32 s5, $0x0;
	s5 =	sld [smem:$0x3FA6]  }
0x2b: {  	s6 =	sld [smem:$0x3FA7]  }
0x2c: {  	s7 =	sld [smem:$0x3FA8]  }
0x2d: {  	s3 =	simm.s32 $0x108;
	s8 =	sld [smem:$0x3FA9]  }
0x2e: {  	s3 =	simm.s32 @!p0 $0x1082;
	s9 =	sld [smem:$0x3FAA]  }
0x2f: {  	lr =	sadd.s32 s0, s3;
	s0 =	sld [smem:$0x3FA1]  }
0x30: {  	s3 =	sld [smem:$0x3FA4]  }
0x31: {  	[smem:$0x3FAD] =	sst s10  }
0x32: {  	s10 =	sld [smem:$0x3FAB];
	_ =	sdelay $0x3  }
0x33: {  	p0 =	seq.s32 s10, $0x1;
	s10 =	sld [smem:$0x3FAD];
	_ =	sdelay $0x3  }
0x34: {  	[smem:$0x3FAD] =	sst s10  }
0x35: {  	s10 =	sld [smem:$0x3FAC];
	_ =	sdelay $0x3  }
0x36: {  	p1 =	seq.s32 s10, $0x1;
	s10 =	sld [smem:$0x3FAD];
	_ =	sdelay $0x3  }
0x37: {  	[smem:$0x3FAD] =	sst s10  }
0x38: {  	s10 =	sld [smem:$0x3FAE]  }
0x39: {  	_ = 	snop;
	(pc) =	sbr.ind lr, $3  }
0x3a: {  	_ = 	snop  }
0x3b: {  	_ = 	snop  }
0x3c: {  	p2 =	seq.s32 s10, $0x1;
	s10 =	sld [smem:$0x3FAD]  }
0x3d: {  	_ =	shalt  }
0x3e: {  	_ =	shalt  }
0x3f: {  	_ =	shalt  }
0x40: {  	_ =	shalt  }
0x41: {  	_ =	shalt  }
0x42: {  	_ =	shalt  }
0x43: {  	_ =	shalt  }
0x44: {  	_ =	shalt  }
0x45: {  	_ =	shalt  }
0x46: {  	_ =	shalt  }
0x47: {  	_ =	shalt  }
0x48: {  	_ =	shalt  }
0x49: {  	_ =	shalt  }
0x4a: {  	_ =	shalt  }
0x4b: {  	_ =	shalt  }
0x4c: {  	_ =	shalt  }
0x4d: {  	_ =	shalt  }
0x4e: {  	_ =	shalt  }
0x4f: {  	_ =	shalt  }
0x50: {  	_ =	shalt  }
0x51: {  	_ =	shalt  }
0x52: {  	_ =	shalt  }
0x53: {  	_ =	shalt  }
0x54: {  	_ =	shalt  }
0x55: {  	_ =	shalt  }
0x56: {  	_ =	shalt  }
0x57: {  	_ =	shalt  }
0x58: {  	_ =	shalt  }
0x59: {  	_ =	shalt  }
0x5a: {  	_ =	shalt  }
0x5b: {  	_ =	shalt  }
0x5c: {  	_ =	shalt  }
0x5d: {  	_ =	shalt  }
0x5e: {  	_ =	shalt  }
0x5f: {  	_ =	shalt  }
0x60: {  	_ =	shalt  }
0x61: {  	_ =	shalt  }
0x62: {  	_ =	shalt  }
0x63: {  	_ =	shalt  }
0x64: {  	_ =	shalt  }
0x65: {  	_ =	shalt  }
0x66: {  	_ =	shalt  }
0x67: {  	_ =	shalt  }
0x68: {  	_ =	shalt  }
0x69: {  	_ =	shalt  }
0x6a: {  	_ =	shalt  }
0x6b: {  	_ =	shalt  }
0x6c: {  	_ =	shalt  }
0x6d: {  	_ =	shalt  }
0x6e: {  	_ =	shalt  }
0x6f: {  	_ =	shalt  }
0x70: {  	_ =	shalt  }
0x71: {  	_ =	shalt  }
0x72: {  	_ =	shalt  }
0x73: {  	_ =	shalt  }
0x74: {  	_ =	shalt  }
0x75: {  	_ =	shalt  }
0x76: {  	_ =	shalt  }
0x77: {  	_ =	shalt  }
0x78: {  	_ =	shalt  }
0x79: {  	_ =	shalt  }
0x7a: {  	_ =	shalt  }
0x7b: {  	_ =	shalt  }
0x7c: {  	_ =	shalt  }
0x7d: {  	_ =	shalt  }
0x7e: {  	_ =	shalt  }
0x7f: {  	_ =	shalt  }
0x80: {  	_ =	shalt  }
0x81: {  	_ =	shalt  }
0x82: {  	_ =	shalt  }
0x83: {  	_ =	shalt  }
0x84: {  	_ =	shalt  }
0x85: {  	_ =	shalt  }
0x86: {  	_ =	shalt  }
0x87: {  	_ =	shalt  }
.Lfunc_end0:
.L_simem_size_0:
called_computation_lowered:
.L_overlay_start_0:
0x88: {  	s2 =	sld [smem:$0x3FD9]  }
0x89: {  	s3 =	sld [smem:$0x3FFE];
	_ =	sdelay $0x1  }
0x8a: {  	s1 =	srdreg.scid  }
0x8b: {  	s0 =	sand.u32 $0x1, s1  }
0x8c: {  	s16 =	sshll.u32 s0, $0xA;
	s2 =	sadd.s32 s3, s2  }
0x8d: {  	s2 =	sadd.s32 s2, s16  }
0x8e: {  	[smem:$0x3FB9] =	sst s2  }
0x8f: {  	_ = 	snop  }
0x90: {  	(tm) =	ssettm $0x1  }
0x91: {  	s17 =	sld [smem:$0x3FFB];
	_ =	sdelay $0x3  }
0x92: {  	_ =	strace s17  }
0x93: {  	s2 =	sld [smem:$0x3FFC];
	_ =	sdelay $0x3  }
0x94: {  	_ =	strace s2  }
0x95: {  	s2 =	sld [smem:$0x3FFD];
	_ =	sdelay $0x3  }
0x96: {  	_ =	strace s2  }
0x97: {  	_ =	strace $0x8FFFFFFF  }
0x98: {  	s18 =	sld [smem:$0x3FDB];
	_ =	sdelay $0x1  }
0x99: {  	s19 =	simm.s32 $_scs_section_size  }
0x9a: {  	s4 =	simm.s32 $_size__tile_overlayer_lowered;
	s5 =	simm.s32 $_tile_overlayer_lowered  }
0x9b: {  	s22 =	simm.s32 $0x1BFF;
	s21 =	sshll.u32 s5, $0x1;
	s2 =	sadd.s32 s19, s18  }
0x9c: {  	s6 =	simm.s32 $0x0;
	s20 =	sshll.u32 s4, $0x1;
	s4 =	sadd.s32 s21, s2  }
0x9d: {  	[timem:s6], [sflag:s22] =	dma.local [hbm:s4], s20  }
0x9e: {  	_ =	swait.ge [sflag:s22], s20  }
0x9f: {  	s3 =	ssub.s32 $0x0, s20;
	[sflag:s22] =	ssyncset.done $0x0  }
0xa0: {  	[sflag:s22] =	ssyncadd.s32 s3;
	_ =	sdelay $0x1  }
0xa1: {  	s23 =	simm.s32 $0x1B8B  }
0xa2: {  	_ =	swait.ge [sflag:s23], $0x1  }
0xa3: {  	[sflag:s23] =	ssyncset.done $0x0  }
0xa4: {  	s25 =	simm.s32 $0x1B8E;
	s24 =	sld [smem:$0x3FFE];
	[sflag:s23] =	ssyncadd.s32 $0xFFFFFFFF  }
0xa5: {  	s26 =	simm.s32 $execute0_lowered;
	[smem:$0x3FD2] =	sst s25  }
0xa6: {  	s4 =	sshll.u32 s26, $0x1;
	_ =	strace $0x80000046;
	[dreg:$0x1] =	wrdreg $0xFFFFFFFF  }
0xa7: {  	s28 =	simm.s32 $_size_execute0_lowered;
	s2 =	sadd.s32 s2, s4;
	[dreg:$0x0] =	wrdreg $0x0  }
0xa8: {  	s4 =	sshll.u32 s28, $0x1;
	[dreg:$0x2] =	wrdreg s2  }
0xa9: {  	[dreg:$0x3] =	wrdreg s4  }
0xaa: {  	[dreg:$0x4] =	wrdreg $0xC0  }
0xab: {  	_ =	task [dreg:s6], $0x5FFFF  }
0xac: {  	[dreg:$0x1] =	wrdreg $0xFFFFFFFF  }
0xad: {  	[dreg:$0x0] =	wrdreg $0x60  }
0xae: {  	[dreg:$0x2] =	wrdreg s24  }
0xaf: {  	[dreg:$0x3] =	wrdreg $0x123700  }
0xb0: {  	[dreg:$0x4] =	wrdreg $0x1BFD00  }
0xb1: {  	[dreg:$0x5] =	wrdreg $0x1C2480  }
0xb2: {  	[dreg:$0x6] =	wrdreg $0x9  }
0xb3: {  	_ =	task.clear_ibuf [dreg:s6], $0x7FFFF;
	_ =	strace $0x90000046  }
0xb4: {  	s29 =	simm.s32 $0x9;
	_ =	strace $0x80000048  }
0xb5: {  	_ =	swait.ge [sflag:s29], $0x1  }
0xb6: {  	[sflag:s29] =	ssyncadd.s32 $0xFFFFFFFF  }
0xb7: {  	_ =	strace $0x90000048  }
0xb8: {  	_ =	sfence  }
0xb9: {  	s30 =	sld [smem:$0x0];
	_ =	sdelay $0x2  }
0xba: {  	s31 =	sshll.u32 s1, $0xD;
	s1 =	sshrl.u32 s1, $0x2  }
0xbb: {  	s3 =	sand.u32 $0x4000, s31;
	s1 =	sadd.s32 s1, s30  }
0xbc: {  	s0 =	sor.u32 s3, s0;
	s1 =	sshll.u32 s1, $0x11  }
0xbd: {  	s0 =	sor.u32 s1, s0  }
0xbe: {  	s0 =	sadd.s32 $0x8F2B, s0  }
0xbf: {  	[sflag:s0] =	ssyncadd.remote.s32 $0x1  }
0xc0: {  	_ =	sfence.sel $0xFFFF  }
0xc1: {  	[dreg:$0x0] =	wrdreg $0xFFFFFFFF;
	(pc) =	sbr.abs _section_cstart, $3  }
0xc2: {  	[dreg:$0x1] =	wrdreg $0xFFFFFFFF  }
0xc3: {  	_ =	task.clear_ibuf [dreg:s6], $0x2FFFF;
	_ =	strace $0x9FFFFFFF  }
0xc4: {  	(tm) =	ssettm $0x7FFFFFFF  }
0xc5: {  	_ =	shalt  }
tec
execute0_lowered:
.L_overlay_start_1:
0x0: {  	(tag) =	ssettag $0x1  }
0x1: {  	s1 =	rddreg [dreg:$0x0]  }
0x2: {  	s0 =	rddreg [dreg:$0x1]  }
0x3: {  	s2 =	srdreg.scid;
	s3 =	rddreg [dreg:$0x2]  }
0x4: {  	s13 =	stileid.u32;
	s4 =	rddreg [dreg:$0x3]  }
0x5: {  	s18 =	simm.s32 $0x0;
	s21 =	simm.s32 $0x80;
	s29 =	simm.s32 $0x1  }
0x6: {  	s30 =	simm.s32 $0x9;
	s20 =	simm.s32 $0xFD00;
	s6 =	smul.u32 $0x9D0, s13  }
0x7: {  	s15 =	simm.s32 $0x4;
	s16 =	simm.s32 $0xC;
	s7 =	smul.u32 $0xFA00, s13  }
0x8: {  	s2 =	sand.u32 $0x1, s2;
	[smem:$0x7FF] =	sst s18;
	s12 =	smul.u32 $0x3E8, s13  }
0x9: {  	s11 =	sadd.s32 $0x79E00, s1;
	p0 =	sgt.u32 s13, $0x9;
	s5 =	smul.u32 $0x138C0, s2  }
0xa: {  	s8 =	smul.u32 $0x9C400, s2;
	_ =	strace $0x80000047;
	[dreg:$0x5] =	wrdreg s11  }
0xb: {  	s22 =	ssub.s32 $0x2, s2;
	s31 =	sor.u32 s2, s13;
	p1 =	sne.s32 s2, $0x0  }
0xc: {  	p2 =	seq.s32 s2, $0x0;
	s2 =	simm.s32 $0x11F00;
	s11 =	simm.s32 $0x5  }
0xd: {  	s9 =	sadd.s32 s6, s1;
	s10 =	sshrl.u32 s7, $0x3;
	s6 =	sadd.s32 $0x17400, s1  }
0xe: {  	s23 =	sshrl.u32 s22, $0x1;
	s25 =	sadd.s32 s12, s3;
	s26 =	sadd.s32 s12, s4  }
0xf: {  	p3 =	sne.s32 s31, $0x0;
	s12 =	simm.s32 $0x6;
	s5 =	sadd.s32 s5, s1  }
0x10: {  	s8 =	sadd.s32 s7, s8;
	s10 =	sadd.s32 s10, s1;
	[dreg:$0xa] =	wrdreg s25  }
0x11: {  	s7 =	sadd.s32 s7, s0;
	s24 =	sadd.s32 $0xD600, s9;
	[dreg:$0xb] =	wrdreg s26  }
0x12: {  	s9 =	sadd.s32 $0x3800, s9;
	s25 =	simm.s32 $0xDD00;
	[dreg:$0x8] =	wrdreg s24  }
0x13: {  	s8 =	sshrl.u32 s8, $0x3;
	s10 =	sadd.s32 $0x3EC00, s10;
	[dreg:$0x9] =	wrdreg s9  }
0x14: {  	s14 =	sadd.s32 $0x17A00, s5;
	s17 =	sshrl.u32 @!p0 s7, $0x3;
	s24 =	simm.s32 $0x7  }
0x15: {  	s9 =	simm.s32 $0xA;
	s5 =	simm.s32 $0x11;
	[dreg:$0x7] =	wrdreg s10  }
0x16: {  	s8 =	sadd.s32 s8, s1;
	s1 =	sadd.s32 $0x52600, s1;
	[dreg:$0xf] =	wrdreg s17  }
.Ltmp0:
0x17: {  	[dreg:$0x6] =	wrdreg s1;
	s1 =	ssub.s32 s22, s23;
	(pc) =	sbr.rel .LBB2_1-.Ltmp0, $4  }
0x18: {  	s28 =	sadd.s32 $0x52C00, s8;
	s8 =	sshll.u32 @!p0 s13, $0x6;
	s22 =	simm.s32 $0x9D00  }
0x19: {  	s23 =	simm.s32 $0xBD00;
	[dreg:$0xc] =	wrdreg s28;
	s1 =	smax.u32 s1, $0x1  }
0x1a: {  	s13 =	simm.s32 $0x0;
	s10 =	sor.u32 @!p0 $0x1C12, s8;
	[dreg:$0xd] =	wrdreg s1  }
0x1b: {  	v0 =	vimm.f32 $0.0e+00;
	v1 =	vimm.f32 $1.000000000e+00;
	s8 =	simm.s32 $0x2;
	s1 =	simm.s32 $0x10;
	[dreg:$0xe] =	wrdreg s10  }
.LBB2_25:
0x1c: {  	s7 =	simm.s32 $0x9C80  }
0x1d: {  	[spmem:s0] =	stream.indirect.scatter.add.f32 [tilespmem:s22], [sflag:$0x5], $0x40, s7, s21, $0xb8;
	[tilespmem:$0x1C4C0] =	vst v63  }
0x1e: {  	_ =	swait.ge [sflag:s24], $0x2000  }
0x1f: {  	[sflag:s24] =	ssyncset.done $0x0  }
0x20: {  	s31 =	simm.s32 $0x8;
	[sflag:s24] =	ssyncadd.s32 $0xFFFFE000  }
0x21: {  	_ =	swait.ge [sflag:s31], $0x2000  }
0x22: {  	[sflag:s31] =	ssyncset.done $0x0  }
0x23: {  	[sflag:s31] =	ssyncadd.s32 $0xFFFFE000  }
0x24: {  	_ =	swait.ge [sflag:s11], $0x2000  }
0x25: {  	[sflag:s11] =	ssyncset.done $0x0  }
0x26: {  	s13 =	rddreg [dreg:$0x10];
	[sflag:s11] =	ssyncadd.s32 $0xFFFFE000  }
.LBB2_29:
0x27: {  	[bflag:$0x0] =	sbarrier.arrive $0xFFFF  }
0x28: {  	s7 =	rddreg [dreg:$0xc]  }
0x29: {  	s23 =	rddreg [dreg:$0xe]  }
0x2a: {  	[hbm:s7], [sflag:s23] =	dma.local @!p0 [spmem:s17], $0x1F40  }
0x2b: {  	s7 =	simm.s32 @!p0 $0x12  }
0x2c: {  	s10 =	stileid.u32;
	_ =	swait.ge @!p0 [sflag:s7], $0x1F40  }
0x2d: {  	s10 =	sshll.u32 @!p3 s10, $0x6;
	[sflag:s7] =	ssyncset.done @!p0 $0x0;
	s17 =	rddreg [dreg:$0x5]  }
0x2e: {  	[sflag:s7] =	ssyncadd.s32 @!p0 $0xFFFFE0C0;
	s7 =	sor.u32 @!p3 $0x1C12, s10;
	s10 =	sshrl.u32 @!p3 s3, $0x3  }
0x2f: {  	[hbm:s17], [sflag:s7] =	dma.local @!p3 [spmem:s10], $0x4E2  }
0x30: {  	s10 =	simm.s32 @!p3 $0x12  }
0x31: {  	_ =	swait.ge @!p3 [sflag:s10], $0x4E2  }
0x32: {  	[sflag:s10] =	ssyncset.done @!p3 $0x0  }
0x33: {  	s17 =	sshrl.u32 @!p3 s4, $0x3;
	s19 =	rddreg [dreg:$0x6];
	[sflag:s10] =	ssyncadd.s32 @!p3 $0xFFFFFB1E  }
0x34: {  	[hbm:s19], [sflag:s7] =	dma.local @!p3 [spmem:s17], $0x4E2  }
0x35: {  	s17 =	rddreg [dreg:$0xf];
	_ =	swait.ge @!p3 [sflag:s10], $0x4E2  }
0x36: {  	s13 =	sadd.s32 $0x1, s13;
	s31 =	rddreg [dreg:$0xd]  }
0x37: {  	p4 =	sne.s32 s13, s31  }
.Ltmp1:
0x38: {  	_ = 	snop;
	(pc) =	sbr.rel @!p4 .LBB2_30-.Ltmp1, $3  }
0x39: {  	_ =	sdelay $0x1  }
0x3a: {  	[sflag:s10] =	ssyncset.done @!p3 $0x0  }
0x3b: {  	[sflag:s10] =	ssyncadd.s32 @!p3 $0xFFFFFB1E;
	s10 =	smov.u32 s23;
	s23 =	simm.s32 $0xBD00  }
.LBB2_1:
0x3c: {  	[dreg:$0x10] =	wrdreg s13  }
0x3d: {  	s7 =	rddreg [dreg:$0x7]  }
0x3e: {  	[spmem:s17], [sflag:s10] =	dma.local @!p0 [hbm:s7], $0x1F40  }
0x3f: {  	s10 =	simm.s32 @!p0 $0x12  }
0x40: {  	_ =	swait.ge @!p0 [sflag:s10], $0x1F40  }
0x41: {  	[sflag:s10] =	ssyncset.done @!p0 $0x0  }
0x42: {  	s26 =	simm.s32 $0x12;
	s19 =	rddreg [dreg:$0x8];
	[sflag:s10] =	ssyncadd.s32 @!p0 $0xFFFFE0C0  }
0x43: {  	[tilespmem:s18], [sflag:$0x12] =	stream.linear.gather [hbm4b:s19+s18], $0x4E80, $0x38;
	[tilespmem:$0x1C4C0] =	vst v63  }
0x44: {  	_ =	swait.ge [sflag:s26], $0x4E80  }
0x45: {  	[sflag:s26] =	ssyncset.done $0x0  }
0x46: {  	s31 =	simm.s32 $0x4E80;
	s28 =	rddreg [dreg:$0x9];
	[sflag:s26] =	ssyncadd.s32 $0xFFFFB180  }
0x47: {  	[tilespmem:s31], [sflag:$0x12] =	stream.linear.gather [hbm4b:s28+s18], $0x4E80, $0x38;
	[tilespmem:$0x1C4C0] =	vst v63  }
0x48: {  	_ =	swait.ge [sflag:s26], $0x4E80  }
0x49: {  	[sflag:s26] =	ssyncset.done $0x0  }
0x4a: {  	s17 =	simm.s32 $0x0;
	s10 =	simm.s32 $0x40;
	[sflag:s26] =	ssyncadd.s32 $0xFFFFB180  }
.LBB2_2:
0x4b: {  	p4 =	sne.s32 s10, $0xF80;
	[tilespmem:s17+$0x11F80] =	vst v0;
	s17 =	smov.u32 s10;
	s10 =	sadd.s32 $0x40, s10  }
.Ltmp2:
0x4c: {  	(pc) =	sbr.rel @p4 .LBB2_2-.Ltmp2, $2  }
0x4d: {  	_ =	sdelay $0x2  }
0x4e: {  	s17 =	sshra.s32 s17, $0x2  }
0x4f: {  	[tilespmem:s17+$0x11F80] =	vst v0;
	s10 =	simm.s32 @!p0 $0x11F80;
	s7 =	rddreg [dreg:$0xa];
	s17 =	simm.s32 @!p0 $0x12  }
0x50: {  	[spmem:s7] =	stream.linear.scatter @!p0 [tilespmem:s10], [sflag:$0x12], $0x3E8, $0x38;
	[tilespmem:$0x1C4C0] =	vst v63  }
0x51: {  	_ =	swait.ge @!p0 [sflag:s17], $0x3E8  }
0x52: {  	[sflag:s17] =	ssyncset.done @!p0 $0x0  }
0x53: {  	s7 =	rddreg [dreg:$0xb];
	[sflag:s17] =	ssyncadd.s32 @!p0 $0xFFFFFC18  }
0x54: {  	[spmem:s7] =	stream.linear.scatter @!p0 [tilespmem:s10], [sflag:$0x12], $0x3E8, $0x38;
	[tilespmem:$0x1C4C0] =	vst v63  }
0x55: {  	_ =	swait.ge @!p0 [sflag:s17], $0x3E8  }
0x56: {  	[sflag:s17] =	ssyncset.done @!p0 $0x0  }
0x57: {  	[sflag:s17] =	ssyncadd.s32 @!p0 $0xFFFFFC18  }
0x58: {  	[tilespmem:$0x11F00] =	vst v1  }
0x59: {  	[tilespmem:$0x11F10] =	vst v1  }
0x5a: {  	[tilespmem:$0x11F20] =	vst v1  }
0x5b: {  	[tilespmem:$0x11F30] =	vst v1  }
0x5c: {  	[tilespmem:$0x11F40] =	vst v1  }
0x5d: {  	[tilespmem:$0x11F50] =	vst v1  }
0x5e: {  	[tilespmem:$0x11F60] =	vst v1  }
0x5f: {  	[tilespmem:$0x11F70] =	vst v1  }
0x60: {  	[bflag:$0x0] =	sbarrier.arrive $0xFFFF  }
0x61: {  	[tilespmem:s22], [sflag:$0x1] =	stream.indirect.gather [hbm4b:s14+s21], $0x40, s18, s21, $0xb8;
	[tilespmem:$0x1C4C0] =	vst v63  }
0x62: {  	s10 =	simm.s32 @!p1 $0x80  }
0x63: {  	[tilespmem:s23], [sflag:$0x2] =	stream.indirect.gather [hbm4b:s14+s21], $0x40, s21, s21, $0xb8;
	[tilespmem:$0x1C4C0] =	vst v63  }
.Ltmp3:
0x64: {  	s17 =	simm.s32 @!p1 $0x4E80;
	s18 =	simm.s32 @!p1 $0x11D00;
	(pc) =	sbr.rel .LBB2_4-.Ltmp3, $4  }
0x65: {  	[tilespmem:s18], [sflag:$0x9] =	stream.indirect.gather @!p1 [hbm4b:s6+s10], $0x1, s17, s10, $0xb8;
	[tilespmem:$0x1C4C0] =	vst v63  }
0x66: {  	s17 =	simm.s32 @!p1 $0x4F00;
	s18 =	simm.s32 @!p1 $0x11D80  }
0x67: {  	[tilespmem:s18], [sflag:$0xA] =	stream.indirect.gather @!p1 [hbm4b:s6+s10], $0x1, s17, s10, $0xb8;
	[tilespmem:$0x1C4C0] =	vst v63  }
0x68: {  	s19 =	simm.s32 $0x0;
	s10 =	simm.s32 $0x0  }
.LBB2_20:
0x69: {  	_ =	swait.ge [sflag:s15], $0x2000  }
0x6a: {  	[sflag:s15] =	ssyncset.done $0x0  }
0x6b: {  	[sflag:s15] =	ssyncadd.s32 $0xFFFFE000  }
.LBB2_23:
0x6c: {  	s19 =	sadd.s32 $0x800, s19  }
0x6d: {  	p4 =	sne.s32 s19, $0x13800  }
.Ltmp4:
0x6e: {  	_ = 	snop;
	(pc) =	sbr.rel @!p4 .LBB2_24-.Ltmp4, $3  }
0x6f: {  	_ =	sdelay $0x1  }
0x70: {  	s7 =	sadd.s32 $0x4E80, s17;
	s10 =	sadd.s32 $0x200, s10  }
0x71: {  	[spmem:s0] =	stream.indirect.scatter.add.f32 [tilespmem:s20], [sflag:$0x8], $0x40, s7, s21, $0xb8;
	[tilespmem:$0x1C4C0] =	vst v63  }
.LBB2_4:
0x72: {  	p4 =	seq.s32 s19, $0x0  }
.Ltmp5:
0x73: {  	_ = 	snop;
	(pc) =	sbr.rel @p4 .LBB2_9-.Ltmp5, $1  }
0x74: {  	_ =	sdelay $0x3  }
.Ltmp6:
0x75: {  	(pc) =	sbr.rel @p1 .LBB2_6-.Ltmp6, $4  }
0x76: {  	_ =	swait.ge [sflag:s24], $0x2000  }
0x77: {  	s17 =	sshra.s32 s19, $0x2;
	[sflag:s24] =	ssyncset.done $0x0  }
0x78: {  	s28 =	sadd.s32 $0x100, s10;
	s31 =	sadd.s32 $0x100, s17;
	[sflag:s24] =	ssyncadd.s32 $0xFFFFE000  }
0x79: {  	[tilespmem:s25], [sflag:$0x3] =	stream.indirect.gather [hbm4b:s14+s21], $0x40, s31, s21, $0xb8;
	[tilespmem:$0x1C4C0] =	vst v63  }
.Ltmp7:
0x7a: {  	(pc) =	sbr.rel .LBB2_10-.Ltmp7, $4  }
0x7b: {  	s7 =	simm.s32 $0xF  }
0x7c: {  	_ =	swait.ge [sflag:s7], $0x80  }
0x7d: {  	[sflag:s7] =	ssyncset.done $0x0  }
0x7e: {  	s18 =	smov.u32 s10;
	[sflag:s7] =	ssyncadd.s32 $0xFFFFFF80  }
.LBB2_9:
.Ltmp8:
0x7f: {  	(pc) =	sbr.rel @p1 .LBB2_7-.Ltmp8, $3  }
0x80: {  	_ =	sdelay $0x1  }
0x81: {  	s28 =	simm.s32 $0x100;
	s18 =	simm.s32 $0x0;
	s31 =	simm.s32 $0x100  }
0x82: {  	[tilespmem:s25], [sflag:$0x3] =	stream.indirect.gather [hbm4b:s14+s21], $0x40, s28, s21, $0xb8;
	[tilespmem:$0x1C4C0] =	vst v63  }
.LBB2_10:
0x83: {  	s17 =	sadd.s32 $0x4E80, s28;
	s7 =	simm.s32 $0x11E00  }
0x84: {  	[tilespmem:s7], [sflag:$0xB] =	stream.indirect.gather [hbm4b:s6+s21], $0x1, s17, s21, $0xb8;
	[tilespmem:$0x1C4C0] =	vst v63  }
0x85: {  	_ =	swait.ge [sflag:s29], $0x2000  }
0x86: {  	[sflag:s29] =	ssyncset.done $0x0  }
0x87: {  	[sflag:s29] =	ssyncadd.s32 $0xFFFFE000  }
0x88: {  	_ =	swait.ge [sflag:s30], $0x80  }
.Ltmp9:
0x89: {  	[sflag:s30] =	ssyncset.done $0x0;
	(pc) =	sbr.rel .LBB2_11-.Ltmp9, $4  }
0x8a: {  	s17 =	simm.s32 $0x11D00;
	[sflag:s30] =	ssyncadd.s32 $0xFFFFFF80  }
0x8b: {  	[spmem:s3] =	stream.indirect.scatter.add.f32 [tilespmem:s17], [sflag:$0xD], $0x1, s18, s21, $0xb8;
	[tilespmem:$0x1C4C0] =	vst v63  }
0x8c: {  	s26 =	sadd.s32 $0x4E80, s18;
	p5 =	sne.s32 s19, $0x0  }
0x8d: {  	[spmem:s4] =	stream.indirect.scatter.add.f32 [tilespmem:s2], [sflag:$0x11], $0x1, s26, s21, $0xb8;
	[tilespmem:$0x1C4C0] =	vst v63  }
.LBB2_6:
0x8e: {  	s18 =	smov.u32 s10  }
.LBB2_7:
0x8f: {  	_ =	swait.ge [sflag:s29], $0x2000  }
0x90: {  	[sflag:s29] =	ssyncset.done $0x0  }
0x91: {  	p5 =	por $0x0, $0x0;
	[sflag:s29] =	ssyncadd.s32 $0xFFFFE000  }
.LBB2_11:
0x92: {  	s26 =	sshra.s32 s19, $0x2  }
0x93: {  	s17 =	sadd.s32 $0x4E80, s26  }
0x94: {  	[spmem:s0] =	stream.indirect.scatter.add.f32 [tilespmem:s22], [sflag:$0x5], $0x40, s17, s21, $0xb8;
	[tilespmem:$0x1C4C0] =	vst v63  }
.Ltmp10:
0x95: {  	s17 =	simm.s32 @!p4 $0x8;
	(pc) =	sbr.rel @!p5 .LBB2_13-.Ltmp10, $4  }
0x96: {  	_ =	swait.ge @!p4 [sflag:s17], $0x2000  }
0x97: {  	[sflag:s17] =	ssyncset.done @!p4 $0x0  }
0x98: {  	[sflag:s17] =	ssyncadd.s32 @!p4 $0xFFFFE000;
	s17 =	sor.u32 $0x180, s18  }
0x99: {  	[tilespmem:s20], [sflag:$0x4] =	stream.indirect.gather [hbm4b:s14+s21], $0x40, s17, s21, $0xb8;
	[tilespmem:$0x1C4C0] =	vst v63  }
.Ltmp11:
0x9a: {  	(pc) =	sbr.rel .LBB2_14-.Ltmp11, $4  }
0x9b: {  	_ = 	snop  }
0x9c: {  	_ =	swait.ge [sflag:s1], $0x80  }
0x9d: {  	[sflag:s1] =	ssyncset.done $0x0  }
0x9e: {  	[sflag:s1] =	ssyncadd.s32 $0xFFFFFF80  }
.LBB2_13:
.Ltmp12:
0x9f: {  	(pc) =	sbr.rel @p1 .LBB2_15-.Ltmp12, $1  }
0xa0: {  	_ =	sdelay $0x3  }
.LBB2_14:
0xa1: {  	s7 =	sadd.s32 $0x4E80, s17;
	s13 =	simm.s32 $0x11E80  }
0xa2: {  	[tilespmem:s13], [sflag:$0xC] =	stream.indirect.gather [hbm4b:s6+s21], $0x1, s7, s21, $0xb8;
	[tilespmem:$0x1C4C0] =	vst v63  }
0xa3: {  	_ =	swait.ge [sflag:s8], $0x2000  }
0xa4: {  	[sflag:s8] =	ssyncset.done $0x0  }
0xa5: {  	[sflag:s8] =	ssyncadd.s32 $0xFFFFE000  }
0xa6: {  	_ =	swait.ge [sflag:s9], $0x80  }
.Ltmp13:
0xa7: {  	[sflag:s9] =	ssyncset.done $0x0;
	(pc) =	sbr.rel .LBB2_16-.Ltmp13, $4  }
0xa8: {  	s7 =	sadd.s32 $0x80, s26;
	s13 =	simm.s32 $0x11D80;
	[sflag:s9] =	ssyncadd.s32 $0xFFFFFF80  }
0xa9: {  	[spmem:s3] =	stream.indirect.scatter.add.f32 [tilespmem:s13], [sflag:$0xE], $0x1, s7, s21, $0xb8;
	[tilespmem:$0x1C4C0] =	vst v63  }
0xaa: {  	s13 =	sadd.s32 $0x4F00, s26  }
0xab: {  	[spmem:s4] =	stream.indirect.scatter.add.f32 [tilespmem:s2], [sflag:$0x11], $0x1, s13, s21, $0xb8;
	[tilespmem:$0x1C4C0] =	vst v63  }
.LBB2_15:
0xac: {  	_ =	swait.ge [sflag:s8], $0x2000  }
0xad: {  	[sflag:s8] =	ssyncset.done $0x0  }
0xae: {  	[sflag:s8] =	ssyncadd.s32 $0xFFFFE000  }
.LBB2_16:
0xaf: {  	s7 =	sadd.s32 $0x4F00, s26  }
0xb0: {  	[spmem:s0] =	stream.indirect.scatter.add.f32 [tilespmem:s23], [sflag:$0x6], $0x40, s7, s21, $0xb8;
	[tilespmem:$0x1C4C0] =	vst v63  }
0xb1: {  	_ =	swait.ge [sflag:s11], $0x2000  }
0xb2: {  	[sflag:s11] =	ssyncset.done $0x0  }
0xb3: {  	s7 =	sadd.s32 $0x200, s18;
	s18 =	simm.s32 @p1 $0x3;
	[sflag:s11] =	ssyncadd.s32 $0xFFFFE000  }
0xb4: {  	[tilespmem:s22], [sflag:$0x1] =	stream.indirect.gather [hbm4b:s14+s21], $0x40, s7, s21, $0xb8;
	[tilespmem:$0x1C4C0] =	vst v63  }
0xb5: {  	_ =	swait.ge @p1 [sflag:s18], $0x2000  }
0xb6: {  	[sflag:s18] =	ssyncset.done @p1 $0x0  }
0xb7: {  	[sflag:s18] =	ssyncadd.s32 @p1 $0xFFFFE000;
	s18 =	simm.s32 @!p1 $0xD  }
0xb8: {  	_ =	swait.ge @!p1 [sflag:s18], $0x80  }
0xb9: {  	s23 =	simm.s32 @!p1 $0x11D00;
	[sflag:s18] =	ssyncset.done @!p1 $0x0  }
0xba: {  	s7 =	sadd.s32 @!p1 $0x4E80, s7;
	[sflag:s18] =	ssyncadd.s32 @!p1 $0xFFFFFF80;
	s18 =	simm.s32 @!p1 $0x80  }
0xbb: {  	[tilespmem:s23], [sflag:$0x9] =	stream.indirect.gather @!p1 [hbm4b:s6+s18], $0x1, s7, s18, $0xb8;
	[tilespmem:$0x1C4C0] =	vst v63  }
0xbc: {  	s7 =	simm.s32 @!p1 $0x3  }
0xbd: {  	_ =	swait.ge @!p1 [sflag:s7], $0x2000  }
0xbe: {  	[sflag:s7] =	ssyncset.done @!p1 $0x0  }
0xbf: {  	[sflag:s7] =	ssyncadd.s32 @!p1 $0xFFFFE000;
	s7 =	simm.s32 @!p1 $0xB  }
0xc0: {  	_ =	swait.ge @!p1 [sflag:s7], $0x80  }
0xc1: {  	[sflag:s7] =	ssyncset.done @!p1 $0x0  }
0xc2: {  	[sflag:s7] =	ssyncadd.s32 @!p1 $0xFFFFFF80;
	s7 =	simm.s32 @!p1 $0x11E00  }
0xc3: {  	[spmem:s3] =	stream.indirect.scatter.add.f32 @!p1 [tilespmem:s7], [sflag:$0xF], $0x1, s31, s18, $0xb8;
	[tilespmem:$0x1C4C0] =	vst v63  }
0xc4: {  	p4 =	sne.s32 s19, $0x13000;
	s23 =	simm.s32 @!p1 $0x11F00;
	s7 =	sadd.s32 @!p1 $0x4E80, s28  }
0xc5: {  	[spmem:s4] =	stream.indirect.scatter.add.f32 @!p1 [tilespmem:s23], [sflag:$0x11], $0x1, s7, s18, $0xb8;
	[tilespmem:$0x1C4C0] =	vst v63  }
.Ltmp14:
0xc6: {  	s31 =	sadd.s32 $0x4E80, s28;
	(pc) =	sbr.rel @p4 .LBB2_19-.Ltmp14, $4  }
0xc7: {  	[spmem:s0] =	stream.indirect.scatter.add.f32 [tilespmem:s25], [sflag:$0x7], $0x40, s31, s21, $0xb8;
	[tilespmem:$0x1C4C0] =	vst v63  }
0xc8: {  	_ =	swait.ge [sflag:s12], $0x2000  }
0xc9: {  	[sflag:s12] =	ssyncset.done $0x0  }
0xca: {  	s13 =	simm.s32 $0xBD00;
	[sflag:s12] =	ssyncadd.s32 $0xFFFFE000  }
.Ltmp15:
0xcb: {  	(pc) =	sbr.rel @!p2 .LBB2_20-.Ltmp15, $2  }
0xcc: {  	_ =	sdelay $0x2  }
0xcd: {  	s23 =	simm.s32 $0xBD00  }
.Ltmp16:
0xce: {  	(pc) =	sbr.rel .LBB2_22-.Ltmp16, $4  }
0xcf: {  	s7 =	simm.s32 $0xE  }
0xd0: {  	_ =	swait.ge [sflag:s7], $0x80  }
0xd1: {  	[sflag:s7] =	ssyncset.done $0x0  }
0xd2: {  	[sflag:s7] =	ssyncadd.s32 $0xFFFFFF80  }
.LBB2_19:
.Ltmp17:
0xd3: {  	(pc) =	sbr.rel @!p2 .LBB2_20-.Ltmp17, $3  }
0xd4: {  	_ =	sdelay $0x1  }
0xd5: {  	s7 =	sadd.s32 $0x280, s26;
	s23 =	simm.s32 $0xBD00  }
0xd6: {  	[tilespmem:s13], [sflag:$0x2] =	stream.indirect.gather [hbm4b:s14+s21], $0x40, s7, s21, $0xb8;
	[tilespmem:$0x1C4C0] =	vst v63  }
0xd7: {  	s7 =	simm.s32 $0xE  }
0xd8: {  	_ =	swait.ge [sflag:s7], $0x80  }
0xd9: {  	[sflag:s7] =	ssyncset.done $0x0  }
0xda: {  	s31 =	sadd.s32 $0x5100, s26;
	s13 =	simm.s32 $0x11D80;
	[sflag:s7] =	ssyncadd.s32 $0xFFFFFF80  }
0xdb: {  	[tilespmem:s13], [sflag:$0xA] =	stream.indirect.gather [hbm4b:s6+s21], $0x1, s31, s21, $0xb8;
	[tilespmem:$0x1C4C0] =	vst v63  }
.LBB2_22:
0xdc: {  	_ =	swait.ge [sflag:s15], $0x2000  }
0xdd: {  	[sflag:s15] =	ssyncset.done $0x0  }
0xde: {  	[sflag:s15] =	ssyncadd.s32 $0xFFFFE000  }
0xdf: {  	_ =	swait.ge [sflag:s16], $0x80  }
.Ltmp18:
0xe0: {  	[sflag:s16] =	ssyncset.done $0x0;
	(pc) =	sbr.rel .LBB2_23-.Ltmp18, $4  }
0xe1: {  	s7 =	simm.s32 $0x11E80;
	[sflag:s16] =	ssyncadd.s32 $0xFFFFFF80  }
0xe2: {  	[spmem:s3] =	stream.indirect.scatter.add.f32 [tilespmem:s7], [sflag:$0x10], $0x1, s17, s21, $0xb8;
	[tilespmem:$0x1C4C0] =	vst v63  }
0xe3: {  	s31 =	sadd.s32 $0x4E80, s17  }
0xe4: {  	[spmem:s4] =	stream.indirect.scatter.add.f32 [tilespmem:s2], [sflag:$0x11], $0x1, s31, s21, $0xb8;
	[tilespmem:$0x1C4C0] =	vst v63  }
.LBB2_24:
.Ltmp19:
0xe5: {  	(pc) =	sbr.rel @!p2 .LBB2_25-.Ltmp19, $4  }
0xe6: {  	_ = 	snop  }
0xe7: {  	_ =	swait.ge [sflag:s29], $0x2000  }
0xe8: {  	[sflag:s29] =	ssyncset.done $0x0  }
0xe9: {  	s18 =	simm.s32 $0x0;
	s17 =	rddreg [dreg:$0xf];
	[sflag:s29] =	ssyncadd.s32 $0xFFFFE000  }
0xea: {  	_ =	swait.ge [sflag:s30], $0x80  }
0xeb: {  	[sflag:s30] =	ssyncset.done $0x0  }
0xec: {  	s7 =	simm.s32 $0x11D00;
	s10 =	simm.s32 $0x4E00;
	[sflag:s30] =	ssyncadd.s32 $0xFFFFFF80  }
0xed: {  	[spmem:s3] =	stream.indirect.scatter.add.f32 [tilespmem:s7], [sflag:$0xD], $0x1, s10, s21, $0xb8;
	[tilespmem:$0x1C4C0] =	vst v63  }
0xee: {  	s23 =	simm.s32 $0x9C80  }
0xef: {  	[spmem:s4] =	stream.indirect.scatter.add.f32 [tilespmem:s2], [sflag:$0x11], $0x1, s23, s21, $0xb8;
	[tilespmem:$0x1C4C0] =	vst v63  }
0xf0: {  	_ = 	snop  }
0xf1: {  	[spmem:s0] =	stream.indirect.scatter.add.f32 [tilespmem:s22], [sflag:$0x5], $0x40, s23, s21, $0xb8;
	[tilespmem:$0x1C4C0] =	vst v63  }
0xf2: {  	_ =	swait.ge [sflag:s24], $0x2000  }
0xf3: {  	[sflag:s24] =	ssyncset.done $0x0  }
0xf4: {  	s26 =	simm.s32 $0x8;
	[sflag:s24] =	ssyncadd.s32 $0xFFFFE000  }
0xf5: {  	_ =	swait.ge [sflag:s26], $0x2000  }
0xf6: {  	[sflag:s26] =	ssyncset.done $0x0  }
0xf7: {  	[sflag:s26] =	ssyncadd.s32 $0xFFFFE000  }
0xf8: {  	_ =	swait.ge [sflag:s11], $0x2000  }
0xf9: {  	[sflag:s11] =	ssyncset.done $0x0  }
0xfa: {  	s28 =	simm.s32 $0xF;
	[sflag:s11] =	ssyncadd.s32 $0xFFFFE000  }
0xfb: {  	_ =	swait.ge [sflag:s28], $0x80  }
0xfc: {  	[sflag:s28] =	ssyncset.done $0x0  }
0xfd: {  	[sflag:s28] =	ssyncadd.s32 $0xFFFFFF80  }
0xfe: {  	_ =	swait.ge [sflag:s1], $0x80  }
0xff: {  	[sflag:s1] =	ssyncset.done $0x0  }
0x100: {  	s31 =	simm.s32 $0xD;
	[sflag:s1] =	ssyncadd.s32 $0xFFFFFF80  }
0x101: {  	_ =	swait.ge [sflag:s31], $0x80  }
0x102: {  	[sflag:s31] =	ssyncset.done $0x0  }
0x103: {  	[sflag:s31] =	ssyncadd.s32 $0xFFFFFF80  }
0x104: {  	_ =	swait.ge [sflag:s5], $0x80  }
0x105: {  	s10 =	simm.s32 $0x9C;
	[sflag:s5] =	ssyncset.done $0x0  }
.LBB2_27:
0x106: {  	p4 =	sne.s32 s10, $0x1;
	s10 =	sadd.s32 $0xFFFFFFFF, s10;
	[sflag:s5] =	ssyncadd.s32 $0xFFFFFF80  }
.Ltmp20:
0x107: {  	(pc) =	sbr.rel @p4 .LBB2_27-.Ltmp20, $3  }
0x108: {  	_ =	sdelay $0x1  }
0x109: {  	_ =	swait.ge [sflag:s5], $0x80  }
0x10a: {  	[sflag:s5] =	ssyncset.done $0x0  }
.Ltmp21:
0x10b: {  	(pc) =	sbr.rel .LBB2_29-.Ltmp21, $2  }
0x10c: {  	_ =	sdelay $0x2  }
0x10d: {  	[sflag:s5] =	ssyncadd.s32 $0xFFFFFF80;
	s13 =	rddreg [dreg:$0x10]  }
.LBB2_30:
0x10e: {  	_ =	sfence.sel $0x180000  }
0x10f: {  	[bflag:$0x0] =	sbarrier.arrive $0xFFFF  }
0x110: {  	_ =	strace $0x90000047  }
0x111: {  	s0 =	stileid.u32;
	[bflag:$0x2] =	sbarrier.arrive $0xFFFF  }
0x112: {  	p0 =	sne.s32 s0, $0x0;
	s0 =	rddreg [dreg:$0x4]  }
0x113: {  	s0 =	sadd.s32 @!p0 $0x100000, s0  }
0x114: {  	[sflag:s0] =	ssyncadd.tile.s32 @!p0 $0x1;
	_ =	shalt  }
.Lfunc_end2:
_tile_overlayer_lowered:
.L_overlay_start_2:
0x115: {  	(tag) =	ssettag $0x2  }
0x116: {  	s0 =	rddreg [dreg:$0x0];
	s2 =	stileid.u32  }
0x117: {  	s1 =	rddreg [dreg:$0x1];
	p0 =	sne.s32 s2, $0x0  }
0x118: {  	s3 =	rddreg [dreg:$0x2];
	[bflag:$0x3] =	sbarrier.arrive $0xFFFF;
	s2 =	simm.s32 @!p0 $0x1C12  }
0x119: {  	[timem:s3], [sflag:s2] =	dma.local @!p0 [hbm:s0], s1  }
0x11a: {  	s0 =	simm.s32 @!p0 $0x12  }
0x11b: {  	_ =	swait.ge @!p0 [sflag:s0], s1  }
0x11c: {  	s1 =	ssub.s32 @!p0 $0x0, s1;
	[sflag:s0] =	ssyncset.done @!p0 $0x0  }
0x11d: {  	[sflag:s0] =	ssyncadd.s32 @!p0 s1  }
0x11e: {  	[bflag:$0x3] =	sbarrier.arrive $0xFFFF  }
0x11f: {  	_ =	shalt  }

</sc_bundles>
